<compile_context>
chip_gen: v7x
topology: tpu7x:2x2x1
jax: 0.10.2.dev20260603
libtpu: 0.0.44.dev20260713+nightly
codegen_flags: <defaults>
</compile_context>

<pallas_src>
import functools

import jax
import jax.numpy as jnp
from jax import lax
from jax.experimental import pallas as pl
from jax.experimental.pallas import tpu as pltpu
from jax.experimental.pallas import tpu_sc as plsc

B = 16384
F = 26
V = 100000
D = 16
N = 13

_NW = 32
_ROWS = F * D
_RPW = _ROWS // _NW
_HALF = B // 2


_VH = 50048


_SW = _RPW * 16


def _sc_gather(tbl_hbm, idx_hbm, out_hbm, s_hbm, q_hbm, row_v, idx_v, out_v,
               s_stage, q_stage, sem_row, sem_idx, sem_out, sem_stat):
    wid = lax.axis_index("s") * 2 + lax.axis_index("c")
    t0 = wid * _RPW

    def load_idx(f):
        pltpu.async_copy(idx_hbm.at[f], idx_v, sem_idx).wait()

    out_dma = None
    for j in range(_RPW):
        t = t0 + j
        f = t // D
        d = t % D
        c0 = pltpu.async_copy(tbl_hbm.at[f, d], row_v, sem_row)
        if j == 0:
            load_idx(f)
        else:
            @pl.when(d == 0)
            def _reload():
                load_idx(f)
        c0.wait()
        zero = jnp.zeros((16,), jnp.float32)
        s16, q16 = zero, zero
        for h in range(2):
            if out_dma is not None:
                out_dma.wait()

            @plsc.parallel_loop(0, _HALF // 16, unroll=8, carry=(s16, q16))
            def _body(i, acc):
                s, q = acc
                idx16 = idx_v[pl.ds(h * _HALF + i * 16, 16)]
                vals = plsc.load_gather(row_v, [idx16])
                out_v[pl.ds(i * 16, 16)] = vals
                return (s + vals, q + vals * vals)

            s16, q16 = _body
            out_dma = pltpu.async_copy(
                out_v, out_hbm.at[t, pl.ds(h * _HALF, _HALF)], sem_out)
        s_stage[pl.ds(j * 16, 16)] = s16
        q_stage[pl.ds(j * 16, 16)] = q16
    out_dma.wait()
    cs = pltpu.async_copy(s_stage, s_hbm.at[wid], sem_stat)
    cq = pltpu.async_copy(q_stage, q_hbm.at[wid], sem_stat)
    cs.wait()
    cq.wait()


def _gather_embT(tbl_T, idx_T):
    mesh = plsc.VectorSubcoreMesh(core_axis_name="c", subcore_axis_name="s")
    kern = functools.partial(
        pl.kernel,
        mesh=mesh,
        out_type=(
            jax.ShapeDtypeStruct((_ROWS, B), jnp.float32),
            jax.ShapeDtypeStruct((_NW, _SW), jnp.float32),
            jax.ShapeDtypeStruct((_NW, _SW), jnp.float32),
        ),
        scratch_types=[
            pltpu.VMEM((V,), jnp.float32),
            pltpu.VMEM((B,), jnp.int32),
            pltpu.VMEM((_HALF,), jnp.float32),
            pltpu.VMEM((_SW,), jnp.float32),
            pltpu.VMEM((_SW,), jnp.float32),
            pltpu.SemaphoreType.DMA,
            pltpu.SemaphoreType.DMA,
            pltpu.SemaphoreType.DMA,
            pltpu.SemaphoreType.DMA,
        ],
        compiler_params=pltpu.CompilerParams(
            use_tc_tiling_on_sc=True, needs_layout_passes=False),
    )(_sc_gather)
    return kern(tbl_T, idx_T)


_BLK = 4096
_NB = B // _BLK


def _tc_body(num_ref, emb_ref, se_ref, qe_ref, gn_ref, ge_ref, bn_ref,
             be_ref, wn_ref, we_ref, bias_ref, out_ref):
    i = pl.program_id(0)
    nfull = num_ref[...]
    eb = emb_ref[...]

    inv_b = 1.0 / float(B)
    s_n = jnp.sum(nfull, axis=1, keepdims=True)
    q_n = jnp.sum(nfull * nfull, axis=1, keepdims=True)
    mn = s_n * inv_b
    me = se_ref[...] * inv_b
    vn = q_n * inv_b - mn * mn
    ve = qe_ref[...] * inv_b - me * me
    rn = lax.rsqrt(vn + 1e-3)
    re = lax.rsqrt(ve + 1e-3)
    an = wn_ref[...] * gn_ref[...] * rn
    ae = we_ref[...] * ge_ref[...] * re
    c = (jnp.sum(wn_ref[...] * (bn_ref[...] - gn_ref[...] * mn * rn))
         + jnp.sum(we_ref[...] * (be_ref[...] - ge_ref[...] * me * re))
         + bias_ref[0, 0])
    nb = num_ref[:, pl.ds(i * _BLK, _BLK)]
    logit = (jnp.sum(nb * an, axis=0, keepdims=True)
             + jax.lax.dot_general(ae, eb, (((0,), (0,)), ((), ())))
             + c)
    out_ref[...] = jax.nn.sigmoid(logit)


def _tc_head(numeric_T, emb_T, s_e, q_e, gn, ge, bn, be, wn, we, bias):
    vec_n = pl.BlockSpec((N, 1), lambda i: (0, 0))
    vec_e = pl.BlockSpec((F * D, 1), lambda i: (0, 0))
    return pl.pallas_call(
        _tc_body,
        grid=(_NB,),
        in_specs=[
            pl.BlockSpec((N, B), lambda i: (0, 0)),
            pl.BlockSpec((F * D, _BLK), lambda i: (0, i)),
            vec_e, vec_e,
            vec_n, vec_e, vec_n, vec_e, vec_n, vec_e,
            pl.BlockSpec((1, 1), lambda i: (0, 0)),
        ],
        out_specs=pl.BlockSpec((1, _BLK), lambda i: (0, i)),
        out_shape=jax.ShapeDtypeStruct((1, B), jnp.float32),
    )(numeric_T, emb_T, s_e, q_e, gn, ge, bn, be, wn, we, bias)


def kernel(indices, numeric, tables, gamma, beta, W, b):
    tbl_T = jnp.transpose(tables, (0, 2, 1))
    idx_T = jnp.transpose(indices.astype(jnp.int32))
    num_T = jnp.transpose(numeric)
    emb_T, s_part, q_part = _gather_embT(tbl_T, idx_T)
    s_e = s_part.reshape(_ROWS, 16).sum(axis=1).reshape(_ROWS, 1)
    q_e = q_part.reshape(_ROWS, 16).sum(axis=1).reshape(_ROWS, 1)

    gn, ge = gamma[:N].reshape(N, 1), gamma[N:].reshape(F * D, 1)
    bn, be = beta[:N].reshape(N, 1), beta[N:].reshape(F * D, 1)
    w = W.reshape(-1)
    wn, we = w[:N].reshape(N, 1), w[N:].reshape(F * D, 1)
    bias = b.reshape(1, 1)
    out = _tc_head(num_T, emb_T, s_e, q_e, gn, ge, bn, be, wn, we, bias)
    return out.reshape(B, 1)

# --- scband reference (transcript-rebuilt; emitter-appended) ---
"""Pipeline reference for scband-classifier-27582279975147 (READ-ONLY COPY).

The authoritative reference and input builder live on the scoring server;
editing this copy changes nothing except your own understanding.
"""

import jax, jax.numpy as jnp
import numpy as np

B = 16384
F = 26      # n_sparse_fields
V = 100000  # vocab per field
D = 16      # embedding_dim
N = 13      # numeric features
FEAT = N + F * D  # 429


def setup_inputs(seed: int = 0) -> dict:
    key = jax.random.key(seed)
    ks = jax.random.split(key, 6)
    indices = jax.random.randint(ks[0], (B, F), 0, V).astype(jnp.int64)
    numeric = jax.random.normal(ks[1], (B, N), dtype=jnp.float32)
    # learned params: one embedding table per sparse field (stacked), frozen (trainable=False)
    tables = jax.random.normal(ks[2], (F, V, D), dtype=jnp.float32) * 0.01
    # BatchNorm params (keras defaults: gamma=1, beta=0, eps=1e-3)
    gamma = jnp.ones((FEAT,), dtype=jnp.float32)
    beta = jnp.zeros((FEAT,), dtype=jnp.float32)
    # Dense(1, sigmoid)
    W = jax.random.normal(ks[3], (FEAT, 1), dtype=jnp.float32) * 0.05
    b = jnp.zeros((1,), dtype=jnp.float32)
    return {"indices": indices, "numeric": numeric, "tables": tables,
            "gamma": gamma, "beta": beta, "W": W, "b": b}


def reference(indices, numeric, tables, gamma, beta, W, b):
    # DenseFeatures embedding lookup: per-field gather, then concat
    field_ids = jnp.arange(F)[None, :]           # [1, F]
    emb = tables[field_ids, indices]             # gather -> [B, F, D]
    emb = emb.reshape(indices.shape[0], F * D)   # [B, F*D]
    feat = jnp.concatenate([numeric, emb], axis=-1)  # [B, FEAT]
    # BatchNormalization with training=True -> batch statistics
    mean = jnp.mean(feat, axis=0)
    var = jnp.var(feat, axis=0)
    xhat = (feat - mean) / jnp.sqrt(var + 1e-3)
    h = gamma * xhat + beta
    # Dense(1, sigmoid)
    logits = h @ W + b
    return jax.nn.sigmoid(logits)

if __name__ == "__main__":
    import jax
    _d = setup_inputs()
    print(jax.jit(kernel)(*tuple(_d.values())))

</pallas_src>

<mosaic_0001>
#map = affine_map<(d0, d1) -> (0, 0, 0)>
#map1 = affine_map<(d0, d1) -> (0, 0)>
module attributes {stable_mosaic.version = 14 : i64} {
  func.func @_sc_gather(%arg0: i32, %arg1: i32, %arg2: memref<26x16x100000xf32, #tpu.memory_space<hbm>>, %arg3: memref<26x16384xi32, #tpu.memory_space<hbm>>, %arg4: memref<416x16384xf32, #tpu.memory_space<hbm>>, %arg5: memref<32x208xf32, #tpu.memory_space<hbm>>, %arg6: memref<32x208xf32, #tpu.memory_space<hbm>>, %arg7: memref<100000xf32, #tpu.memory_space<vmem>>, %arg8: memref<16384xi32, #tpu.memory_space<vmem>>, %arg9: memref<8192xf32, #tpu.memory_space<vmem>>, %arg10: memref<208xf32, #tpu.memory_space<vmem>>, %arg11: memref<208xf32, #tpu.memory_space<vmem>>, %arg12: memref<!tpu.dma_semaphore, #tpu.memory_space<semaphore_mem>>, %arg13: memref<!tpu.dma_semaphore, #tpu.memory_space<semaphore_mem>>, %arg14: memref<!tpu.dma_semaphore, #tpu.memory_space<semaphore_mem>>, %arg15: memref<!tpu.dma_semaphore, #tpu.memory_space<semaphore_mem>>) attributes {dimension_semantics = [#tpu.dimension_semantics<core_parallel>, #tpu.dimension_semantics<subcore_parallel>], iteration_bounds = array<i64: 2, 16>, scalar_prefetch = 0 : i64, scratch_operands = 9 : i64, tpu.core_type = #tpu.core_type<sc_vector_subcore>, window_params = [{transform_indices = #map}, {transform_indices = #map1}, {transform_indices = #map1}, {transform_indices = #map1}, {transform_indices = #map1}]} {
    %mul3A = arith.constant 2 : i32
    %mul3A_0 = arith.muli %arg1, %mul3A : i32
    %add3A = arith.addi %mul3A_0, %arg0 : i32
    %mul3A_1 = arith.constant 13 : i32
    %mul3A_2 = arith.muli %add3A, %mul3A_1 : i32
    %add3A_3 = arith.constant 0 : i32
    %add3A_4 = arith.addi %mul3A_2, %add3A_3 : i32
    %jit3A = arith.constant 16 : i32
    %div3A = arith.divsi %add3A_4, %jit3A : i32
    %sign3A = arith.constant 0 : i32
    %sign3A_5 = arith.cmpi sgt, %add3A_4, %sign3A : i32
    %sign3A_6 = arith.extui %sign3A_5 : i1 to i32
    %sign3A_7 = arith.constant 0 : i32
    %sign3A_8 = arith.cmpi slt, %add3A_4, %sign3A_7 : i32
    %sign3A_9 = arith.extui %sign3A_8 : i1 to i32
    %sign3A_10 = arith.subi %sign3A_6, %sign3A_9 : i32
    %sign3A_11 = arith.constant 0 : i32
    %sign3A_12 = arith.cmpi sgt, %jit3A, %sign3A_11 : i32
    %sign3A_13 = arith.extui %sign3A_12 : i1 to i32
    %sign3A_14 = arith.constant 0 : i32
    %sign3A_15 = arith.cmpi slt, %jit3A, %sign3A_14 : i32
    %sign3A_16 = arith.extui %sign3A_15 : i1 to i32
    %sign3A_17 = arith.subi %sign3A_13, %sign3A_16 : i32
    %ne3A = arith.cmpi ne, %sign3A_10, %sign3A_17 : i32
    %rem3A = arith.remsi %add3A_4, %jit3A : i32
    %ne3A_18 = arith.constant 0 : i32
    %ne3A_19 = arith.cmpi ne, %rem3A, %ne3A_18 : i32
    %and3A = arith.andi %ne3A, %ne3A_19 : i1
    %sub3A = arith.constant 1 : i32
    %sub3A_20 = arith.subi %div3A, %sub3A : i32
    %select_n3A = arith.select %and3A, %sub3A_20, %div3A : i32
    %jit3A_21 = arith.constant 16 : i32
    %eq3A = arith.constant 0 : i32
    %eq3A_22 = arith.cmpi eq, %jit3A_21, %eq3A : i32
    %jit3A_23 = arith.constant 1 : i32
    %select_n3A_24 = arith.select %eq3A_22, %jit3A_23, %jit3A_21 : i32
    %rem3A_25 = arith.remsi %add3A_4, %select_n3A_24 : i32
    %ne3A_26 = arith.constant 0 : i32
    %ne3A_27 = arith.cmpi ne, %rem3A_25, %ne3A_26 : i32
    %lt3A = arith.constant 0 : i32
    %lt3A_28 = arith.cmpi slt, %rem3A_25, %lt3A : i32
    %lt3A_29 = arith.constant 0 : i32
    %lt3A_30 = arith.cmpi slt, %select_n3A_24, %lt3A_29 : i32
    %ne3A_31 = arith.xori %lt3A_28, %lt3A_30 : i1
    %and3A_32 = arith.andi %ne3A_31, %ne3A_27 : i1
    %add3A_33 = arith.addi %rem3A_25, %select_n3A_24 : i32
    %select_n3A_34 = arith.select %and3A_32, %add3A_33, %rem3A_25 : i32
    %dma_start3A = arith.constant 0 : i32
    %dma_start3A_35 = tpu.memref_slice %arg2[%select_n3A, %select_n3A_34, %dma_start3A] : memref<26x16x100000xf32, #tpu.memory_space<hbm>> -> memref<1x1x100000xf32, #tpu.memory_space<hbm>>
    %dma_start3A_36 = tpu.memref_squeeze %dma_start3A_35 : memref<1x1x100000xf32, #tpu.memory_space<hbm>> -> memref<100000xf32, #tpu.memory_space<hbm>>
    %dma_start3A_37 = arith.constant 0 : i32
    %dma_start3A_38 = tpu.memref_slice %arg2[%select_n3A, %select_n3A_34, %dma_start3A_37] : memref<26x16x100000xf32, #tpu.memory_space<hbm>> -> memref<1x1x100000xf32, #tpu.memory_space<hbm>>
    %dma_start3A_39 = tpu.memref_squeeze %dma_start3A_38 : memref<1x1x100000xf32, #tpu.memory_space<hbm>> -> memref<100000xf32, #tpu.memory_space<hbm>>
    tpu.enqueue_dma source(%dma_start3A_39 : memref<100000xf32, #tpu.memory_space<hbm>>) target(%arg7 : memref<100000xf32, #tpu.memory_space<vmem>>) target_semaphore(%arg12 : memref<!tpu.dma_semaphore, #tpu.memory_space<semaphore_mem>>)
    %dma_start3A_40 = arith.constant 0 : i32
    %dma_start3A_41 = tpu.memref_slice %arg3[%select_n3A, %dma_start3A_40] : memref<26x16384xi32, #tpu.memory_space<hbm>> -> memref<1x16384xi32, #tpu.memory_space<hbm>>
    %dma_start3A_42 = tpu.memref_squeeze %dma_start3A_41 : memref<1x16384xi32, #tpu.memory_space<hbm>> -> memref<16384xi32, #tpu.memory_space<hbm>>
    %dma_start3A_43 = arith.constant 0 : i32
    %dma_start3A_44 = tpu.memref_slice %arg3[%select_n3A, %dma_start3A_43] : memref<26x16384xi32, #tpu.memory_space<hbm>> -> memref<1x16384xi32, #tpu.memory_space<hbm>>
    %dma_start3A_45 = tpu.memref_squeeze %dma_start3A_44 : memref<1x16384xi32, #tpu.memory_space<hbm>> -> memref<16384xi32, #tpu.memory_space<hbm>>
    tpu.enqueue_dma source(%dma_start3A_45 : memref<16384xi32, #tpu.memory_space<hbm>>) target(%arg8 : memref<16384xi32, #tpu.memory_space<vmem>>) target_semaphore(%arg13 : memref<!tpu.dma_semaphore, #tpu.memory_space<semaphore_mem>>)
    %dma_wait3A = arith.constant 0 : i32
    %dma_wait3A_46 = tpu.memref_slice %arg3[%select_n3A, %dma_wait3A] : memref<26x16384xi32, #tpu.memory_space<hbm>> -> memref<1x16384xi32, #tpu.memory_space<hbm>>
    %dma_wait3A_47 = tpu.memref_squeeze %dma_wait3A_46 : memref<1x16384xi32, #tpu.memory_space<hbm>> -> memref<16384xi32, #tpu.memory_space<hbm>>
    %dma_wait3A_48 = arith.constant 0 : i32
    %dma_wait3A_49 = tpu.memref_slice %arg3[%select_n3A, %dma_wait3A_48] : memref<26x16384xi32, #tpu.memory_space<hbm>> -> memref<1x16384xi32, #tpu.memory_space<hbm>>
    %dma_wait3A_50 = tpu.memref_squeeze %dma_wait3A_49 : memref<1x16384xi32, #tpu.memory_space<hbm>> -> memref<16384xi32, #tpu.memory_space<hbm>>
    tpu.wait_dma2 semaphore(%arg13 : memref<!tpu.dma_semaphore, #tpu.memory_space<semaphore_mem>>) src(%dma_wait3A_50 : memref<16384xi32, #tpu.memory_space<hbm>>) dst(%arg8 : memref<16384xi32, #tpu.memory_space<vmem>>)
    %dma_wait3A_51 = arith.constant 0 : i32
    %dma_wait3A_52 = tpu.memref_slice %arg2[%select_n3A, %select_n3A_34, %dma_wait3A_51] : memref<26x16x100000xf32, #tpu.memory_space<hbm>> -> memref<1x1x100000xf32, #tpu.memory_space<hbm>>
    %dma_wait3A_53 = tpu.memref_squeeze %dma_wait3A_52 : memref<1x1x100000xf32, #tpu.memory_space<hbm>> -> memref<100000xf32, #tpu.memory_space<hbm>>
    %dma_wait3A_54 = arith.constant 0 : i32
    %dma_wait3A_55 = tpu.memref_slice %arg2[%select_n3A, %select_n3A_34, %dma_wait3A_54] : memref<26x16x100000xf32, #tpu.memory_space<hbm>> -> memref<1x1x100000xf32, #tpu.memory_space<hbm>>
    %dma_wait3A_56 = tpu.memref_squeeze %dma_wait3A_55 : memref<1x1x100000xf32, #tpu.memory_space<hbm>> -> memref<100000xf32, #tpu.memory_space<hbm>>
    tpu.wait_dma2 semaphore(%arg12 : memref<!tpu.dma_semaphore, #tpu.memory_space<semaphore_mem>>) src(%dma_wait3A_56 : memref<100000xf32, #tpu.memory_space<hbm>>) dst(%arg7 : memref<100000xf32, #tpu.memory_space<vmem>>)
    %broadcast_in_dim3A = arith.constant 0.000000e+00 : f32
    %broadcast_in_dim3A_57 = vector.broadcast %broadcast_in_dim3A : f32 to vector<16xf32>
    %parallel_loop3A = arith.constant 0 : i32
    %parallel_loop3A_58 = arith.constant 512 : i32
    %parallel_loop3A_59 = arith.constant 1 : i32
    %parallel_loop3A_60:2 = scf.for %parallel_loop3A_1278 = %parallel_loop3A to %parallel_loop3A_58 step %parallel_loop3A_59 iter_args(%parallel_loop3A_1279 = %broadcast_in_dim3A_57, %parallel_loop3A_1280 = %broadcast_in_dim3A_57) -> (vector<16xf32>, vector<16xf32>)  : i32 {
      %parallel_loop3A_1281 = arith.constant 16 : i32
      %parallel_loop3A_1282 = arith.muli %parallel_loop3A_1278, %parallel_loop3A_1281 : i32
      %parallel_loop3A_1283 = arith.constant 0 : i32
      %parallel_loop3A_1284 = arith.addi %parallel_loop3A_1283, %parallel_loop3A_1282 : i32
      %parallel_loop3A_1285 = arith.index_cast %parallel_loop3A_1284 : i32 to index
      %parallel_loop3A_1286 = tpu.vector_load %arg8[%parallel_loop3A_1285] {strides = array<i32>} : memref<16384xi32, #tpu.memory_space<vmem>>, vector<16xi32>,
      %parallel_loop3A_1287 = tpu.vector_load_idx %arg7[%parallel_loop3A_1286] : memref<100000xf32, #tpu.memory_space<vmem>>[vector<16xi32>], vector<16xf32>,
      %parallel_loop3A_1288 = arith.constant 16 : i32
      %parallel_loop3A_1289 = arith.muli %parallel_loop3A_1278, %parallel_loop3A_1288 : i32
      %parallel_loop3A_1290 = arith.index_cast %parallel_loop3A_1289 : i32 to index
      %parallel_loop3A_1291 = tpu.vector_load %arg9[%parallel_loop3A_1290] {strides = array<i32>} : memref<8192xf32, #tpu.memory_space<vmem>>, vector<16xf32>,
      tpu.vector_store %arg9[%parallel_loop3A_1290], %parallel_loop3A_1287 {strides = array<i32>} : memref<8192xf32, #tpu.memory_space<vmem>>, vector<16xf32>,
      %parallel_loop3A_1292 = arith.addf %parallel_loop3A_1279, %parallel_loop3A_1287 : vector<16xf32>
      %parallel_loop3A_1293 = arith.mulf %parallel_loop3A_1287, %parallel_loop3A_1287 : vector<16xf32>
      %parallel_loop3A_1294 = arith.addf %parallel_loop3A_1280, %parallel_loop3A_1293 : vector<16xf32>
      scf.yield %parallel_loop3A_1292, %parallel_loop3A_1294 : vector<16xf32>, vector<16xf32>
    } {sc.loop_unroll_factor = 8 : i64, sc.parallel_access}
    %dma_start3A_61 = arith.constant 0 : i32
    %dma_start3A_62 = tpu.memref_slice %arg4[%add3A_4, %dma_start3A_61] : memref<416x16384xf32, #tpu.memory_space<hbm>> -> memref<1x8192xf32, #tpu.memory_space<hbm>>
    %dma_start3A_63 = tpu.memref_squeeze %dma_start3A_62 : memref<1x8192xf32, #tpu.memory_space<hbm>> -> memref<8192xf32, #tpu.memory_space<hbm>>
    %dma_start3A_64 = arith.constant 0 : i32
    %dma_start3A_65 = tpu.memref_slice %arg4[%add3A_4, %dma_start3A_64] : memref<416x16384xf32, #tpu.memory_space<hbm>> -> memref<1x8192xf32, #tpu.memory_space<hbm>>
    %dma_start3A_66 = tpu.memref_squeeze %dma_start3A_65 : memref<1x8192xf32, #tpu.memory_space<hbm>> -> memref<8192xf32, #tpu.memory_space<hbm>>
    tpu.enqueue_dma source(%arg9 : memref<8192xf32, #tpu.memory_space<vmem>>) target(%dma_start3A_66 : memref<8192xf32, #tpu.memory_space<hbm>>) target_semaphore(%arg14 : memref<!tpu.dma_semaphore, #tpu.memory_space<semaphore_mem>>)
    %dma_wait3A_67 = arith.constant 0 : i32
    %dma_wait3A_68 = tpu.memref_slice %arg4[%add3A_4, %dma_wait3A_67] : memref<416x16384xf32, #tpu.memory_space<hbm>> -> memref<1x8192xf32, #tpu.memory_space<hbm>>
    %dma_wait3A_69 = tpu.memref_squeeze %dma_wait3A_68 : memref<1x8192xf32, #tpu.memory_space<hbm>> -> memref<8192xf32, #tpu.memory_space<hbm>>
    %dma_wait3A_70 = arith.constant 0 : i32
    %dma_wait3A_71 = tpu.memref_slice %arg4[%add3A_4, %dma_wait3A_70] : memref<416x16384xf32, #tpu.memory_space<hbm>> -> memref<1x8192xf32, #tpu.memory_space<hbm>>
    %dma_wait3A_72 = tpu.memref_squeeze %dma_wait3A_71 : memref<1x8192xf32, #tpu.memory_space<hbm>> -> memref<8192xf32, #tpu.memory_space<hbm>>
    tpu.wait_dma2 semaphore(%arg14 : memref<!tpu.dma_semaphore, #tpu.memory_space<semaphore_mem>>) src(%arg9 : memref<8192xf32, #tpu.memory_space<vmem>>) dst(%dma_wait3A_72 : memref<8192xf32, #tpu.memory_space<hbm>>)
    %parallel_loop3A_73 = arith.constant 0 : i32
    %parallel_loop3A_74 = arith.constant 512 : i32
    %parallel_loop3A_75 = arith.constant 1 : i32
    %parallel_loop3A_76:2 = scf.for %parallel_loop3A_1278 = %parallel_loop3A_73 to %parallel_loop3A_74 step %parallel_loop3A_75 iter_args(%parallel_loop3A_1279 = %parallel_loop3A_60#0, %parallel_loop3A_1280 = %parallel_loop3A_60#1) -> (vector<16xf32>, vector<16xf32>)  : i32 {
      %parallel_loop3A_1281 = arith.constant 16 : i32
      %parallel_loop3A_1282 = arith.muli %parallel_loop3A_1278, %parallel_loop3A_1281 : i32
      %parallel_loop3A_1283 = arith.constant 8192 : i32
      %parallel_loop3A_1284 = arith.addi %parallel_loop3A_1283, %parallel_loop3A_1282 : i32
      %parallel_loop3A_1285 = arith.index_cast %parallel_loop3A_1284 : i32 to index
      %parallel_loop3A_1286 = tpu.vector_load %arg8[%parallel_loop3A_1285] {strides = array<i32>} : memref<16384xi32, #tpu.memory_space<vmem>>, vector<16xi32>,
      %parallel_loop3A_1287 = tpu.vector_load_idx %arg7[%parallel_loop3A_1286] : memref<100000xf32, #tpu.memory_space<vmem>>[vector<16xi32>], vector<16xf32>,
      %parallel_loop3A_1288 = arith.constant 16 : i32
      %parallel_loop3A_1289 = arith.muli %parallel_loop3A_1278, %parallel_loop3A_1288 : i32
      %parallel_loop3A_1290 = arith.index_cast %parallel_loop3A_1289 : i32 to index
      %parallel_loop3A_1291 = tpu.vector_load %arg9[%parallel_loop3A_1290] {strides = array<i32>} : memref<8192xf32, #tpu.memory_space<vmem>>, vector<16xf32>,
      tpu.vector_store %arg9[%parallel_loop3A_1290], %parallel_loop3A_1287 {strides = array<i32>} : memref<8192xf32, #tpu.memory_space<vmem>>, vector<16xf32>,
      %parallel_loop3A_1292 = arith.addf %parallel_loop3A_1279, %parallel_loop3A_1287 : vector<16xf32>
      %parallel_loop3A_1293 = arith.mulf %parallel_loop3A_1287, %parallel_loop3A_1287 : vector<16xf32>
      %parallel_loop3A_1294 = arith.addf %parallel_loop3A_1280, %parallel_loop3A_1293 : vector<16xf32>
      scf.yield %parallel_loop3A_1292, %parallel_loop3A_1294 : vector<16xf32>, vector<16xf32>
    } {sc.loop_unroll_factor = 8 : i64, sc.parallel_access}
    %dma_start3A_77 = arith.constant 8192 : i32
    %dma_start3A_78 = tpu.memref_slice %arg4[%add3A_4, %dma_start3A_77] : memref<416x16384xf32, #tpu.memory_space<hbm>> -> memref<1x8192xf32, #tpu.memory_space<hbm>>
    %dma_start3A_79 = tpu.memref_squeeze %dma_start3A_78 : memref<1x8192xf32, #tpu.memory_space<hbm>> -> memref<8192xf32, #tpu.memory_space<hbm>>
    %dma_start3A_80 = arith.constant 8192 : i32
    %dma_start3A_81 = tpu.memref_slice %arg4[%add3A_4, %dma_start3A_80] : memref<416x16384xf32, #tpu.memory_space<hbm>> -> memref<1x8192xf32, #tpu.memory_space<hbm>>
    %dma_start3A_82 = tpu.memref_squeeze %dma_start3A_81 : memref<1x8192xf32, #tpu.memory_space<hbm>> -> memref<8192xf32, #tpu.memory_space<hbm>>
    tpu.enqueue_dma source(%arg9 : memref<8192xf32, #tpu.memory_space<vmem>>) target(%dma_start3A_82 : memref<8192xf32, #tpu.memory_space<hbm>>) target_semaphore(%arg14 : memref<!tpu.dma_semaphore, #tpu.memory_space<semaphore_mem>>)
    %swap3A = arith.constant 0 : index
    %swap3A_83 = tpu.vector_load %arg10[%swap3A] {strides = array<i32>} : memref<208xf32, #tpu.memory_space<vmem>>, vector<16xf32>,
    tpu.vector_store %arg10[%swap3A], %parallel_loop3A_76#0 {strides = array<i32>} : memref<208xf32, #tpu.memory_space<vmem>>, vector<16xf32>,
    %swap3A_84 = arith.constant 0 : index
    %swap3A_85 = tpu.vector_load %arg11[%swap3A_84] {strides = array<i32>} : memref<208xf32, #tpu.memory_space<vmem>>, vector<16xf32>,
    tpu.vector_store %arg11[%swap3A_84], %parallel_loop3A_76#1 {strides = array<i32>} : memref<208xf32, #tpu.memory_space<vmem>>, vector<16xf32>,
    %add3A_86 = arith.constant 1 : i32
    %add3A_87 = arith.addi %mul3A_2, %add3A_86 : i32
    %jit3A_88 = arith.constant 16 : i32
    %div3A_89 = arith.divsi %add3A_87, %jit3A_88 : i32
    %sign3A_90 = arith.constant 0 : i32
    %sign3A_91 = arith.cmpi sgt, %add3A_87, %sign3A_90 : i32
    %sign3A_92 = arith.extui %sign3A_91 : i1 to i32
    %sign3A_93 = arith.constant 0 : i32
    %sign3A_94 = arith.cmpi slt, %add3A_87, %sign3A_93 : i32
    %sign3A_95 = arith.extui %sign3A_94 : i1 to i32
    %sign3A_96 = arith.subi %sign3A_92, %sign3A_95 : i32
    %sign3A_97 = arith.constant 0 : i32
    %sign3A_98 = arith.cmpi sgt, %jit3A_88, %sign3A_97 : i32
    %sign3A_99 = arith.extui %sign3A_98 : i1 to i32
    %sign3A_100 = arith.constant 0 : i32
    %sign3A_101 = arith.cmpi slt, %jit3A_88, %sign3A_100 : i32
    %sign3A_102 = arith.extui %sign3A_101 : i1 to i32
    %sign3A_103 = arith.subi %sign3A_99, %sign3A_102 : i32
    %ne3A_104 = arith.cmpi ne, %sign3A_96, %sign3A_103 : i32
    %rem3A_105 = arith.remsi %add3A_87, %jit3A_88 : i32
    %ne3A_106 = arith.constant 0 : i32
    %ne3A_107 = arith.cmpi ne, %rem3A_105, %ne3A_106 : i32
    %and3A_108 = arith.andi %ne3A_104, %ne3A_107 : i1
    %sub3A_109 = arith.constant 1 : i32
    %sub3A_110 = arith.subi %div3A_89, %sub3A_109 : i32
    %select_n3A_111 = arith.select %and3A_108, %sub3A_110, %div3A_89 : i32
    %jit3A_112 = arith.constant 16 : i32
    %eq3A_113 = arith.constant 0 : i32
    %eq3A_114 = arith.cmpi eq, %jit3A_112, %eq3A_113 : i32
    %jit3A_115 = arith.constant 1 : i32
    %select_n3A_116 = arith.select %eq3A_114, %jit3A_115, %jit3A_112 : i32
    %rem3A_117 = arith.remsi %add3A_87, %select_n3A_116 : i32
    %ne3A_118 = arith.constant 0 : i32
    %ne3A_119 = arith.cmpi ne, %rem3A_117, %ne3A_118 : i32
    %lt3A_120 = arith.constant 0 : i32
    %lt3A_121 = arith.cmpi slt, %rem3A_117, %lt3A_120 : i32
    %lt3A_122 = arith.constant 0 : i32
    %lt3A_123 = arith.cmpi slt, %select_n3A_116, %lt3A_122 : i32
    %ne3A_124 = arith.xori %lt3A_121, %lt3A_123 : i1
    %and3A_125 = arith.andi %ne3A_124, %ne3A_119 : i1
    %add3A_126 = arith.addi %rem3A_117, %select_n3A_116 : i32
    %select_n3A_127 = arith.select %and3A_125, %add3A_126, %rem3A_117 : i32
    %dma_start3A_128 = arith.constant 0 : i32
    %dma_start3A_129 = tpu.memref_slice %arg2[%select_n3A_111, %select_n3A_127, %dma_start3A_128] : memref<26x16x100000xf32, #tpu.memory_space<hbm>> -> memref<1x1x100000xf32, #tpu.memory_space<hbm>>
    %dma_start3A_130 = tpu.memref_squeeze %dma_start3A_129 : memref<1x1x100000xf32, #tpu.memory_space<hbm>> -> memref<100000xf32, #tpu.memory_space<hbm>>
    %dma_start3A_131 = arith.constant 0 : i32
    %dma_start3A_132 = tpu.memref_slice %arg2[%select_n3A_111, %select_n3A_127, %dma_start3A_131] : memref<26x16x100000xf32, #tpu.memory_space<hbm>> -> memref<1x1x100000xf32, #tpu.memory_space<hbm>>
    %dma_start3A_133 = tpu.memref_squeeze %dma_start3A_132 : memref<1x1x100000xf32, #tpu.memory_space<hbm>> -> memref<100000xf32, #tpu.memory_space<hbm>>
    tpu.enqueue_dma source(%dma_start3A_133 : memref<100000xf32, #tpu.memory_space<hbm>>) target(%arg7 : memref<100000xf32, #tpu.memory_space<vmem>>) target_semaphore(%arg12 : memref<!tpu.dma_semaphore, #tpu.memory_space<semaphore_mem>>)
    %eq3A_134 = arith.constant 0 : i32
    %eq3A_135 = arith.cmpi eq, %select_n3A_127, %eq3A_134 : i32
    %convert_element_type3A = arith.extui %eq3A_135 : i1 to i32
    %cond3A = arith.constant 0 : i32
    %cond3A_136 = arith.cmpi ne, %convert_element_type3A, %cond3A : i32
    scf.if %cond3A_136 {
      %dma_start3A_1278 = arith.constant 0 : i32
      %dma_start3A_1279 = tpu.memref_slice %arg3[%select_n3A_111, %dma_start3A_1278] : memref<26x16384xi32, #tpu.memory_space<hbm>> -> memref<1x16384xi32, #tpu.memory_space<hbm>>
      %dma_start3A_1280 = tpu.memref_squeeze %dma_start3A_1279 : memref<1x16384xi32, #tpu.memory_space<hbm>> -> memref<16384xi32, #tpu.memory_space<hbm>>
      %dma_start3A_1281 = arith.constant 0 : i32
      %dma_start3A_1282 = tpu.memref_slice %arg3[%select_n3A_111, %dma_start3A_1281] : memref<26x16384xi32, #tpu.memory_space<hbm>> -> memref<1x16384xi32, #tpu.memory_space<hbm>>
      %dma_start3A_1283 = tpu.memref_squeeze %dma_start3A_1282 : memref<1x16384xi32, #tpu.memory_space<hbm>> -> memref<16384xi32, #tpu.memory_space<hbm>>
      tpu.enqueue_dma source(%dma_start3A_1283 : memref<16384xi32, #tpu.memory_space<hbm>>) target(%arg8 : memref<16384xi32, #tpu.memory_space<vmem>>) target_semaphore(%arg13 : memref<!tpu.dma_semaphore, #tpu.memory_space<semaphore_mem>>)
      %dma_wait3A_1284 = arith.constant 0 : i32
      %dma_wait3A_1285 = tpu.memref_slice %arg3[%select_n3A_111, %dma_wait3A_1284] : memref<26x16384xi32, #tpu.memory_space<hbm>> -> memref<1x16384xi32, #tpu.memory_space<hbm>>
      %dma_wait3A_1286 = tpu.memref_squeeze %dma_wait3A_1285 : memref<1x16384xi32, #tpu.memory_space<hbm>> -> memref<16384xi32, #tpu.memory_space<hbm>>
      %dma_wait3A_1287 = arith.constant 0 : i32
      %dma_wait3A_1288 = tpu.memref_slice %arg3[%select_n3A_111, %dma_wait3A_1287] : memref<26x16384xi32, #tpu.memory_space<hbm>> -> memref<1x16384xi32, #tpu.memory_space<hbm>>
      %dma_wait3A_1289 = tpu.memref_squeeze %dma_wait3A_1288 : memref<1x16384xi32, #tpu.memory_space<hbm>> -> memref<16384xi32, #tpu.memory_space<hbm>>
      tpu.wait_dma2 semaphore(%arg13 : memref<!tpu.dma_semaphore, #tpu.memory_space<semaphore_mem>>) src(%dma_wait3A_1289 : memref<16384xi32, #tpu.memory_space<hbm>>) dst(%arg8 : memref<16384xi32, #tpu.memory_space<vmem>>)
    } else {
    }
    %dma_wait3A_137 = arith.constant 0 : i32
    %dma_wait3A_138 = tpu.memref_slice %arg2[%select_n3A_111, %select_n3A_127, %dma_wait3A_137] : memref<26x16x100000xf32, #tpu.memory_space<hbm>> -> memref<1x1x100000xf32, #tpu.memory_space<hbm>>
    %dma_wait3A_139 = tpu.memref_squeeze %dma_wait3A_138 : memref<1x1x100000xf32, #tpu.memory_space<hbm>> -> memref<100000xf32, #tpu.memory_space<hbm>>
    %dma_wait3A_140 = arith.constant 0 : i32
    %dma_wait3A_141 = tpu.memref_slice %arg2[%select_n3A_111, %select_n3A_127, %dma_wait3A_140] : memref<26x16x100000xf32, #tpu.memory_space<hbm>> -> memref<1x1x100000xf32, #tpu.memory_space<hbm>>
    %dma_wait3A_142 = tpu.memref_squeeze %dma_wait3A_141 : memref<1x1x100000xf32, #tpu.memory_space<hbm>> -> memref<100000xf32, #tpu.memory_space<hbm>>
    tpu.wait_dma2 semaphore(%arg12 : memref<!tpu.dma_semaphore, #tpu.memory_space<semaphore_mem>>) src(%dma_wait3A_142 : memref<100000xf32, #tpu.memory_space<hbm>>) dst(%arg7 : memref<100000xf32, #tpu.memory_space<vmem>>)
    %broadcast_in_dim3A_143 = arith.constant 0.000000e+00 : f32
    %broadcast_in_dim3A_144 = vector.broadcast %broadcast_in_dim3A_143 : f32 to vector<16xf32>
    %dma_wait3A_145 = arith.constant 8192 : i32
    %dma_wait3A_146 = tpu.memref_slice %arg4[%add3A_4, %dma_wait3A_145] : memref<416x16384xf32, #tpu.memory_space<hbm>> -> memref<1x8192xf32, #tpu.memory_space<hbm>>
    %dma_wait3A_147 = tpu.memref_squeeze %dma_wait3A_146 : memref<1x8192xf32, #tpu.memory_space<hbm>> -> memref<8192xf32, #tpu.memory_space<hbm>>
    %dma_wait3A_148 = arith.constant 8192 : i32
    %dma_wait3A_149 = tpu.memref_slice %arg4[%add3A_4, %dma_wait3A_148] : memref<416x16384xf32, #tpu.memory_space<hbm>> -> memref<1x8192xf32, #tpu.memory_space<hbm>>
    %dma_wait3A_150 = tpu.memref_squeeze %dma_wait3A_149 : memref<1x8192xf32, #tpu.memory_space<hbm>> -> memref<8192xf32, #tpu.memory_space<hbm>>
    tpu.wait_dma2 semaphore(%arg14 : memref<!tpu.dma_semaphore, #tpu.memory_space<semaphore_mem>>) src(%arg9 : memref<8192xf32, #tpu.memory_space<vmem>>) dst(%dma_wait3A_150 : memref<8192xf32, #tpu.memory_space<hbm>>)
    %parallel_loop3A_151 = arith.constant 0 : i32
    %parallel_loop3A_152 = arith.constant 512 : i32
    %parallel_loop3A_153 = arith.constant 1 : i32
    %parallel_loop3A_154:2 = scf.for %parallel_loop3A_1278 = %parallel_loop3A_151 to %parallel_loop3A_152 step %parallel_loop3A_153 iter_args(%parallel_loop3A_1279 = %broadcast_in_dim3A_144, %parallel_loop3A_1280 = %broadcast_in_dim3A_144) -> (vector<16xf32>, vector<16xf32>)  : i32 {
      %parallel_loop3A_1281 = arith.constant 16 : i32
      %parallel_loop3A_1282 = arith.muli %parallel_loop3A_1278, %parallel_loop3A_1281 : i32
      %parallel_loop3A_1283 = arith.constant 0 : i32
      %parallel_loop3A_1284 = arith.addi %parallel_loop3A_1283, %parallel_loop3A_1282 : i32
      %parallel_loop3A_1285 = arith.index_cast %parallel_loop3A_1284 : i32 to index
      %parallel_loop3A_1286 = tpu.vector_load %arg8[%parallel_loop3A_1285] {strides = array<i32>} : memref<16384xi32, #tpu.memory_space<vmem>>, vector<16xi32>,
      %parallel_loop3A_1287 = tpu.vector_load_idx %arg7[%parallel_loop3A_1286] : memref<100000xf32, #tpu.memory_space<vmem>>[vector<16xi32>], vector<16xf32>,
      %parallel_loop3A_1288 = arith.constant 16 : i32
      %parallel_loop3A_1289 = arith.muli %parallel_loop3A_1278, %parallel_loop3A_1288 : i32
      %parallel_loop3A_1290 = arith.index_cast %parallel_loop3A_1289 : i32 to index
      %parallel_loop3A_1291 = tpu.vector_load %arg9[%parallel_loop3A_1290] {strides = array<i32>} : memref<8192xf32, #tpu.memory_space<vmem>>, vector<16xf32>,
      tpu.vector_store %arg9[%parallel_loop3A_1290], %parallel_loop3A_1287 {strides = array<i32>} : memref<8192xf32, #tpu.memory_space<vmem>>, vector<16xf32>,
      %parallel_loop3A_1292 = arith.addf %parallel_loop3A_1279, %parallel_loop3A_1287 : vector<16xf32>
      %parallel_loop3A_1293 = arith.mulf %parallel_loop3A_1287, %parallel_loop3A_1287 : vector<16xf32>
      %parallel_loop3A_1294 = arith.addf %parallel_loop3A_1280, %parallel_loop3A_1293 : vector<16xf32>
      scf.yield %parallel_loop3A_1292, %parallel_loop3A_1294 : vector<16xf32>, vector<16xf32>
    } {sc.loop_unroll_factor = 8 : i64, sc.parallel_access}
    %dma_start3A_155 = arith.constant 0 : i32
    %dma_start3A_156 = tpu.memref_slice %arg4[%add3A_87, %dma_start3A_155] : memref<416x16384xf32, #tpu.memory_space<hbm>> -> memref<1x8192xf32, #tpu.memory_space<hbm>>
    %dma_start3A_157 = tpu.memref_squeeze %dma_start3A_156 : memref<1x8192xf32, #tpu.memory_space<hbm>> -> memref<8192xf32, #tpu.memory_space<hbm>>
    %dma_start3A_158 = arith.constant 0 : i32
    %dma_start3A_159 = tpu.memref_slice %arg4[%add3A_87, %dma_start3A_158] : memref<416x16384xf32, #tpu.memory_space<hbm>> -> memref<1x8192xf32, #tpu.memory_space<hbm>>
    %dma_start3A_160 = tpu.memref_squeeze %dma_start3A_159 : memref<1x8192xf32, #tpu.memory_space<hbm>> -> memref<8192xf32, #tpu.memory_space<hbm>>
    tpu.enqueue_dma source(%arg9 : memref<8192xf32, #tpu.memory_space<vmem>>) target(%dma_start3A_160 : memref<8192xf32, #tpu.memory_space<hbm>>) target_semaphore(%arg14 : memref<!tpu.dma_semaphore, #tpu.memory_space<semaphore_mem>>)
    %dma_wait3A_161 = arith.constant 0 : i32
    %dma_wait3A_162 = tpu.memref_slice %arg4[%add3A_87, %dma_wait3A_161] : memref<416x16384xf32, #tpu.memory_space<hbm>> -> memref<1x8192xf32, #tpu.memory_space<hbm>>
    %dma_wait3A_163 = tpu.memref_squeeze %dma_wait3A_162 : memref<1x8192xf32, #tpu.memory_space<hbm>> -> memref<8192xf32, #tpu.memory_space<hbm>>
    %dma_wait3A_164 = arith.constant 0 : i32
    %dma_wait3A_165 = tpu.memref_slice %arg4[%add3A_87, %dma_wait3A_164] : memref<416x16384xf32, #tpu.memory_space<hbm>> -> memref<1x8192xf32, #tpu.memory_space<hbm>>
    %dma_wait3A_166 = tpu.memref_squeeze %dma_wait3A_165 : memref<1x8192xf32, #tpu.memory_space<hbm>> -> memref<8192xf32, #tpu.memory_space<hbm>>
    tpu.wait_dma2 semaphore(%arg14 : memref<!tpu.dma_semaphore, #tpu.memory_space<semaphore_mem>>) src(%arg9 : memref<8192xf32, #tpu.memory_space<vmem>>) dst(%dma_wait3A_166 : memref<8192xf32, #tpu.memory_space<hbm>>)
    %parallel_loop3A_167 = arith.constant 0 : i32
    %parallel_loop3A_168 = arith.constant 512 : i32
    %parallel_loop3A_169 = arith.constant 1 : i32
    %parallel_loop3A_170:2 = scf.for %parallel_loop3A_1278 = %parallel_loop3A_167 to %parallel_loop3A_168 step %parallel_loop3A_169 iter_args(%parallel_loop3A_1279 = %parallel_loop3A_154#0, %parallel_loop3A_1280 = %parallel_loop3A_154#1) -> (vector<16xf32>, vector<16xf32>)  : i32 {
      %parallel_loop3A_1281 = arith.constant 16 : i32
      %parallel_loop3A_1282 = arith.muli %parallel_loop3A_1278, %parallel_loop3A_1281 : i32
      %parallel_loop3A_1283 = arith.constant 8192 : i32
      %parallel_loop3A_1284 = arith.addi %parallel_loop3A_1283, %parallel_loop3A_1282 : i32
      %parallel_loop3A_1285 = arith.index_cast %parallel_loop3A_1284 : i32 to index
      %parallel_loop3A_1286 = tpu.vector_load %arg8[%parallel_loop3A_1285] {strides = array<i32>} : memref<16384xi32, #tpu.memory_space<vmem>>, vector<16xi32>,
      %parallel_loop3A_1287 = tpu.vector_load_idx %arg7[%parallel_loop3A_1286] : memref<100000xf32, #tpu.memory_space<vmem>>[vector<16xi32>], vector<16xf32>,
      %parallel_loop3A_1288 = arith.constant 16 : i32
      %parallel_loop3A_1289 = arith.muli %parallel_loop3A_1278, %parallel_loop3A_1288 : i32
      %parallel_loop3A_1290 = arith.index_cast %parallel_loop3A_1289 : i32 to index
      %parallel_loop3A_1291 = tpu.vector_load %arg9[%parallel_loop3A_1290] {strides = array<i32>} : memref<8192xf32, #tpu.memory_space<vmem>>, vector<16xf32>,
      tpu.vector_store %arg9[%parallel_loop3A_1290], %parallel_loop3A_1287 {strides = array<i32>} : memref<8192xf32, #tpu.memory_space<vmem>>, vector<16xf32>,
      %parallel_loop3A_1292 = arith.addf %parallel_loop3A_1279, %parallel_loop3A_1287 : vector<16xf32>
      %parallel_loop3A_1293 = arith.mulf %parallel_loop3A_1287, %parallel_loop3A_1287 : vector<16xf32>
      %parallel_loop3A_1294 = arith.addf %parallel_loop3A_1280, %parallel_loop3A_1293 : vector<16xf32>
      scf.yield %parallel_loop3A_1292, %parallel_loop3A_1294 : vector<16xf32>, vector<16xf32>
    } {sc.loop_unroll_factor = 8 : i64, sc.parallel_access}
    %dma_start3A_171 = arith.constant 8192 : i32
    %dma_start3A_172 = tpu.memref_slice %arg4[%add3A_87, %dma_start3A_171] : memref<416x16384xf32, #tpu.memory_space<hbm>> -> memref<1x8192xf32, #tpu.memory_space<hbm>>
    %dma_start3A_173 = tpu.memref_squeeze %dma_start3A_172 : memref<1x8192xf32, #tpu.memory_space<hbm>> -> memref<8192xf32, #tpu.memory_space<hbm>>
    %dma_start3A_174 = arith.constant 8192 : i32
    %dma_start3A_175 = tpu.memref_slice %arg4[%add3A_87, %dma_start3A_174] : memref<416x16384xf32, #tpu.memory_space<hbm>> -> memref<1x8192xf32, #tpu.memory_space<hbm>>
    %dma_start3A_176 = tpu.memref_squeeze %dma_start3A_175 : memref<1x8192xf32, #tpu.memory_space<hbm>> -> memref<8192xf32, #tpu.memory_space<hbm>>
    tpu.enqueue_dma source(%arg9 : memref<8192xf32, #tpu.memory_space<vmem>>) target(%dma_start3A_176 : memref<8192xf32, #tpu.memory_space<hbm>>) target_semaphore(%arg14 : memref<!tpu.dma_semaphore, #tpu.memory_space<semaphore_mem>>)
    %swap3A_177 = arith.constant 16 : index
    %swap3A_178 = tpu.vector_load %arg10[%swap3A_177] {strides = array<i32>} : memref<208xf32, #tpu.memory_space<vmem>>, vector<16xf32>,
    tpu.vector_store %arg10[%swap3A_177], %parallel_loop3A_170#0 {strides = array<i32>} : memref<208xf32, #tpu.memory_space<vmem>>, vector<16xf32>,
    %swap3A_179 = arith.constant 16 : index
    %swap3A_180 = tpu.vector_load %arg11[%swap3A_179] {strides = array<i32>} : memref<208xf32, #tpu.memory_space<vmem>>, vector<16xf32>,
    tpu.vector_store %arg11[%swap3A_179], %parallel_loop3A_170#1 {strides = array<i32>} : memref<208xf32, #tpu.memory_space<vmem>>, vector<16xf32>,
    %add3A_181 = arith.constant 2 : i32
    %add3A_182 = arith.addi %mul3A_2, %add3A_181 : i32
    %jit3A_183 = arith.constant 16 : i32
    %div3A_184 = arith.divsi %add3A_182, %jit3A_183 : i32
    %sign3A_185 = arith.constant 0 : i32
    %sign3A_186 = arith.cmpi sgt, %add3A_182, %sign3A_185 : i32
    %sign3A_187 = arith.extui %sign3A_186 : i1 to i32
    %sign3A_188 = arith.constant 0 : i32
    %sign3A_189 = arith.cmpi slt, %add3A_182, %sign3A_188 : i32
    %sign3A_190 = arith.extui %sign3A_189 : i1 to i32
    %sign3A_191 = arith.subi %sign3A_187, %sign3A_190 : i32
    %sign3A_192 = arith.constant 0 : i32
    %sign3A_193 = arith.cmpi sgt, %jit3A_183, %sign3A_192 : i32
    %sign3A_194 = arith.extui %sign3A_193 : i1 to i32
    %sign3A_195 = arith.constant 0 : i32
    %sign3A_196 = arith.cmpi slt, %jit3A_183, %sign3A_195 : i32
    %sign3A_197 = arith.extui %sign3A_196 : i1 to i32
    %sign3A_198 = arith.subi %sign3A_194, %sign3A_197 : i32
    %ne3A_199 = arith.cmpi ne, %sign3A_191, %sign3A_198 : i32
    %rem3A_200 = arith.remsi %add3A_182, %jit3A_183 : i32
    %ne3A_201 = arith.constant 0 : i32
    %ne3A_202 = arith.cmpi ne, %rem3A_200, %ne3A_201 : i32
    %and3A_203 = arith.andi %ne3A_199, %ne3A_202 : i1
    %sub3A_204 = arith.constant 1 : i32
    %sub3A_205 = arith.subi %div3A_184, %sub3A_204 : i32
    %select_n3A_206 = arith.select %and3A_203, %sub3A_205, %div3A_184 : i32
    %jit3A_207 = arith.constant 16 : i32
    %eq3A_208 = arith.constant 0 : i32
    %eq3A_209 = arith.cmpi eq, %jit3A_207, %eq3A_208 : i32
    %jit3A_210 = arith.constant 1 : i32
    %select_n3A_211 = arith.select %eq3A_209, %jit3A_210, %jit3A_207 : i32
    %rem3A_212 = arith.remsi %add3A_182, %select_n3A_211 : i32
    %ne3A_213 = arith.constant 0 : i32
    %ne3A_214 = arith.cmpi ne, %rem3A_212, %ne3A_213 : i32
    %lt3A_215 = arith.constant 0 : i32
    %lt3A_216 = arith.cmpi slt, %rem3A_212, %lt3A_215 : i32
    %lt3A_217 = arith.constant 0 : i32
    %lt3A_218 = arith.cmpi slt, %select_n3A_211, %lt3A_217 : i32
    %ne3A_219 = arith.xori %lt3A_216, %lt3A_218 : i1
    %and3A_220 = arith.andi %ne3A_219, %ne3A_214 : i1
    %add3A_221 = arith.addi %rem3A_212, %select_n3A_211 : i32
    %select_n3A_222 = arith.select %and3A_220, %add3A_221, %rem3A_212 : i32
    %dma_start3A_223 = arith.constant 0 : i32
    %dma_start3A_224 = tpu.memref_slice %arg2[%select_n3A_206, %select_n3A_222, %dma_start3A_223] : memref<26x16x100000xf32, #tpu.memory_space<hbm>> -> memref<1x1x100000xf32, #tpu.memory_space<hbm>>
    %dma_start3A_225 = tpu.memref_squeeze %dma_start3A_224 : memref<1x1x100000xf32, #tpu.memory_space<hbm>> -> memref<100000xf32, #tpu.memory_space<hbm>>
    %dma_start3A_226 = arith.constant 0 : i32
    %dma_start3A_227 = tpu.memref_slice %arg2[%select_n3A_206, %select_n3A_222, %dma_start3A_226] : memref<26x16x100000xf32, #tpu.memory_space<hbm>> -> memref<1x1x100000xf32, #tpu.memory_space<hbm>>
    %dma_start3A_228 = tpu.memref_squeeze %dma_start3A_227 : memref<1x1x100000xf32, #tpu.memory_space<hbm>> -> memref<100000xf32, #tpu.memory_space<hbm>>
    tpu.enqueue_dma source(%dma_start3A_228 : memref<100000xf32, #tpu.memory_space<hbm>>) target(%arg7 : memref<100000xf32, #tpu.memory_space<vmem>>) target_semaphore(%arg12 : memref<!tpu.dma_semaphore, #tpu.memory_space<semaphore_mem>>)
    %eq3A_229 = arith.constant 0 : i32
    %eq3A_230 = arith.cmpi eq, %select_n3A_222, %eq3A_229 : i32
    %convert_element_type3A_231 = arith.extui %eq3A_230 : i1 to i32
    %cond3A_232 = arith.constant 0 : i32
    %cond3A_233 = arith.cmpi ne, %convert_element_type3A_231, %cond3A_232 : i32
    scf.if %cond3A_233 {
      %dma_start3A_1278 = arith.constant 0 : i32
      %dma_start3A_1279 = tpu.memref_slice %arg3[%select_n3A_206, %dma_start3A_1278] : memref<26x16384xi32, #tpu.memory_space<hbm>> -> memref<1x16384xi32, #tpu.memory_space<hbm>>
      %dma_start3A_1280 = tpu.memref_squeeze %dma_start3A_1279 : memref<1x16384xi32, #tpu.memory_space<hbm>> -> memref<16384xi32, #tpu.memory_space<hbm>>
      %dma_start3A_1281 = arith.constant 0 : i32
      %dma_start3A_1282 = tpu.memref_slice %arg3[%select_n3A_206, %dma_start3A_1281] : memref<26x16384xi32, #tpu.memory_space<hbm>> -> memref<1x16384xi32, #tpu.memory_space<hbm>>
      %dma_start3A_1283 = tpu.memref_squeeze %dma_start3A_1282 : memref<1x16384xi32, #tpu.memory_space<hbm>> -> memref<16384xi32, #tpu.memory_space<hbm>>
      tpu.enqueue_dma source(%dma_start3A_1283 : memref<16384xi32, #tpu.memory_space<hbm>>) target(%arg8 : memref<16384xi32, #tpu.memory_space<vmem>>) target_semaphore(%arg13 : memref<!tpu.dma_semaphore, #tpu.memory_space<semaphore_mem>>)
      %dma_wait3A_1284 = arith.constant 0 : i32
      %dma_wait3A_1285 = tpu.memref_slice %arg3[%select_n3A_206, %dma_wait3A_1284] : memref<26x16384xi32, #tpu.memory_space<hbm>> -> memref<1x16384xi32, #tpu.memory_space<hbm>>
      %dma_wait3A_1286 = tpu.memref_squeeze %dma_wait3A_1285 : memref<1x16384xi32, #tpu.memory_space<hbm>> -> memref<16384xi32, #tpu.memory_space<hbm>>
      %dma_wait3A_1287 = arith.constant 0 : i32
      %dma_wait3A_1288 = tpu.memref_slice %arg3[%select_n3A_206, %dma_wait3A_1287] : memref<26x16384xi32, #tpu.memory_space<hbm>> -> memref<1x16384xi32, #tpu.memory_space<hbm>>
      %dma_wait3A_1289 = tpu.memref_squeeze %dma_wait3A_1288 : memref<1x16384xi32, #tpu.memory_space<hbm>> -> memref<16384xi32, #tpu.memory_space<hbm>>
      tpu.wait_dma2 semaphore(%arg13 : memref<!tpu.dma_semaphore, #tpu.memory_space<semaphore_mem>>) src(%dma_wait3A_1289 : memref<16384xi32, #tpu.memory_space<hbm>>) dst(%arg8 : memref<16384xi32, #tpu.memory_space<vmem>>)
    } else {
    }
    %dma_wait3A_234 = arith.constant 0 : i32
    %dma_wait3A_235 = tpu.memref_slice %arg2[%select_n3A_206, %select_n3A_222, %dma_wait3A_234] : memref<26x16x100000xf32, #tpu.memory_space<hbm>> -> memref<1x1x100000xf32, #tpu.memory_space<hbm>>
    %dma_wait3A_236 = tpu.memref_squeeze %dma_wait3A_235 : memref<1x1x100000xf32, #tpu.memory_space<hbm>> -> memref<100000xf32, #tpu.memory_space<hbm>>
    %dma_wait3A_237 = arith.constant 0 : i32
    %dma_wait3A_238 = tpu.memref_slice %arg2[%select_n3A_206, %select_n3A_222, %dma_wait3A_237] : memref<26x16x100000xf32, #tpu.memory_space<hbm>> -> memref<1x1x100000xf32, #tpu.memory_space<hbm>>
    %dma_wait3A_239 = tpu.memref_squeeze %dma_wait3A_238 : memref<1x1x100000xf32, #tpu.memory_space<hbm>> -> memref<100000xf32, #tpu.memory_space<hbm>>
    tpu.wait_dma2 semaphore(%arg12 : memref<!tpu.dma_semaphore, #tpu.memory_space<semaphore_mem>>) src(%dma_wait3A_239 : memref<100000xf32, #tpu.memory_space<hbm>>) dst(%arg7 : memref<100000xf32, #tpu.memory_space<vmem>>)
    %broadcast_in_dim3A_240 = arith.constant 0.000000e+00 : f32
    %broadcast_in_dim3A_241 = vector.broadcast %broadcast_in_dim3A_240 : f32 to vector<16xf32>
    %dma_wait3A_242 = arith.constant 8192 : i32
    %dma_wait3A_243 = tpu.memref_slice %arg4[%add3A_87, %dma_wait3A_242] : memref<416x16384xf32, #tpu.memory_space<hbm>> -> memref<1x8192xf32, #tpu.memory_space<hbm>>
    %dma_wait3A_244 = tpu.memref_squeeze %dma_wait3A_243 : memref<1x8192xf32, #tpu.memory_space<hbm>> -> memref<8192xf32, #tpu.memory_space<hbm>>
    %dma_wait3A_245 = arith.constant 8192 : i32
    %dma_wait3A_246 = tpu.memref_slice %arg4[%add3A_87, %dma_wait3A_245] : memref<416x16384xf32, #tpu.memory_space<hbm>> -> memref<1x8192xf32, #tpu.memory_space<hbm>>
    %dma_wait3A_247 = tpu.memref_squeeze %dma_wait3A_246 : memref<1x8192xf32, #tpu.memory_space<hbm>> -> memref<8192xf32, #tpu.memory_space<hbm>>
    tpu.wait_dma2 semaphore(%arg14 : memref<!tpu.dma_semaphore, #tpu.memory_space<semaphore_mem>>) src(%arg9 : memref<8192xf32, #tpu.memory_space<vmem>>) dst(%dma_wait3A_247 : memref<8192xf32, #tpu.memory_space<hbm>>)
    %parallel_loop3A_248 = arith.constant 0 : i32
    %parallel_loop3A_249 = arith.constant 512 : i32
    %parallel_loop3A_250 = arith.constant 1 : i32
    %parallel_loop3A_251:2 = scf.for %parallel_loop3A_1278 = %parallel_loop3A_248 to %parallel_loop3A_249 step %parallel_loop3A_250 iter_args(%parallel_loop3A_1279 = %broadcast_in_dim3A_241, %parallel_loop3A_1280 = %broadcast_in_dim3A_241) -> (vector<16xf32>, vector<16xf32>)  : i32 {
      %parallel_loop3A_1281 = arith.constant 16 : i32
      %parallel_loop3A_1282 = arith.muli %parallel_loop3A_1278, %parallel_loop3A_1281 : i32
      %parallel_loop3A_1283 = arith.constant 0 : i32
      %parallel_loop3A_1284 = arith.addi %parallel_loop3A_1283, %parallel_loop3A_1282 : i32
      %parallel_loop3A_1285 = arith.index_cast %parallel_loop3A_1284 : i32 to index
      %parallel_loop3A_1286 = tpu.vector_load %arg8[%parallel_loop3A_1285] {strides = array<i32>} : memref<16384xi32, #tpu.memory_space<vmem>>, vector<16xi32>,
      %parallel_loop3A_1287 = tpu.vector_load_idx %arg7[%parallel_loop3A_1286] : memref<100000xf32, #tpu.memory_space<vmem>>[vector<16xi32>], vector<16xf32>,
      %parallel_loop3A_1288 = arith.constant 16 : i32
      %parallel_loop3A_1289 = arith.muli %parallel_loop3A_1278, %parallel_loop3A_1288 : i32
      %parallel_loop3A_1290 = arith.index_cast %parallel_loop3A_1289 : i32 to index
      %parallel_loop3A_1291 = tpu.vector_load %arg9[%parallel_loop3A_1290] {strides = array<i32>} : memref<8192xf32, #tpu.memory_space<vmem>>, vector<16xf32>,
      tpu.vector_store %arg9[%parallel_loop3A_1290], %parallel_loop3A_1287 {strides = array<i32>} : memref<8192xf32, #tpu.memory_space<vmem>>, vector<16xf32>,
      %parallel_loop3A_1292 = arith.addf %parallel_loop3A_1279, %parallel_loop3A_1287 : vector<16xf32>
      %parallel_loop3A_1293 = arith.mulf %parallel_loop3A_1287, %parallel_loop3A_1287 : vector<16xf32>
      %parallel_loop3A_1294 = arith.addf %parallel_loop3A_1280, %parallel_loop3A_1293 : vector<16xf32>
      scf.yield %parallel_loop3A_1292, %parallel_loop3A_1294 : vector<16xf32>, vector<16xf32>
    } {sc.loop_unroll_factor = 8 : i64, sc.parallel_access}
    %dma_start3A_252 = arith.constant 0 : i32
    %dma_start3A_253 = tpu.memref_slice %arg4[%add3A_182, %dma_start3A_252] : memref<416x16384xf32, #tpu.memory_space<hbm>> -> memref<1x8192xf32, #tpu.memory_space<hbm>>
    %dma_start3A_254 = tpu.memref_squeeze %dma_start3A_253 : memref<1x8192xf32, #tpu.memory_space<hbm>> -> memref<8192xf32, #tpu.memory_space<hbm>>
    %dma_start3A_255 = arith.constant 0 : i32
    %dma_start3A_256 = tpu.memref_slice %arg4[%add3A_182, %dma_start3A_255] : memref<416x16384xf32, #tpu.memory_space<hbm>> -> memref<1x8192xf32, #tpu.memory_space<hbm>>
    %dma_start3A_257 = tpu.memref_squeeze %dma_start3A_256 : memref<1x8192xf32, #tpu.memory_space<hbm>> -> memref<8192xf32, #tpu.memory_space<hbm>>
    tpu.enqueue_dma source(%arg9 : memref<8192xf32, #tpu.memory_space<vmem>>) target(%dma_start3A_257 : memref<8192xf32, #tpu.memory_space<hbm>>) target_semaphore(%arg14 : memref<!tpu.dma_semaphore, #tpu.memory_space<semaphore_mem>>)
    %dma_wait3A_258 = arith.constant 0 : i32
    %dma_wait3A_259 = tpu.memref_slice %arg4[%add3A_182, %dma_wait3A_258] : memref<416x16384xf32, #tpu.memory_space<hbm>> -> memref<1x8192xf32, #tpu.memory_space<hbm>>
    %dma_wait3A_260 = tpu.memref_squeeze %dma_wait3A_259 : memref<1x8192xf32, #tpu.memory_space<hbm>> -> memref<8192xf32, #tpu.memory_space<hbm>>
    %dma_wait3A_261 = arith.constant 0 : i32
    %dma_wait3A_262 = tpu.memref_slice %arg4[%add3A_182, %dma_wait3A_261] : memref<416x16384xf32, #tpu.memory_space<hbm>> -> memref<1x8192xf32, #tpu.memory_space<hbm>>
    %dma_wait3A_263 = tpu.memref_squeeze %dma_wait3A_262 : memref<1x8192xf32, #tpu.memory_space<hbm>> -> memref<8192xf32, #tpu.memory_space<hbm>>
    tpu.wait_dma2 semaphore(%arg14 : memref<!tpu.dma_semaphore, #tpu.memory_space<semaphore_mem>>) src(%arg9 : memref<8192xf32, #tpu.memory_space<vmem>>) dst(%dma_wait3A_263 : memref<8192xf32, #tpu.memory_space<hbm>>)
    %parallel_loop3A_264 = arith.constant 0 : i32
    %parallel_loop3A_265 = arith.constant 512 : i32
    %parallel_loop3A_266 = arith.constant 1 : i32
    %parallel_loop3A_267:2 = scf.for %parallel_loop3A_1278 = %parallel_loop3A_264 to %parallel_loop3A_265 step %parallel_loop3A_266 iter_args(%parallel_loop3A_1279 = %parallel_loop3A_251#0, %parallel_loop3A_1280 = %parallel_loop3A_251#1) -> (vector<16xf32>, vector<16xf32>)  : i32 {
      %parallel_loop3A_1281 = arith.constant 16 : i32
      %parallel_loop3A_1282 = arith.muli %parallel_loop3A_1278, %parallel_loop3A_1281 : i32
      %parallel_loop3A_1283 = arith.constant 8192 : i32
      %parallel_loop3A_1284 = arith.addi %parallel_loop3A_1283, %parallel_loop3A_1282 : i32
      %parallel_loop3A_1285 = arith.index_cast %parallel_loop3A_1284 : i32 to index
      %parallel_loop3A_1286 = tpu.vector_load %arg8[%parallel_loop3A_1285] {strides = array<i32>} : memref<16384xi32, #tpu.memory_space<vmem>>, vector<16xi32>,
      %parallel_loop3A_1287 = tpu.vector_load_idx %arg7[%parallel_loop3A_1286] : memref<100000xf32, #tpu.memory_space<vmem>>[vector<16xi32>], vector<16xf32>,
      %parallel_loop3A_1288 = arith.constant 16 : i32
      %parallel_loop3A_1289 = arith.muli %parallel_loop3A_1278, %parallel_loop3A_1288 : i32
      %parallel_loop3A_1290 = arith.index_cast %parallel_loop3A_1289 : i32 to index
      %parallel_loop3A_1291 = tpu.vector_load %arg9[%parallel_loop3A_1290] {strides = array<i32>} : memref<8192xf32, #tpu.memory_space<vmem>>, vector<16xf32>,
      tpu.vector_store %arg9[%parallel_loop3A_1290], %parallel_loop3A_1287 {strides = array<i32>} : memref<8192xf32, #tpu.memory_space<vmem>>, vector<16xf32>,
      %parallel_loop3A_1292 = arith.addf %parallel_loop3A_1279, %parallel_loop3A_1287 : vector<16xf32>
      %parallel_loop3A_1293 = arith.mulf %parallel_loop3A_1287, %parallel_loop3A_1287 : vector<16xf32>
      %parallel_loop3A_1294 = arith.addf %parallel_loop3A_1280, %parallel_loop3A_1293 : vector<16xf32>
      scf.yield %parallel_loop3A_1292, %parallel_loop3A_1294 : vector<16xf32>, vector<16xf32>
    } {sc.loop_unroll_factor = 8 : i64, sc.parallel_access}
    %dma_start3A_268 = arith.constant 8192 : i32
    %dma_start3A_269 = tpu.memref_slice %arg4[%add3A_182, %dma_start3A_268] : memref<416x16384xf32, #tpu.memory_space<hbm>> -> memref<1x8192xf32, #tpu.memory_space<hbm>>
    %dma_start3A_270 = tpu.memref_squeeze %dma_start3A_269 : memref<1x8192xf32, #tpu.memory_space<hbm>> -> memref<8192xf32, #tpu.memory_space<hbm>>
    %dma_start3A_271 = arith.constant 8192 : i32
    %dma_start3A_272 = tpu.memref_slice %arg4[%add3A_182, %dma_start3A_271] : memref<416x16384xf32, #tpu.memory_space<hbm>> -> memref<1x8192xf32, #tpu.memory_space<hbm>>
    %dma_start3A_273 = tpu.memref_squeeze %dma_start3A_272 : memref<1x8192xf32, #tpu.memory_space<hbm>> -> memref<8192xf32, #tpu.memory_space<hbm>>
    tpu.enqueue_dma source(%arg9 : memref<8192xf32, #tpu.memory_space<vmem>>) target(%dma_start3A_273 : memref<8192xf32, #tpu.memory_space<hbm>>) target_semaphore(%arg14 : memref<!tpu.dma_semaphore, #tpu.memory_space<semaphore_mem>>)
    %swap3A_274 = arith.constant 32 : index
    %swap3A_275 = tpu.vector_load %arg10[%swap3A_274] {strides = array<i32>} : memref<208xf32, #tpu.memory_space<vmem>>, vector<16xf32>,
    tpu.vector_store %arg10[%swap3A_274], %parallel_loop3A_267#0 {strides = array<i32>} : memref<208xf32, #tpu.memory_space<vmem>>, vector<16xf32>,
    %swap3A_276 = arith.constant 32 : index
    %swap3A_277 = tpu.vector_load %arg11[%swap3A_276] {strides = array<i32>} : memref<208xf32, #tpu.memory_space<vmem>>, vector<16xf32>,
    tpu.vector_store %arg11[%swap3A_276], %parallel_loop3A_267#1 {strides = array<i32>} : memref<208xf32, #tpu.memory_space<vmem>>, vector<16xf32>,
    %add3A_278 = arith.constant 3 : i32
    %add3A_279 = arith.addi %mul3A_2, %add3A_278 : i32
    %jit3A_280 = arith.constant 16 : i32
    %div3A_281 = arith.divsi %add3A_279, %jit3A_280 : i32
    %sign3A_282 = arith.constant 0 : i32
    %sign3A_283 = arith.cmpi sgt, %add3A_279, %sign3A_282 : i32
    %sign3A_284 = arith.extui %sign3A_283 : i1 to i32
    %sign3A_285 = arith.constant 0 : i32
    %sign3A_286 = arith.cmpi slt, %add3A_279, %sign3A_285 : i32
    %sign3A_287 = arith.extui %sign3A_286 : i1 to i32
    %sign3A_288 = arith.subi %sign3A_284, %sign3A_287 : i32
    %sign3A_289 = arith.constant 0 : i32
    %sign3A_290 = arith.cmpi sgt, %jit3A_280, %sign3A_289 : i32
    %sign3A_291 = arith.extui %sign3A_290 : i1 to i32
    %sign3A_292 = arith.constant 0 : i32
    %sign3A_293 = arith.cmpi slt, %jit3A_280, %sign3A_292 : i32
    %sign3A_294 = arith.extui %sign3A_293 : i1 to i32
    %sign3A_295 = arith.subi %sign3A_291, %sign3A_294 : i32
    %ne3A_296 = arith.cmpi ne, %sign3A_288, %sign3A_295 : i32
    %rem3A_297 = arith.remsi %add3A_279, %jit3A_280 : i32
    %ne3A_298 = arith.constant 0 : i32
    %ne3A_299 = arith.cmpi ne, %rem3A_297, %ne3A_298 : i32
    %and3A_300 = arith.andi %ne3A_296, %ne3A_299 : i1
    %sub3A_301 = arith.constant 1 : i32
    %sub3A_302 = arith.subi %div3A_281, %sub3A_301 : i32
    %select_n3A_303 = arith.select %and3A_300, %sub3A_302, %div3A_281 : i32
    %jit3A_304 = arith.constant 16 : i32
    %eq3A_305 = arith.constant 0 : i32
    %eq3A_306 = arith.cmpi eq, %jit3A_304, %eq3A_305 : i32
    %jit3A_307 = arith.constant 1 : i32
    %select_n3A_308 = arith.select %eq3A_306, %jit3A_307, %jit3A_304 : i32
    %rem3A_309 = arith.remsi %add3A_279, %select_n3A_308 : i32
    %ne3A_310 = arith.constant 0 : i32
    %ne3A_311 = arith.cmpi ne, %rem3A_309, %ne3A_310 : i32
    %lt3A_312 = arith.constant 0 : i32
    %lt3A_313 = arith.cmpi slt, %rem3A_309, %lt3A_312 : i32
    %lt3A_314 = arith.constant 0 : i32
    %lt3A_315 = arith.cmpi slt, %select_n3A_308, %lt3A_314 : i32
    %ne3A_316 = arith.xori %lt3A_313, %lt3A_315 : i1
    %and3A_317 = arith.andi %ne3A_316, %ne3A_311 : i1
    %add3A_318 = arith.addi %rem3A_309, %select_n3A_308 : i32
    %select_n3A_319 = arith.select %and3A_317, %add3A_318, %rem3A_309 : i32
    %dma_start3A_320 = arith.constant 0 : i32
    %dma_start3A_321 = tpu.memref_slice %arg2[%select_n3A_303, %select_n3A_319, %dma_start3A_320] : memref<26x16x100000xf32, #tpu.memory_space<hbm>> -> memref<1x1x100000xf32, #tpu.memory_space<hbm>>
    %dma_start3A_322 = tpu.memref_squeeze %dma_start3A_321 : memref<1x1x100000xf32, #tpu.memory_space<hbm>> -> memref<100000xf32, #tpu.memory_space<hbm>>
    %dma_start3A_323 = arith.constant 0 : i32
    %dma_start3A_324 = tpu.memref_slice %arg2[%select_n3A_303, %select_n3A_319, %dma_start3A_323] : memref<26x16x100000xf32, #tpu.memory_space<hbm>> -> memref<1x1x100000xf32, #tpu.memory_space<hbm>>
    %dma_start3A_325 = tpu.memref_squeeze %dma_start3A_324 : memref<1x1x100000xf32, #tpu.memory_space<hbm>> -> memref<100000xf32, #tpu.memory_space<hbm>>
    tpu.enqueue_dma source(%dma_start3A_325 : memref<100000xf32, #tpu.memory_space<hbm>>) target(%arg7 : memref<100000xf32, #tpu.memory_space<vmem>>) target_semaphore(%arg12 : memref<!tpu.dma_semaphore, #tpu.memory_space<semaphore_mem>>)
    %eq3A_326 = arith.constant 0 : i32
    %eq3A_327 = arith.cmpi eq, %select_n3A_319, %eq3A_326 : i32
    %convert_element_type3A_328 = arith.extui %eq3A_327 : i1 to i32
    %cond3A_329 = arith.constant 0 : i32
    %cond3A_330 = arith.cmpi ne, %convert_element_type3A_328, %cond3A_329 : i32
    scf.if %cond3A_330 {
      %dma_start3A_1278 = arith.constant 0 : i32
      %dma_start3A_1279 = tpu.memref_slice %arg3[%select_n3A_303, %dma_start3A_1278] : memref<26x16384xi32, #tpu.memory_space<hbm>> -> memref<1x16384xi32, #tpu.memory_space<hbm>>
      %dma_start3A_1280 = tpu.memref_squeeze %dma_start3A_1279 : memref<1x16384xi32, #tpu.memory_space<hbm>> -> memref<16384xi32, #tpu.memory_space<hbm>>
      %dma_start3A_1281 = arith.constant 0 : i32
      %dma_start3A_1282 = tpu.memref_slice %arg3[%select_n3A_303, %dma_start3A_1281] : memref<26x16384xi32, #tpu.memory_space<hbm>> -> memref<1x16384xi32, #tpu.memory_space<hbm>>
      %dma_start3A_1283 = tpu.memref_squeeze %dma_start3A_1282 : memref<1x16384xi32, #tpu.memory_space<hbm>> -> memref<16384xi32, #tpu.memory_space<hbm>>
      tpu.enqueue_dma source(%dma_start3A_1283 : memref<16384xi32, #tpu.memory_space<hbm>>) target(%arg8 : memref<16384xi32, #tpu.memory_space<vmem>>) target_semaphore(%arg13 : memref<!tpu.dma_semaphore, #tpu.memory_space<semaphore_mem>>)
      %dma_wait3A_1284 = arith.constant 0 : i32
      %dma_wait3A_1285 = tpu.memref_slice %arg3[%select_n3A_303, %dma_wait3A_1284] : memref<26x16384xi32, #tpu.memory_space<hbm>> -> memref<1x16384xi32, #tpu.memory_space<hbm>>
      %dma_wait3A_1286 = tpu.memref_squeeze %dma_wait3A_1285 : memref<1x16384xi32, #tpu.memory_space<hbm>> -> memref<16384xi32, #tpu.memory_space<hbm>>
      %dma_wait3A_1287 = arith.constant 0 : i32
      %dma_wait3A_1288 = tpu.memref_slice %arg3[%select_n3A_303, %dma_wait3A_1287] : memref<26x16384xi32, #tpu.memory_space<hbm>> -> memref<1x16384xi32, #tpu.memory_space<hbm>>
      %dma_wait3A_1289 = tpu.memref_squeeze %dma_wait3A_1288 : memref<1x16384xi32, #tpu.memory_space<hbm>> -> memref<16384xi32, #tpu.memory_space<hbm>>
      tpu.wait_dma2 semaphore(%arg13 : memref<!tpu.dma_semaphore, #tpu.memory_space<semaphore_mem>>) src(%dma_wait3A_1289 : memref<16384xi32, #tpu.memory_space<hbm>>) dst(%arg8 : memref<16384xi32, #tpu.memory_space<vmem>>)
    } else {
    }
    %dma_wait3A_331 = arith.constant 0 : i32
    %dma_wait3A_332 = tpu.memref_slice %arg2[%select_n3A_303, %select_n3A_319, %dma_wait3A_331] : memref<26x16x100000xf32, #tpu.memory_space<hbm>> -> memref<1x1x100000xf32, #tpu.memory_space<hbm>>
    %dma_wait3A_333 = tpu.memref_squeeze %dma_wait3A_332 : memref<1x1x100000xf32, #tpu.memory_space<hbm>> -> memref<100000xf32, #tpu.memory_space<hbm>>
    %dma_wait3A_334 = arith.constant 0 : i32
    %dma_wait3A_335 = tpu.memref_slice %arg2[%select_n3A_303, %select_n3A_319, %dma_wait3A_334] : memref<26x16x100000xf32, #tpu.memory_space<hbm>> -> memref<1x1x100000xf32, #tpu.memory_space<hbm>>
    %dma_wait3A_336 = tpu.memref_squeeze %dma_wait3A_335 : memref<1x1x100000xf32, #tpu.memory_space<hbm>> -> memref<100000xf32, #tpu.memory_space<hbm>>
    tpu.wait_dma2 semaphore(%arg12 : memref<!tpu.dma_semaphore, #tpu.memory_space<semaphore_mem>>) src(%dma_wait3A_336 : memref<100000xf32, #tpu.memory_space<hbm>>) dst(%arg7 : memref<100000xf32, #tpu.memory_space<vmem>>)
    %broadcast_in_dim3A_337 = arith.constant 0.000000e+00 : f32
    %broadcast_in_dim3A_338 = vector.broadcast %broadcast_in_dim3A_337 : f32 to vector<16xf32>
    %dma_wait3A_339 = arith.constant 8192 : i32
    %dma_wait3A_340 = tpu.memref_slice %arg4[%add3A_182, %dma_wait3A_339] : memref<416x16384xf32, #tpu.memory_space<hbm>> -> memref<1x8192xf32, #tpu.memory_space<hbm>>
    %dma_wait3A_341 = tpu.memref_squeeze %dma_wait3A_340 : memref<1x8192xf32, #tpu.memory_space<hbm>> -> memref<8192xf32, #tpu.memory_space<hbm>>
    %dma_wait3A_342 = arith.constant 8192 : i32
    %dma_wait3A_343 = tpu.memref_slice %arg4[%add3A_182, %dma_wait3A_342] : memref<416x16384xf32, #tpu.memory_space<hbm>> -> memref<1x8192xf32, #tpu.memory_space<hbm>>
    %dma_wait3A_344 = tpu.memref_squeeze %dma_wait3A_343 : memref<1x8192xf32, #tpu.memory_space<hbm>> -> memref<8192xf32, #tpu.memory_space<hbm>>
    tpu.wait_dma2 semaphore(%arg14 : memref<!tpu.dma_semaphore, #tpu.memory_space<semaphore_mem>>) src(%arg9 : memref<8192xf32, #tpu.memory_space<vmem>>) dst(%dma_wait3A_344 : memref<8192xf32, #tpu.memory_space<hbm>>)
    %parallel_loop3A_345 = arith.constant 0 : i32
    %parallel_loop3A_346 = arith.constant 512 : i32
    %parallel_loop3A_347 = arith.constant 1 : i32
    %parallel_loop3A_348:2 = scf.for %parallel_loop3A_1278 = %parallel_loop3A_345 to %parallel_loop3A_346 step %parallel_loop3A_347 iter_args(%parallel_loop3A_1279 = %broadcast_in_dim3A_338, %parallel_loop3A_1280 = %broadcast_in_dim3A_338) -> (vector<16xf32>, vector<16xf32>)  : i32 {
      %parallel_loop3A_1281 = arith.constant 16 : i32
      %parallel_loop3A_1282 = arith.muli %parallel_loop3A_1278, %parallel_loop3A_1281 : i32
      %parallel_loop3A_1283 = arith.constant 0 : i32
      %parallel_loop3A_1284 = arith.addi %parallel_loop3A_1283, %parallel_loop3A_1282 : i32
      %parallel_loop3A_1285 = arith.index_cast %parallel_loop3A_1284 : i32 to index
      %parallel_loop3A_1286 = tpu.vector_load %arg8[%parallel_loop3A_1285] {strides = array<i32>} : memref<16384xi32, #tpu.memory_space<vmem>>, vector<16xi32>,
      %parallel_loop3A_1287 = tpu.vector_load_idx %arg7[%parallel_loop3A_1286] : memref<100000xf32, #tpu.memory_space<vmem>>[vector<16xi32>], vector<16xf32>,
      %parallel_loop3A_1288 = arith.constant 16 : i32
      %parallel_loop3A_1289 = arith.muli %parallel_loop3A_1278, %parallel_loop3A_1288 : i32
      %parallel_loop3A_1290 = arith.index_cast %parallel_loop3A_1289 : i32 to index
      %parallel_loop3A_1291 = tpu.vector_load %arg9[%parallel_loop3A_1290] {strides = array<i32>} : memref<8192xf32, #tpu.memory_space<vmem>>, vector<16xf32>,
      tpu.vector_store %arg9[%parallel_loop3A_1290], %parallel_loop3A_1287 {strides = array<i32>} : memref<8192xf32, #tpu.memory_space<vmem>>, vector<16xf32>,
      %parallel_loop3A_1292 = arith.addf %parallel_loop3A_1279, %parallel_loop3A_1287 : vector<16xf32>
      %parallel_loop3A_1293 = arith.mulf %parallel_loop3A_1287, %parallel_loop3A_1287 : vector<16xf32>
      %parallel_loop3A_1294 = arith.addf %parallel_loop3A_1280, %parallel_loop3A_1293 : vector<16xf32>
      scf.yield %parallel_loop3A_1292, %parallel_loop3A_1294 : vector<16xf32>, vector<16xf32>
    } {sc.loop_unroll_factor = 8 : i64, sc.parallel_access}
    %dma_start3A_349 = arith.constant 0 : i32
    %dma_start3A_350 = tpu.memref_slice %arg4[%add3A_279, %dma_start3A_349] : memref<416x16384xf32, #tpu.memory_space<hbm>> -> memref<1x8192xf32, #tpu.memory_space<hbm>>
    %dma_start3A_351 = tpu.memref_squeeze %dma_start3A_350 : memref<1x8192xf32, #tpu.memory_space<hbm>> -> memref<8192xf32, #tpu.memory_space<hbm>>
    %dma_start3A_352 = arith.constant 0 : i32
    %dma_start3A_353 = tpu.memref_slice %arg4[%add3A_279, %dma_start3A_352] : memref<416x16384xf32, #tpu.memory_space<hbm>> -> memref<1x8192xf32, #tpu.memory_space<hbm>>
    %dma_start3A_354 = tpu.memref_squeeze %dma_start3A_353 : memref<1x8192xf32, #tpu.memory_space<hbm>> -> memref<8192xf32, #tpu.memory_space<hbm>>
    tpu.enqueue_dma source(%arg9 : memref<8192xf32, #tpu.memory_space<vmem>>) target(%dma_start3A_354 : memref<8192xf32, #tpu.memory_space<hbm>>) target_semaphore(%arg14 : memref<!tpu.dma_semaphore, #tpu.memory_space<semaphore_mem>>)
    %dma_wait3A_355 = arith.constant 0 : i32
    %dma_wait3A_356 = tpu.memref_slice %arg4[%add3A_279, %dma_wait3A_355] : memref<416x16384xf32, #tpu.memory_space<hbm>> -> memref<1x8192xf32, #tpu.memory_space<hbm>>
    %dma_wait3A_357 = tpu.memref_squeeze %dma_wait3A_356 : memref<1x8192xf32, #tpu.memory_space<hbm>> -> memref<8192xf32, #tpu.memory_space<hbm>>
    %dma_wait3A_358 = arith.constant 0 : i32
    %dma_wait3A_359 = tpu.memref_slice %arg4[%add3A_279, %dma_wait3A_358] : memref<416x16384xf32, #tpu.memory_space<hbm>> -> memref<1x8192xf32, #tpu.memory_space<hbm>>
    %dma_wait3A_360 = tpu.memref_squeeze %dma_wait3A_359 : memref<1x8192xf32, #tpu.memory_space<hbm>> -> memref<8192xf32, #tpu.memory_space<hbm>>
    tpu.wait_dma2 semaphore(%arg14 : memref<!tpu.dma_semaphore, #tpu.memory_space<semaphore_mem>>) src(%arg9 : memref<8192xf32, #tpu.memory_space<vmem>>) dst(%dma_wait3A_360 : memref<8192xf32, #tpu.memory_space<hbm>>)
    %parallel_loop3A_361 = arith.constant 0 : i32
    %parallel_loop3A_362 = arith.constant 512 : i32
    %parallel_loop3A_363 = arith.constant 1 : i32
    %parallel_loop3A_364:2 = scf.for %parallel_loop3A_1278 = %parallel_loop3A_361 to %parallel_loop3A_362 step %parallel_loop3A_363 iter_args(%parallel_loop3A_1279 = %parallel_loop3A_348#0, %parallel_loop3A_1280 = %parallel_loop3A_348#1) -> (vector<16xf32>, vector<16xf32>)  : i32 {
      %parallel_loop3A_1281 = arith.constant 16 : i32
      %parallel_loop3A_1282 = arith.muli %parallel_loop3A_1278, %parallel_loop3A_1281 : i32
      %parallel_loop3A_1283 = arith.constant 8192 : i32
      %parallel_loop3A_1284 = arith.addi %parallel_loop3A_1283, %parallel_loop3A_1282 : i32
      %parallel_loop3A_1285 = arith.index_cast %parallel_loop3A_1284 : i32 to index
      %parallel_loop3A_1286 = tpu.vector_load %arg8[%parallel_loop3A_1285] {strides = array<i32>} : memref<16384xi32, #tpu.memory_space<vmem>>, vector<16xi32>,
      %parallel_loop3A_1287 = tpu.vector_load_idx %arg7[%parallel_loop3A_1286] : memref<100000xf32, #tpu.memory_space<vmem>>[vector<16xi32>], vector<16xf32>,
      %parallel_loop3A_1288 = arith.constant 16 : i32
      %parallel_loop3A_1289 = arith.muli %parallel_loop3A_1278, %parallel_loop3A_1288 : i32
      %parallel_loop3A_1290 = arith.index_cast %parallel_loop3A_1289 : i32 to index
      %parallel_loop3A_1291 = tpu.vector_load %arg9[%parallel_loop3A_1290] {strides = array<i32>} : memref<8192xf32, #tpu.memory_space<vmem>>, vector<16xf32>,
      tpu.vector_store %arg9[%parallel_loop3A_1290], %parallel_loop3A_1287 {strides = array<i32>} : memref<8192xf32, #tpu.memory_space<vmem>>, vector<16xf32>,
      %parallel_loop3A_1292 = arith.addf %parallel_loop3A_1279, %parallel_loop3A_1287 : vector<16xf32>
      %parallel_loop3A_1293 = arith.mulf %parallel_loop3A_1287, %parallel_loop3A_1287 : vector<16xf32>
      %parallel_loop3A_1294 = arith.addf %parallel_loop3A_1280, %parallel_loop3A_1293 : vector<16xf32>
      scf.yield %parallel_loop3A_1292, %parallel_loop3A_1294 : vector<16xf32>, vector<16xf32>
    } {sc.loop_unroll_factor = 8 : i64, sc.parallel_access}
    %dma_start3A_365 = arith.constant 8192 : i32
    %dma_start3A_366 = tpu.memref_slice %arg4[%add3A_279, %dma_start3A_365] : memref<416x16384xf32, #tpu.memory_space<hbm>> -> memref<1x8192xf32, #tpu.memory_space<hbm>>
    %dma_start3A_367 = tpu.memref_squeeze %dma_start3A_366 : memref<1x8192xf32, #tpu.memory_space<hbm>> -> memref<8192xf32, #tpu.memory_space<hbm>>
    %dma_start3A_368 = arith.constant 8192 : i32
    %dma_start3A_369 = tpu.memref_slice %arg4[%add3A_279, %dma_start3A_368] : memref<416x16384xf32, #tpu.memory_space<hbm>> -> memref<1x8192xf32, #tpu.memory_space<hbm>>
    %dma_start3A_370 = tpu.memref_squeeze %dma_start3A_369 : memref<1x8192xf32, #tpu.memory_space<hbm>> -> memref<8192xf32, #tpu.memory_space<hbm>>
    tpu.enqueue_dma source(%arg9 : memref<8192xf32, #tpu.memory_space<vmem>>) target(%dma_start3A_370 : memref<8192xf32, #tpu.memory_space<hbm>>) target_semaphore(%arg14 : memref<!tpu.dma_semaphore, #tpu.memory_space<semaphore_mem>>)
    %swap3A_371 = arith.constant 48 : index
    %swap3A_372 = tpu.vector_load %arg10[%swap3A_371] {strides = array<i32>} : memref<208xf32, #tpu.memory_space<vmem>>, vector<16xf32>,
    tpu.vector_store %arg10[%swap3A_371], %parallel_loop3A_364#0 {strides = array<i32>} : memref<208xf32, #tpu.memory_space<vmem>>, vector<16xf32>,
    %swap3A_373 = arith.constant 48 : index
    %swap3A_374 = tpu.vector_load %arg11[%swap3A_373] {strides = array<i32>} : memref<208xf32, #tpu.memory_space<vmem>>, vector<16xf32>,
    tpu.vector_store %arg11[%swap3A_373], %parallel_loop3A_364#1 {strides = array<i32>} : memref<208xf32, #tpu.memory_space<vmem>>, vector<16xf32>,
    %add3A_375 = arith.constant 4 : i32
    %add3A_376 = arith.addi %mul3A_2, %add3A_375 : i32
    %jit3A_377 = arith.constant 16 : i32
    %div3A_378 = arith.divsi %add3A_376, %jit3A_377 : i32
    %sign3A_379 = arith.constant 0 : i32
    %sign3A_380 = arith.cmpi sgt, %add3A_376, %sign3A_379 : i32
    %sign3A_381 = arith.extui %sign3A_380 : i1 to i32
    %sign3A_382 = arith.constant 0 : i32
    %sign3A_383 = arith.cmpi slt, %add3A_376, %sign3A_382 : i32
    %sign3A_384 = arith.extui %sign3A_383 : i1 to i32
    %sign3A_385 = arith.subi %sign3A_381, %sign3A_384 : i32
    %sign3A_386 = arith.constant 0 : i32
    %sign3A_387 = arith.cmpi sgt, %jit3A_377, %sign3A_386 : i32
    %sign3A_388 = arith.extui %sign3A_387 : i1 to i32
    %sign3A_389 = arith.constant 0 : i32
    %sign3A_390 = arith.cmpi slt, %jit3A_377, %sign3A_389 : i32
    %sign3A_391 = arith.extui %sign3A_390 : i1 to i32
    %sign3A_392 = arith.subi %sign3A_388, %sign3A_391 : i32
    %ne3A_393 = arith.cmpi ne, %sign3A_385, %sign3A_392 : i32
    %rem3A_394 = arith.remsi %add3A_376, %jit3A_377 : i32
    %ne3A_395 = arith.constant 0 : i32
    %ne3A_396 = arith.cmpi ne, %rem3A_394, %ne3A_395 : i32
    %and3A_397 = arith.andi %ne3A_393, %ne3A_396 : i1
    %sub3A_398 = arith.constant 1 : i32
    %sub3A_399 = arith.subi %div3A_378, %sub3A_398 : i32
    %select_n3A_400 = arith.select %and3A_397, %sub3A_399, %div3A_378 : i32
    %jit3A_401 = arith.constant 16 : i32
    %eq3A_402 = arith.constant 0 : i32
    %eq3A_403 = arith.cmpi eq, %jit3A_401, %eq3A_402 : i32
    %jit3A_404 = arith.constant 1 : i32
    %select_n3A_405 = arith.select %eq3A_403, %jit3A_404, %jit3A_401 : i32
    %rem3A_406 = arith.remsi %add3A_376, %select_n3A_405 : i32
    %ne3A_407 = arith.constant 0 : i32
    %ne3A_408 = arith.cmpi ne, %rem3A_406, %ne3A_407 : i32
    %lt3A_409 = arith.constant 0 : i32
    %lt3A_410 = arith.cmpi slt, %rem3A_406, %lt3A_409 : i32
    %lt3A_411 = arith.constant 0 : i32
    %lt3A_412 = arith.cmpi slt, %select_n3A_405, %lt3A_411 : i32
    %ne3A_413 = arith.xori %lt3A_410, %lt3A_412 : i1
    %and3A_414 = arith.andi %ne3A_413, %ne3A_408 : i1
    %add3A_415 = arith.addi %rem3A_406, %select_n3A_405 : i32
    %select_n3A_416 = arith.select %and3A_414, %add3A_415, %rem3A_406 : i32
    %dma_start3A_417 = arith.constant 0 : i32
    %dma_start3A_418 = tpu.memref_slice %arg2[%select_n3A_400, %select_n3A_416, %dma_start3A_417] : memref<26x16x100000xf32, #tpu.memory_space<hbm>> -> memref<1x1x100000xf32, #tpu.memory_space<hbm>>
    %dma_start3A_419 = tpu.memref_squeeze %dma_start3A_418 : memref<1x1x100000xf32, #tpu.memory_space<hbm>> -> memref<100000xf32, #tpu.memory_space<hbm>>
    %dma_start3A_420 = arith.constant 0 : i32
    %dma_start3A_421 = tpu.memref_slice %arg2[%select_n3A_400, %select_n3A_416, %dma_start3A_420] : memref<26x16x100000xf32, #tpu.memory_space<hbm>> -> memref<1x1x100000xf32, #tpu.memory_space<hbm>>
    %dma_start3A_422 = tpu.memref_squeeze %dma_start3A_421 : memref<1x1x100000xf32, #tpu.memory_space<hbm>> -> memref<100000xf32, #tpu.memory_space<hbm>>
    tpu.enqueue_dma source(%dma_start3A_422 : memref<100000xf32, #tpu.memory_space<hbm>>) target(%arg7 : memref<100000xf32, #tpu.memory_space<vmem>>) target_semaphore(%arg12 : memref<!tpu.dma_semaphore, #tpu.memory_space<semaphore_mem>>)
    %eq3A_423 = arith.constant 0 : i32
    %eq3A_424 = arith.cmpi eq, %select_n3A_416, %eq3A_423 : i32
    %convert_element_type3A_425 = arith.extui %eq3A_424 : i1 to i32
    %cond3A_426 = arith.constant 0 : i32
    %cond3A_427 = arith.cmpi ne, %convert_element_type3A_425, %cond3A_426 : i32
    scf.if %cond3A_427 {
      %dma_start3A_1278 = arith.constant 0 : i32
      %dma_start3A_1279 = tpu.memref_slice %arg3[%select_n3A_400, %dma_start3A_1278] : memref<26x16384xi32, #tpu.memory_space<hbm>> -> memref<1x16384xi32, #tpu.memory_space<hbm>>
      %dma_start3A_1280 = tpu.memref_squeeze %dma_start3A_1279 : memref<1x16384xi32, #tpu.memory_space<hbm>> -> memref<16384xi32, #tpu.memory_space<hbm>>
      %dma_start3A_1281 = arith.constant 0 : i32
      %dma_start3A_1282 = tpu.memref_slice %arg3[%select_n3A_400, %dma_start3A_1281] : memref<26x16384xi32, #tpu.memory_space<hbm>> -> memref<1x16384xi32, #tpu.memory_space<hbm>>
      %dma_start3A_1283 = tpu.memref_squeeze %dma_start3A_1282 : memref<1x16384xi32, #tpu.memory_space<hbm>> -> memref<16384xi32, #tpu.memory_space<hbm>>
      tpu.enqueue_dma source(%dma_start3A_1283 : memref<16384xi32, #tpu.memory_space<hbm>>) target(%arg8 : memref<16384xi32, #tpu.memory_space<vmem>>) target_semaphore(%arg13 : memref<!tpu.dma_semaphore, #tpu.memory_space<semaphore_mem>>)
      %dma_wait3A_1284 = arith.constant 0 : i32
      %dma_wait3A_1285 = tpu.memref_slice %arg3[%select_n3A_400, %dma_wait3A_1284] : memref<26x16384xi32, #tpu.memory_space<hbm>> -> memref<1x16384xi32, #tpu.memory_space<hbm>>
      %dma_wait3A_1286 = tpu.memref_squeeze %dma_wait3A_1285 : memref<1x16384xi32, #tpu.memory_space<hbm>> -> memref<16384xi32, #tpu.memory_space<hbm>>
      %dma_wait3A_1287 = arith.constant 0 : i32
      %dma_wait3A_1288 = tpu.memref_slice %arg3[%select_n3A_400, %dma_wait3A_1287] : memref<26x16384xi32, #tpu.memory_space<hbm>> -> memref<1x16384xi32, #tpu.memory_space<hbm>>
      %dma_wait3A_1289 = tpu.memref_squeeze %dma_wait3A_1288 : memref<1x16384xi32, #tpu.memory_space<hbm>> -> memref<16384xi32, #tpu.memory_space<hbm>>
      tpu.wait_dma2 semaphore(%arg13 : memref<!tpu.dma_semaphore, #tpu.memory_space<semaphore_mem>>) src(%dma_wait3A_1289 : memref<16384xi32, #tpu.memory_space<hbm>>) dst(%arg8 : memref<16384xi32, #tpu.memory_space<vmem>>)
    } else {
    }
    %dma_wait3A_428 = arith.constant 0 : i32
    %dma_wait3A_429 = tpu.memref_slice %arg2[%select_n3A_400, %select_n3A_416, %dma_wait3A_428] : memref<26x16x100000xf32, #tpu.memory_space<hbm>> -> memref<1x1x100000xf32, #tpu.memory_space<hbm>>
    %dma_wait3A_430 = tpu.memref_squeeze %dma_wait3A_429 : memref<1x1x100000xf32, #tpu.memory_space<hbm>> -> memref<100000xf32, #tpu.memory_space<hbm>>
    %dma_wait3A_431 = arith.constant 0 : i32
    %dma_wait3A_432 = tpu.memref_slice %arg2[%select_n3A_400, %select_n3A_416, %dma_wait3A_431] : memref<26x16x100000xf32, #tpu.memory_space<hbm>> -> memref<1x1x100000xf32, #tpu.memory_space<hbm>>
    %dma_wait3A_433 = tpu.memref_squeeze %dma_wait3A_432 : memref<1x1x100000xf32, #tpu.memory_space<hbm>> -> memref<100000xf32, #tpu.memory_space<hbm>>
    tpu.wait_dma2 semaphore(%arg12 : memref<!tpu.dma_semaphore, #tpu.memory_space<semaphore_mem>>) src(%dma_wait3A_433 : memref<100000xf32, #tpu.memory_space<hbm>>) dst(%arg7 : memref<100000xf32, #tpu.memory_space<vmem>>)
    %broadcast_in_dim3A_434 = arith.constant 0.000000e+00 : f32
    %broadcast_in_dim3A_435 = vector.broadcast %broadcast_in_dim3A_434 : f32 to vector<16xf32>
    %dma_wait3A_436 = arith.constant 8192 : i32
    %dma_wait3A_437 = tpu.memref_slice %arg4[%add3A_279, %dma_wait3A_436] : memref<416x16384xf32, #tpu.memory_space<hbm>> -> memref<1x8192xf32, #tpu.memory_space<hbm>>
    %dma_wait3A_438 = tpu.memref_squeeze %dma_wait3A_437 : memref<1x8192xf32, #tpu.memory_space<hbm>> -> memref<8192xf32, #tpu.memory_space<hbm>>
    %dma_wait3A_439 = arith.constant 8192 : i32
    %dma_wait3A_440 = tpu.memref_slice %arg4[%add3A_279, %dma_wait3A_439] : memref<416x16384xf32, #tpu.memory_space<hbm>> -> memref<1x8192xf32, #tpu.memory_space<hbm>>
    %dma_wait3A_441 = tpu.memref_squeeze %dma_wait3A_440 : memref<1x8192xf32, #tpu.memory_space<hbm>> -> memref<8192xf32, #tpu.memory_space<hbm>>
    tpu.wait_dma2 semaphore(%arg14 : memref<!tpu.dma_semaphore, #tpu.memory_space<semaphore_mem>>) src(%arg9 : memref<8192xf32, #tpu.memory_space<vmem>>) dst(%dma_wait3A_441 : memref<8192xf32, #tpu.memory_space<hbm>>)
    %parallel_loop3A_442 = arith.constant 0 : i32
    %parallel_loop3A_443 = arith.constant 512 : i32
    %parallel_loop3A_444 = arith.constant 1 : i32
    %parallel_loop3A_445:2 = scf.for %parallel_loop3A_1278 = %parallel_loop3A_442 to %parallel_loop3A_443 step %parallel_loop3A_444 iter_args(%parallel_loop3A_1279 = %broadcast_in_dim3A_435, %parallel_loop3A_1280 = %broadcast_in_dim3A_435) -> (vector<16xf32>, vector<16xf32>)  : i32 {
      %parallel_loop3A_1281 = arith.constant 16 : i32
      %parallel_loop3A_1282 = arith.muli %parallel_loop3A_1278, %parallel_loop3A_1281 : i32
      %parallel_loop3A_1283 = arith.constant 0 : i32
      %parallel_loop3A_1284 = arith.addi %parallel_loop3A_1283, %parallel_loop3A_1282 : i32
      %parallel_loop3A_1285 = arith.index_cast %parallel_loop3A_1284 : i32 to index
      %parallel_loop3A_1286 = tpu.vector_load %arg8[%parallel_loop3A_1285] {strides = array<i32>} : memref<16384xi32, #tpu.memory_space<vmem>>, vector<16xi32>,
      %parallel_loop3A_1287 = tpu.vector_load_idx %arg7[%parallel_loop3A_1286] : memref<100000xf32, #tpu.memory_space<vmem>>[vector<16xi32>], vector<16xf32>,
      %parallel_loop3A_1288 = arith.constant 16 : i32
      %parallel_loop3A_1289 = arith.muli %parallel_loop3A_1278, %parallel_loop3A_1288 : i32
      %parallel_loop3A_1290 = arith.index_cast %parallel_loop3A_1289 : i32 to index
      %parallel_loop3A_1291 = tpu.vector_load %arg9[%parallel_loop3A_1290] {strides = array<i32>} : memref<8192xf32, #tpu.memory_space<vmem>>, vector<16xf32>,
      tpu.vector_store %arg9[%parallel_loop3A_1290], %parallel_loop3A_1287 {strides = array<i32>} : memref<8192xf32, #tpu.memory_space<vmem>>, vector<16xf32>,
      %parallel_loop3A_1292 = arith.addf %parallel_loop3A_1279, %parallel_loop3A_1287 : vector<16xf32>
      %parallel_loop3A_1293 = arith.mulf %parallel_loop3A_1287, %parallel_loop3A_1287 : vector<16xf32>
      %parallel_loop3A_1294 = arith.addf %parallel_loop3A_1280, %parallel_loop3A_1293 : vector<16xf32>
      scf.yield %parallel_loop3A_1292, %parallel_loop3A_1294 : vector<16xf32>, vector<16xf32>
    } {sc.loop_unroll_factor = 8 : i64, sc.parallel_access}
    %dma_start3A_446 = arith.constant 0 : i32
    %dma_start3A_447 = tpu.memref_slice %arg4[%add3A_376, %dma_start3A_446] : memref<416x16384xf32, #tpu.memory_space<hbm>> -> memref<1x8192xf32, #tpu.memory_space<hbm>>
    %dma_start3A_448 = tpu.memref_squeeze %dma_start3A_447 : memref<1x8192xf32, #tpu.memory_space<hbm>> -> memref<8192xf32, #tpu.memory_space<hbm>>
    %dma_start3A_449 = arith.constant 0 : i32
    %dma_start3A_450 = tpu.memref_slice %arg4[%add3A_376, %dma_start3A_449] : memref<416x16384xf32, #tpu.memory_space<hbm>> -> memref<1x8192xf32, #tpu.memory_space<hbm>>
    %dma_start3A_451 = tpu.memref_squeeze %dma_start3A_450 : memref<1x8192xf32, #tpu.memory_space<hbm>> -> memref<8192xf32, #tpu.memory_space<hbm>>
    tpu.enqueue_dma source(%arg9 : memref<8192xf32, #tpu.memory_space<vmem>>) target(%dma_start3A_451 : memref<8192xf32, #tpu.memory_space<hbm>>) target_semaphore(%arg14 : memref<!tpu.dma_semaphore, #tpu.memory_space<semaphore_mem>>)
    %dma_wait3A_452 = arith.constant 0 : i32
    %dma_wait3A_453 = tpu.memref_slice %arg4[%add3A_376, %dma_wait3A_452] : memref<416x16384xf32, #tpu.memory_space<hbm>> -> memref<1x8192xf32, #tpu.memory_space<hbm>>
    %dma_wait3A_454 = tpu.memref_squeeze %dma_wait3A_453 : memref<1x8192xf32, #tpu.memory_space<hbm>> -> memref<8192xf32, #tpu.memory_space<hbm>>
    %dma_wait3A_455 = arith.constant 0 : i32
    %dma_wait3A_456 = tpu.memref_slice %arg4[%add3A_376, %dma_wait3A_455] : memref<416x16384xf32, #tpu.memory_space<hbm>> -> memref<1x8192xf32, #tpu.memory_space<hbm>>
    %dma_wait3A_457 = tpu.memref_squeeze %dma_wait3A_456 : memref<1x8192xf32, #tpu.memory_space<hbm>> -> memref<8192xf32, #tpu.memory_space<hbm>>
    tpu.wait_dma2 semaphore(%arg14 : memref<!tpu.dma_semaphore, #tpu.memory_space<semaphore_mem>>) src(%arg9 : memref<8192xf32, #tpu.memory_space<vmem>>) dst(%dma_wait3A_457 : memref<8192xf32, #tpu.memory_space<hbm>>)
    %parallel_loop3A_458 = arith.constant 0 : i32
    %parallel_loop3A_459 = arith.constant 512 : i32
    %parallel_loop3A_460 = arith.constant 1 : i32
    %parallel_loop3A_461:2 = scf.for %parallel_loop3A_1278 = %parallel_loop3A_458 to %parallel_loop3A_459 step %parallel_loop3A_460 iter_args(%parallel_loop3A_1279 = %parallel_loop3A_445#0, %parallel_loop3A_1280 = %parallel_loop3A_445#1) -> (vector<16xf32>, vector<16xf32>)  : i32 {
      %parallel_loop3A_1281 = arith.constant 16 : i32
      %parallel_loop3A_1282 = arith.muli %parallel_loop3A_1278, %parallel_loop3A_1281 : i32
      %parallel_loop3A_1283 = arith.constant 8192 : i32
      %parallel_loop3A_1284 = arith.addi %parallel_loop3A_1283, %parallel_loop3A_1282 : i32
      %parallel_loop3A_1285 = arith.index_cast %parallel_loop3A_1284 : i32 to index
      %parallel_loop3A_1286 = tpu.vector_load %arg8[%parallel_loop3A_1285] {strides = array<i32>} : memref<16384xi32, #tpu.memory_space<vmem>>, vector<16xi32>,
      %parallel_loop3A_1287 = tpu.vector_load_idx %arg7[%parallel_loop3A_1286] : memref<100000xf32, #tpu.memory_space<vmem>>[vector<16xi32>], vector<16xf32>,
      %parallel_loop3A_1288 = arith.constant 16 : i32
      %parallel_loop3A_1289 = arith.muli %parallel_loop3A_1278, %parallel_loop3A_1288 : i32
      %parallel_loop3A_1290 = arith.index_cast %parallel_loop3A_1289 : i32 to index
      %parallel_loop3A_1291 = tpu.vector_load %arg9[%parallel_loop3A_1290] {strides = array<i32>} : memref<8192xf32, #tpu.memory_space<vmem>>, vector<16xf32>,
      tpu.vector_store %arg9[%parallel_loop3A_1290], %parallel_loop3A_1287 {strides = array<i32>} : memref<8192xf32, #tpu.memory_space<vmem>>, vector<16xf32>,
      %parallel_loop3A_1292 = arith.addf %parallel_loop3A_1279, %parallel_loop3A_1287 : vector<16xf32>
      %parallel_loop3A_1293 = arith.mulf %parallel_loop3A_1287, %parallel_loop3A_1287 : vector<16xf32>
      %parallel_loop3A_1294 = arith.addf %parallel_loop3A_1280, %parallel_loop3A_1293 : vector<16xf32>
      scf.yield %parallel_loop3A_1292, %parallel_loop3A_1294 : vector<16xf32>, vector<16xf32>
    } {sc.loop_unroll_factor = 8 : i64, sc.parallel_access}
    %dma_start3A_462 = arith.constant 8192 : i32
    %dma_start3A_463 = tpu.memref_slice %arg4[%add3A_376, %dma_start3A_462] : memref<416x16384xf32, #tpu.memory_space<hbm>> -> memref<1x8192xf32, #tpu.memory_space<hbm>>
    %dma_start3A_464 = tpu.memref_squeeze %dma_start3A_463 : memref<1x8192xf32, #tpu.memory_space<hbm>> -> memref<8192xf32, #tpu.memory_space<hbm>>
    %dma_start3A_465 = arith.constant 8192 : i32
    %dma_start3A_466 = tpu.memref_slice %arg4[%add3A_376, %dma_start3A_465] : memref<416x16384xf32, #tpu.memory_space<hbm>> -> memref<1x8192xf32, #tpu.memory_space<hbm>>
    %dma_start3A_467 = tpu.memref_squeeze %dma_start3A_466 : memref<1x8192xf32, #tpu.memory_space<hbm>> -> memref<8192xf32, #tpu.memory_space<hbm>>
    tpu.enqueue_dma source(%arg9 : memref<8192xf32, #tpu.memory_space<vmem>>) target(%dma_start3A_467 : memref<8192xf32, #tpu.memory_space<hbm>>) target_semaphore(%arg14 : memref<!tpu.dma_semaphore, #tpu.memory_space<semaphore_mem>>)
    %swap3A_468 = arith.constant 64 : index
    %swap3A_469 = tpu.vector_load %arg10[%swap3A_468] {strides = array<i32>} : memref<208xf32, #tpu.memory_space<vmem>>, vector<16xf32>,
    tpu.vector_store %arg10[%swap3A_468], %parallel_loop3A_461#0 {strides = array<i32>} : memref<208xf32, #tpu.memory_space<vmem>>, vector<16xf32>,
    %swap3A_470 = arith.constant 64 : index
    %swap3A_471 = tpu.vector_load %arg11[%swap3A_470] {strides = array<i32>} : memref<208xf32, #tpu.memory_space<vmem>>, vector<16xf32>,
    tpu.vector_store %arg11[%swap3A_470], %parallel_loop3A_461#1 {strides = array<i32>} : memref<208xf32, #tpu.memory_space<vmem>>, vector<16xf32>,
    %add3A_472 = arith.constant 5 : i32
    %add3A_473 = arith.addi %mul3A_2, %add3A_472 : i32
    %jit3A_474 = arith.constant 16 : i32
    %div3A_475 = arith.divsi %add3A_473, %jit3A_474 : i32
    %sign3A_476 = arith.constant 0 : i32
    %sign3A_477 = arith.cmpi sgt, %add3A_473, %sign3A_476 : i32
    %sign3A_478 = arith.extui %sign3A_477 : i1 to i32
    %sign3A_479 = arith.constant 0 : i32
    %sign3A_480 = arith.cmpi slt, %add3A_473, %sign3A_479 : i32
    %sign3A_481 = arith.extui %sign3A_480 : i1 to i32
    %sign3A_482 = arith.subi %sign3A_478, %sign3A_481 : i32
    %sign3A_483 = arith.constant 0 : i32
    %sign3A_484 = arith.cmpi sgt, %jit3A_474, %sign3A_483 : i32
    %sign3A_485 = arith.extui %sign3A_484 : i1 to i32
    %sign3A_486 = arith.constant 0 : i32
    %sign3A_487 = arith.cmpi slt, %jit3A_474, %sign3A_486 : i32
    %sign3A_488 = arith.extui %sign3A_487 : i1 to i32
    %sign3A_489 = arith.subi %sign3A_485, %sign3A_488 : i32
    %ne3A_490 = arith.cmpi ne, %sign3A_482, %sign3A_489 : i32
    %rem3A_491 = arith.remsi %add3A_473, %jit3A_474 : i32
    %ne3A_492 = arith.constant 0 : i32
    %ne3A_493 = arith.cmpi ne, %rem3A_491, %ne3A_492 : i32
    %and3A_494 = arith.andi %ne3A_490, %ne3A_493 : i1
    %sub3A_495 = arith.constant 1 : i32
    %sub3A_496 = arith.subi %div3A_475, %sub3A_495 : i32
    %select_n3A_497 = arith.select %and3A_494, %sub3A_496, %div3A_475 : i32
    %jit3A_498 = arith.constant 16 : i32
    %eq3A_499 = arith.constant 0 : i32
    %eq3A_500 = arith.cmpi eq, %jit3A_498, %eq3A_499 : i32
    %jit3A_501 = arith.constant 1 : i32
    %select_n3A_502 = arith.select %eq3A_500, %jit3A_501, %jit3A_498 : i32
    %rem3A_503 = arith.remsi %add3A_473, %select_n3A_502 : i32
    %ne3A_504 = arith.constant 0 : i32
    %ne3A_505 = arith.cmpi ne, %rem3A_503, %ne3A_504 : i32
    %lt3A_506 = arith.constant 0 : i32
    %lt3A_507 = arith.cmpi slt, %rem3A_503, %lt3A_506 : i32
    %lt3A_508 = arith.constant 0 : i32
    %lt3A_509 = arith.cmpi slt, %select_n3A_502, %lt3A_508 : i32
    %ne3A_510 = arith.xori %lt3A_507, %lt3A_509 : i1
    %and3A_511 = arith.andi %ne3A_510, %ne3A_505 : i1
    %add3A_512 = arith.addi %rem3A_503, %select_n3A_502 : i32
    %select_n3A_513 = arith.select %and3A_511, %add3A_512, %rem3A_503 : i32
    %dma_start3A_514 = arith.constant 0 : i32
    %dma_start3A_515 = tpu.memref_slice %arg2[%select_n3A_497, %select_n3A_513, %dma_start3A_514] : memref<26x16x100000xf32, #tpu.memory_space<hbm>> -> memref<1x1x100000xf32, #tpu.memory_space<hbm>>
    %dma_start3A_516 = tpu.memref_squeeze %dma_start3A_515 : memref<1x1x100000xf32, #tpu.memory_space<hbm>> -> memref<100000xf32, #tpu.memory_space<hbm>>
    %dma_start3A_517 = arith.constant 0 : i32
    %dma_start3A_518 = tpu.memref_slice %arg2[%select_n3A_497, %select_n3A_513, %dma_start3A_517] : memref<26x16x100000xf32, #tpu.memory_space<hbm>> -> memref<1x1x100000xf32, #tpu.memory_space<hbm>>
    %dma_start3A_519 = tpu.memref_squeeze %dma_start3A_518 : memref<1x1x100000xf32, #tpu.memory_space<hbm>> -> memref<100000xf32, #tpu.memory_space<hbm>>
    tpu.enqueue_dma source(%dma_start3A_519 : memref<100000xf32, #tpu.memory_space<hbm>>) target(%arg7 : memref<100000xf32, #tpu.memory_space<vmem>>) target_semaphore(%arg12 : memref<!tpu.dma_semaphore, #tpu.memory_space<semaphore_mem>>)
    %eq3A_520 = arith.constant 0 : i32
    %eq3A_521 = arith.cmpi eq, %select_n3A_513, %eq3A_520 : i32
    %convert_element_type3A_522 = arith.extui %eq3A_521 : i1 to i32
    %cond3A_523 = arith.constant 0 : i32
    %cond3A_524 = arith.cmpi ne, %convert_element_type3A_522, %cond3A_523 : i32
    scf.if %cond3A_524 {
      %dma_start3A_1278 = arith.constant 0 : i32
      %dma_start3A_1279 = tpu.memref_slice %arg3[%select_n3A_497, %dma_start3A_1278] : memref<26x16384xi32, #tpu.memory_space<hbm>> -> memref<1x16384xi32, #tpu.memory_space<hbm>>
      %dma_start3A_1280 = tpu.memref_squeeze %dma_start3A_1279 : memref<1x16384xi32, #tpu.memory_space<hbm>> -> memref<16384xi32, #tpu.memory_space<hbm>>
      %dma_start3A_1281 = arith.constant 0 : i32
      %dma_start3A_1282 = tpu.memref_slice %arg3[%select_n3A_497, %dma_start3A_1281] : memref<26x16384xi32, #tpu.memory_space<hbm>> -> memref<1x16384xi32, #tpu.memory_space<hbm>>
      %dma_start3A_1283 = tpu.memref_squeeze %dma_start3A_1282 : memref<1x16384xi32, #tpu.memory_space<hbm>> -> memref<16384xi32, #tpu.memory_space<hbm>>
      tpu.enqueue_dma source(%dma_start3A_1283 : memref<16384xi32, #tpu.memory_space<hbm>>) target(%arg8 : memref<16384xi32, #tpu.memory_space<vmem>>) target_semaphore(%arg13 : memref<!tpu.dma_semaphore, #tpu.memory_space<semaphore_mem>>)
      %dma_wait3A_1284 = arith.constant 0 : i32
      %dma_wait3A_1285 = tpu.memref_slice %arg3[%select_n3A_497, %dma_wait3A_1284] : memref<26x16384xi32, #tpu.memory_space<hbm>> -> memref<1x16384xi32, #tpu.memory_space<hbm>>
      %dma_wait3A_1286 = tpu.memref_squeeze %dma_wait3A_1285 : memref<1x16384xi32, #tpu.memory_space<hbm>> -> memref<16384xi32, #tpu.memory_space<hbm>>
      %dma_wait3A_1287 = arith.constant 0 : i32
      %dma_wait3A_1288 = tpu.memref_slice %arg3[%select_n3A_497, %dma_wait3A_1287] : memref<26x16384xi32, #tpu.memory_space<hbm>> -> memref<1x16384xi32, #tpu.memory_space<hbm>>
      %dma_wait3A_1289 = tpu.memref_squeeze %dma_wait3A_1288 : memref<1x16384xi32, #tpu.memory_space<hbm>> -> memref<16384xi32, #tpu.memory_space<hbm>>
      tpu.wait_dma2 semaphore(%arg13 : memref<!tpu.dma_semaphore, #tpu.memory_space<semaphore_mem>>) src(%dma_wait3A_1289 : memref<16384xi32, #tpu.memory_space<hbm>>) dst(%arg8 : memref<16384xi32, #tpu.memory_space<vmem>>)
    } else {
    }
    %dma_wait3A_525 = arith.constant 0 : i32
    %dma_wait3A_526 = tpu.memref_slice %arg2[%select_n3A_497, %select_n3A_513, %dma_wait3A_525] : memref<26x16x100000xf32, #tpu.memory_space<hbm>> -> memref<1x1x100000xf32, #tpu.memory_space<hbm>>
    %dma_wait3A_527 = tpu.memref_squeeze %dma_wait3A_526 : memref<1x1x100000xf32, #tpu.memory_space<hbm>> -> memref<100000xf32, #tpu.memory_space<hbm>>
    %dma_wait3A_528 = arith.constant 0 : i32
    %dma_wait3A_529 = tpu.memref_slice %arg2[%select_n3A_497, %select_n3A_513, %dma_wait3A_528] : memref<26x16x100000xf32, #tpu.memory_space<hbm>> -> memref<1x1x100000xf32, #tpu.memory_space<hbm>>
    %dma_wait3A_530 = tpu.memref_squeeze %dma_wait3A_529 : memref<1x1x100000xf32, #tpu.memory_space<hbm>> -> memref<100000xf32, #tpu.memory_space<hbm>>
    tpu.wait_dma2 semaphore(%arg12 : memref<!tpu.dma_semaphore, #tpu.memory_space<semaphore_mem>>) src(%dma_wait3A_530 : memref<100000xf32, #tpu.memory_space<hbm>>) dst(%arg7 : memref<100000xf32, #tpu.memory_space<vmem>>)
    %broadcast_in_dim3A_531 = arith.constant 0.000000e+00 : f32
    %broadcast_in_dim3A_532 = vector.broadcast %broadcast_in_dim3A_531 : f32 to vector<16xf32>
    %dma_wait3A_533 = arith.constant 8192 : i32
    %dma_wait3A_534 = tpu.memref_slice %arg4[%add3A_376, %dma_wait3A_533] : memref<416x16384xf32, #tpu.memory_space<hbm>> -> memref<1x8192xf32, #tpu.memory_space<hbm>>
    %dma_wait3A_535 = tpu.memref_squeeze %dma_wait3A_534 : memref<1x8192xf32, #tpu.memory_space<hbm>> -> memref<8192xf32, #tpu.memory_space<hbm>>
    %dma_wait3A_536 = arith.constant 8192 : i32
    %dma_wait3A_537 = tpu.memref_slice %arg4[%add3A_376, %dma_wait3A_536] : memref<416x16384xf32, #tpu.memory_space<hbm>> -> memref<1x8192xf32, #tpu.memory_space<hbm>>
    %dma_wait3A_538 = tpu.memref_squeeze %dma_wait3A_537 : memref<1x8192xf32, #tpu.memory_space<hbm>> -> memref<8192xf32, #tpu.memory_space<hbm>>
    tpu.wait_dma2 semaphore(%arg14 : memref<!tpu.dma_semaphore, #tpu.memory_space<semaphore_mem>>) src(%arg9 : memref<8192xf32, #tpu.memory_space<vmem>>) dst(%dma_wait3A_538 : memref<8192xf32, #tpu.memory_space<hbm>>)
    %parallel_loop3A_539 = arith.constant 0 : i32
    %parallel_loop3A_540 = arith.constant 512 : i32
    %parallel_loop3A_541 = arith.constant 1 : i32
    %parallel_loop3A_542:2 = scf.for %parallel_loop3A_1278 = %parallel_loop3A_539 to %parallel_loop3A_540 step %parallel_loop3A_541 iter_args(%parallel_loop3A_1279 = %broadcast_in_dim3A_532, %parallel_loop3A_1280 = %broadcast_in_dim3A_532) -> (vector<16xf32>, vector<16xf32>)  : i32 {
      %parallel_loop3A_1281 = arith.constant 16 : i32
      %parallel_loop3A_1282 = arith.muli %parallel_loop3A_1278, %parallel_loop3A_1281 : i32
      %parallel_loop3A_1283 = arith.constant 0 : i32
      %parallel_loop3A_1284 = arith.addi %parallel_loop3A_1283, %parallel_loop3A_1282 : i32
      %parallel_loop3A_1285 = arith.index_cast %parallel_loop3A_1284 : i32 to index
      %parallel_loop3A_1286 = tpu.vector_load %arg8[%parallel_loop3A_1285] {strides = array<i32>} : memref<16384xi32, #tpu.memory_space<vmem>>, vector<16xi32>,
      %parallel_loop3A_1287 = tpu.vector_load_idx %arg7[%parallel_loop3A_1286] : memref<100000xf32, #tpu.memory_space<vmem>>[vector<16xi32>], vector<16xf32>,
      %parallel_loop3A_1288 = arith.constant 16 : i32
      %parallel_loop3A_1289 = arith.muli %parallel_loop3A_1278, %parallel_loop3A_1288 : i32
      %parallel_loop3A_1290 = arith.index_cast %parallel_loop3A_1289 : i32 to index
      %parallel_loop3A_1291 = tpu.vector_load %arg9[%parallel_loop3A_1290] {strides = array<i32>} : memref<8192xf32, #tpu.memory_space<vmem>>, vector<16xf32>,
      tpu.vector_store %arg9[%parallel_loop3A_1290], %parallel_loop3A_1287 {strides = array<i32>} : memref<8192xf32, #tpu.memory_space<vmem>>, vector<16xf32>,
      %parallel_loop3A_1292 = arith.addf %parallel_loop3A_1279, %parallel_loop3A_1287 : vector<16xf32>
      %parallel_loop3A_1293 = arith.mulf %parallel_loop3A_1287, %parallel_loop3A_1287 : vector<16xf32>
      %parallel_loop3A_1294 = arith.addf %parallel_loop3A_1280, %parallel_loop3A_1293 : vector<16xf32>
      scf.yield %parallel_loop3A_1292, %parallel_loop3A_1294 : vector<16xf32>, vector<16xf32>
    } {sc.loop_unroll_factor = 8 : i64, sc.parallel_access}
    %dma_start3A_543 = arith.constant 0 : i32
    %dma_start3A_544 = tpu.memref_slice %arg4[%add3A_473, %dma_start3A_543] : memref<416x16384xf32, #tpu.memory_space<hbm>> -> memref<1x8192xf32, #tpu.memory_space<hbm>>
    %dma_start3A_545 = tpu.memref_squeeze %dma_start3A_544 : memref<1x8192xf32, #tpu.memory_space<hbm>> -> memref<8192xf32, #tpu.memory_space<hbm>>
    %dma_start3A_546 = arith.constant 0 : i32
    %dma_start3A_547 = tpu.memref_slice %arg4[%add3A_473, %dma_start3A_546] : memref<416x16384xf32, #tpu.memory_space<hbm>> -> memref<1x8192xf32, #tpu.memory_space<hbm>>
    %dma_start3A_548 = tpu.memref_squeeze %dma_start3A_547 : memref<1x8192xf32, #tpu.memory_space<hbm>> -> memref<8192xf32, #tpu.memory_space<hbm>>
    tpu.enqueue_dma source(%arg9 : memref<8192xf32, #tpu.memory_space<vmem>>) target(%dma_start3A_548 : memref<8192xf32, #tpu.memory_space<hbm>>) target_semaphore(%arg14 : memref<!tpu.dma_semaphore, #tpu.memory_space<semaphore_mem>>)
    %dma_wait3A_549 = arith.constant 0 : i32
    %dma_wait3A_550 = tpu.memref_slice %arg4[%add3A_473, %dma_wait3A_549] : memref<416x16384xf32, #tpu.memory_space<hbm>> -> memref<1x8192xf32, #tpu.memory_space<hbm>>
    %dma_wait3A_551 = tpu.memref_squeeze %dma_wait3A_550 : memref<1x8192xf32, #tpu.memory_space<hbm>> -> memref<8192xf32, #tpu.memory_space<hbm>>
    %dma_wait3A_552 = arith.constant 0 : i32
    %dma_wait3A_553 = tpu.memref_slice %arg4[%add3A_473, %dma_wait3A_552] : memref<416x16384xf32, #tpu.memory_space<hbm>> -> memref<1x8192xf32, #tpu.memory_space<hbm>>
    %dma_wait3A_554 = tpu.memref_squeeze %dma_wait3A_553 : memref<1x8192xf32, #tpu.memory_space<hbm>> -> memref<8192xf32, #tpu.memory_space<hbm>>
    tpu.wait_dma2 semaphore(%arg14 : memref<!tpu.dma_semaphore, #tpu.memory_space<semaphore_mem>>) src(%arg9 : memref<8192xf32, #tpu.memory_space<vmem>>) dst(%dma_wait3A_554 : memref<8192xf32, #tpu.memory_space<hbm>>)
    %parallel_loop3A_555 = arith.constant 0 : i32
    %parallel_loop3A_556 = arith.constant 512 : i32
    %parallel_loop3A_557 = arith.constant 1 : i32
    %parallel_loop3A_558:2 = scf.for %parallel_loop3A_1278 = %parallel_loop3A_555 to %parallel_loop3A_556 step %parallel_loop3A_557 iter_args(%parallel_loop3A_1279 = %parallel_loop3A_542#0, %parallel_loop3A_1280 = %parallel_loop3A_542#1) -> (vector<16xf32>, vector<16xf32>)  : i32 {
      %parallel_loop3A_1281 = arith.constant 16 : i32
      %parallel_loop3A_1282 = arith.muli %parallel_loop3A_1278, %parallel_loop3A_1281 : i32
      %parallel_loop3A_1283 = arith.constant 8192 : i32
      %parallel_loop3A_1284 = arith.addi %parallel_loop3A_1283, %parallel_loop3A_1282 : i32
      %parallel_loop3A_1285 = arith.index_cast %parallel_loop3A_1284 : i32 to index
      %parallel_loop3A_1286 = tpu.vector_load %arg8[%parallel_loop3A_1285] {strides = array<i32>} : memref<16384xi32, #tpu.memory_space<vmem>>, vector<16xi32>,
      %parallel_loop3A_1287 = tpu.vector_load_idx %arg7[%parallel_loop3A_1286] : memref<100000xf32, #tpu.memory_space<vmem>>[vector<16xi32>], vector<16xf32>,
      %parallel_loop3A_1288 = arith.constant 16 : i32
      %parallel_loop3A_1289 = arith.muli %parallel_loop3A_1278, %parallel_loop3A_1288 : i32
      %parallel_loop3A_1290 = arith.index_cast %parallel_loop3A_1289 : i32 to index
      %parallel_loop3A_1291 = tpu.vector_load %arg9[%parallel_loop3A_1290] {strides = array<i32>} : memref<8192xf32, #tpu.memory_space<vmem>>, vector<16xf32>,
      tpu.vector_store %arg9[%parallel_loop3A_1290], %parallel_loop3A_1287 {strides = array<i32>} : memref<8192xf32, #tpu.memory_space<vmem>>, vector<16xf32>,
      %parallel_loop3A_1292 = arith.addf %parallel_loop3A_1279, %parallel_loop3A_1287 : vector<16xf32>
      %parallel_loop3A_1293 = arith.mulf %parallel_loop3A_1287, %parallel_loop3A_1287 : vector<16xf32>
      %parallel_loop3A_1294 = arith.addf %parallel_loop3A_1280, %parallel_loop3A_1293 : vector<16xf32>
      scf.yield %parallel_loop3A_1292, %parallel_loop3A_1294 : vector<16xf32>, vector<16xf32>
    } {sc.loop_unroll_factor = 8 : i64, sc.parallel_access}
    %dma_start3A_559 = arith.constant 8192 : i32
    %dma_start3A_560 = tpu.memref_slice %arg4[%add3A_473, %dma_start3A_559] : memref<416x16384xf32, #tpu.memory_space<hbm>> -> memref<1x8192xf32, #tpu.memory_space<hbm>>
    %dma_start3A_561 = tpu.memref_squeeze %dma_start3A_560 : memref<1x8192xf32, #tpu.memory_space<hbm>> -> memref<8192xf32, #tpu.memory_space<hbm>>
    %dma_start3A_562 = arith.constant 8192 : i32
    %dma_start3A_563 = tpu.memref_slice %arg4[%add3A_473, %dma_start3A_562] : memref<416x16384xf32, #tpu.memory_space<hbm>> -> memref<1x8192xf32, #tpu.memory_space<hbm>>
    %dma_start3A_564 = tpu.memref_squeeze %dma_start3A_563 : memref<1x8192xf32, #tpu.memory_space<hbm>> -> memref<8192xf32, #tpu.memory_space<hbm>>
    tpu.enqueue_dma source(%arg9 : memref<8192xf32, #tpu.memory_space<vmem>>) target(%dma_start3A_564 : memref<8192xf32, #tpu.memory_space<hbm>>) target_semaphore(%arg14 : memref<!tpu.dma_semaphore, #tpu.memory_space<semaphore_mem>>)
    %swap3A_565 = arith.constant 80 : index
    %swap3A_566 = tpu.vector_load %arg10[%swap3A_565] {strides = array<i32>} : memref<208xf32, #tpu.memory_space<vmem>>, vector<16xf32>,
    tpu.vector_store %arg10[%swap3A_565], %parallel_loop3A_558#0 {strides = array<i32>} : memref<208xf32, #tpu.memory_space<vmem>>, vector<16xf32>,
    %swap3A_567 = arith.constant 80 : index
    %swap3A_568 = tpu.vector_load %arg11[%swap3A_567] {strides = array<i32>} : memref<208xf32, #tpu.memory_space<vmem>>, vector<16xf32>,
    tpu.vector_store %arg11[%swap3A_567], %parallel_loop3A_558#1 {strides = array<i32>} : memref<208xf32, #tpu.memory_space<vmem>>, vector<16xf32>,
    %add3A_569 = arith.constant 6 : i32
    %add3A_570 = arith.addi %mul3A_2, %add3A_569 : i32
    %jit3A_571 = arith.constant 16 : i32
    %div3A_572 = arith.divsi %add3A_570, %jit3A_571 : i32
    %sign3A_573 = arith.constant 0 : i32
    %sign3A_574 = arith.cmpi sgt, %add3A_570, %sign3A_573 : i32
    %sign3A_575 = arith.extui %sign3A_574 : i1 to i32
    %sign3A_576 = arith.constant 0 : i32
    %sign3A_577 = arith.cmpi slt, %add3A_570, %sign3A_576 : i32
    %sign3A_578 = arith.extui %sign3A_577 : i1 to i32
    %sign3A_579 = arith.subi %sign3A_575, %sign3A_578 : i32
    %sign3A_580 = arith.constant 0 : i32
    %sign3A_581 = arith.cmpi sgt, %jit3A_571, %sign3A_580 : i32
    %sign3A_582 = arith.extui %sign3A_581 : i1 to i32
    %sign3A_583 = arith.constant 0 : i32
    %sign3A_584 = arith.cmpi slt, %jit3A_571, %sign3A_583 : i32
    %sign3A_585 = arith.extui %sign3A_584 : i1 to i32
    %sign3A_586 = arith.subi %sign3A_582, %sign3A_585 : i32
    %ne3A_587 = arith.cmpi ne, %sign3A_579, %sign3A_586 : i32
    %rem3A_588 = arith.remsi %add3A_570, %jit3A_571 : i32
    %ne3A_589 = arith.constant 0 : i32
    %ne3A_590 = arith.cmpi ne, %rem3A_588, %ne3A_589 : i32
    %and3A_591 = arith.andi %ne3A_587, %ne3A_590 : i1
    %sub3A_592 = arith.constant 1 : i32
    %sub3A_593 = arith.subi %div3A_572, %sub3A_592 : i32
    %select_n3A_594 = arith.select %and3A_591, %sub3A_593, %div3A_572 : i32
    %jit3A_595 = arith.constant 16 : i32
    %eq3A_596 = arith.constant 0 : i32
    %eq3A_597 = arith.cmpi eq, %jit3A_595, %eq3A_596 : i32
    %jit3A_598 = arith.constant 1 : i32
    %select_n3A_599 = arith.select %eq3A_597, %jit3A_598, %jit3A_595 : i32
    %rem3A_600 = arith.remsi %add3A_570, %select_n3A_599 : i32
    %ne3A_601 = arith.constant 0 : i32
    %ne3A_602 = arith.cmpi ne, %rem3A_600, %ne3A_601 : i32
    %lt3A_603 = arith.constant 0 : i32
    %lt3A_604 = arith.cmpi slt, %rem3A_600, %lt3A_603 : i32
    %lt3A_605 = arith.constant 0 : i32
    %lt3A_606 = arith.cmpi slt, %select_n3A_599, %lt3A_605 : i32
    %ne3A_607 = arith.xori %lt3A_604, %lt3A_606 : i1
    %and3A_608 = arith.andi %ne3A_607, %ne3A_602 : i1
    %add3A_609 = arith.addi %rem3A_600, %select_n3A_599 : i32
    %select_n3A_610 = arith.select %and3A_608, %add3A_609, %rem3A_600 : i32
    %dma_start3A_611 = arith.constant 0 : i32
    %dma_start3A_612 = tpu.memref_slice %arg2[%select_n3A_594, %select_n3A_610, %dma_start3A_611] : memref<26x16x100000xf32, #tpu.memory_space<hbm>> -> memref<1x1x100000xf32, #tpu.memory_space<hbm>>
    %dma_start3A_613 = tpu.memref_squeeze %dma_start3A_612 : memref<1x1x100000xf32, #tpu.memory_space<hbm>> -> memref<100000xf32, #tpu.memory_space<hbm>>
    %dma_start3A_614 = arith.constant 0 : i32
    %dma_start3A_615 = tpu.memref_slice %arg2[%select_n3A_594, %select_n3A_610, %dma_start3A_614] : memref<26x16x100000xf32, #tpu.memory_space<hbm>> -> memref<1x1x100000xf32, #tpu.memory_space<hbm>>
    %dma_start3A_616 = tpu.memref_squeeze %dma_start3A_615 : memref<1x1x100000xf32, #tpu.memory_space<hbm>> -> memref<100000xf32, #tpu.memory_space<hbm>>
    tpu.enqueue_dma source(%dma_start3A_616 : memref<100000xf32, #tpu.memory_space<hbm>>) target(%arg7 : memref<100000xf32, #tpu.memory_space<vmem>>) target_semaphore(%arg12 : memref<!tpu.dma_semaphore, #tpu.memory_space<semaphore_mem>>)
    %eq3A_617 = arith.constant 0 : i32
    %eq3A_618 = arith.cmpi eq, %select_n3A_610, %eq3A_617 : i32
    %convert_element_type3A_619 = arith.extui %eq3A_618 : i1 to i32
    %cond3A_620 = arith.constant 0 : i32
    %cond3A_621 = arith.cmpi ne, %convert_element_type3A_619, %cond3A_620 : i32
    scf.if %cond3A_621 {
      %dma_start3A_1278 = arith.constant 0 : i32
      %dma_start3A_1279 = tpu.memref_slice %arg3[%select_n3A_594, %dma_start3A_1278] : memref<26x16384xi32, #tpu.memory_space<hbm>> -> memref<1x16384xi32, #tpu.memory_space<hbm>>
      %dma_start3A_1280 = tpu.memref_squeeze %dma_start3A_1279 : memref<1x16384xi32, #tpu.memory_space<hbm>> -> memref<16384xi32, #tpu.memory_space<hbm>>
      %dma_start3A_1281 = arith.constant 0 : i32
      %dma_start3A_1282 = tpu.memref_slice %arg3[%select_n3A_594, %dma_start3A_1281] : memref<26x16384xi32, #tpu.memory_space<hbm>> -> memref<1x16384xi32, #tpu.memory_space<hbm>>
      %dma_start3A_1283 = tpu.memref_squeeze %dma_start3A_1282 : memref<1x16384xi32, #tpu.memory_space<hbm>> -> memref<16384xi32, #tpu.memory_space<hbm>>
      tpu.enqueue_dma source(%dma_start3A_1283 : memref<16384xi32, #tpu.memory_space<hbm>>) target(%arg8 : memref<16384xi32, #tpu.memory_space<vmem>>) target_semaphore(%arg13 : memref<!tpu.dma_semaphore, #tpu.memory_space<semaphore_mem>>)
      %dma_wait3A_1284 = arith.constant 0 : i32
      %dma_wait3A_1285 = tpu.memref_slice %arg3[%select_n3A_594, %dma_wait3A_1284] : memref<26x16384xi32, #tpu.memory_space<hbm>> -> memref<1x16384xi32, #tpu.memory_space<hbm>>
      %dma_wait3A_1286 = tpu.memref_squeeze %dma_wait3A_1285 : memref<1x16384xi32, #tpu.memory_space<hbm>> -> memref<16384xi32, #tpu.memory_space<hbm>>
      %dma_wait3A_1287 = arith.constant 0 : i32
      %dma_wait3A_1288 = tpu.memref_slice %arg3[%select_n3A_594, %dma_wait3A_1287] : memref<26x16384xi32, #tpu.memory_space<hbm>> -> memref<1x16384xi32, #tpu.memory_space<hbm>>
      %dma_wait3A_1289 = tpu.memref_squeeze %dma_wait3A_1288 : memref<1x16384xi32, #tpu.memory_space<hbm>> -> memref<16384xi32, #tpu.memory_space<hbm>>
      tpu.wait_dma2 semaphore(%arg13 : memref<!tpu.dma_semaphore, #tpu.memory_space<semaphore_mem>>) src(%dma_wait3A_1289 : memref<16384xi32, #tpu.memory_space<hbm>>) dst(%arg8 : memref<16384xi32, #tpu.memory_space<vmem>>)
    } else {
    }
    %dma_wait3A_622 = arith.constant 0 : i32
    %dma_wait3A_623 = tpu.memref_slice %arg2[%select_n3A_594, %select_n3A_610, %dma_wait3A_622] : memref<26x16x100000xf32, #tpu.memory_space<hbm>> -> memref<1x1x100000xf32, #tpu.memory_space<hbm>>
    %dma_wait3A_624 = tpu.memref_squeeze %dma_wait3A_623 : memref<1x1x100000xf32, #tpu.memory_space<hbm>> -> memref<100000xf32, #tpu.memory_space<hbm>>
    %dma_wait3A_625 = arith.constant 0 : i32
    %dma_wait3A_626 = tpu.memref_slice %arg2[%select_n3A_594, %select_n3A_610, %dma_wait3A_625] : memref<26x16x100000xf32, #tpu.memory_space<hbm>> -> memref<1x1x100000xf32, #tpu.memory_space<hbm>>
    %dma_wait3A_627 = tpu.memref_squeeze %dma_wait3A_626 : memref<1x1x100000xf32, #tpu.memory_space<hbm>> -> memref<100000xf32, #tpu.memory_space<hbm>>
    tpu.wait_dma2 semaphore(%arg12 : memref<!tpu.dma_semaphore, #tpu.memory_space<semaphore_mem>>) src(%dma_wait3A_627 : memref<100000xf32, #tpu.memory_space<hbm>>) dst(%arg7 : memref<100000xf32, #tpu.memory_space<vmem>>)
    %broadcast_in_dim3A_628 = arith.constant 0.000000e+00 : f32
    %broadcast_in_dim3A_629 = vector.broadcast %broadcast_in_dim3A_628 : f32 to vector<16xf32>
    %dma_wait3A_630 = arith.constant 8192 : i32
    %dma_wait3A_631 = tpu.memref_slice %arg4[%add3A_473, %dma_wait3A_630] : memref<416x16384xf32, #tpu.memory_space<hbm>> -> memref<1x8192xf32, #tpu.memory_space<hbm>>
    %dma_wait3A_632 = tpu.memref_squeeze %dma_wait3A_631 : memref<1x8192xf32, #tpu.memory_space<hbm>> -> memref<8192xf32, #tpu.memory_space<hbm>>
    %dma_wait3A_633 = arith.constant 8192 : i32
    %dma_wait3A_634 = tpu.memref_slice %arg4[%add3A_473, %dma_wait3A_633] : memref<416x16384xf32, #tpu.memory_space<hbm>> -> memref<1x8192xf32, #tpu.memory_space<hbm>>
    %dma_wait3A_635 = tpu.memref_squeeze %dma_wait3A_634 : memref<1x8192xf32, #tpu.memory_space<hbm>> -> memref<8192xf32, #tpu.memory_space<hbm>>
    tpu.wait_dma2 semaphore(%arg14 : memref<!tpu.dma_semaphore, #tpu.memory_space<semaphore_mem>>) src(%arg9 : memref<8192xf32, #tpu.memory_space<vmem>>) dst(%dma_wait3A_635 : memref<8192xf32, #tpu.memory_space<hbm>>)
    %parallel_loop3A_636 = arith.constant 0 : i32
    %parallel_loop3A_637 = arith.constant 512 : i32
    %parallel_loop3A_638 = arith.constant 1 : i32
    %parallel_loop3A_639:2 = scf.for %parallel_loop3A_1278 = %parallel_loop3A_636 to %parallel_loop3A_637 step %parallel_loop3A_638 iter_args(%parallel_loop3A_1279 = %broadcast_in_dim3A_629, %parallel_loop3A_1280 = %broadcast_in_dim3A_629) -> (vector<16xf32>, vector<16xf32>)  : i32 {
      %parallel_loop3A_1281 = arith.constant 16 : i32
      %parallel_loop3A_1282 = arith.muli %parallel_loop3A_1278, %parallel_loop3A_1281 : i32
      %parallel_loop3A_1283 = arith.constant 0 : i32
      %parallel_loop3A_1284 = arith.addi %parallel_loop3A_1283, %parallel_loop3A_1282 : i32
      %parallel_loop3A_1285 = arith.index_cast %parallel_loop3A_1284 : i32 to index
      %parallel_loop3A_1286 = tpu.vector_load %arg8[%parallel_loop3A_1285] {strides = array<i32>} : memref<16384xi32, #tpu.memory_space<vmem>>, vector<16xi32>,
      %parallel_loop3A_1287 = tpu.vector_load_idx %arg7[%parallel_loop3A_1286] : memref<100000xf32, #tpu.memory_space<vmem>>[vector<16xi32>], vector<16xf32>,
      %parallel_loop3A_1288 = arith.constant 16 : i32
      %parallel_loop3A_1289 = arith.muli %parallel_loop3A_1278, %parallel_loop3A_1288 : i32
      %parallel_loop3A_1290 = arith.index_cast %parallel_loop3A_1289 : i32 to index
      %parallel_loop3A_1291 = tpu.vector_load %arg9[%parallel_loop3A_1290] {strides = array<i32>} : memref<8192xf32, #tpu.memory_space<vmem>>, vector<16xf32>,
      tpu.vector_store %arg9[%parallel_loop3A_1290], %parallel_loop3A_1287 {strides = array<i32>} : memref<8192xf32, #tpu.memory_space<vmem>>, vector<16xf32>,
      %parallel_loop3A_1292 = arith.addf %parallel_loop3A_1279, %parallel_loop3A_1287 : vector<16xf32>
      %parallel_loop3A_1293 = arith.mulf %parallel_loop3A_1287, %parallel_loop3A_1287 : vector<16xf32>
      %parallel_loop3A_1294 = arith.addf %parallel_loop3A_1280, %parallel_loop3A_1293 : vector<16xf32>
      scf.yield %parallel_loop3A_1292, %parallel_loop3A_1294 : vector<16xf32>, vector<16xf32>
    } {sc.loop_unroll_factor = 8 : i64, sc.parallel_access}
    %dma_start3A_640 = arith.constant 0 : i32
    %dma_start3A_641 = tpu.memref_slice %arg4[%add3A_570, %dma_start3A_640] : memref<416x16384xf32, #tpu.memory_space<hbm>> -> memref<1x8192xf32, #tpu.memory_space<hbm>>
    %dma_start3A_642 = tpu.memref_squeeze %dma_start3A_641 : memref<1x8192xf32, #tpu.memory_space<hbm>> -> memref<8192xf32, #tpu.memory_space<hbm>>
    %dma_start3A_643 = arith.constant 0 : i32
    %dma_start3A_644 = tpu.memref_slice %arg4[%add3A_570, %dma_start3A_643] : memref<416x16384xf32, #tpu.memory_space<hbm>> -> memref<1x8192xf32, #tpu.memory_space<hbm>>
    %dma_start3A_645 = tpu.memref_squeeze %dma_start3A_644 : memref<1x8192xf32, #tpu.memory_space<hbm>> -> memref<8192xf32, #tpu.memory_space<hbm>>
    tpu.enqueue_dma source(%arg9 : memref<8192xf32, #tpu.memory_space<vmem>>) target(%dma_start3A_645 : memref<8192xf32, #tpu.memory_space<hbm>>) target_semaphore(%arg14 : memref<!tpu.dma_semaphore, #tpu.memory_space<semaphore_mem>>)
    %dma_wait3A_646 = arith.constant 0 : i32
    %dma_wait3A_647 = tpu.memref_slice %arg4[%add3A_570, %dma_wait3A_646] : memref<416x16384xf32, #tpu.memory_space<hbm>> -> memref<1x8192xf32, #tpu.memory_space<hbm>>
    %dma_wait3A_648 = tpu.memref_squeeze %dma_wait3A_647 : memref<1x8192xf32, #tpu.memory_space<hbm>> -> memref<8192xf32, #tpu.memory_space<hbm>>
    %dma_wait3A_649 = arith.constant 0 : i32
    %dma_wait3A_650 = tpu.memref_slice %arg4[%add3A_570, %dma_wait3A_649] : memref<416x16384xf32, #tpu.memory_space<hbm>> -> memref<1x8192xf32, #tpu.memory_space<hbm>>
    %dma_wait3A_651 = tpu.memref_squeeze %dma_wait3A_650 : memref<1x8192xf32, #tpu.memory_space<hbm>> -> memref<8192xf32, #tpu.memory_space<hbm>>
    tpu.wait_dma2 semaphore(%arg14 : memref<!tpu.dma_semaphore, #tpu.memory_space<semaphore_mem>>) src(%arg9 : memref<8192xf32, #tpu.memory_space<vmem>>) dst(%dma_wait3A_651 : memref<8192xf32, #tpu.memory_space<hbm>>)
    %parallel_loop3A_652 = arith.constant 0 : i32
    %parallel_loop3A_653 = arith.constant 512 : i32
    %parallel_loop3A_654 = arith.constant 1 : i32
    %parallel_loop3A_655:2 = scf.for %parallel_loop3A_1278 = %parallel_loop3A_652 to %parallel_loop3A_653 step %parallel_loop3A_654 iter_args(%parallel_loop3A_1279 = %parallel_loop3A_639#0, %parallel_loop3A_1280 = %parallel_loop3A_639#1) -> (vector<16xf32>, vector<16xf32>)  : i32 {
      %parallel_loop3A_1281 = arith.constant 16 : i32
      %parallel_loop3A_1282 = arith.muli %parallel_loop3A_1278, %parallel_loop3A_1281 : i32
      %parallel_loop3A_1283 = arith.constant 8192 : i32
      %parallel_loop3A_1284 = arith.addi %parallel_loop3A_1283, %parallel_loop3A_1282 : i32
      %parallel_loop3A_1285 = arith.index_cast %parallel_loop3A_1284 : i32 to index
      %parallel_loop3A_1286 = tpu.vector_load %arg8[%parallel_loop3A_1285] {strides = array<i32>} : memref<16384xi32, #tpu.memory_space<vmem>>, vector<16xi32>,
      %parallel_loop3A_1287 = tpu.vector_load_idx %arg7[%parallel_loop3A_1286] : memref<100000xf32, #tpu.memory_space<vmem>>[vector<16xi32>], vector<16xf32>,
      %parallel_loop3A_1288 = arith.constant 16 : i32
      %parallel_loop3A_1289 = arith.muli %parallel_loop3A_1278, %parallel_loop3A_1288 : i32
      %parallel_loop3A_1290 = arith.index_cast %parallel_loop3A_1289 : i32 to index
      %parallel_loop3A_1291 = tpu.vector_load %arg9[%parallel_loop3A_1290] {strides = array<i32>} : memref<8192xf32, #tpu.memory_space<vmem>>, vector<16xf32>,
      tpu.vector_store %arg9[%parallel_loop3A_1290], %parallel_loop3A_1287 {strides = array<i32>} : memref<8192xf32, #tpu.memory_space<vmem>>, vector<16xf32>,
      %parallel_loop3A_1292 = arith.addf %parallel_loop3A_1279, %parallel_loop3A_1287 : vector<16xf32>
      %parallel_loop3A_1293 = arith.mulf %parallel_loop3A_1287, %parallel_loop3A_1287 : vector<16xf32>
      %parallel_loop3A_1294 = arith.addf %parallel_loop3A_1280, %parallel_loop3A_1293 : vector<16xf32>
      scf.yield %parallel_loop3A_1292, %parallel_loop3A_1294 : vector<16xf32>, vector<16xf32>
    } {sc.loop_unroll_factor = 8 : i64, sc.parallel_access}
    %dma_start3A_656 = arith.constant 8192 : i32
    %dma_start3A_657 = tpu.memref_slice %arg4[%add3A_570, %dma_start3A_656] : memref<416x16384xf32, #tpu.memory_space<hbm>> -> memref<1x8192xf32, #tpu.memory_space<hbm>>
    %dma_start3A_658 = tpu.memref_squeeze %dma_start3A_657 : memref<1x8192xf32, #tpu.memory_space<hbm>> -> memref<8192xf32, #tpu.memory_space<hbm>>
    %dma_start3A_659 = arith.constant 8192 : i32
    %dma_start3A_660 = tpu.memref_slice %arg4[%add3A_570, %dma_start3A_659] : memref<416x16384xf32, #tpu.memory_space<hbm>> -> memref<1x8192xf32, #tpu.memory_space<hbm>>
    %dma_start3A_661 = tpu.memref_squeeze %dma_start3A_660 : memref<1x8192xf32, #tpu.memory_space<hbm>> -> memref<8192xf32, #tpu.memory_space<hbm>>
    tpu.enqueue_dma source(%arg9 : memref<8192xf32, #tpu.memory_space<vmem>>) target(%dma_start3A_661 : memref<8192xf32, #tpu.memory_space<hbm>>) target_semaphore(%arg14 : memref<!tpu.dma_semaphore, #tpu.memory_space<semaphore_mem>>)
    %swap3A_662 = arith.constant 96 : index
    %swap3A_663 = tpu.vector_load %arg10[%swap3A_662] {strides = array<i32>} : memref<208xf32, #tpu.memory_space<vmem>>, vector<16xf32>,
    tpu.vector_store %arg10[%swap3A_662], %parallel_loop3A_655#0 {strides = array<i32>} : memref<208xf32, #tpu.memory_space<vmem>>, vector<16xf32>,
    %swap3A_664 = arith.constant 96 : index
    %swap3A_665 = tpu.vector_load %arg11[%swap3A_664] {strides = array<i32>} : memref<208xf32, #tpu.memory_space<vmem>>, vector<16xf32>,
    tpu.vector_store %arg11[%swap3A_664], %parallel_loop3A_655#1 {strides = array<i32>} : memref<208xf32, #tpu.memory_space<vmem>>, vector<16xf32>,
    %add3A_666 = arith.constant 7 : i32
    %add3A_667 = arith.addi %mul3A_2, %add3A_666 : i32
    %jit3A_668 = arith.constant 16 : i32
    %div3A_669 = arith.divsi %add3A_667, %jit3A_668 : i32
    %sign3A_670 = arith.constant 0 : i32
    %sign3A_671 = arith.cmpi sgt, %add3A_667, %sign3A_670 : i32
    %sign3A_672 = arith.extui %sign3A_671 : i1 to i32
    %sign3A_673 = arith.constant 0 : i32
    %sign3A_674 = arith.cmpi slt, %add3A_667, %sign3A_673 : i32
    %sign3A_675 = arith.extui %sign3A_674 : i1 to i32
    %sign3A_676 = arith.subi %sign3A_672, %sign3A_675 : i32
    %sign3A_677 = arith.constant 0 : i32
    %sign3A_678 = arith.cmpi sgt, %jit3A_668, %sign3A_677 : i32
    %sign3A_679 = arith.extui %sign3A_678 : i1 to i32
    %sign3A_680 = arith.constant 0 : i32
    %sign3A_681 = arith.cmpi slt, %jit3A_668, %sign3A_680 : i32
    %sign3A_682 = arith.extui %sign3A_681 : i1 to i32
    %sign3A_683 = arith.subi %sign3A_679, %sign3A_682 : i32
    %ne3A_684 = arith.cmpi ne, %sign3A_676, %sign3A_683 : i32
    %rem3A_685 = arith.remsi %add3A_667, %jit3A_668 : i32
    %ne3A_686 = arith.constant 0 : i32
    %ne3A_687 = arith.cmpi ne, %rem3A_685, %ne3A_686 : i32
    %and3A_688 = arith.andi %ne3A_684, %ne3A_687 : i1
    %sub3A_689 = arith.constant 1 : i32
    %sub3A_690 = arith.subi %div3A_669, %sub3A_689 : i32
    %select_n3A_691 = arith.select %and3A_688, %sub3A_690, %div3A_669 : i32
    %jit3A_692 = arith.constant 16 : i32
    %eq3A_693 = arith.constant 0 : i32
    %eq3A_694 = arith.cmpi eq, %jit3A_692, %eq3A_693 : i32
    %jit3A_695 = arith.constant 1 : i32
    %select_n3A_696 = arith.select %eq3A_694, %jit3A_695, %jit3A_692 : i32
    %rem3A_697 = arith.remsi %add3A_667, %select_n3A_696 : i32
    %ne3A_698 = arith.constant 0 : i32
    %ne3A_699 = arith.cmpi ne, %rem3A_697, %ne3A_698 : i32
    %lt3A_700 = arith.constant 0 : i32
    %lt3A_701 = arith.cmpi slt, %rem3A_697, %lt3A_700 : i32
    %lt3A_702 = arith.constant 0 : i32
    %lt3A_703 = arith.cmpi slt, %select_n3A_696, %lt3A_702 : i32
    %ne3A_704 = arith.xori %lt3A_701, %lt3A_703 : i1
    %and3A_705 = arith.andi %ne3A_704, %ne3A_699 : i1
    %add3A_706 = arith.addi %rem3A_697, %select_n3A_696 : i32
    %select_n3A_707 = arith.select %and3A_705, %add3A_706, %rem3A_697 : i32
    %dma_start3A_708 = arith.constant 0 : i32
    %dma_start3A_709 = tpu.memref_slice %arg2[%select_n3A_691, %select_n3A_707, %dma_start3A_708] : memref<26x16x100000xf32, #tpu.memory_space<hbm>> -> memref<1x1x100000xf32, #tpu.memory_space<hbm>>
    %dma_start3A_710 = tpu.memref_squeeze %dma_start3A_709 : memref<1x1x100000xf32, #tpu.memory_space<hbm>> -> memref<100000xf32, #tpu.memory_space<hbm>>
    %dma_start3A_711 = arith.constant 0 : i32
    %dma_start3A_712 = tpu.memref_slice %arg2[%select_n3A_691, %select_n3A_707, %dma_start3A_711] : memref<26x16x100000xf32, #tpu.memory_space<hbm>> -> memref<1x1x100000xf32, #tpu.memory_space<hbm>>
    %dma_start3A_713 = tpu.memref_squeeze %dma_start3A_712 : memref<1x1x100000xf32, #tpu.memory_space<hbm>> -> memref<100000xf32, #tpu.memory_space<hbm>>
    tpu.enqueue_dma source(%dma_start3A_713 : memref<100000xf32, #tpu.memory_space<hbm>>) target(%arg7 : memref<100000xf32, #tpu.memory_space<vmem>>) target_semaphore(%arg12 : memref<!tpu.dma_semaphore, #tpu.memory_space<semaphore_mem>>)
    %eq3A_714 = arith.constant 0 : i32
    %eq3A_715 = arith.cmpi eq, %select_n3A_707, %eq3A_714 : i32
    %convert_element_type3A_716 = arith.extui %eq3A_715 : i1 to i32
    %cond3A_717 = arith.constant 0 : i32
    %cond3A_718 = arith.cmpi ne, %convert_element_type3A_716, %cond3A_717 : i32
    scf.if %cond3A_718 {
      %dma_start3A_1278 = arith.constant 0 : i32
      %dma_start3A_1279 = tpu.memref_slice %arg3[%select_n3A_691, %dma_start3A_1278] : memref<26x16384xi32, #tpu.memory_space<hbm>> -> memref<1x16384xi32, #tpu.memory_space<hbm>>
      %dma_start3A_1280 = tpu.memref_squeeze %dma_start3A_1279 : memref<1x16384xi32, #tpu.memory_space<hbm>> -> memref<16384xi32, #tpu.memory_space<hbm>>
      %dma_start3A_1281 = arith.constant 0 : i32
      %dma_start3A_1282 = tpu.memref_slice %arg3[%select_n3A_691, %dma_start3A_1281] : memref<26x16384xi32, #tpu.memory_space<hbm>> -> memref<1x16384xi32, #tpu.memory_space<hbm>>
      %dma_start3A_1283 = tpu.memref_squeeze %dma_start3A_1282 : memref<1x16384xi32, #tpu.memory_space<hbm>> -> memref<16384xi32, #tpu.memory_space<hbm>>
      tpu.enqueue_dma source(%dma_start3A_1283 : memref<16384xi32, #tpu.memory_space<hbm>>) target(%arg8 : memref<16384xi32, #tpu.memory_space<vmem>>) target_semaphore(%arg13 : memref<!tpu.dma_semaphore, #tpu.memory_space<semaphore_mem>>)
      %dma_wait3A_1284 = arith.constant 0 : i32
      %dma_wait3A_1285 = tpu.memref_slice %arg3[%select_n3A_691, %dma_wait3A_1284] : memref<26x16384xi32, #tpu.memory_space<hbm>> -> memref<1x16384xi32, #tpu.memory_space<hbm>>
      %dma_wait3A_1286 = tpu.memref_squeeze %dma_wait3A_1285 : memref<1x16384xi32, #tpu.memory_space<hbm>> -> memref<16384xi32, #tpu.memory_space<hbm>>
      %dma_wait3A_1287 = arith.constant 0 : i32
      %dma_wait3A_1288 = tpu.memref_slice %arg3[%select_n3A_691, %dma_wait3A_1287] : memref<26x16384xi32, #tpu.memory_space<hbm>> -> memref<1x16384xi32, #tpu.memory_space<hbm>>
      %dma_wait3A_1289 = tpu.memref_squeeze %dma_wait3A_1288 : memref<1x16384xi32, #tpu.memory_space<hbm>> -> memref<16384xi32, #tpu.memory_space<hbm>>
      tpu.wait_dma2 semaphore(%arg13 : memref<!tpu.dma_semaphore, #tpu.memory_space<semaphore_mem>>) src(%dma_wait3A_1289 : memref<16384xi32, #tpu.memory_space<hbm>>) dst(%arg8 : memref<16384xi32, #tpu.memory_space<vmem>>)
    } else {
    }
    %dma_wait3A_719 = arith.constant 0 : i32
    %dma_wait3A_720 = tpu.memref_slice %arg2[%select_n3A_691, %select_n3A_707, %dma_wait3A_719] : memref<26x16x100000xf32, #tpu.memory_space<hbm>> -> memref<1x1x100000xf32, #tpu.memory_space<hbm>>
    %dma_wait3A_721 = tpu.memref_squeeze %dma_wait3A_720 : memref<1x1x100000xf32, #tpu.memory_space<hbm>> -> memref<100000xf32, #tpu.memory_space<hbm>>
    %dma_wait3A_722 = arith.constant 0 : i32
    %dma_wait3A_723 = tpu.memref_slice %arg2[%select_n3A_691, %select_n3A_707, %dma_wait3A_722] : memref<26x16x100000xf32, #tpu.memory_space<hbm>> -> memref<1x1x100000xf32, #tpu.memory_space<hbm>>
    %dma_wait3A_724 = tpu.memref_squeeze %dma_wait3A_723 : memref<1x1x100000xf32, #tpu.memory_space<hbm>> -> memref<100000xf32, #tpu.memory_space<hbm>>
    tpu.wait_dma2 semaphore(%arg12 : memref<!tpu.dma_semaphore, #tpu.memory_space<semaphore_mem>>) src(%dma_wait3A_724 : memref<100000xf32, #tpu.memory_space<hbm>>) dst(%arg7 : memref<100000xf32, #tpu.memory_space<vmem>>)
    %broadcast_in_dim3A_725 = arith.constant 0.000000e+00 : f32
    %broadcast_in_dim3A_726 = vector.broadcast %broadcast_in_dim3A_725 : f32 to vector<16xf32>
    %dma_wait3A_727 = arith.constant 8192 : i32
    %dma_wait3A_728 = tpu.memref_slice %arg4[%add3A_570, %dma_wait3A_727] : memref<416x16384xf32, #tpu.memory_space<hbm>> -> memref<1x8192xf32, #tpu.memory_space<hbm>>
    %dma_wait3A_729 = tpu.memref_squeeze %dma_wait3A_728 : memref<1x8192xf32, #tpu.memory_space<hbm>> -> memref<8192xf32, #tpu.memory_space<hbm>>
    %dma_wait3A_730 = arith.constant 8192 : i32
    %dma_wait3A_731 = tpu.memref_slice %arg4[%add3A_570, %dma_wait3A_730] : memref<416x16384xf32, #tpu.memory_space<hbm>> -> memref<1x8192xf32, #tpu.memory_space<hbm>>
    %dma_wait3A_732 = tpu.memref_squeeze %dma_wait3A_731 : memref<1x8192xf32, #tpu.memory_space<hbm>> -> memref<8192xf32, #tpu.memory_space<hbm>>
    tpu.wait_dma2 semaphore(%arg14 : memref<!tpu.dma_semaphore, #tpu.memory_space<semaphore_mem>>) src(%arg9 : memref<8192xf32, #tpu.memory_space<vmem>>) dst(%dma_wait3A_732 : memref<8192xf32, #tpu.memory_space<hbm>>)
    %parallel_loop3A_733 = arith.constant 0 : i32
    %parallel_loop3A_734 = arith.constant 512 : i32
    %parallel_loop3A_735 = arith.constant 1 : i32
    %parallel_loop3A_736:2 = scf.for %parallel_loop3A_1278 = %parallel_loop3A_733 to %parallel_loop3A_734 step %parallel_loop3A_735 iter_args(%parallel_loop3A_1279 = %broadcast_in_dim3A_726, %parallel_loop3A_1280 = %broadcast_in_dim3A_726) -> (vector<16xf32>, vector<16xf32>)  : i32 {
      %parallel_loop3A_1281 = arith.constant 16 : i32
      %parallel_loop3A_1282 = arith.muli %parallel_loop3A_1278, %parallel_loop3A_1281 : i32
      %parallel_loop3A_1283 = arith.constant 0 : i32
      %parallel_loop3A_1284 = arith.addi %parallel_loop3A_1283, %parallel_loop3A_1282 : i32
      %parallel_loop3A_1285 = arith.index_cast %parallel_loop3A_1284 : i32 to index
      %parallel_loop3A_1286 = tpu.vector_load %arg8[%parallel_loop3A_1285] {strides = array<i32>} : memref<16384xi32, #tpu.memory_space<vmem>>, vector<16xi32>,
      %parallel_loop3A_1287 = tpu.vector_load_idx %arg7[%parallel_loop3A_1286] : memref<100000xf32, #tpu.memory_space<vmem>>[vector<16xi32>], vector<16xf32>,
      %parallel_loop3A_1288 = arith.constant 16 : i32
      %parallel_loop3A_1289 = arith.muli %parallel_loop3A_1278, %parallel_loop3A_1288 : i32
      %parallel_loop3A_1290 = arith.index_cast %parallel_loop3A_1289 : i32 to index
      %parallel_loop3A_1291 = tpu.vector_load %arg9[%parallel_loop3A_1290] {strides = array<i32>} : memref<8192xf32, #tpu.memory_space<vmem>>, vector<16xf32>,
      tpu.vector_store %arg9[%parallel_loop3A_1290], %parallel_loop3A_1287 {strides = array<i32>} : memref<8192xf32, #tpu.memory_space<vmem>>, vector<16xf32>,
      %parallel_loop3A_1292 = arith.addf %parallel_loop3A_1279, %parallel_loop3A_1287 : vector<16xf32>
      %parallel_loop3A_1293 = arith.mulf %parallel_loop3A_1287, %parallel_loop3A_1287 : vector<16xf32>
      %parallel_loop3A_1294 = arith.addf %parallel_loop3A_1280, %parallel_loop3A_1293 : vector<16xf32>
      scf.yield %parallel_loop3A_1292, %parallel_loop3A_1294 : vector<16xf32>, vector<16xf32>
    } {sc.loop_unroll_factor = 8 : i64, sc.parallel_access}
    %dma_start3A_737 = arith.constant 0 : i32
    %dma_start3A_738 = tpu.memref_slice %arg4[%add3A_667, %dma_start3A_737] : memref<416x16384xf32, #tpu.memory_space<hbm>> -> memref<1x8192xf32, #tpu.memory_space<hbm>>
    %dma_start3A_739 = tpu.memref_squeeze %dma_start3A_738 : memref<1x8192xf32, #tpu.memory_space<hbm>> -> memref<8192xf32, #tpu.memory_space<hbm>>
    %dma_start3A_740 = arith.constant 0 : i32
    %dma_start3A_741 = tpu.memref_slice %arg4[%add3A_667, %dma_start3A_740] : memref<416x16384xf32, #tpu.memory_space<hbm>> -> memref<1x8192xf32, #tpu.memory_space<hbm>>
    %dma_start3A_742 = tpu.memref_squeeze %dma_start3A_741 : memref<1x8192xf32, #tpu.memory_space<hbm>> -> memref<8192xf32, #tpu.memory_space<hbm>>
    tpu.enqueue_dma source(%arg9 : memref<8192xf32, #tpu.memory_space<vmem>>) target(%dma_start3A_742 : memref<8192xf32, #tpu.memory_space<hbm>>) target_semaphore(%arg14 : memref<!tpu.dma_semaphore, #tpu.memory_space<semaphore_mem>>)
    %dma_wait3A_743 = arith.constant 0 : i32
    %dma_wait3A_744 = tpu.memref_slice %arg4[%add3A_667, %dma_wait3A_743] : memref<416x16384xf32, #tpu.memory_space<hbm>> -> memref<1x8192xf32, #tpu.memory_space<hbm>>
    %dma_wait3A_745 = tpu.memref_squeeze %dma_wait3A_744 : memref<1x8192xf32, #tpu.memory_space<hbm>> -> memref<8192xf32, #tpu.memory_space<hbm>>
    %dma_wait3A_746 = arith.constant 0 : i32
    %dma_wait3A_747 = tpu.memref_slice %arg4[%add3A_667, %dma_wait3A_746] : memref<416x16384xf32, #tpu.memory_space<hbm>> -> memref<1x8192xf32, #tpu.memory_space<hbm>>
    %dma_wait3A_748 = tpu.memref_squeeze %dma_wait3A_747 : memref<1x8192xf32, #tpu.memory_space<hbm>> -> memref<8192xf32, #tpu.memory_space<hbm>>
    tpu.wait_dma2 semaphore(%arg14 : memref<!tpu.dma_semaphore, #tpu.memory_space<semaphore_mem>>) src(%arg9 : memref<8192xf32, #tpu.memory_space<vmem>>) dst(%dma_wait3A_748 : memref<8192xf32, #tpu.memory_space<hbm>>)
    %parallel_loop3A_749 = arith.constant 0 : i32
    %parallel_loop3A_750 = arith.constant 512 : i32
    %parallel_loop3A_751 = arith.constant 1 : i32
    %parallel_loop3A_752:2 = scf.for %parallel_loop3A_1278 = %parallel_loop3A_749 to %parallel_loop3A_750 step %parallel_loop3A_751 iter_args(%parallel_loop3A_1279 = %parallel_loop3A_736#0, %parallel_loop3A_1280 = %parallel_loop3A_736#1) -> (vector<16xf32>, vector<16xf32>)  : i32 {
      %parallel_loop3A_1281 = arith.constant 16 : i32
      %parallel_loop3A_1282 = arith.muli %parallel_loop3A_1278, %parallel_loop3A_1281 : i32
      %parallel_loop3A_1283 = arith.constant 8192 : i32
      %parallel_loop3A_1284 = arith.addi %parallel_loop3A_1283, %parallel_loop3A_1282 : i32
      %parallel_loop3A_1285 = arith.index_cast %parallel_loop3A_1284 : i32 to index
      %parallel_loop3A_1286 = tpu.vector_load %arg8[%parallel_loop3A_1285] {strides = array<i32>} : memref<16384xi32, #tpu.memory_space<vmem>>, vector<16xi32>,
      %parallel_loop3A_1287 = tpu.vector_load_idx %arg7[%parallel_loop3A_1286] : memref<100000xf32, #tpu.memory_space<vmem>>[vector<16xi32>], vector<16xf32>,
      %parallel_loop3A_1288 = arith.constant 16 : i32
      %parallel_loop3A_1289 = arith.muli %parallel_loop3A_1278, %parallel_loop3A_1288 : i32
      %parallel_loop3A_1290 = arith.index_cast %parallel_loop3A_1289 : i32 to index
      %parallel_loop3A_1291 = tpu.vector_load %arg9[%parallel_loop3A_1290] {strides = array<i32>} : memref<8192xf32, #tpu.memory_space<vmem>>, vector<16xf32>,
      tpu.vector_store %arg9[%parallel_loop3A_1290], %parallel_loop3A_1287 {strides = array<i32>} : memref<8192xf32, #tpu.memory_space<vmem>>, vector<16xf32>,
      %parallel_loop3A_1292 = arith.addf %parallel_loop3A_1279, %parallel_loop3A_1287 : vector<16xf32>
      %parallel_loop3A_1293 = arith.mulf %parallel_loop3A_1287, %parallel_loop3A_1287 : vector<16xf32>
      %parallel_loop3A_1294 = arith.addf %parallel_loop3A_1280, %parallel_loop3A_1293 : vector<16xf32>
      scf.yield %parallel_loop3A_1292, %parallel_loop3A_1294 : vector<16xf32>, vector<16xf32>
    } {sc.loop_unroll_factor = 8 : i64, sc.parallel_access}
    %dma_start3A_753 = arith.constant 8192 : i32
    %dma_start3A_754 = tpu.memref_slice %arg4[%add3A_667, %dma_start3A_753] : memref<416x16384xf32, #tpu.memory_space<hbm>> -> memref<1x8192xf32, #tpu.memory_space<hbm>>
    %dma_start3A_755 = tpu.memref_squeeze %dma_start3A_754 : memref<1x8192xf32, #tpu.memory_space<hbm>> -> memref<8192xf32, #tpu.memory_space<hbm>>
    %dma_start3A_756 = arith.constant 8192 : i32
    %dma_start3A_757 = tpu.memref_slice %arg4[%add3A_667, %dma_start3A_756] : memref<416x16384xf32, #tpu.memory_space<hbm>> -> memref<1x8192xf32, #tpu.memory_space<hbm>>
    %dma_start3A_758 = tpu.memref_squeeze %dma_start3A_757 : memref<1x8192xf32, #tpu.memory_space<hbm>> -> memref<8192xf32, #tpu.memory_space<hbm>>
    tpu.enqueue_dma source(%arg9 : memref<8192xf32, #tpu.memory_space<vmem>>) target(%dma_start3A_758 : memref<8192xf32, #tpu.memory_space<hbm>>) target_semaphore(%arg14 : memref<!tpu.dma_semaphore, #tpu.memory_space<semaphore_mem>>)
    %swap3A_759 = arith.constant 112 : index
    %swap3A_760 = tpu.vector_load %arg10[%swap3A_759] {strides = array<i32>} : memref<208xf32, #tpu.memory_space<vmem>>, vector<16xf32>,
    tpu.vector_store %arg10[%swap3A_759], %parallel_loop3A_752#0 {strides = array<i32>} : memref<208xf32, #tpu.memory_space<vmem>>, vector<16xf32>,
    %swap3A_761 = arith.constant 112 : index
    %swap3A_762 = tpu.vector_load %arg11[%swap3A_761] {strides = array<i32>} : memref<208xf32, #tpu.memory_space<vmem>>, vector<16xf32>,
    tpu.vector_store %arg11[%swap3A_761], %parallel_loop3A_752#1 {strides = array<i32>} : memref<208xf32, #tpu.memory_space<vmem>>, vector<16xf32>,
    %add3A_763 = arith.constant 8 : i32
    %add3A_764 = arith.addi %mul3A_2, %add3A_763 : i32
    %jit3A_765 = arith.constant 16 : i32
    %div3A_766 = arith.divsi %add3A_764, %jit3A_765 : i32
    %sign3A_767 = arith.constant 0 : i32
    %sign3A_768 = arith.cmpi sgt, %add3A_764, %sign3A_767 : i32
    %sign3A_769 = arith.extui %sign3A_768 : i1 to i32
    %sign3A_770 = arith.constant 0 : i32
    %sign3A_771 = arith.cmpi slt, %add3A_764, %sign3A_770 : i32
    %sign3A_772 = arith.extui %sign3A_771 : i1 to i32
    %sign3A_773 = arith.subi %sign3A_769, %sign3A_772 : i32
    %sign3A_774 = arith.constant 0 : i32
    %sign3A_775 = arith.cmpi sgt, %jit3A_765, %sign3A_774 : i32
    %sign3A_776 = arith.extui %sign3A_775 : i1 to i32
    %sign3A_777 = arith.constant 0 : i32
    %sign3A_778 = arith.cmpi slt, %jit3A_765, %sign3A_777 : i32
    %sign3A_779 = arith.extui %sign3A_778 : i1 to i32
    %sign3A_780 = arith.subi %sign3A_776, %sign3A_779 : i32
    %ne3A_781 = arith.cmpi ne, %sign3A_773, %sign3A_780 : i32
    %rem3A_782 = arith.remsi %add3A_764, %jit3A_765 : i32
    %ne3A_783 = arith.constant 0 : i32
    %ne3A_784 = arith.cmpi ne, %rem3A_782, %ne3A_783 : i32
    %and3A_785 = arith.andi %ne3A_781, %ne3A_784 : i1
    %sub3A_786 = arith.constant 1 : i32
    %sub3A_787 = arith.subi %div3A_766, %sub3A_786 : i32
    %select_n3A_788 = arith.select %and3A_785, %sub3A_787, %div3A_766 : i32
    %jit3A_789 = arith.constant 16 : i32
    %eq3A_790 = arith.constant 0 : i32
    %eq3A_791 = arith.cmpi eq, %jit3A_789, %eq3A_790 : i32
    %jit3A_792 = arith.constant 1 : i32
    %select_n3A_793 = arith.select %eq3A_791, %jit3A_792, %jit3A_789 : i32
    %rem3A_794 = arith.remsi %add3A_764, %select_n3A_793 : i32
    %ne3A_795 = arith.constant 0 : i32
    %ne3A_796 = arith.cmpi ne, %rem3A_794, %ne3A_795 : i32
    %lt3A_797 = arith.constant 0 : i32
    %lt3A_798 = arith.cmpi slt, %rem3A_794, %lt3A_797 : i32
    %lt3A_799 = arith.constant 0 : i32
    %lt3A_800 = arith.cmpi slt, %select_n3A_793, %lt3A_799 : i32
    %ne3A_801 = arith.xori %lt3A_798, %lt3A_800 : i1
    %and3A_802 = arith.andi %ne3A_801, %ne3A_796 : i1
    %add3A_803 = arith.addi %rem3A_794, %select_n3A_793 : i32
    %select_n3A_804 = arith.select %and3A_802, %add3A_803, %rem3A_794 : i32
    %dma_start3A_805 = arith.constant 0 : i32
    %dma_start3A_806 = tpu.memref_slice %arg2[%select_n3A_788, %select_n3A_804, %dma_start3A_805] : memref<26x16x100000xf32, #tpu.memory_space<hbm>> -> memref<1x1x100000xf32, #tpu.memory_space<hbm>>
    %dma_start3A_807 = tpu.memref_squeeze %dma_start3A_806 : memref<1x1x100000xf32, #tpu.memory_space<hbm>> -> memref<100000xf32, #tpu.memory_space<hbm>>
    %dma_start3A_808 = arith.constant 0 : i32
    %dma_start3A_809 = tpu.memref_slice %arg2[%select_n3A_788, %select_n3A_804, %dma_start3A_808] : memref<26x16x100000xf32, #tpu.memory_space<hbm>> -> memref<1x1x100000xf32, #tpu.memory_space<hbm>>
    %dma_start3A_810 = tpu.memref_squeeze %dma_start3A_809 : memref<1x1x100000xf32, #tpu.memory_space<hbm>> -> memref<100000xf32, #tpu.memory_space<hbm>>
    tpu.enqueue_dma source(%dma_start3A_810 : memref<100000xf32, #tpu.memory_space<hbm>>) target(%arg7 : memref<100000xf32, #tpu.memory_space<vmem>>) target_semaphore(%arg12 : memref<!tpu.dma_semaphore, #tpu.memory_space<semaphore_mem>>)
    %eq3A_811 = arith.constant 0 : i32
    %eq3A_812 = arith.cmpi eq, %select_n3A_804, %eq3A_811 : i32
    %convert_element_type3A_813 = arith.extui %eq3A_812 : i1 to i32
    %cond3A_814 = arith.constant 0 : i32
    %cond3A_815 = arith.cmpi ne, %convert_element_type3A_813, %cond3A_814 : i32
    scf.if %cond3A_815 {
      %dma_start3A_1278 = arith.constant 0 : i32
      %dma_start3A_1279 = tpu.memref_slice %arg3[%select_n3A_788, %dma_start3A_1278] : memref<26x16384xi32, #tpu.memory_space<hbm>> -> memref<1x16384xi32, #tpu.memory_space<hbm>>
      %dma_start3A_1280 = tpu.memref_squeeze %dma_start3A_1279 : memref<1x16384xi32, #tpu.memory_space<hbm>> -> memref<16384xi32, #tpu.memory_space<hbm>>
      %dma_start3A_1281 = arith.constant 0 : i32
      %dma_start3A_1282 = tpu.memref_slice %arg3[%select_n3A_788, %dma_start3A_1281] : memref<26x16384xi32, #tpu.memory_space<hbm>> -> memref<1x16384xi32, #tpu.memory_space<hbm>>
      %dma_start3A_1283 = tpu.memref_squeeze %dma_start3A_1282 : memref<1x16384xi32, #tpu.memory_space<hbm>> -> memref<16384xi32, #tpu.memory_space<hbm>>
      tpu.enqueue_dma source(%dma_start3A_1283 : memref<16384xi32, #tpu.memory_space<hbm>>) target(%arg8 : memref<16384xi32, #tpu.memory_space<vmem>>) target_semaphore(%arg13 : memref<!tpu.dma_semaphore, #tpu.memory_space<semaphore_mem>>)
      %dma_wait3A_1284 = arith.constant 0 : i32
      %dma_wait3A_1285 = tpu.memref_slice %arg3[%select_n3A_788, %dma_wait3A_1284] : memref<26x16384xi32, #tpu.memory_space<hbm>> -> memref<1x16384xi32, #tpu.memory_space<hbm>>
      %dma_wait3A_1286 = tpu.memref_squeeze %dma_wait3A_1285 : memref<1x16384xi32, #tpu.memory_space<hbm>> -> memref<16384xi32, #tpu.memory_space<hbm>>
      %dma_wait3A_1287 = arith.constant 0 : i32
      %dma_wait3A_1288 = tpu.memref_slice %arg3[%select_n3A_788, %dma_wait3A_1287] : memref<26x16384xi32, #tpu.memory_space<hbm>> -> memref<1x16384xi32, #tpu.memory_space<hbm>>
      %dma_wait3A_1289 = tpu.memref_squeeze %dma_wait3A_1288 : memref<1x16384xi32, #tpu.memory_space<hbm>> -> memref<16384xi32, #tpu.memory_space<hbm>>
      tpu.wait_dma2 semaphore(%arg13 : memref<!tpu.dma_semaphore, #tpu.memory_space<semaphore_mem>>) src(%dma_wait3A_1289 : memref<16384xi32, #tpu.memory_space<hbm>>) dst(%arg8 : memref<16384xi32, #tpu.memory_space<vmem>>)
    } else {
    }
    %dma_wait3A_816 = arith.constant 0 : i32
    %dma_wait3A_817 = tpu.memref_slice %arg2[%select_n3A_788, %select_n3A_804, %dma_wait3A_816] : memref<26x16x100000xf32, #tpu.memory_space<hbm>> -> memref<1x1x100000xf32, #tpu.memory_space<hbm>>
    %dma_wait3A_818 = tpu.memref_squeeze %dma_wait3A_817 : memref<1x1x100000xf32, #tpu.memory_space<hbm>> -> memref<100000xf32, #tpu.memory_space<hbm>>
    %dma_wait3A_819 = arith.constant 0 : i32
    %dma_wait3A_820 = tpu.memref_slice %arg2[%select_n3A_788, %select_n3A_804, %dma_wait3A_819] : memref<26x16x100000xf32, #tpu.memory_space<hbm>> -> memref<1x1x100000xf32, #tpu.memory_space<hbm>>
    %dma_wait3A_821 = tpu.memref_squeeze %dma_wait3A_820 : memref<1x1x100000xf32, #tpu.memory_space<hbm>> -> memref<100000xf32, #tpu.memory_space<hbm>>
    tpu.wait_dma2 semaphore(%arg12 : memref<!tpu.dma_semaphore, #tpu.memory_space<semaphore_mem>>) src(%dma_wait3A_821 : memref<100000xf32, #tpu.memory_space<hbm>>) dst(%arg7 : memref<100000xf32, #tpu.memory_space<vmem>>)
    %broadcast_in_dim3A_822 = arith.constant 0.000000e+00 : f32
    %broadcast_in_dim3A_823 = vector.broadcast %broadcast_in_dim3A_822 : f32 to vector<16xf32>
    %dma_wait3A_824 = arith.constant 8192 : i32
    %dma_wait3A_825 = tpu.memref_slice %arg4[%add3A_667, %dma_wait3A_824] : memref<416x16384xf32, #tpu.memory_space<hbm>> -> memref<1x8192xf32, #tpu.memory_space<hbm>>
    %dma_wait3A_826 = tpu.memref_squeeze %dma_wait3A_825 : memref<1x8192xf32, #tpu.memory_space<hbm>> -> memref<8192xf32, #tpu.memory_space<hbm>>
    %dma_wait3A_827 = arith.constant 8192 : i32
    %dma_wait3A_828 = tpu.memref_slice %arg4[%add3A_667, %dma_wait3A_827] : memref<416x16384xf32, #tpu.memory_space<hbm>> -> memref<1x8192xf32, #tpu.memory_space<hbm>>
    %dma_wait3A_829 = tpu.memref_squeeze %dma_wait3A_828 : memref<1x8192xf32, #tpu.memory_space<hbm>> -> memref<8192xf32, #tpu.memory_space<hbm>>
    tpu.wait_dma2 semaphore(%arg14 : memref<!tpu.dma_semaphore, #tpu.memory_space<semaphore_mem>>) src(%arg9 : memref<8192xf32, #tpu.memory_space<vmem>>) dst(%dma_wait3A_829 : memref<8192xf32, #tpu.memory_space<hbm>>)
    %parallel_loop3A_830 = arith.constant 0 : i32
    %parallel_loop3A_831 = arith.constant 512 : i32
    %parallel_loop3A_832 = arith.constant 1 : i32
    %parallel_loop3A_833:2 = scf.for %parallel_loop3A_1278 = %parallel_loop3A_830 to %parallel_loop3A_831 step %parallel_loop3A_832 iter_args(%parallel_loop3A_1279 = %broadcast_in_dim3A_823, %parallel_loop3A_1280 = %broadcast_in_dim3A_823) -> (vector<16xf32>, vector<16xf32>)  : i32 {
      %parallel_loop3A_1281 = arith.constant 16 : i32
      %parallel_loop3A_1282 = arith.muli %parallel_loop3A_1278, %parallel_loop3A_1281 : i32
      %parallel_loop3A_1283 = arith.constant 0 : i32
      %parallel_loop3A_1284 = arith.addi %parallel_loop3A_1283, %parallel_loop3A_1282 : i32
      %parallel_loop3A_1285 = arith.index_cast %parallel_loop3A_1284 : i32 to index
      %parallel_loop3A_1286 = tpu.vector_load %arg8[%parallel_loop3A_1285] {strides = array<i32>} : memref<16384xi32, #tpu.memory_space<vmem>>, vector<16xi32>,
      %parallel_loop3A_1287 = tpu.vector_load_idx %arg7[%parallel_loop3A_1286] : memref<100000xf32, #tpu.memory_space<vmem>>[vector<16xi32>], vector<16xf32>,
      %parallel_loop3A_1288 = arith.constant 16 : i32
      %parallel_loop3A_1289 = arith.muli %parallel_loop3A_1278, %parallel_loop3A_1288 : i32
      %parallel_loop3A_1290 = arith.index_cast %parallel_loop3A_1289 : i32 to index
      %parallel_loop3A_1291 = tpu.vector_load %arg9[%parallel_loop3A_1290] {strides = array<i32>} : memref<8192xf32, #tpu.memory_space<vmem>>, vector<16xf32>,
      tpu.vector_store %arg9[%parallel_loop3A_1290], %parallel_loop3A_1287 {strides = array<i32>} : memref<8192xf32, #tpu.memory_space<vmem>>, vector<16xf32>,
      %parallel_loop3A_1292 = arith.addf %parallel_loop3A_1279, %parallel_loop3A_1287 : vector<16xf32>
      %parallel_loop3A_1293 = arith.mulf %parallel_loop3A_1287, %parallel_loop3A_1287 : vector<16xf32>
      %parallel_loop3A_1294 = arith.addf %parallel_loop3A_1280, %parallel_loop3A_1293 : vector<16xf32>
      scf.yield %parallel_loop3A_1292, %parallel_loop3A_1294 : vector<16xf32>, vector<16xf32>
    } {sc.loop_unroll_factor = 8 : i64, sc.parallel_access}
    %dma_start3A_834 = arith.constant 0 : i32
    %dma_start3A_835 = tpu.memref_slice %arg4[%add3A_764, %dma_start3A_834] : memref<416x16384xf32, #tpu.memory_space<hbm>> -> memref<1x8192xf32, #tpu.memory_space<hbm>>
    %dma_start3A_836 = tpu.memref_squeeze %dma_start3A_835 : memref<1x8192xf32, #tpu.memory_space<hbm>> -> memref<8192xf32, #tpu.memory_space<hbm>>
    %dma_start3A_837 = arith.constant 0 : i32
    %dma_start3A_838 = tpu.memref_slice %arg4[%add3A_764, %dma_start3A_837] : memref<416x16384xf32, #tpu.memory_space<hbm>> -> memref<1x8192xf32, #tpu.memory_space<hbm>>
    %dma_start3A_839 = tpu.memref_squeeze %dma_start3A_838 : memref<1x8192xf32, #tpu.memory_space<hbm>> -> memref<8192xf32, #tpu.memory_space<hbm>>
    tpu.enqueue_dma source(%arg9 : memref<8192xf32, #tpu.memory_space<vmem>>) target(%dma_start3A_839 : memref<8192xf32, #tpu.memory_space<hbm>>) target_semaphore(%arg14 : memref<!tpu.dma_semaphore, #tpu.memory_space<semaphore_mem>>)
    %dma_wait3A_840 = arith.constant 0 : i32
    %dma_wait3A_841 = tpu.memref_slice %arg4[%add3A_764, %dma_wait3A_840] : memref<416x16384xf32, #tpu.memory_space<hbm>> -> memref<1x8192xf32, #tpu.memory_space<hbm>>
    %dma_wait3A_842 = tpu.memref_squeeze %dma_wait3A_841 : memref<1x8192xf32, #tpu.memory_space<hbm>> -> memref<8192xf32, #tpu.memory_space<hbm>>
    %dma_wait3A_843 = arith.constant 0 : i32
    %dma_wait3A_844 = tpu.memref_slice %arg4[%add3A_764, %dma_wait3A_843] : memref<416x16384xf32, #tpu.memory_space<hbm>> -> memref<1x8192xf32, #tpu.memory_space<hbm>>
    %dma_wait3A_845 = tpu.memref_squeeze %dma_wait3A_844 : memref<1x8192xf32, #tpu.memory_space<hbm>> -> memref<8192xf32, #tpu.memory_space<hbm>>
    tpu.wait_dma2 semaphore(%arg14 : memref<!tpu.dma_semaphore, #tpu.memory_space<semaphore_mem>>) src(%arg9 : memref<8192xf32, #tpu.memory_space<vmem>>) dst(%dma_wait3A_845 : memref<8192xf32, #tpu.memory_space<hbm>>)
    %parallel_loop3A_846 = arith.constant 0 : i32
    %parallel_loop3A_847 = arith.constant 512 : i32
    %parallel_loop3A_848 = arith.constant 1 : i32
    %parallel_loop3A_849:2 = scf.for %parallel_loop3A_1278 = %parallel_loop3A_846 to %parallel_loop3A_847 step %parallel_loop3A_848 iter_args(%parallel_loop3A_1279 = %parallel_loop3A_833#0, %parallel_loop3A_1280 = %parallel_loop3A_833#1) -> (vector<16xf32>, vector<16xf32>)  : i32 {
      %parallel_loop3A_1281 = arith.constant 16 : i32
      %parallel_loop3A_1282 = arith.muli %parallel_loop3A_1278, %parallel_loop3A_1281 : i32
      %parallel_loop3A_1283 = arith.constant 8192 : i32
      %parallel_loop3A_1284 = arith.addi %parallel_loop3A_1283, %parallel_loop3A_1282 : i32
      %parallel_loop3A_1285 = arith.index_cast %parallel_loop3A_1284 : i32 to index
      %parallel_loop3A_1286 = tpu.vector_load %arg8[%parallel_loop3A_1285] {strides = array<i32>} : memref<16384xi32, #tpu.memory_space<vmem>>, vector<16xi32>,
      %parallel_loop3A_1287 = tpu.vector_load_idx %arg7[%parallel_loop3A_1286] : memref<100000xf32, #tpu.memory_space<vmem>>[vector<16xi32>], vector<16xf32>,
      %parallel_loop3A_1288 = arith.constant 16 : i32
      %parallel_loop3A_1289 = arith.muli %parallel_loop3A_1278, %parallel_loop3A_1288 : i32
      %parallel_loop3A_1290 = arith.index_cast %parallel_loop3A_1289 : i32 to index
      %parallel_loop3A_1291 = tpu.vector_load %arg9[%parallel_loop3A_1290] {strides = array<i32>} : memref<8192xf32, #tpu.memory_space<vmem>>, vector<16xf32>,
      tpu.vector_store %arg9[%parallel_loop3A_1290], %parallel_loop3A_1287 {strides = array<i32>} : memref<8192xf32, #tpu.memory_space<vmem>>, vector<16xf32>,
      %parallel_loop3A_1292 = arith.addf %parallel_loop3A_1279, %parallel_loop3A_1287 : vector<16xf32>
      %parallel_loop3A_1293 = arith.mulf %parallel_loop3A_1287, %parallel_loop3A_1287 : vector<16xf32>
      %parallel_loop3A_1294 = arith.addf %parallel_loop3A_1280, %parallel_loop3A_1293 : vector<16xf32>
      scf.yield %parallel_loop3A_1292, %parallel_loop3A_1294 : vector<16xf32>, vector<16xf32>
    } {sc.loop_unroll_factor = 8 : i64, sc.parallel_access}
    %dma_start3A_850 = arith.constant 8192 : i32
    %dma_start3A_851 = tpu.memref_slice %arg4[%add3A_764, %dma_start3A_850] : memref<416x16384xf32, #tpu.memory_space<hbm>> -> memref<1x8192xf32, #tpu.memory_space<hbm>>
    %dma_start3A_852 = tpu.memref_squeeze %dma_start3A_851 : memref<1x8192xf32, #tpu.memory_space<hbm>> -> memref<8192xf32, #tpu.memory_space<hbm>>
    %dma_start3A_853 = arith.constant 8192 : i32
    %dma_start3A_854 = tpu.memref_slice %arg4[%add3A_764, %dma_start3A_853] : memref<416x16384xf32, #tpu.memory_space<hbm>> -> memref<1x8192xf32, #tpu.memory_space<hbm>>
    %dma_start3A_855 = tpu.memref_squeeze %dma_start3A_854 : memref<1x8192xf32, #tpu.memory_space<hbm>> -> memref<8192xf32, #tpu.memory_space<hbm>>
    tpu.enqueue_dma source(%arg9 : memref<8192xf32, #tpu.memory_space<vmem>>) target(%dma_start3A_855 : memref<8192xf32, #tpu.memory_space<hbm>>) target_semaphore(%arg14 : memref<!tpu.dma_semaphore, #tpu.memory_space<semaphore_mem>>)
    %swap3A_856 = arith.constant 128 : index
    %swap3A_857 = tpu.vector_load %arg10[%swap3A_856] {strides = array<i32>} : memref<208xf32, #tpu.memory_space<vmem>>, vector<16xf32>,
    tpu.vector_store %arg10[%swap3A_856], %parallel_loop3A_849#0 {strides = array<i32>} : memref<208xf32, #tpu.memory_space<vmem>>, vector<16xf32>,
    %swap3A_858 = arith.constant 128 : index
    %swap3A_859 = tpu.vector_load %arg11[%swap3A_858] {strides = array<i32>} : memref<208xf32, #tpu.memory_space<vmem>>, vector<16xf32>,
    tpu.vector_store %arg11[%swap3A_858], %parallel_loop3A_849#1 {strides = array<i32>} : memref<208xf32, #tpu.memory_space<vmem>>, vector<16xf32>,
    %add3A_860 = arith.constant 9 : i32
    %add3A_861 = arith.addi %mul3A_2, %add3A_860 : i32
    %jit3A_862 = arith.constant 16 : i32
    %div3A_863 = arith.divsi %add3A_861, %jit3A_862 : i32
    %sign3A_864 = arith.constant 0 : i32
    %sign3A_865 = arith.cmpi sgt, %add3A_861, %sign3A_864 : i32
    %sign3A_866 = arith.extui %sign3A_865 : i1 to i32
    %sign3A_867 = arith.constant 0 : i32
    %sign3A_868 = arith.cmpi slt, %add3A_861, %sign3A_867 : i32
    %sign3A_869 = arith.extui %sign3A_868 : i1 to i32
    %sign3A_870 = arith.subi %sign3A_866, %sign3A_869 : i32
    %sign3A_871 = arith.constant 0 : i32
    %sign3A_872 = arith.cmpi sgt, %jit3A_862, %sign3A_871 : i32
    %sign3A_873 = arith.extui %sign3A_872 : i1 to i32
    %sign3A_874 = arith.constant 0 : i32
    %sign3A_875 = arith.cmpi slt, %jit3A_862, %sign3A_874 : i32
    %sign3A_876 = arith.extui %sign3A_875 : i1 to i32
    %sign3A_877 = arith.subi %sign3A_873, %sign3A_876 : i32
    %ne3A_878 = arith.cmpi ne, %sign3A_870, %sign3A_877 : i32
    %rem3A_879 = arith.remsi %add3A_861, %jit3A_862 : i32
    %ne3A_880 = arith.constant 0 : i32
    %ne3A_881 = arith.cmpi ne, %rem3A_879, %ne3A_880 : i32
    %and3A_882 = arith.andi %ne3A_878, %ne3A_881 : i1
    %sub3A_883 = arith.constant 1 : i32
    %sub3A_884 = arith.subi %div3A_863, %sub3A_883 : i32
    %select_n3A_885 = arith.select %and3A_882, %sub3A_884, %div3A_863 : i32
    %jit3A_886 = arith.constant 16 : i32
    %eq3A_887 = arith.constant 0 : i32
    %eq3A_888 = arith.cmpi eq, %jit3A_886, %eq3A_887 : i32
    %jit3A_889 = arith.constant 1 : i32
    %select_n3A_890 = arith.select %eq3A_888, %jit3A_889, %jit3A_886 : i32
    %rem3A_891 = arith.remsi %add3A_861, %select_n3A_890 : i32
    %ne3A_892 = arith.constant 0 : i32
    %ne3A_893 = arith.cmpi ne, %rem3A_891, %ne3A_892 : i32
    %lt3A_894 = arith.constant 0 : i32
    %lt3A_895 = arith.cmpi slt, %rem3A_891, %lt3A_894 : i32
    %lt3A_896 = arith.constant 0 : i32
    %lt3A_897 = arith.cmpi slt, %select_n3A_890, %lt3A_896 : i32
    %ne3A_898 = arith.xori %lt3A_895, %lt3A_897 : i1
    %and3A_899 = arith.andi %ne3A_898, %ne3A_893 : i1
    %add3A_900 = arith.addi %rem3A_891, %select_n3A_890 : i32
    %select_n3A_901 = arith.select %and3A_899, %add3A_900, %rem3A_891 : i32
    %dma_start3A_902 = arith.constant 0 : i32
    %dma_start3A_903 = tpu.memref_slice %arg2[%select_n3A_885, %select_n3A_901, %dma_start3A_902] : memref<26x16x100000xf32, #tpu.memory_space<hbm>> -> memref<1x1x100000xf32, #tpu.memory_space<hbm>>
    %dma_start3A_904 = tpu.memref_squeeze %dma_start3A_903 : memref<1x1x100000xf32, #tpu.memory_space<hbm>> -> memref<100000xf32, #tpu.memory_space<hbm>>
    %dma_start3A_905 = arith.constant 0 : i32
    %dma_start3A_906 = tpu.memref_slice %arg2[%select_n3A_885, %select_n3A_901, %dma_start3A_905] : memref<26x16x100000xf32, #tpu.memory_space<hbm>> -> memref<1x1x100000xf32, #tpu.memory_space<hbm>>
    %dma_start3A_907 = tpu.memref_squeeze %dma_start3A_906 : memref<1x1x100000xf32, #tpu.memory_space<hbm>> -> memref<100000xf32, #tpu.memory_space<hbm>>
    tpu.enqueue_dma source(%dma_start3A_907 : memref<100000xf32, #tpu.memory_space<hbm>>) target(%arg7 : memref<100000xf32, #tpu.memory_space<vmem>>) target_semaphore(%arg12 : memref<!tpu.dma_semaphore, #tpu.memory_space<semaphore_mem>>)
    %eq3A_908 = arith.constant 0 : i32
    %eq3A_909 = arith.cmpi eq, %select_n3A_901, %eq3A_908 : i32
    %convert_element_type3A_910 = arith.extui %eq3A_909 : i1 to i32
    %cond3A_911 = arith.constant 0 : i32
    %cond3A_912 = arith.cmpi ne, %convert_element_type3A_910, %cond3A_911 : i32
    scf.if %cond3A_912 {
      %dma_start3A_1278 = arith.constant 0 : i32
      %dma_start3A_1279 = tpu.memref_slice %arg3[%select_n3A_885, %dma_start3A_1278] : memref<26x16384xi32, #tpu.memory_space<hbm>> -> memref<1x16384xi32, #tpu.memory_space<hbm>>
      %dma_start3A_1280 = tpu.memref_squeeze %dma_start3A_1279 : memref<1x16384xi32, #tpu.memory_space<hbm>> -> memref<16384xi32, #tpu.memory_space<hbm>>
      %dma_start3A_1281 = arith.constant 0 : i32
      %dma_start3A_1282 = tpu.memref_slice %arg3[%select_n3A_885, %dma_start3A_1281] : memref<26x16384xi32, #tpu.memory_space<hbm>> -> memref<1x16384xi32, #tpu.memory_space<hbm>>
      %dma_start3A_1283 = tpu.memref_squeeze %dma_start3A_1282 : memref<1x16384xi32, #tpu.memory_space<hbm>> -> memref<16384xi32, #tpu.memory_space<hbm>>
      tpu.enqueue_dma source(%dma_start3A_1283 : memref<16384xi32, #tpu.memory_space<hbm>>) target(%arg8 : memref<16384xi32, #tpu.memory_space<vmem>>) target_semaphore(%arg13 : memref<!tpu.dma_semaphore, #tpu.memory_space<semaphore_mem>>)
      %dma_wait3A_1284 = arith.constant 0 : i32
      %dma_wait3A_1285 = tpu.memref_slice %arg3[%select_n3A_885, %dma_wait3A_1284] : memref<26x16384xi32, #tpu.memory_space<hbm>> -> memref<1x16384xi32, #tpu.memory_space<hbm>>
      %dma_wait3A_1286 = tpu.memref_squeeze %dma_wait3A_1285 : memref<1x16384xi32, #tpu.memory_space<hbm>> -> memref<16384xi32, #tpu.memory_space<hbm>>
      %dma_wait3A_1287 = arith.constant 0 : i32
      %dma_wait3A_1288 = tpu.memref_slice %arg3[%select_n3A_885, %dma_wait3A_1287] : memref<26x16384xi32, #tpu.memory_space<hbm>> -> memref<1x16384xi32, #tpu.memory_space<hbm>>
      %dma_wait3A_1289 = tpu.memref_squeeze %dma_wait3A_1288 : memref<1x16384xi32, #tpu.memory_space<hbm>> -> memref<16384xi32, #tpu.memory_space<hbm>>
      tpu.wait_dma2 semaphore(%arg13 : memref<!tpu.dma_semaphore, #tpu.memory_space<semaphore_mem>>) src(%dma_wait3A_1289 : memref<16384xi32, #tpu.memory_space<hbm>>) dst(%arg8 : memref<16384xi32, #tpu.memory_space<vmem>>)
    } else {
    }
    %dma_wait3A_913 = arith.constant 0 : i32
    %dma_wait3A_914 = tpu.memref_slice %arg2[%select_n3A_885, %select_n3A_901, %dma_wait3A_913] : memref<26x16x100000xf32, #tpu.memory_space<hbm>> -> memref<1x1x100000xf32, #tpu.memory_space<hbm>>
    %dma_wait3A_915 = tpu.memref_squeeze %dma_wait3A_914 : memref<1x1x100000xf32, #tpu.memory_space<hbm>> -> memref<100000xf32, #tpu.memory_space<hbm>>
    %dma_wait3A_916 = arith.constant 0 : i32
    %dma_wait3A_917 = tpu.memref_slice %arg2[%select_n3A_885, %select_n3A_901, %dma_wait3A_916] : memref<26x16x100000xf32, #tpu.memory_space<hbm>> -> memref<1x1x100000xf32, #tpu.memory_space<hbm>>
    %dma_wait3A_918 = tpu.memref_squeeze %dma_wait3A_917 : memref<1x1x100000xf32, #tpu.memory_space<hbm>> -> memref<100000xf32, #tpu.memory_space<hbm>>
    tpu.wait_dma2 semaphore(%arg12 : memref<!tpu.dma_semaphore, #tpu.memory_space<semaphore_mem>>) src(%dma_wait3A_918 : memref<100000xf32, #tpu.memory_space<hbm>>) dst(%arg7 : memref<100000xf32, #tpu.memory_space<vmem>>)
    %broadcast_in_dim3A_919 = arith.constant 0.000000e+00 : f32
    %broadcast_in_dim3A_920 = vector.broadcast %broadcast_in_dim3A_919 : f32 to vector<16xf32>
    %dma_wait3A_921 = arith.constant 8192 : i32
    %dma_wait3A_922 = tpu.memref_slice %arg4[%add3A_764, %dma_wait3A_921] : memref<416x16384xf32, #tpu.memory_space<hbm>> -> memref<1x8192xf32, #tpu.memory_space<hbm>>
    %dma_wait3A_923 = tpu.memref_squeeze %dma_wait3A_922 : memref<1x8192xf32, #tpu.memory_space<hbm>> -> memref<8192xf32, #tpu.memory_space<hbm>>
    %dma_wait3A_924 = arith.constant 8192 : i32
    %dma_wait3A_925 = tpu.memref_slice %arg4[%add3A_764, %dma_wait3A_924] : memref<416x16384xf32, #tpu.memory_space<hbm>> -> memref<1x8192xf32, #tpu.memory_space<hbm>>
    %dma_wait3A_926 = tpu.memref_squeeze %dma_wait3A_925 : memref<1x8192xf32, #tpu.memory_space<hbm>> -> memref<8192xf32, #tpu.memory_space<hbm>>
    tpu.wait_dma2 semaphore(%arg14 : memref<!tpu.dma_semaphore, #tpu.memory_space<semaphore_mem>>) src(%arg9 : memref<8192xf32, #tpu.memory_space<vmem>>) dst(%dma_wait3A_926 : memref<8192xf32, #tpu.memory_space<hbm>>)
    %parallel_loop3A_927 = arith.constant 0 : i32
    %parallel_loop3A_928 = arith.constant 512 : i32
    %parallel_loop3A_929 = arith.constant 1 : i32
    %parallel_loop3A_930:2 = scf.for %parallel_loop3A_1278 = %parallel_loop3A_927 to %parallel_loop3A_928 step %parallel_loop3A_929 iter_args(%parallel_loop3A_1279 = %broadcast_in_dim3A_920, %parallel_loop3A_1280 = %broadcast_in_dim3A_920) -> (vector<16xf32>, vector<16xf32>)  : i32 {
      %parallel_loop3A_1281 = arith.constant 16 : i32
      %parallel_loop3A_1282 = arith.muli %parallel_loop3A_1278, %parallel_loop3A_1281 : i32
      %parallel_loop3A_1283 = arith.constant 0 : i32
      %parallel_loop3A_1284 = arith.addi %parallel_loop3A_1283, %parallel_loop3A_1282 : i32
      %parallel_loop3A_1285 = arith.index_cast %parallel_loop3A_1284 : i32 to index
      %parallel_loop3A_1286 = tpu.vector_load %arg8[%parallel_loop3A_1285] {strides = array<i32>} : memref<16384xi32, #tpu.memory_space<vmem>>, vector<16xi32>,
      %parallel_loop3A_1287 = tpu.vector_load_idx %arg7[%parallel_loop3A_1286] : memref<100000xf32, #tpu.memory_space<vmem>>[vector<16xi32>], vector<16xf32>,
      %parallel_loop3A_1288 = arith.constant 16 : i32
      %parallel_loop3A_1289 = arith.muli %parallel_loop3A_1278, %parallel_loop3A_1288 : i32
      %parallel_loop3A_1290 = arith.index_cast %parallel_loop3A_1289 : i32 to index
      %parallel_loop3A_1291 = tpu.vector_load %arg9[%parallel_loop3A_1290] {strides = array<i32>} : memref<8192xf32, #tpu.memory_space<vmem>>, vector<16xf32>,
      tpu.vector_store %arg9[%parallel_loop3A_1290], %parallel_loop3A_1287 {strides = array<i32>} : memref<8192xf32, #tpu.memory_space<vmem>>, vector<16xf32>,
      %parallel_loop3A_1292 = arith.addf %parallel_loop3A_1279, %parallel_loop3A_1287 : vector<16xf32>
      %parallel_loop3A_1293 = arith.mulf %parallel_loop3A_1287, %parallel_loop3A_1287 : vector<16xf32>
      %parallel_loop3A_1294 = arith.addf %parallel_loop3A_1280, %parallel_loop3A_1293 : vector<16xf32>
      scf.yield %parallel_loop3A_1292, %parallel_loop3A_1294 : vector<16xf32>, vector<16xf32>
    } {sc.loop_unroll_factor = 8 : i64, sc.parallel_access}
    %dma_start3A_931 = arith.constant 0 : i32
    %dma_start3A_932 = tpu.memref_slice %arg4[%add3A_861, %dma_start3A_931] : memref<416x16384xf32, #tpu.memory_space<hbm>> -> memref<1x8192xf32, #tpu.memory_space<hbm>>
    %dma_start3A_933 = tpu.memref_squeeze %dma_start3A_932 : memref<1x8192xf32, #tpu.memory_space<hbm>> -> memref<8192xf32, #tpu.memory_space<hbm>>
    %dma_start3A_934 = arith.constant 0 : i32
    %dma_start3A_935 = tpu.memref_slice %arg4[%add3A_861, %dma_start3A_934] : memref<416x16384xf32, #tpu.memory_space<hbm>> -> memref<1x8192xf32, #tpu.memory_space<hbm>>
    %dma_start3A_936 = tpu.memref_squeeze %dma_start3A_935 : memref<1x8192xf32, #tpu.memory_space<hbm>> -> memref<8192xf32, #tpu.memory_space<hbm>>
    tpu.enqueue_dma source(%arg9 : memref<8192xf32, #tpu.memory_space<vmem>>) target(%dma_start3A_936 : memref<8192xf32, #tpu.memory_space<hbm>>) target_semaphore(%arg14 : memref<!tpu.dma_semaphore, #tpu.memory_space<semaphore_mem>>)
    %dma_wait3A_937 = arith.constant 0 : i32
    %dma_wait3A_938 = tpu.memref_slice %arg4[%add3A_861, %dma_wait3A_937] : memref<416x16384xf32, #tpu.memory_space<hbm>> -> memref<1x8192xf32, #tpu.memory_space<hbm>>
    %dma_wait3A_939 = tpu.memref_squeeze %dma_wait3A_938 : memref<1x8192xf32, #tpu.memory_space<hbm>> -> memref<8192xf32, #tpu.memory_space<hbm>>
    %dma_wait3A_940 = arith.constant 0 : i32
    %dma_wait3A_941 = tpu.memref_slice %arg4[%add3A_861, %dma_wait3A_940] : memref<416x16384xf32, #tpu.memory_space<hbm>> -> memref<1x8192xf32, #tpu.memory_space<hbm>>
    %dma_wait3A_942 = tpu.memref_squeeze %dma_wait3A_941 : memref<1x8192xf32, #tpu.memory_space<hbm>> -> memref<8192xf32, #tpu.memory_space<hbm>>
    tpu.wait_dma2 semaphore(%arg14 : memref<!tpu.dma_semaphore, #tpu.memory_space<semaphore_mem>>) src(%arg9 : memref<8192xf32, #tpu.memory_space<vmem>>) dst(%dma_wait3A_942 : memref<8192xf32, #tpu.memory_space<hbm>>)
    %parallel_loop3A_943 = arith.constant 0 : i32
    %parallel_loop3A_944 = arith.constant 512 : i32
    %parallel_loop3A_945 = arith.constant 1 : i32
    %parallel_loop3A_946:2 = scf.for %parallel_loop3A_1278 = %parallel_loop3A_943 to %parallel_loop3A_944 step %parallel_loop3A_945 iter_args(%parallel_loop3A_1279 = %parallel_loop3A_930#0, %parallel_loop3A_1280 = %parallel_loop3A_930#1) -> (vector<16xf32>, vector<16xf32>)  : i32 {
      %parallel_loop3A_1281 = arith.constant 16 : i32
      %parallel_loop3A_1282 = arith.muli %parallel_loop3A_1278, %parallel_loop3A_1281 : i32
      %parallel_loop3A_1283 = arith.constant 8192 : i32
      %parallel_loop3A_1284 = arith.addi %parallel_loop3A_1283, %parallel_loop3A_1282 : i32
      %parallel_loop3A_1285 = arith.index_cast %parallel_loop3A_1284 : i32 to index
      %parallel_loop3A_1286 = tpu.vector_load %arg8[%parallel_loop3A_1285] {strides = array<i32>} : memref<16384xi32, #tpu.memory_space<vmem>>, vector<16xi32>,
      %parallel_loop3A_1287 = tpu.vector_load_idx %arg7[%parallel_loop3A_1286] : memref<100000xf32, #tpu.memory_space<vmem>>[vector<16xi32>], vector<16xf32>,
      %parallel_loop3A_1288 = arith.constant 16 : i32
      %parallel_loop3A_1289 = arith.muli %parallel_loop3A_1278, %parallel_loop3A_1288 : i32
      %parallel_loop3A_1290 = arith.index_cast %parallel_loop3A_1289 : i32 to index
      %parallel_loop3A_1291 = tpu.vector_load %arg9[%parallel_loop3A_1290] {strides = array<i32>} : memref<8192xf32, #tpu.memory_space<vmem>>, vector<16xf32>,
      tpu.vector_store %arg9[%parallel_loop3A_1290], %parallel_loop3A_1287 {strides = array<i32>} : memref<8192xf32, #tpu.memory_space<vmem>>, vector<16xf32>,
      %parallel_loop3A_1292 = arith.addf %parallel_loop3A_1279, %parallel_loop3A_1287 : vector<16xf32>
      %parallel_loop3A_1293 = arith.mulf %parallel_loop3A_1287, %parallel_loop3A_1287 : vector<16xf32>
      %parallel_loop3A_1294 = arith.addf %parallel_loop3A_1280, %parallel_loop3A_1293 : vector<16xf32>
      scf.yield %parallel_loop3A_1292, %parallel_loop3A_1294 : vector<16xf32>, vector<16xf32>
    } {sc.loop_unroll_factor = 8 : i64, sc.parallel_access}
    %dma_start3A_947 = arith.constant 8192 : i32
    %dma_start3A_948 = tpu.memref_slice %arg4[%add3A_861, %dma_start3A_947] : memref<416x16384xf32, #tpu.memory_space<hbm>> -> memref<1x8192xf32, #tpu.memory_space<hbm>>
    %dma_start3A_949 = tpu.memref_squeeze %dma_start3A_948 : memref<1x8192xf32, #tpu.memory_space<hbm>> -> memref<8192xf32, #tpu.memory_space<hbm>>
    %dma_start3A_950 = arith.constant 8192 : i32
    %dma_start3A_951 = tpu.memref_slice %arg4[%add3A_861, %dma_start3A_950] : memref<416x16384xf32, #tpu.memory_space<hbm>> -> memref<1x8192xf32, #tpu.memory_space<hbm>>
    %dma_start3A_952 = tpu.memref_squeeze %dma_start3A_951 : memref<1x8192xf32, #tpu.memory_space<hbm>> -> memref<8192xf32, #tpu.memory_space<hbm>>
    tpu.enqueue_dma source(%arg9 : memref<8192xf32, #tpu.memory_space<vmem>>) target(%dma_start3A_952 : memref<8192xf32, #tpu.memory_space<hbm>>) target_semaphore(%arg14 : memref<!tpu.dma_semaphore, #tpu.memory_space<semaphore_mem>>)
    %swap3A_953 = arith.constant 144 : index
    %swap3A_954 = tpu.vector_load %arg10[%swap3A_953] {strides = array<i32>} : memref<208xf32, #tpu.memory_space<vmem>>, vector<16xf32>,
    tpu.vector_store %arg10[%swap3A_953], %parallel_loop3A_946#0 {strides = array<i32>} : memref<208xf32, #tpu.memory_space<vmem>>, vector<16xf32>,
    %swap3A_955 = arith.constant 144 : index
    %swap3A_956 = tpu.vector_load %arg11[%swap3A_955] {strides = array<i32>} : memref<208xf32, #tpu.memory_space<vmem>>, vector<16xf32>,
    tpu.vector_store %arg11[%swap3A_955], %parallel_loop3A_946#1 {strides = array<i32>} : memref<208xf32, #tpu.memory_space<vmem>>, vector<16xf32>,
    %add3A_957 = arith.constant 10 : i32
    %add3A_958 = arith.addi %mul3A_2, %add3A_957 : i32
    %jit3A_959 = arith.constant 16 : i32
    %div3A_960 = arith.divsi %add3A_958, %jit3A_959 : i32
    %sign3A_961 = arith.constant 0 : i32
    %sign3A_962 = arith.cmpi sgt, %add3A_958, %sign3A_961 : i32
    %sign3A_963 = arith.extui %sign3A_962 : i1 to i32
    %sign3A_964 = arith.constant 0 : i32
    %sign3A_965 = arith.cmpi slt, %add3A_958, %sign3A_964 : i32
    %sign3A_966 = arith.extui %sign3A_965 : i1 to i32
    %sign3A_967 = arith.subi %sign3A_963, %sign3A_966 : i32
    %sign3A_968 = arith.constant 0 : i32
    %sign3A_969 = arith.cmpi sgt, %jit3A_959, %sign3A_968 : i32
    %sign3A_970 = arith.extui %sign3A_969 : i1 to i32
    %sign3A_971 = arith.constant 0 : i32
    %sign3A_972 = arith.cmpi slt, %jit3A_959, %sign3A_971 : i32
    %sign3A_973 = arith.extui %sign3A_972 : i1 to i32
    %sign3A_974 = arith.subi %sign3A_970, %sign3A_973 : i32
    %ne3A_975 = arith.cmpi ne, %sign3A_967, %sign3A_974 : i32
    %rem3A_976 = arith.remsi %add3A_958, %jit3A_959 : i32
    %ne3A_977 = arith.constant 0 : i32
    %ne3A_978 = arith.cmpi ne, %rem3A_976, %ne3A_977 : i32
    %and3A_979 = arith.andi %ne3A_975, %ne3A_978 : i1
    %sub3A_980 = arith.constant 1 : i32
    %sub3A_981 = arith.subi %div3A_960, %sub3A_980 : i32
    %select_n3A_982 = arith.select %and3A_979, %sub3A_981, %div3A_960 : i32
    %jit3A_983 = arith.constant 16 : i32
    %eq3A_984 = arith.constant 0 : i32
    %eq3A_985 = arith.cmpi eq, %jit3A_983, %eq3A_984 : i32
    %jit3A_986 = arith.constant 1 : i32
    %select_n3A_987 = arith.select %eq3A_985, %jit3A_986, %jit3A_983 : i32
    %rem3A_988 = arith.remsi %add3A_958, %select_n3A_987 : i32
    %ne3A_989 = arith.constant 0 : i32
    %ne3A_990 = arith.cmpi ne, %rem3A_988, %ne3A_989 : i32
    %lt3A_991 = arith.constant 0 : i32
    %lt3A_992 = arith.cmpi slt, %rem3A_988, %lt3A_991 : i32
    %lt3A_993 = arith.constant 0 : i32
    %lt3A_994 = arith.cmpi slt, %select_n3A_987, %lt3A_993 : i32
    %ne3A_995 = arith.xori %lt3A_992, %lt3A_994 : i1
    %and3A_996 = arith.andi %ne3A_995, %ne3A_990 : i1
    %add3A_997 = arith.addi %rem3A_988, %select_n3A_987 : i32
    %select_n3A_998 = arith.select %and3A_996, %add3A_997, %rem3A_988 : i32
    %dma_start3A_999 = arith.constant 0 : i32
    %dma_start3A_1000 = tpu.memref_slice %arg2[%select_n3A_982, %select_n3A_998, %dma_start3A_999] : memref<26x16x100000xf32, #tpu.memory_space<hbm>> -> memref<1x1x100000xf32, #tpu.memory_space<hbm>>
    %dma_start3A_1001 = tpu.memref_squeeze %dma_start3A_1000 : memref<1x1x100000xf32, #tpu.memory_space<hbm>> -> memref<100000xf32, #tpu.memory_space<hbm>>
    %dma_start3A_1002 = arith.constant 0 : i32
    %dma_start3A_1003 = tpu.memref_slice %arg2[%select_n3A_982, %select_n3A_998, %dma_start3A_1002] : memref<26x16x100000xf32, #tpu.memory_space<hbm>> -> memref<1x1x100000xf32, #tpu.memory_space<hbm>>
    %dma_start3A_1004 = tpu.memref_squeeze %dma_start3A_1003 : memref<1x1x100000xf32, #tpu.memory_space<hbm>> -> memref<100000xf32, #tpu.memory_space<hbm>>
    tpu.enqueue_dma source(%dma_start3A_1004 : memref<100000xf32, #tpu.memory_space<hbm>>) target(%arg7 : memref<100000xf32, #tpu.memory_space<vmem>>) target_semaphore(%arg12 : memref<!tpu.dma_semaphore, #tpu.memory_space<semaphore_mem>>)
    %eq3A_1005 = arith.constant 0 : i32
    %eq3A_1006 = arith.cmpi eq, %select_n3A_998, %eq3A_1005 : i32
    %convert_element_type3A_1007 = arith.extui %eq3A_1006 : i1 to i32
    %cond3A_1008 = arith.constant 0 : i32
    %cond3A_1009 = arith.cmpi ne, %convert_element_type3A_1007, %cond3A_1008 : i32
    scf.if %cond3A_1009 {
      %dma_start3A_1278 = arith.constant 0 : i32
      %dma_start3A_1279 = tpu.memref_slice %arg3[%select_n3A_982, %dma_start3A_1278] : memref<26x16384xi32, #tpu.memory_space<hbm>> -> memref<1x16384xi32, #tpu.memory_space<hbm>>
      %dma_start3A_1280 = tpu.memref_squeeze %dma_start3A_1279 : memref<1x16384xi32, #tpu.memory_space<hbm>> -> memref<16384xi32, #tpu.memory_space<hbm>>
      %dma_start3A_1281 = arith.constant 0 : i32
      %dma_start3A_1282 = tpu.memref_slice %arg3[%select_n3A_982, %dma_start3A_1281] : memref<26x16384xi32, #tpu.memory_space<hbm>> -> memref<1x16384xi32, #tpu.memory_space<hbm>>
      %dma_start3A_1283 = tpu.memref_squeeze %dma_start3A_1282 : memref<1x16384xi32, #tpu.memory_space<hbm>> -> memref<16384xi32, #tpu.memory_space<hbm>>
      tpu.enqueue_dma source(%dma_start3A_1283 : memref<16384xi32, #tpu.memory_space<hbm>>) target(%arg8 : memref<16384xi32, #tpu.memory_space<vmem>>) target_semaphore(%arg13 : memref<!tpu.dma_semaphore, #tpu.memory_space<semaphore_mem>>)
      %dma_wait3A_1284 = arith.constant 0 : i32
      %dma_wait3A_1285 = tpu.memref_slice %arg3[%select_n3A_982, %dma_wait3A_1284] : memref<26x16384xi32, #tpu.memory_space<hbm>> -> memref<1x16384xi32, #tpu.memory_space<hbm>>
      %dma_wait3A_1286 = tpu.memref_squeeze %dma_wait3A_1285 : memref<1x16384xi32, #tpu.memory_space<hbm>> -> memref<16384xi32, #tpu.memory_space<hbm>>
      %dma_wait3A_1287 = arith.constant 0 : i32
      %dma_wait3A_1288 = tpu.memref_slice %arg3[%select_n3A_982, %dma_wait3A_1287] : memref<26x16384xi32, #tpu.memory_space<hbm>> -> memref<1x16384xi32, #tpu.memory_space<hbm>>
      %dma_wait3A_1289 = tpu.memref_squeeze %dma_wait3A_1288 : memref<1x16384xi32, #tpu.memory_space<hbm>> -> memref<16384xi32, #tpu.memory_space<hbm>>
      tpu.wait_dma2 semaphore(%arg13 : memref<!tpu.dma_semaphore, #tpu.memory_space<semaphore_mem>>) src(%dma_wait3A_1289 : memref<16384xi32, #tpu.memory_space<hbm>>) dst(%arg8 : memref<16384xi32, #tpu.memory_space<vmem>>)
    } else {
    }
    %dma_wait3A_1010 = arith.constant 0 : i32
    %dma_wait3A_1011 = tpu.memref_slice %arg2[%select_n3A_982, %select_n3A_998, %dma_wait3A_1010] : memref<26x16x100000xf32, #tpu.memory_space<hbm>> -> memref<1x1x100000xf32, #tpu.memory_space<hbm>>
    %dma_wait3A_1012 = tpu.memref_squeeze %dma_wait3A_1011 : memref<1x1x100000xf32, #tpu.memory_space<hbm>> -> memref<100000xf32, #tpu.memory_space<hbm>>
    %dma_wait3A_1013 = arith.constant 0 : i32
    %dma_wait3A_1014 = tpu.memref_slice %arg2[%select_n3A_982, %select_n3A_998, %dma_wait3A_1013] : memref<26x16x100000xf32, #tpu.memory_space<hbm>> -> memref<1x1x100000xf32, #tpu.memory_space<hbm>>
    %dma_wait3A_1015 = tpu.memref_squeeze %dma_wait3A_1014 : memref<1x1x100000xf32, #tpu.memory_space<hbm>> -> memref<100000xf32, #tpu.memory_space<hbm>>
    tpu.wait_dma2 semaphore(%arg12 : memref<!tpu.dma_semaphore, #tpu.memory_space<semaphore_mem>>) src(%dma_wait3A_1015 : memref<100000xf32, #tpu.memory_space<hbm>>) dst(%arg7 : memref<100000xf32, #tpu.memory_space<vmem>>)
    %broadcast_in_dim3A_1016 = arith.constant 0.000000e+00 : f32
    %broadcast_in_dim3A_1017 = vector.broadcast %broadcast_in_dim3A_1016 : f32 to vector<16xf32>
    %dma_wait3A_1018 = arith.constant 8192 : i32
    %dma_wait3A_1019 = tpu.memref_slice %arg4[%add3A_861, %dma_wait3A_1018] : memref<416x16384xf32, #tpu.memory_space<hbm>> -> memref<1x8192xf32, #tpu.memory_space<hbm>>
    %dma_wait3A_1020 = tpu.memref_squeeze %dma_wait3A_1019 : memref<1x8192xf32, #tpu.memory_space<hbm>> -> memref<8192xf32, #tpu.memory_space<hbm>>
    %dma_wait3A_1021 = arith.constant 8192 : i32
    %dma_wait3A_1022 = tpu.memref_slice %arg4[%add3A_861, %dma_wait3A_1021] : memref<416x16384xf32, #tpu.memory_space<hbm>> -> memref<1x8192xf32, #tpu.memory_space<hbm>>
    %dma_wait3A_1023 = tpu.memref_squeeze %dma_wait3A_1022 : memref<1x8192xf32, #tpu.memory_space<hbm>> -> memref<8192xf32, #tpu.memory_space<hbm>>
    tpu.wait_dma2 semaphore(%arg14 : memref<!tpu.dma_semaphore, #tpu.memory_space<semaphore_mem>>) src(%arg9 : memref<8192xf32, #tpu.memory_space<vmem>>) dst(%dma_wait3A_1023 : memref<8192xf32, #tpu.memory_space<hbm>>)
    %parallel_loop3A_1024 = arith.constant 0 : i32
    %parallel_loop3A_1025 = arith.constant 512 : i32
    %parallel_loop3A_1026 = arith.constant 1 : i32
    %parallel_loop3A_1027:2 = scf.for %parallel_loop3A_1278 = %parallel_loop3A_1024 to %parallel_loop3A_1025 step %parallel_loop3A_1026 iter_args(%parallel_loop3A_1279 = %broadcast_in_dim3A_1017, %parallel_loop3A_1280 = %broadcast_in_dim3A_1017) -> (vector<16xf32>, vector<16xf32>)  : i32 {
      %parallel_loop3A_1281 = arith.constant 16 : i32
      %parallel_loop3A_1282 = arith.muli %parallel_loop3A_1278, %parallel_loop3A_1281 : i32
      %parallel_loop3A_1283 = arith.constant 0 : i32
      %parallel_loop3A_1284 = arith.addi %parallel_loop3A_1283, %parallel_loop3A_1282 : i32
      %parallel_loop3A_1285 = arith.index_cast %parallel_loop3A_1284 : i32 to index
      %parallel_loop3A_1286 = tpu.vector_load %arg8[%parallel_loop3A_1285] {strides = array<i32>} : memref<16384xi32, #tpu.memory_space<vmem>>, vector<16xi32>,
      %parallel_loop3A_1287 = tpu.vector_load_idx %arg7[%parallel_loop3A_1286] : memref<100000xf32, #tpu.memory_space<vmem>>[vector<16xi32>], vector<16xf32>,
      %parallel_loop3A_1288 = arith.constant 16 : i32
      %parallel_loop3A_1289 = arith.muli %parallel_loop3A_1278, %parallel_loop3A_1288 : i32
      %parallel_loop3A_1290 = arith.index_cast %parallel_loop3A_1289 : i32 to index
      %parallel_loop3A_1291 = tpu.vector_load %arg9[%parallel_loop3A_1290] {strides = array<i32>} : memref<8192xf32, #tpu.memory_space<vmem>>, vector<16xf32>,
      tpu.vector_store %arg9[%parallel_loop3A_1290], %parallel_loop3A_1287 {strides = array<i32>} : memref<8192xf32, #tpu.memory_space<vmem>>, vector<16xf32>,
      %parallel_loop3A_1292 = arith.addf %parallel_loop3A_1279, %parallel_loop3A_1287 : vector<16xf32>
      %parallel_loop3A_1293 = arith.mulf %parallel_loop3A_1287, %parallel_loop3A_1287 : vector<16xf32>
      %parallel_loop3A_1294 = arith.addf %parallel_loop3A_1280, %parallel_loop3A_1293 : vector<16xf32>
      scf.yield %parallel_loop3A_1292, %parallel_loop3A_1294 : vector<16xf32>, vector<16xf32>
    } {sc.loop_unroll_factor = 8 : i64, sc.parallel_access}
    %dma_start3A_1028 = arith.constant 0 : i32
    %dma_start3A_1029 = tpu.memref_slice %arg4[%add3A_958, %dma_start3A_1028] : memref<416x16384xf32, #tpu.memory_space<hbm>> -> memref<1x8192xf32, #tpu.memory_space<hbm>>
    %dma_start3A_1030 = tpu.memref_squeeze %dma_start3A_1029 : memref<1x8192xf32, #tpu.memory_space<hbm>> -> memref<8192xf32, #tpu.memory_space<hbm>>
    %dma_start3A_1031 = arith.constant 0 : i32
    %dma_start3A_1032 = tpu.memref_slice %arg4[%add3A_958, %dma_start3A_1031] : memref<416x16384xf32, #tpu.memory_space<hbm>> -> memref<1x8192xf32, #tpu.memory_space<hbm>>
    %dma_start3A_1033 = tpu.memref_squeeze %dma_start3A_1032 : memref<1x8192xf32, #tpu.memory_space<hbm>> -> memref<8192xf32, #tpu.memory_space<hbm>>
    tpu.enqueue_dma source(%arg9 : memref<8192xf32, #tpu.memory_space<vmem>>) target(%dma_start3A_1033 : memref<8192xf32, #tpu.memory_space<hbm>>) target_semaphore(%arg14 : memref<!tpu.dma_semaphore, #tpu.memory_space<semaphore_mem>>)
    %dma_wait3A_1034 = arith.constant 0 : i32
    %dma_wait3A_1035 = tpu.memref_slice %arg4[%add3A_958, %dma_wait3A_1034] : memref<416x16384xf32, #tpu.memory_space<hbm>> -> memref<1x8192xf32, #tpu.memory_space<hbm>>
    %dma_wait3A_1036 = tpu.memref_squeeze %dma_wait3A_1035 : memref<1x8192xf32, #tpu.memory_space<hbm>> -> memref<8192xf32, #tpu.memory_space<hbm>>
    %dma_wait3A_1037 = arith.constant 0 : i32
    %dma_wait3A_1038 = tpu.memref_slice %arg4[%add3A_958, %dma_wait3A_1037] : memref<416x16384xf32, #tpu.memory_space<hbm>> -> memref<1x8192xf32, #tpu.memory_space<hbm>>
    %dma_wait3A_1039 = tpu.memref_squeeze %dma_wait3A_1038 : memref<1x8192xf32, #tpu.memory_space<hbm>> -> memref<8192xf32, #tpu.memory_space<hbm>>
    tpu.wait_dma2 semaphore(%arg14 : memref<!tpu.dma_semaphore, #tpu.memory_space<semaphore_mem>>) src(%arg9 : memref<8192xf32, #tpu.memory_space<vmem>>) dst(%dma_wait3A_1039 : memref<8192xf32, #tpu.memory_space<hbm>>)
    %parallel_loop3A_1040 = arith.constant 0 : i32
    %parallel_loop3A_1041 = arith.constant 512 : i32
    %parallel_loop3A_1042 = arith.constant 1 : i32
    %parallel_loop3A_1043:2 = scf.for %parallel_loop3A_1278 = %parallel_loop3A_1040 to %parallel_loop3A_1041 step %parallel_loop3A_1042 iter_args(%parallel_loop3A_1279 = %parallel_loop3A_1027#0, %parallel_loop3A_1280 = %parallel_loop3A_1027#1) -> (vector<16xf32>, vector<16xf32>)  : i32 {
      %parallel_loop3A_1281 = arith.constant 16 : i32
      %parallel_loop3A_1282 = arith.muli %parallel_loop3A_1278, %parallel_loop3A_1281 : i32
      %parallel_loop3A_1283 = arith.constant 8192 : i32
      %parallel_loop3A_1284 = arith.addi %parallel_loop3A_1283, %parallel_loop3A_1282 : i32
      %parallel_loop3A_1285 = arith.index_cast %parallel_loop3A_1284 : i32 to index
      %parallel_loop3A_1286 = tpu.vector_load %arg8[%parallel_loop3A_1285] {strides = array<i32>} : memref<16384xi32, #tpu.memory_space<vmem>>, vector<16xi32>,
      %parallel_loop3A_1287 = tpu.vector_load_idx %arg7[%parallel_loop3A_1286] : memref<100000xf32, #tpu.memory_space<vmem>>[vector<16xi32>], vector<16xf32>,
      %parallel_loop3A_1288 = arith.constant 16 : i32
      %parallel_loop3A_1289 = arith.muli %parallel_loop3A_1278, %parallel_loop3A_1288 : i32
      %parallel_loop3A_1290 = arith.index_cast %parallel_loop3A_1289 : i32 to index
      %parallel_loop3A_1291 = tpu.vector_load %arg9[%parallel_loop3A_1290] {strides = array<i32>} : memref<8192xf32, #tpu.memory_space<vmem>>, vector<16xf32>,
      tpu.vector_store %arg9[%parallel_loop3A_1290], %parallel_loop3A_1287 {strides = array<i32>} : memref<8192xf32, #tpu.memory_space<vmem>>, vector<16xf32>,
      %parallel_loop3A_1292 = arith.addf %parallel_loop3A_1279, %parallel_loop3A_1287 : vector<16xf32>
      %parallel_loop3A_1293 = arith.mulf %parallel_loop3A_1287, %parallel_loop3A_1287 : vector<16xf32>
      %parallel_loop3A_1294 = arith.addf %parallel_loop3A_1280, %parallel_loop3A_1293 : vector<16xf32>
      scf.yield %parallel_loop3A_1292, %parallel_loop3A_1294 : vector<16xf32>, vector<16xf32>
    } {sc.loop_unroll_factor = 8 : i64, sc.parallel_access}
    %dma_start3A_1044 = arith.constant 8192 : i32
    %dma_start3A_1045 = tpu.memref_slice %arg4[%add3A_958, %dma_start3A_1044] : memref<416x16384xf32, #tpu.memory_space<hbm>> -> memref<1x8192xf32, #tpu.memory_space<hbm>>
    %dma_start3A_1046 = tpu.memref_squeeze %dma_start3A_1045 : memref<1x8192xf32, #tpu.memory_space<hbm>> -> memref<8192xf32, #tpu.memory_space<hbm>>
    %dma_start3A_1047 = arith.constant 8192 : i32
    %dma_start3A_1048 = tpu.memref_slice %arg4[%add3A_958, %dma_start3A_1047] : memref<416x16384xf32, #tpu.memory_space<hbm>> -> memref<1x8192xf32, #tpu.memory_space<hbm>>
    %dma_start3A_1049 = tpu.memref_squeeze %dma_start3A_1048 : memref<1x8192xf32, #tpu.memory_space<hbm>> -> memref<8192xf32, #tpu.memory_space<hbm>>
    tpu.enqueue_dma source(%arg9 : memref<8192xf32, #tpu.memory_space<vmem>>) target(%dma_start3A_1049 : memref<8192xf32, #tpu.memory_space<hbm>>) target_semaphore(%arg14 : memref<!tpu.dma_semaphore, #tpu.memory_space<semaphore_mem>>)
    %swap3A_1050 = arith.constant 160 : index
    %swap3A_1051 = tpu.vector_load %arg10[%swap3A_1050] {strides = array<i32>} : memref<208xf32, #tpu.memory_space<vmem>>, vector<16xf32>,
    tpu.vector_store %arg10[%swap3A_1050], %parallel_loop3A_1043#0 {strides = array<i32>} : memref<208xf32, #tpu.memory_space<vmem>>, vector<16xf32>,
    %swap3A_1052 = arith.constant 160 : index
    %swap3A_1053 = tpu.vector_load %arg11[%swap3A_1052] {strides = array<i32>} : memref<208xf32, #tpu.memory_space<vmem>>, vector<16xf32>,
    tpu.vector_store %arg11[%swap3A_1052], %parallel_loop3A_1043#1 {strides = array<i32>} : memref<208xf32, #tpu.memory_space<vmem>>, vector<16xf32>,
    %add3A_1054 = arith.constant 11 : i32
    %add3A_1055 = arith.addi %mul3A_2, %add3A_1054 : i32
    %jit3A_1056 = arith.constant 16 : i32
    %div3A_1057 = arith.divsi %add3A_1055, %jit3A_1056 : i32
    %sign3A_1058 = arith.constant 0 : i32
    %sign3A_1059 = arith.cmpi sgt, %add3A_1055, %sign3A_1058 : i32
    %sign3A_1060 = arith.extui %sign3A_1059 : i1 to i32
    %sign3A_1061 = arith.constant 0 : i32
    %sign3A_1062 = arith.cmpi slt, %add3A_1055, %sign3A_1061 : i32
    %sign3A_1063 = arith.extui %sign3A_1062 : i1 to i32
    %sign3A_1064 = arith.subi %sign3A_1060, %sign3A_1063 : i32
    %sign3A_1065 = arith.constant 0 : i32
    %sign3A_1066 = arith.cmpi sgt, %jit3A_1056, %sign3A_1065 : i32
    %sign3A_1067 = arith.extui %sign3A_1066 : i1 to i32
    %sign3A_1068 = arith.constant 0 : i32
    %sign3A_1069 = arith.cmpi slt, %jit3A_1056, %sign3A_1068 : i32
    %sign3A_1070 = arith.extui %sign3A_1069 : i1 to i32
    %sign3A_1071 = arith.subi %sign3A_1067, %sign3A_1070 : i32
    %ne3A_1072 = arith.cmpi ne, %sign3A_1064, %sign3A_1071 : i32
    %rem3A_1073 = arith.remsi %add3A_1055, %jit3A_1056 : i32
    %ne3A_1074 = arith.constant 0 : i32
    %ne3A_1075 = arith.cmpi ne, %rem3A_1073, %ne3A_1074 : i32
    %and3A_1076 = arith.andi %ne3A_1072, %ne3A_1075 : i1
    %sub3A_1077 = arith.constant 1 : i32
    %sub3A_1078 = arith.subi %div3A_1057, %sub3A_1077 : i32
    %select_n3A_1079 = arith.select %and3A_1076, %sub3A_1078, %div3A_1057 : i32
    %jit3A_1080 = arith.constant 16 : i32
    %eq3A_1081 = arith.constant 0 : i32
    %eq3A_1082 = arith.cmpi eq, %jit3A_1080, %eq3A_1081 : i32
    %jit3A_1083 = arith.constant 1 : i32
    %select_n3A_1084 = arith.select %eq3A_1082, %jit3A_1083, %jit3A_1080 : i32
    %rem3A_1085 = arith.remsi %add3A_1055, %select_n3A_1084 : i32
    %ne3A_1086 = arith.constant 0 : i32
    %ne3A_1087 = arith.cmpi ne, %rem3A_1085, %ne3A_1086 : i32
    %lt3A_1088 = arith.constant 0 : i32
    %lt3A_1089 = arith.cmpi slt, %rem3A_1085, %lt3A_1088 : i32
    %lt3A_1090 = arith.constant 0 : i32
    %lt3A_1091 = arith.cmpi slt, %select_n3A_1084, %lt3A_1090 : i32
    %ne3A_1092 = arith.xori %lt3A_1089, %lt3A_1091 : i1
    %and3A_1093 = arith.andi %ne3A_1092, %ne3A_1087 : i1
    %add3A_1094 = arith.addi %rem3A_1085, %select_n3A_1084 : i32
    %select_n3A_1095 = arith.select %and3A_1093, %add3A_1094, %rem3A_1085 : i32
    %dma_start3A_1096 = arith.constant 0 : i32
    %dma_start3A_1097 = tpu.memref_slice %arg2[%select_n3A_1079, %select_n3A_1095, %dma_start3A_1096] : memref<26x16x100000xf32, #tpu.memory_space<hbm>> -> memref<1x1x100000xf32, #tpu.memory_space<hbm>>
    %dma_start3A_1098 = tpu.memref_squeeze %dma_start3A_1097 : memref<1x1x100000xf32, #tpu.memory_space<hbm>> -> memref<100000xf32, #tpu.memory_space<hbm>>
    %dma_start3A_1099 = arith.constant 0 : i32
    %dma_start3A_1100 = tpu.memref_slice %arg2[%select_n3A_1079, %select_n3A_1095, %dma_start3A_1099] : memref<26x16x100000xf32, #tpu.memory_space<hbm>> -> memref<1x1x100000xf32, #tpu.memory_space<hbm>>
    %dma_start3A_1101 = tpu.memref_squeeze %dma_start3A_1100 : memref<1x1x100000xf32, #tpu.memory_space<hbm>> -> memref<100000xf32, #tpu.memory_space<hbm>>
    tpu.enqueue_dma source(%dma_start3A_1101 : memref<100000xf32, #tpu.memory_space<hbm>>) target(%arg7 : memref<100000xf32, #tpu.memory_space<vmem>>) target_semaphore(%arg12 : memref<!tpu.dma_semaphore, #tpu.memory_space<semaphore_mem>>)
    %eq3A_1102 = arith.constant 0 : i32
    %eq3A_1103 = arith.cmpi eq, %select_n3A_1095, %eq3A_1102 : i32
    %convert_element_type3A_1104 = arith.extui %eq3A_1103 : i1 to i32
    %cond3A_1105 = arith.constant 0 : i32
    %cond3A_1106 = arith.cmpi ne, %convert_element_type3A_1104, %cond3A_1105 : i32
    scf.if %cond3A_1106 {
      %dma_start3A_1278 = arith.constant 0 : i32
      %dma_start3A_1279 = tpu.memref_slice %arg3[%select_n3A_1079, %dma_start3A_1278] : memref<26x16384xi32, #tpu.memory_space<hbm>> -> memref<1x16384xi32, #tpu.memory_space<hbm>>
      %dma_start3A_1280 = tpu.memref_squeeze %dma_start3A_1279 : memref<1x16384xi32, #tpu.memory_space<hbm>> -> memref<16384xi32, #tpu.memory_space<hbm>>
      %dma_start3A_1281 = arith.constant 0 : i32
      %dma_start3A_1282 = tpu.memref_slice %arg3[%select_n3A_1079, %dma_start3A_1281] : memref<26x16384xi32, #tpu.memory_space<hbm>> -> memref<1x16384xi32, #tpu.memory_space<hbm>>
      %dma_start3A_1283 = tpu.memref_squeeze %dma_start3A_1282 : memref<1x16384xi32, #tpu.memory_space<hbm>> -> memref<16384xi32, #tpu.memory_space<hbm>>
      tpu.enqueue_dma source(%dma_start3A_1283 : memref<16384xi32, #tpu.memory_space<hbm>>) target(%arg8 : memref<16384xi32, #tpu.memory_space<vmem>>) target_semaphore(%arg13 : memref<!tpu.dma_semaphore, #tpu.memory_space<semaphore_mem>>)
      %dma_wait3A_1284 = arith.constant 0 : i32
      %dma_wait3A_1285 = tpu.memref_slice %arg3[%select_n3A_1079, %dma_wait3A_1284] : memref<26x16384xi32, #tpu.memory_space<hbm>> -> memref<1x16384xi32, #tpu.memory_space<hbm>>
      %dma_wait3A_1286 = tpu.memref_squeeze %dma_wait3A_1285 : memref<1x16384xi32, #tpu.memory_space<hbm>> -> memref<16384xi32, #tpu.memory_space<hbm>>
      %dma_wait3A_1287 = arith.constant 0 : i32
      %dma_wait3A_1288 = tpu.memref_slice %arg3[%select_n3A_1079, %dma_wait3A_1287] : memref<26x16384xi32, #tpu.memory_space<hbm>> -> memref<1x16384xi32, #tpu.memory_space<hbm>>
      %dma_wait3A_1289 = tpu.memref_squeeze %dma_wait3A_1288 : memref<1x16384xi32, #tpu.memory_space<hbm>> -> memref<16384xi32, #tpu.memory_space<hbm>>
      tpu.wait_dma2 semaphore(%arg13 : memref<!tpu.dma_semaphore, #tpu.memory_space<semaphore_mem>>) src(%dma_wait3A_1289 : memref<16384xi32, #tpu.memory_space<hbm>>) dst(%arg8 : memref<16384xi32, #tpu.memory_space<vmem>>)
    } else {
    }
    %dma_wait3A_1107 = arith.constant 0 : i32
    %dma_wait3A_1108 = tpu.memref_slice %arg2[%select_n3A_1079, %select_n3A_1095, %dma_wait3A_1107] : memref<26x16x100000xf32, #tpu.memory_space<hbm>> -> memref<1x1x100000xf32, #tpu.memory_space<hbm>>
    %dma_wait3A_1109 = tpu.memref_squeeze %dma_wait3A_1108 : memref<1x1x100000xf32, #tpu.memory_space<hbm>> -> memref<100000xf32, #tpu.memory_space<hbm>>
    %dma_wait3A_1110 = arith.constant 0 : i32
    %dma_wait3A_1111 = tpu.memref_slice %arg2[%select_n3A_1079, %select_n3A_1095, %dma_wait3A_1110] : memref<26x16x100000xf32, #tpu.memory_space<hbm>> -> memref<1x1x100000xf32, #tpu.memory_space<hbm>>
    %dma_wait3A_1112 = tpu.memref_squeeze %dma_wait3A_1111 : memref<1x1x100000xf32, #tpu.memory_space<hbm>> -> memref<100000xf32, #tpu.memory_space<hbm>>
    tpu.wait_dma2 semaphore(%arg12 : memref<!tpu.dma_semaphore, #tpu.memory_space<semaphore_mem>>) src(%dma_wait3A_1112 : memref<100000xf32, #tpu.memory_space<hbm>>) dst(%arg7 : memref<100000xf32, #tpu.memory_space<vmem>>)
    %broadcast_in_dim3A_1113 = arith.constant 0.000000e+00 : f32
    %broadcast_in_dim3A_1114 = vector.broadcast %broadcast_in_dim3A_1113 : f32 to vector<16xf32>
    %dma_wait3A_1115 = arith.constant 8192 : i32
    %dma_wait3A_1116 = tpu.memref_slice %arg4[%add3A_958, %dma_wait3A_1115] : memref<416x16384xf32, #tpu.memory_space<hbm>> -> memref<1x8192xf32, #tpu.memory_space<hbm>>
    %dma_wait3A_1117 = tpu.memref_squeeze %dma_wait3A_1116 : memref<1x8192xf32, #tpu.memory_space<hbm>> -> memref<8192xf32, #tpu.memory_space<hbm>>
    %dma_wait3A_1118 = arith.constant 8192 : i32
    %dma_wait3A_1119 = tpu.memref_slice %arg4[%add3A_958, %dma_wait3A_1118] : memref<416x16384xf32, #tpu.memory_space<hbm>> -> memref<1x8192xf32, #tpu.memory_space<hbm>>
    %dma_wait3A_1120 = tpu.memref_squeeze %dma_wait3A_1119 : memref<1x8192xf32, #tpu.memory_space<hbm>> -> memref<8192xf32, #tpu.memory_space<hbm>>
    tpu.wait_dma2 semaphore(%arg14 : memref<!tpu.dma_semaphore, #tpu.memory_space<semaphore_mem>>) src(%arg9 : memref<8192xf32, #tpu.memory_space<vmem>>) dst(%dma_wait3A_1120 : memref<8192xf32, #tpu.memory_space<hbm>>)
    %parallel_loop3A_1121 = arith.constant 0 : i32
    %parallel_loop3A_1122 = arith.constant 512 : i32
    %parallel_loop3A_1123 = arith.constant 1 : i32
    %parallel_loop3A_1124:2 = scf.for %parallel_loop3A_1278 = %parallel_loop3A_1121 to %parallel_loop3A_1122 step %parallel_loop3A_1123 iter_args(%parallel_loop3A_1279 = %broadcast_in_dim3A_1114, %parallel_loop3A_1280 = %broadcast_in_dim3A_1114) -> (vector<16xf32>, vector<16xf32>)  : i32 {
      %parallel_loop3A_1281 = arith.constant 16 : i32
      %parallel_loop3A_1282 = arith.muli %parallel_loop3A_1278, %parallel_loop3A_1281 : i32
      %parallel_loop3A_1283 = arith.constant 0 : i32
      %parallel_loop3A_1284 = arith.addi %parallel_loop3A_1283, %parallel_loop3A_1282 : i32
      %parallel_loop3A_1285 = arith.index_cast %parallel_loop3A_1284 : i32 to index
      %parallel_loop3A_1286 = tpu.vector_load %arg8[%parallel_loop3A_1285] {strides = array<i32>} : memref<16384xi32, #tpu.memory_space<vmem>>, vector<16xi32>,
      %parallel_loop3A_1287 = tpu.vector_load_idx %arg7[%parallel_loop3A_1286] : memref<100000xf32, #tpu.memory_space<vmem>>[vector<16xi32>], vector<16xf32>,
      %parallel_loop3A_1288 = arith.constant 16 : i32
      %parallel_loop3A_1289 = arith.muli %parallel_loop3A_1278, %parallel_loop3A_1288 : i32
      %parallel_loop3A_1290 = arith.index_cast %parallel_loop3A_1289 : i32 to index
      %parallel_loop3A_1291 = tpu.vector_load %arg9[%parallel_loop3A_1290] {strides = array<i32>} : memref<8192xf32, #tpu.memory_space<vmem>>, vector<16xf32>,
      tpu.vector_store %arg9[%parallel_loop3A_1290], %parallel_loop3A_1287 {strides = array<i32>} : memref<8192xf32, #tpu.memory_space<vmem>>, vector<16xf32>,
      %parallel_loop3A_1292 = arith.addf %parallel_loop3A_1279, %parallel_loop3A_1287 : vector<16xf32>
      %parallel_loop3A_1293 = arith.mulf %parallel_loop3A_1287, %parallel_loop3A_1287 : vector<16xf32>
      %parallel_loop3A_1294 = arith.addf %parallel_loop3A_1280, %parallel_loop3A_1293 : vector<16xf32>
      scf.yield %parallel_loop3A_1292, %parallel_loop3A_1294 : vector<16xf32>, vector<16xf32>
    } {sc.loop_unroll_factor = 8 : i64, sc.parallel_access}
    %dma_start3A_1125 = arith.constant 0 : i32
    %dma_start3A_1126 = tpu.memref_slice %arg4[%add3A_1055, %dma_start3A_1125] : memref<416x16384xf32, #tpu.memory_space<hbm>> -> memref<1x8192xf32, #tpu.memory_space<hbm>>
    %dma_start3A_1127 = tpu.memref_squeeze %dma_start3A_1126 : memref<1x8192xf32, #tpu.memory_space<hbm>> -> memref<8192xf32, #tpu.memory_space<hbm>>
    %dma_start3A_1128 = arith.constant 0 : i32
    %dma_start3A_1129 = tpu.memref_slice %arg4[%add3A_1055, %dma_start3A_1128] : memref<416x16384xf32, #tpu.memory_space<hbm>> -> memref<1x8192xf32, #tpu.memory_space<hbm>>
    %dma_start3A_1130 = tpu.memref_squeeze %dma_start3A_1129 : memref<1x8192xf32, #tpu.memory_space<hbm>> -> memref<8192xf32, #tpu.memory_space<hbm>>
    tpu.enqueue_dma source(%arg9 : memref<8192xf32, #tpu.memory_space<vmem>>) target(%dma_start3A_1130 : memref<8192xf32, #tpu.memory_space<hbm>>) target_semaphore(%arg14 : memref<!tpu.dma_semaphore, #tpu.memory_space<semaphore_mem>>)
    %dma_wait3A_1131 = arith.constant 0 : i32
    %dma_wait3A_1132 = tpu.memref_slice %arg4[%add3A_1055, %dma_wait3A_1131] : memref<416x16384xf32, #tpu.memory_space<hbm>> -> memref<1x8192xf32, #tpu.memory_space<hbm>>
    %dma_wait3A_1133 = tpu.memref_squeeze %dma_wait3A_1132 : memref<1x8192xf32, #tpu.memory_space<hbm>> -> memref<8192xf32, #tpu.memory_space<hbm>>
    %dma_wait3A_1134 = arith.constant 0 : i32
    %dma_wait3A_1135 = tpu.memref_slice %arg4[%add3A_1055, %dma_wait3A_1134] : memref<416x16384xf32, #tpu.memory_space<hbm>> -> memref<1x8192xf32, #tpu.memory_space<hbm>>
    %dma_wait3A_1136 = tpu.memref_squeeze %dma_wait3A_1135 : memref<1x8192xf32, #tpu.memory_space<hbm>> -> memref<8192xf32, #tpu.memory_space<hbm>>
    tpu.wait_dma2 semaphore(%arg14 : memref<!tpu.dma_semaphore, #tpu.memory_space<semaphore_mem>>) src(%arg9 : memref<8192xf32, #tpu.memory_space<vmem>>) dst(%dma_wait3A_1136 : memref<8192xf32, #tpu.memory_space<hbm>>)
    %parallel_loop3A_1137 = arith.constant 0 : i32
    %parallel_loop3A_1138 = arith.constant 512 : i32
    %parallel_loop3A_1139 = arith.constant 1 : i32
    %parallel_loop3A_1140:2 = scf.for %parallel_loop3A_1278 = %parallel_loop3A_1137 to %parallel_loop3A_1138 step %parallel_loop3A_1139 iter_args(%parallel_loop3A_1279 = %parallel_loop3A_1124#0, %parallel_loop3A_1280 = %parallel_loop3A_1124#1) -> (vector<16xf32>, vector<16xf32>)  : i32 {
      %parallel_loop3A_1281 = arith.constant 16 : i32
      %parallel_loop3A_1282 = arith.muli %parallel_loop3A_1278, %parallel_loop3A_1281 : i32
      %parallel_loop3A_1283 = arith.constant 8192 : i32
      %parallel_loop3A_1284 = arith.addi %parallel_loop3A_1283, %parallel_loop3A_1282 : i32
      %parallel_loop3A_1285 = arith.index_cast %parallel_loop3A_1284 : i32 to index
      %parallel_loop3A_1286 = tpu.vector_load %arg8[%parallel_loop3A_1285] {strides = array<i32>} : memref<16384xi32, #tpu.memory_space<vmem>>, vector<16xi32>,
      %parallel_loop3A_1287 = tpu.vector_load_idx %arg7[%parallel_loop3A_1286] : memref<100000xf32, #tpu.memory_space<vmem>>[vector<16xi32>], vector<16xf32>,
      %parallel_loop3A_1288 = arith.constant 16 : i32
      %parallel_loop3A_1289 = arith.muli %parallel_loop3A_1278, %parallel_loop3A_1288 : i32
      %parallel_loop3A_1290 = arith.index_cast %parallel_loop3A_1289 : i32 to index
      %parallel_loop3A_1291 = tpu.vector_load %arg9[%parallel_loop3A_1290] {strides = array<i32>} : memref<8192xf32, #tpu.memory_space<vmem>>, vector<16xf32>,
      tpu.vector_store %arg9[%parallel_loop3A_1290], %parallel_loop3A_1287 {strides = array<i32>} : memref<8192xf32, #tpu.memory_space<vmem>>, vector<16xf32>,
      %parallel_loop3A_1292 = arith.addf %parallel_loop3A_1279, %parallel_loop3A_1287 : vector<16xf32>
      %parallel_loop3A_1293 = arith.mulf %parallel_loop3A_1287, %parallel_loop3A_1287 : vector<16xf32>
      %parallel_loop3A_1294 = arith.addf %parallel_loop3A_1280, %parallel_loop3A_1293 : vector<16xf32>
      scf.yield %parallel_loop3A_1292, %parallel_loop3A_1294 : vector<16xf32>, vector<16xf32>
    } {sc.loop_unroll_factor = 8 : i64, sc.parallel_access}
    %dma_start3A_1141 = arith.constant 8192 : i32
    %dma_start3A_1142 = tpu.memref_slice %arg4[%add3A_1055, %dma_start3A_1141] : memref<416x16384xf32, #tpu.memory_space<hbm>> -> memref<1x8192xf32, #tpu.memory_space<hbm>>
    %dma_start3A_1143 = tpu.memref_squeeze %dma_start3A_1142 : memref<1x8192xf32, #tpu.memory_space<hbm>> -> memref<8192xf32, #tpu.memory_space<hbm>>
    %dma_start3A_1144 = arith.constant 8192 : i32
    %dma_start3A_1145 = tpu.memref_slice %arg4[%add3A_1055, %dma_start3A_1144] : memref<416x16384xf32, #tpu.memory_space<hbm>> -> memref<1x8192xf32, #tpu.memory_space<hbm>>
    %dma_start3A_1146 = tpu.memref_squeeze %dma_start3A_1145 : memref<1x8192xf32, #tpu.memory_space<hbm>> -> memref<8192xf32, #tpu.memory_space<hbm>>
    tpu.enqueue_dma source(%arg9 : memref<8192xf32, #tpu.memory_space<vmem>>) target(%dma_start3A_1146 : memref<8192xf32, #tpu.memory_space<hbm>>) target_semaphore(%arg14 : memref<!tpu.dma_semaphore, #tpu.memory_space<semaphore_mem>>)
    %swap3A_1147 = arith.constant 176 : index
    %swap3A_1148 = tpu.vector_load %arg10[%swap3A_1147] {strides = array<i32>} : memref<208xf32, #tpu.memory_space<vmem>>, vector<16xf32>,
    tpu.vector_store %arg10[%swap3A_1147], %parallel_loop3A_1140#0 {strides = array<i32>} : memref<208xf32, #tpu.memory_space<vmem>>, vector<16xf32>,
    %swap3A_1149 = arith.constant 176 : index
    %swap3A_1150 = tpu.vector_load %arg11[%swap3A_1149] {strides = array<i32>} : memref<208xf32, #tpu.memory_space<vmem>>, vector<16xf32>,
    tpu.vector_store %arg11[%swap3A_1149], %parallel_loop3A_1140#1 {strides = array<i32>} : memref<208xf32, #tpu.memory_space<vmem>>, vector<16xf32>,
    %add3A_1151 = arith.constant 12 : i32
    %add3A_1152 = arith.addi %mul3A_2, %add3A_1151 : i32
    %jit3A_1153 = arith.constant 16 : i32
    %div3A_1154 = arith.divsi %add3A_1152, %jit3A_1153 : i32
    %sign3A_1155 = arith.constant 0 : i32
    %sign3A_1156 = arith.cmpi sgt, %add3A_1152, %sign3A_1155 : i32
    %sign3A_1157 = arith.extui %sign3A_1156 : i1 to i32
    %sign3A_1158 = arith.constant 0 : i32
    %sign3A_1159 = arith.cmpi slt, %add3A_1152, %sign3A_1158 : i32
    %sign3A_1160 = arith.extui %sign3A_1159 : i1 to i32
    %sign3A_1161 = arith.subi %sign3A_1157, %sign3A_1160 : i32
    %sign3A_1162 = arith.constant 0 : i32
    %sign3A_1163 = arith.cmpi sgt, %jit3A_1153, %sign3A_1162 : i32
    %sign3A_1164 = arith.extui %sign3A_1163 : i1 to i32
    %sign3A_1165 = arith.constant 0 : i32
    %sign3A_1166 = arith.cmpi slt, %jit3A_1153, %sign3A_1165 : i32
    %sign3A_1167 = arith.extui %sign3A_1166 : i1 to i32
    %sign3A_1168 = arith.subi %sign3A_1164, %sign3A_1167 : i32
    %ne3A_1169 = arith.cmpi ne, %sign3A_1161, %sign3A_1168 : i32
    %rem3A_1170 = arith.remsi %add3A_1152, %jit3A_1153 : i32
    %ne3A_1171 = arith.constant 0 : i32
    %ne3A_1172 = arith.cmpi ne, %rem3A_1170, %ne3A_1171 : i32
    %and3A_1173 = arith.andi %ne3A_1169, %ne3A_1172 : i1
    %sub3A_1174 = arith.constant 1 : i32
    %sub3A_1175 = arith.subi %div3A_1154, %sub3A_1174 : i32
    %select_n3A_1176 = arith.select %and3A_1173, %sub3A_1175, %div3A_1154 : i32
    %jit3A_1177 = arith.constant 16 : i32
    %eq3A_1178 = arith.constant 0 : i32
    %eq3A_1179 = arith.cmpi eq, %jit3A_1177, %eq3A_1178 : i32
    %jit3A_1180 = arith.constant 1 : i32
    %select_n3A_1181 = arith.select %eq3A_1179, %jit3A_1180, %jit3A_1177 : i32
    %rem3A_1182 = arith.remsi %add3A_1152, %select_n3A_1181 : i32
    %ne3A_1183 = arith.constant 0 : i32
    %ne3A_1184 = arith.cmpi ne, %rem3A_1182, %ne3A_1183 : i32
    %lt3A_1185 = arith.constant 0 : i32
    %lt3A_1186 = arith.cmpi slt, %rem3A_1182, %lt3A_1185 : i32
    %lt3A_1187 = arith.constant 0 : i32
    %lt3A_1188 = arith.cmpi slt, %select_n3A_1181, %lt3A_1187 : i32
    %ne3A_1189 = arith.xori %lt3A_1186, %lt3A_1188 : i1
    %and3A_1190 = arith.andi %ne3A_1189, %ne3A_1184 : i1
    %add3A_1191 = arith.addi %rem3A_1182, %select_n3A_1181 : i32
    %select_n3A_1192 = arith.select %and3A_1190, %add3A_1191, %rem3A_1182 : i32
    %dma_start3A_1193 = arith.constant 0 : i32
    %dma_start3A_1194 = tpu.memref_slice %arg2[%select_n3A_1176, %select_n3A_1192, %dma_start3A_1193] : memref<26x16x100000xf32, #tpu.memory_space<hbm>> -> memref<1x1x100000xf32, #tpu.memory_space<hbm>>
    %dma_start3A_1195 = tpu.memref_squeeze %dma_start3A_1194 : memref<1x1x100000xf32, #tpu.memory_space<hbm>> -> memref<100000xf32, #tpu.memory_space<hbm>>
    %dma_start3A_1196 = arith.constant 0 : i32
    %dma_start3A_1197 = tpu.memref_slice %arg2[%select_n3A_1176, %select_n3A_1192, %dma_start3A_1196] : memref<26x16x100000xf32, #tpu.memory_space<hbm>> -> memref<1x1x100000xf32, #tpu.memory_space<hbm>>
    %dma_start3A_1198 = tpu.memref_squeeze %dma_start3A_1197 : memref<1x1x100000xf32, #tpu.memory_space<hbm>> -> memref<100000xf32, #tpu.memory_space<hbm>>
    tpu.enqueue_dma source(%dma_start3A_1198 : memref<100000xf32, #tpu.memory_space<hbm>>) target(%arg7 : memref<100000xf32, #tpu.memory_space<vmem>>) target_semaphore(%arg12 : memref<!tpu.dma_semaphore, #tpu.memory_space<semaphore_mem>>)
    %eq3A_1199 = arith.constant 0 : i32
    %eq3A_1200 = arith.cmpi eq, %select_n3A_1192, %eq3A_1199 : i32
    %convert_element_type3A_1201 = arith.extui %eq3A_1200 : i1 to i32
    %cond3A_1202 = arith.constant 0 : i32
    %cond3A_1203 = arith.cmpi ne, %convert_element_type3A_1201, %cond3A_1202 : i32
    scf.if %cond3A_1203 {
      %dma_start3A_1278 = arith.constant 0 : i32
      %dma_start3A_1279 = tpu.memref_slice %arg3[%select_n3A_1176, %dma_start3A_1278] : memref<26x16384xi32, #tpu.memory_space<hbm>> -> memref<1x16384xi32, #tpu.memory_space<hbm>>
      %dma_start3A_1280 = tpu.memref_squeeze %dma_start3A_1279 : memref<1x16384xi32, #tpu.memory_space<hbm>> -> memref<16384xi32, #tpu.memory_space<hbm>>
      %dma_start3A_1281 = arith.constant 0 : i32
      %dma_start3A_1282 = tpu.memref_slice %arg3[%select_n3A_1176, %dma_start3A_1281] : memref<26x16384xi32, #tpu.memory_space<hbm>> -> memref<1x16384xi32, #tpu.memory_space<hbm>>
      %dma_start3A_1283 = tpu.memref_squeeze %dma_start3A_1282 : memref<1x16384xi32, #tpu.memory_space<hbm>> -> memref<16384xi32, #tpu.memory_space<hbm>>
      tpu.enqueue_dma source(%dma_start3A_1283 : memref<16384xi32, #tpu.memory_space<hbm>>) target(%arg8 : memref<16384xi32, #tpu.memory_space<vmem>>) target_semaphore(%arg13 : memref<!tpu.dma_semaphore, #tpu.memory_space<semaphore_mem>>)
      %dma_wait3A_1284 = arith.constant 0 : i32
      %dma_wait3A_1285 = tpu.memref_slice %arg3[%select_n3A_1176, %dma_wait3A_1284] : memref<26x16384xi32, #tpu.memory_space<hbm>> -> memref<1x16384xi32, #tpu.memory_space<hbm>>
      %dma_wait3A_1286 = tpu.memref_squeeze %dma_wait3A_1285 : memref<1x16384xi32, #tpu.memory_space<hbm>> -> memref<16384xi32, #tpu.memory_space<hbm>>
      %dma_wait3A_1287 = arith.constant 0 : i32
      %dma_wait3A_1288 = tpu.memref_slice %arg3[%select_n3A_1176, %dma_wait3A_1287] : memref<26x16384xi32, #tpu.memory_space<hbm>> -> memref<1x16384xi32, #tpu.memory_space<hbm>>
      %dma_wait3A_1289 = tpu.memref_squeeze %dma_wait3A_1288 : memref<1x16384xi32, #tpu.memory_space<hbm>> -> memref<16384xi32, #tpu.memory_space<hbm>>
      tpu.wait_dma2 semaphore(%arg13 : memref<!tpu.dma_semaphore, #tpu.memory_space<semaphore_mem>>) src(%dma_wait3A_1289 : memref<16384xi32, #tpu.memory_space<hbm>>) dst(%arg8 : memref<16384xi32, #tpu.memory_space<vmem>>)
    } else {
    }
    %dma_wait3A_1204 = arith.constant 0 : i32
    %dma_wait3A_1205 = tpu.memref_slice %arg2[%select_n3A_1176, %select_n3A_1192, %dma_wait3A_1204] : memref<26x16x100000xf32, #tpu.memory_space<hbm>> -> memref<1x1x100000xf32, #tpu.memory_space<hbm>>
    %dma_wait3A_1206 = tpu.memref_squeeze %dma_wait3A_1205 : memref<1x1x100000xf32, #tpu.memory_space<hbm>> -> memref<100000xf32, #tpu.memory_space<hbm>>
    %dma_wait3A_1207 = arith.constant 0 : i32
    %dma_wait3A_1208 = tpu.memref_slice %arg2[%select_n3A_1176, %select_n3A_1192, %dma_wait3A_1207] : memref<26x16x100000xf32, #tpu.memory_space<hbm>> -> memref<1x1x100000xf32, #tpu.memory_space<hbm>>
    %dma_wait3A_1209 = tpu.memref_squeeze %dma_wait3A_1208 : memref<1x1x100000xf32, #tpu.memory_space<hbm>> -> memref<100000xf32, #tpu.memory_space<hbm>>
    tpu.wait_dma2 semaphore(%arg12 : memref<!tpu.dma_semaphore, #tpu.memory_space<semaphore_mem>>) src(%dma_wait3A_1209 : memref<100000xf32, #tpu.memory_space<hbm>>) dst(%arg7 : memref<100000xf32, #tpu.memory_space<vmem>>)
    %broadcast_in_dim3A_1210 = arith.constant 0.000000e+00 : f32
    %broadcast_in_dim3A_1211 = vector.broadcast %broadcast_in_dim3A_1210 : f32 to vector<16xf32>
    %dma_wait3A_1212 = arith.constant 8192 : i32
    %dma_wait3A_1213 = tpu.memref_slice %arg4[%add3A_1055, %dma_wait3A_1212] : memref<416x16384xf32, #tpu.memory_space<hbm>> -> memref<1x8192xf32, #tpu.memory_space<hbm>>
    %dma_wait3A_1214 = tpu.memref_squeeze %dma_wait3A_1213 : memref<1x8192xf32, #tpu.memory_space<hbm>> -> memref<8192xf32, #tpu.memory_space<hbm>>
    %dma_wait3A_1215 = arith.constant 8192 : i32
    %dma_wait3A_1216 = tpu.memref_slice %arg4[%add3A_1055, %dma_wait3A_1215] : memref<416x16384xf32, #tpu.memory_space<hbm>> -> memref<1x8192xf32, #tpu.memory_space<hbm>>
    %dma_wait3A_1217 = tpu.memref_squeeze %dma_wait3A_1216 : memref<1x8192xf32, #tpu.memory_space<hbm>> -> memref<8192xf32, #tpu.memory_space<hbm>>
    tpu.wait_dma2 semaphore(%arg14 : memref<!tpu.dma_semaphore, #tpu.memory_space<semaphore_mem>>) src(%arg9 : memref<8192xf32, #tpu.memory_space<vmem>>) dst(%dma_wait3A_1217 : memref<8192xf32, #tpu.memory_space<hbm>>)
    %parallel_loop3A_1218 = arith.constant 0 : i32
    %parallel_loop3A_1219 = arith.constant 512 : i32
    %parallel_loop3A_1220 = arith.constant 1 : i32
    %parallel_loop3A_1221:2 = scf.for %parallel_loop3A_1278 = %parallel_loop3A_1218 to %parallel_loop3A_1219 step %parallel_loop3A_1220 iter_args(%parallel_loop3A_1279 = %broadcast_in_dim3A_1211, %parallel_loop3A_1280 = %broadcast_in_dim3A_1211) -> (vector<16xf32>, vector<16xf32>)  : i32 {
      %parallel_loop3A_1281 = arith.constant 16 : i32
      %parallel_loop3A_1282 = arith.muli %parallel_loop3A_1278, %parallel_loop3A_1281 : i32
      %parallel_loop3A_1283 = arith.constant 0 : i32
      %parallel_loop3A_1284 = arith.addi %parallel_loop3A_1283, %parallel_loop3A_1282 : i32
      %parallel_loop3A_1285 = arith.index_cast %parallel_loop3A_1284 : i32 to index
      %parallel_loop3A_1286 = tpu.vector_load %arg8[%parallel_loop3A_1285] {strides = array<i32>} : memref<16384xi32, #tpu.memory_space<vmem>>, vector<16xi32>,
      %parallel_loop3A_1287 = tpu.vector_load_idx %arg7[%parallel_loop3A_1286] : memref<100000xf32, #tpu.memory_space<vmem>>[vector<16xi32>], vector<16xf32>,
      %parallel_loop3A_1288 = arith.constant 16 : i32
      %parallel_loop3A_1289 = arith.muli %parallel_loop3A_1278, %parallel_loop3A_1288 : i32
      %parallel_loop3A_1290 = arith.index_cast %parallel_loop3A_1289 : i32 to index
      %parallel_loop3A_1291 = tpu.vector_load %arg9[%parallel_loop3A_1290] {strides = array<i32>} : memref<8192xf32, #tpu.memory_space<vmem>>, vector<16xf32>,
      tpu.vector_store %arg9[%parallel_loop3A_1290], %parallel_loop3A_1287 {strides = array<i32>} : memref<8192xf32, #tpu.memory_space<vmem>>, vector<16xf32>,
      %parallel_loop3A_1292 = arith.addf %parallel_loop3A_1279, %parallel_loop3A_1287 : vector<16xf32>
      %parallel_loop3A_1293 = arith.mulf %parallel_loop3A_1287, %parallel_loop3A_1287 : vector<16xf32>
      %parallel_loop3A_1294 = arith.addf %parallel_loop3A_1280, %parallel_loop3A_1293 : vector<16xf32>
      scf.yield %parallel_loop3A_1292, %parallel_loop3A_1294 : vector<16xf32>, vector<16xf32>
    } {sc.loop_unroll_factor = 8 : i64, sc.parallel_access}
    %dma_start3A_1222 = arith.constant 0 : i32
    %dma_start3A_1223 = tpu.memref_slice %arg4[%add3A_1152, %dma_start3A_1222] : memref<416x16384xf32, #tpu.memory_space<hbm>> -> memref<1x8192xf32, #tpu.memory_space<hbm>>
    %dma_start3A_1224 = tpu.memref_squeeze %dma_start3A_1223 : memref<1x8192xf32, #tpu.memory_space<hbm>> -> memref<8192xf32, #tpu.memory_space<hbm>>
    %dma_start3A_1225 = arith.constant 0 : i32
    %dma_start3A_1226 = tpu.memref_slice %arg4[%add3A_1152, %dma_start3A_1225] : memref<416x16384xf32, #tpu.memory_space<hbm>> -> memref<1x8192xf32, #tpu.memory_space<hbm>>
    %dma_start3A_1227 = tpu.memref_squeeze %dma_start3A_1226 : memref<1x8192xf32, #tpu.memory_space<hbm>> -> memref<8192xf32, #tpu.memory_space<hbm>>
    tpu.enqueue_dma source(%arg9 : memref<8192xf32, #tpu.memory_space<vmem>>) target(%dma_start3A_1227 : memref<8192xf32, #tpu.memory_space<hbm>>) target_semaphore(%arg14 : memref<!tpu.dma_semaphore, #tpu.memory_space<semaphore_mem>>)
    %dma_wait3A_1228 = arith.constant 0 : i32
    %dma_wait3A_1229 = tpu.memref_slice %arg4[%add3A_1152, %dma_wait3A_1228] : memref<416x16384xf32, #tpu.memory_space<hbm>> -> memref<1x8192xf32, #tpu.memory_space<hbm>>
    %dma_wait3A_1230 = tpu.memref_squeeze %dma_wait3A_1229 : memref<1x8192xf32, #tpu.memory_space<hbm>> -> memref<8192xf32, #tpu.memory_space<hbm>>
    %dma_wait3A_1231 = arith.constant 0 : i32
    %dma_wait3A_1232 = tpu.memref_slice %arg4[%add3A_1152, %dma_wait3A_1231] : memref<416x16384xf32, #tpu.memory_space<hbm>> -> memref<1x8192xf32, #tpu.memory_space<hbm>>
    %dma_wait3A_1233 = tpu.memref_squeeze %dma_wait3A_1232 : memref<1x8192xf32, #tpu.memory_space<hbm>> -> memref<8192xf32, #tpu.memory_space<hbm>>
    tpu.wait_dma2 semaphore(%arg14 : memref<!tpu.dma_semaphore, #tpu.memory_space<semaphore_mem>>) src(%arg9 : memref<8192xf32, #tpu.memory_space<vmem>>) dst(%dma_wait3A_1233 : memref<8192xf32, #tpu.memory_space<hbm>>)
    %parallel_loop3A_1234 = arith.constant 0 : i32
    %parallel_loop3A_1235 = arith.constant 512 : i32
    %parallel_loop3A_1236 = arith.constant 1 : i32
    %parallel_loop3A_1237:2 = scf.for %parallel_loop3A_1278 = %parallel_loop3A_1234 to %parallel_loop3A_1235 step %parallel_loop3A_1236 iter_args(%parallel_loop3A_1279 = %parallel_loop3A_1221#0, %parallel_loop3A_1280 = %parallel_loop3A_1221#1) -> (vector<16xf32>, vector<16xf32>)  : i32 {
      %parallel_loop3A_1281 = arith.constant 16 : i32
      %parallel_loop3A_1282 = arith.muli %parallel_loop3A_1278, %parallel_loop3A_1281 : i32
      %parallel_loop3A_1283 = arith.constant 8192 : i32
      %parallel_loop3A_1284 = arith.addi %parallel_loop3A_1283, %parallel_loop3A_1282 : i32
      %parallel_loop3A_1285 = arith.index_cast %parallel_loop3A_1284 : i32 to index
      %parallel_loop3A_1286 = tpu.vector_load %arg8[%parallel_loop3A_1285] {strides = array<i32>} : memref<16384xi32, #tpu.memory_space<vmem>>, vector<16xi32>,
      %parallel_loop3A_1287 = tpu.vector_load_idx %arg7[%parallel_loop3A_1286] : memref<100000xf32, #tpu.memory_space<vmem>>[vector<16xi32>], vector<16xf32>,
      %parallel_loop3A_1288 = arith.constant 16 : i32
      %parallel_loop3A_1289 = arith.muli %parallel_loop3A_1278, %parallel_loop3A_1288 : i32
      %parallel_loop3A_1290 = arith.index_cast %parallel_loop3A_1289 : i32 to index
      %parallel_loop3A_1291 = tpu.vector_load %arg9[%parallel_loop3A_1290] {strides = array<i32>} : memref<8192xf32, #tpu.memory_space<vmem>>, vector<16xf32>,
      tpu.vector_store %arg9[%parallel_loop3A_1290], %parallel_loop3A_1287 {strides = array<i32>} : memref<8192xf32, #tpu.memory_space<vmem>>, vector<16xf32>,
      %parallel_loop3A_1292 = arith.addf %parallel_loop3A_1279, %parallel_loop3A_1287 : vector<16xf32>
      %parallel_loop3A_1293 = arith.mulf %parallel_loop3A_1287, %parallel_loop3A_1287 : vector<16xf32>
      %parallel_loop3A_1294 = arith.addf %parallel_loop3A_1280, %parallel_loop3A_1293 : vector<16xf32>
      scf.yield %parallel_loop3A_1292, %parallel_loop3A_1294 : vector<16xf32>, vector<16xf32>
    } {sc.loop_unroll_factor = 8 : i64, sc.parallel_access}
    %dma_start3A_1238 = arith.constant 8192 : i32
    %dma_start3A_1239 = tpu.memref_slice %arg4[%add3A_1152, %dma_start3A_1238] : memref<416x16384xf32, #tpu.memory_space<hbm>> -> memref<1x8192xf32, #tpu.memory_space<hbm>>
    %dma_start3A_1240 = tpu.memref_squeeze %dma_start3A_1239 : memref<1x8192xf32, #tpu.memory_space<hbm>> -> memref<8192xf32, #tpu.memory_space<hbm>>
    %dma_start3A_1241 = arith.constant 8192 : i32
    %dma_start3A_1242 = tpu.memref_slice %arg4[%add3A_1152, %dma_start3A_1241] : memref<416x16384xf32, #tpu.memory_space<hbm>> -> memref<1x8192xf32, #tpu.memory_space<hbm>>
    %dma_start3A_1243 = tpu.memref_squeeze %dma_start3A_1242 : memref<1x8192xf32, #tpu.memory_space<hbm>> -> memref<8192xf32, #tpu.memory_space<hbm>>
    tpu.enqueue_dma source(%arg9 : memref<8192xf32, #tpu.memory_space<vmem>>) target(%dma_start3A_1243 : memref<8192xf32, #tpu.memory_space<hbm>>) target_semaphore(%arg14 : memref<!tpu.dma_semaphore, #tpu.memory_space<semaphore_mem>>)
    %swap3A_1244 = arith.constant 192 : index
    %swap3A_1245 = tpu.vector_load %arg10[%swap3A_1244] {strides = array<i32>} : memref<208xf32, #tpu.memory_space<vmem>>, vector<16xf32>,
    tpu.vector_store %arg10[%swap3A_1244], %parallel_loop3A_1237#0 {strides = array<i32>} : memref<208xf32, #tpu.memory_space<vmem>>, vector<16xf32>,
    %swap3A_1246 = arith.constant 192 : index
    %swap3A_1247 = tpu.vector_load %arg11[%swap3A_1246] {strides = array<i32>} : memref<208xf32, #tpu.memory_space<vmem>>, vector<16xf32>,
    tpu.vector_store %arg11[%swap3A_1246], %parallel_loop3A_1237#1 {strides = array<i32>} : memref<208xf32, #tpu.memory_space<vmem>>, vector<16xf32>,
    %dma_wait3A_1248 = arith.constant 8192 : i32
    %dma_wait3A_1249 = tpu.memref_slice %arg4[%add3A_1152, %dma_wait3A_1248] : memref<416x16384xf32, #tpu.memory_space<hbm>> -> memref<1x8192xf32, #tpu.memory_space<hbm>>
    %dma_wait3A_1250 = tpu.memref_squeeze %dma_wait3A_1249 : memref<1x8192xf32, #tpu.memory_space<hbm>> -> memref<8192xf32, #tpu.memory_space<hbm>>
    %dma_wait3A_1251 = arith.constant 8192 : i32
    %dma_wait3A_1252 = tpu.memref_slice %arg4[%add3A_1152, %dma_wait3A_1251] : memref<416x16384xf32, #tpu.memory_space<hbm>> -> memref<1x8192xf32, #tpu.memory_space<hbm>>
    %dma_wait3A_1253 = tpu.memref_squeeze %dma_wait3A_1252 : memref<1x8192xf32, #tpu.memory_space<hbm>> -> memref<8192xf32, #tpu.memory_space<hbm>>
    tpu.wait_dma2 semaphore(%arg14 : memref<!tpu.dma_semaphore, #tpu.memory_space<semaphore_mem>>) src(%arg9 : memref<8192xf32, #tpu.memory_space<vmem>>) dst(%dma_wait3A_1253 : memref<8192xf32, #tpu.memory_space<hbm>>)
    %dma_start3A_1254 = arith.constant 0 : i32
    %dma_start3A_1255 = tpu.memref_slice %arg5[%add3A, %dma_start3A_1254] : memref<32x208xf32, #tpu.memory_space<hbm>> -> memref<1x208xf32, #tpu.memory_space<hbm>>
    %dma_start3A_1256 = tpu.memref_squeeze %dma_start3A_1255 : memref<1x208xf32, #tpu.memory_space<hbm>> -> memref<208xf32, #tpu.memory_space<hbm>>
    %dma_start3A_1257 = arith.constant 0 : i32
    %dma_start3A_1258 = tpu.memref_slice %arg5[%add3A, %dma_start3A_1257] : memref<32x208xf32, #tpu.memory_space<hbm>> -> memref<1x208xf32, #tpu.memory_space<hbm>>
    %dma_start3A_1259 = tpu.memref_squeeze %dma_start3A_1258 : memref<1x208xf32, #tpu.memory_space<hbm>> -> memref<208xf32, #tpu.memory_space<hbm>>
    tpu.enqueue_dma source(%arg10 : memref<208xf32, #tpu.memory_space<vmem>>) target(%dma_start3A_1259 : memref<208xf32, #tpu.memory_space<hbm>>) target_semaphore(%arg15 : memref<!tpu.dma_semaphore, #tpu.memory_space<semaphore_mem>>)
    %dma_start3A_1260 = arith.constant 0 : i32
    %dma_start3A_1261 = tpu.memref_slice %arg6[%add3A, %dma_start3A_1260] : memref<32x208xf32, #tpu.memory_space<hbm>> -> memref<1x208xf32, #tpu.memory_space<hbm>>
    %dma_start3A_1262 = tpu.memref_squeeze %dma_start3A_1261 : memref<1x208xf32, #tpu.memory_space<hbm>> -> memref<208xf32, #tpu.memory_space<hbm>>
    %dma_start3A_1263 = arith.constant 0 : i32
    %dma_start3A_1264 = tpu.memref_slice %arg6[%add3A, %dma_start3A_1263] : memref<32x208xf32, #tpu.memory_space<hbm>> -> memref<1x208xf32, #tpu.memory_space<hbm>>
    %dma_start3A_1265 = tpu.memref_squeeze %dma_start3A_1264 : memref<1x208xf32, #tpu.memory_space<hbm>> -> memref<208xf32, #tpu.memory_space<hbm>>
    tpu.enqueue_dma source(%arg11 : memref<208xf32, #tpu.memory_space<vmem>>) target(%dma_start3A_1265 : memref<208xf32, #tpu.memory_space<hbm>>) target_semaphore(%arg15 : memref<!tpu.dma_semaphore, #tpu.memory_space<semaphore_mem>>)
    %dma_wait3A_1266 = arith.constant 0 : i32
    %dma_wait3A_1267 = tpu.memref_slice %arg5[%add3A, %dma_wait3A_1266] : memref<32x208xf32, #tpu.memory_space<hbm>> -> memref<1x208xf32, #tpu.memory_space<hbm>>
    %dma_wait3A_1268 = tpu.memref_squeeze %dma_wait3A_1267 : memref<1x208xf32, #tpu.memory_space<hbm>> -> memref<208xf32, #tpu.memory_space<hbm>>
    %dma_wait3A_1269 = arith.constant 0 : i32
    %dma_wait3A_1270 = tpu.memref_slice %arg5[%add3A, %dma_wait3A_1269] : memref<32x208xf32, #tpu.memory_space<hbm>> -> memref<1x208xf32, #tpu.memory_space<hbm>>
    %dma_wait3A_1271 = tpu.memref_squeeze %dma_wait3A_1270 : memref<1x208xf32, #tpu.memory_space<hbm>> -> memref<208xf32, #tpu.memory_space<hbm>>
    tpu.wait_dma2 semaphore(%arg15 : memref<!tpu.dma_semaphore, #tpu.memory_space<semaphore_mem>>) src(%arg10 : memref<208xf32, #tpu.memory_space<vmem>>) dst(%dma_wait3A_1271 : memref<208xf32, #tpu.memory_space<hbm>>)
    %dma_wait3A_1272 = arith.constant 0 : i32
    %dma_wait3A_1273 = tpu.memref_slice %arg6[%add3A, %dma_wait3A_1272] : memref<32x208xf32, #tpu.memory_space<hbm>> -> memref<1x208xf32, #tpu.memory_space<hbm>>
    %dma_wait3A_1274 = tpu.memref_squeeze %dma_wait3A_1273 : memref<1x208xf32, #tpu.memory_space<hbm>> -> memref<208xf32, #tpu.memory_space<hbm>>
    %dma_wait3A_1275 = arith.constant 0 : i32
    %dma_wait3A_1276 = tpu.memref_slice %arg6[%add3A, %dma_wait3A_1275] : memref<32x208xf32, #tpu.memory_space<hbm>> -> memref<1x208xf32, #tpu.memory_space<hbm>>
    %dma_wait3A_1277 = tpu.memref_squeeze %dma_wait3A_1276 : memref<1x208xf32, #tpu.memory_space<hbm>> -> memref<208xf32, #tpu.memory_space<hbm>>
    tpu.wait_dma2 semaphore(%arg15 : memref<!tpu.dma_semaphore, #tpu.memory_space<semaphore_mem>>) src(%arg11 : memref<208xf32, #tpu.memory_space<vmem>>) dst(%dma_wait3A_1277 : memref<208xf32, #tpu.memory_space<hbm>>)
    return
  }
}

module attributes {stable_mosaic.version = 14 : i64} {
  func.func @_tc_body(%arg0: i32, %arg1: memref<13x16384xf32, #tpu.memory_space<vmem>>, %arg2: memref<416x4096xf32, #tpu.memory_space<vmem>>, %arg3: memref<416x1xf32, #tpu.memory_space<vmem>>, %arg4: memref<416x1xf32, #tpu.memory_space<vmem>>, %arg5: memref<13x1xf32, #tpu.memory_space<vmem>>, %arg6: memref<416x1xf32, #tpu.memory_space<vmem>>, %arg7: memref<13x1xf32, #tpu.memory_space<vmem>>, %arg8: memref<416x1xf32, #tpu.memory_space<vmem>>, %arg9: memref<13x1xf32, #tpu.memory_space<vmem>>, %arg10: memref<416x1xf32, #tpu.memory_space<vmem>>, %arg11: memref<1x1xf32, #tpu.memory_space<vmem>>, %arg12: memref<1x4096xf32, #tpu.memory_space<vmem>>) attributes {dimension_semantics = [#tpu.dimension_semantics<arbitrary>], iteration_bounds = array<i64: 4>, scalar_prefetch = 0 : i64, scratch_operands = 0 : i64, tpu.core_type = #tpu.core_type<tc>, window_params = [{pipeline_mode = #tpu.pipeline_mode<synchronous>, transform_indices = @transform_0, window_bounds = array<i64: 13, 16384>}, {transform_indices = @transform_1, window_bounds = array<i64: 416, 4096>}, {pipeline_mode = #tpu.pipeline_mode<synchronous>, transform_indices = @transform_2, window_bounds = array<i64: 416, 1>}, {pipeline_mode = #tpu.pipeline_mode<synchronous>, transform_indices = @transform_3, window_bounds = array<i64: 416, 1>}, {pipeline_mode = #tpu.pipeline_mode<synchronous>, transform_indices = @transform_4, window_bounds = array<i64: 13, 1>}, {pipeline_mode = #tpu.pipeline_mode<synchronous>, transform_indices = @transform_5, window_bounds = array<i64: 416, 1>}, {pipeline_mode = #tpu.pipeline_mode<synchronous>, transform_indices = @transform_6, window_bounds = array<i64: 13, 1>}, {pipeline_mode = #tpu.pipeline_mode<synchronous>, transform_indices = @transform_7, window_bounds = array<i64: 416, 1>}, {pipeline_mode = #tpu.pipeline_mode<synchronous>, transform_indices = @transform_8, window_bounds = array<i64: 13, 1>}, {pipeline_mode = #tpu.pipeline_mode<synchronous>, transform_indices = @transform_9, window_bounds = array<i64: 416, 1>}, {pipeline_mode = #tpu.pipeline_mode<synchronous>, transform_indices = @transform_10, window_bounds = array<i64: 1, 1>}, {transform_indices = @transform_11, window_bounds = array<i64: 1, 4096>}]} {
    %get3A = arith.constant 0 : index
    %get3A_0 = arith.constant 0 : index
    %get3A_1 = vector.load %arg1[%get3A, %get3A_0] : memref<13x16384xf32, #tpu.memory_space<vmem>>, vector<13x16384xf32>
    %get3A_2 = arith.constant 0 : index
    %get3A_3 = arith.constant 0 : index
    %get3A_4 = vector.load %arg2[%get3A_2, %get3A_3] : memref<416x4096xf32, #tpu.memory_space<vmem>>, vector<416x4096xf32>
    %reduce_sum3A = arith.constant dense<0.000000e+00> : vector<13xf32>
    %reduce_sum3A_5 = vector.multi_reduction <add>, %get3A_1, %reduce_sum3A [1] : vector<13x16384xf32> to vector<13xf32>
    %broadcast_in_dim3A = vector.shape_cast %reduce_sum3A_5 : vector<13xf32> to vector<13x1xf32>
    %mul3A = arith.mulf %get3A_1, %get3A_1 : vector<13x16384xf32>
    %reduce_sum3A_6 = arith.constant dense<0.000000e+00> : vector<13xf32>
    %reduce_sum3A_7 = vector.multi_reduction <add>, %mul3A, %reduce_sum3A_6 [1] : vector<13x16384xf32> to vector<13xf32>
    %broadcast_in_dim3A_8 = vector.shape_cast %reduce_sum3A_7 : vector<13xf32> to vector<13x1xf32>
    %mul3A_9 = arith.constant 6.10351563E-5 : f32
    %mul3A_10 = vector.broadcast %mul3A_9 : f32 to vector<13x1xf32>
    %mul3A_11 = arith.mulf %broadcast_in_dim3A, %mul3A_10 : vector<13x1xf32>
    %get3A_12 = arith.constant 0 : index
    %get3A_13 = arith.constant 0 : index
    %get3A_14 = vector.load %arg3[%get3A_12, %get3A_13] : memref<416x1xf32, #tpu.memory_space<vmem>>, vector<416x1xf32>
    %mul3A_15 = arith.constant 6.10351563E-5 : f32
    %mul3A_16 = vector.broadcast %mul3A_15 : f32 to vector<416x1xf32>
    %mul3A_17 = arith.mulf %get3A_14, %mul3A_16 : vector<416x1xf32>
    %mul3A_18 = arith.constant 6.10351563E-5 : f32
    %mul3A_19 = vector.broadcast %mul3A_18 : f32 to vector<13x1xf32>
    %mul3A_20 = arith.mulf %broadcast_in_dim3A_8, %mul3A_19 : vector<13x1xf32>
    %mul3A_21 = arith.mulf %mul3A_11, %mul3A_11 : vector<13x1xf32>
    %sub3A = arith.subf %mul3A_20, %mul3A_21 : vector<13x1xf32>
    %get3A_22 = arith.constant 0 : index
    %get3A_23 = arith.constant 0 : index
    %get3A_24 = vector.load %arg4[%get3A_22, %get3A_23] : memref<416x1xf32, #tpu.memory_space<vmem>>, vector<416x1xf32>
    %mul3A_25 = arith.constant 6.10351563E-5 : f32
    %mul3A_26 = vector.broadcast %mul3A_25 : f32 to vector<416x1xf32>
    %mul3A_27 = arith.mulf %get3A_24, %mul3A_26 : vector<416x1xf32>
    %mul3A_28 = arith.mulf %mul3A_17, %mul3A_17 : vector<416x1xf32>
    %sub3A_29 = arith.subf %mul3A_27, %mul3A_28 : vector<416x1xf32>
    %add3A = arith.constant 1.000000e-03 : f32
    %add3A_30 = vector.broadcast %add3A : f32 to vector<13x1xf32>
    %add3A_31 = arith.addf %sub3A, %add3A_30 : vector<13x1xf32>
    %rsqrt3A = math.rsqrt %add3A_31 : vector<13x1xf32>
    %add3A_32 = arith.constant 1.000000e-03 : f32
    %add3A_33 = vector.broadcast %add3A_32 : f32 to vector<416x1xf32>
    %add3A_34 = arith.addf %sub3A_29, %add3A_33 : vector<416x1xf32>
    %rsqrt3A_35 = math.rsqrt %add3A_34 : vector<416x1xf32>
    %get3A_36 = arith.constant 0 : index
    %get3A_37 = arith.constant 0 : index
    %get3A_38 = vector.load %arg9[%get3A_36, %get3A_37] : memref<13x1xf32, #tpu.memory_space<vmem>>, vector<13x1xf32>
    %get3A_39 = arith.constant 0 : index
    %get3A_40 = arith.constant 0 : index
    %get3A_41 = vector.load %arg5[%get3A_39, %get3A_40] : memref<13x1xf32, #tpu.memory_space<vmem>>, vector<13x1xf32>
    %mul3A_42 = arith.mulf %get3A_38, %get3A_41 : vector<13x1xf32>
    %mul3A_43 = arith.mulf %mul3A_42, %rsqrt3A : vector<13x1xf32>
    %get3A_44 = arith.constant 0 : index
    %get3A_45 = arith.constant 0 : index
    %get3A_46 = vector.load %arg10[%get3A_44, %get3A_45] : memref<416x1xf32, #tpu.memory_space<vmem>>, vector<416x1xf32>
    %get3A_47 = arith.constant 0 : index
    %get3A_48 = arith.constant 0 : index
    %get3A_49 = vector.load %arg6[%get3A_47, %get3A_48] : memref<416x1xf32, #tpu.memory_space<vmem>>, vector<416x1xf32>
    %mul3A_50 = arith.mulf %get3A_46, %get3A_49 : vector<416x1xf32>
    %mul3A_51 = arith.mulf %mul3A_50, %rsqrt3A_35 : vector<416x1xf32>
    %get3A_52 = arith.constant 0 : index
    %get3A_53 = arith.constant 0 : index
    %get3A_54 = vector.load %arg9[%get3A_52, %get3A_53] : memref<13x1xf32, #tpu.memory_space<vmem>>, vector<13x1xf32>
    %get3A_55 = arith.constant 0 : index
    %get3A_56 = arith.constant 0 : index
    %get3A_57 = vector.load %arg7[%get3A_55, %get3A_56] : memref<13x1xf32, #tpu.memory_space<vmem>>, vector<13x1xf32>
    %get3A_58 = arith.constant 0 : index
    %get3A_59 = arith.constant 0 : index
    %get3A_60 = vector.load %arg5[%get3A_58, %get3A_59] : memref<13x1xf32, #tpu.memory_space<vmem>>, vector<13x1xf32>
    %mul3A_61 = arith.mulf %get3A_60, %mul3A_11 : vector<13x1xf32>
    %mul3A_62 = arith.mulf %mul3A_61, %rsqrt3A : vector<13x1xf32>
    %sub3A_63 = arith.subf %get3A_57, %mul3A_62 : vector<13x1xf32>
    %mul3A_64 = arith.mulf %get3A_54, %sub3A_63 : vector<13x1xf32>
    %reduce_sum3A_65 = vector.shape_cast %mul3A_64 : vector<13x1xf32> to vector<1x13x1xf32>
    %reduce_sum3A_66 = arith.constant dense<0.000000e+00> : vector<1xf32>
    %reduce_sum3A_67 = vector.multi_reduction <add>, %reduce_sum3A_65, %reduce_sum3A_66 [1, 2] : vector<1x13x1xf32> to vector<1xf32>
    %reduce_sum3A_68 = vector.shape_cast %reduce_sum3A_67 : vector<1xf32> to vector<1x1x1xf32>
    %reduce_sum3A_69 = vector.extract %reduce_sum3A_68[0, 0, 0] : f32 from vector<1x1x1xf32>
    %get3A_70 = arith.constant 0 : index
    %get3A_71 = arith.constant 0 : index
    %get3A_72 = vector.load %arg10[%get3A_70, %get3A_71] : memref<416x1xf32, #tpu.memory_space<vmem>>, vector<416x1xf32>
    %get3A_73 = arith.constant 0 : index
    %get3A_74 = arith.constant 0 : index
    %get3A_75 = vector.load %arg8[%get3A_73, %get3A_74] : memref<416x1xf32, #tpu.memory_space<vmem>>, vector<416x1xf32>
    %get3A_76 = arith.constant 0 : index
    %get3A_77 = arith.constant 0 : index
    %get3A_78 = vector.load %arg6[%get3A_76, %get3A_77] : memref<416x1xf32, #tpu.memory_space<vmem>>, vector<416x1xf32>
    %mul3A_79 = arith.mulf %get3A_78, %mul3A_17 : vector<416x1xf32>
    %mul3A_80 = arith.mulf %mul3A_79, %rsqrt3A_35 : vector<416x1xf32>
    %sub3A_81 = arith.subf %get3A_75, %mul3A_80 : vector<416x1xf32>
    %mul3A_82 = arith.mulf %get3A_72, %sub3A_81 : vector<416x1xf32>
    %reduce_sum3A_83 = vector.shape_cast %mul3A_82 : vector<416x1xf32> to vector<1x416x1xf32>
    %reduce_sum3A_84 = arith.constant dense<0.000000e+00> : vector<1xf32>
    %reduce_sum3A_85 = vector.multi_reduction <add>, %reduce_sum3A_83, %reduce_sum3A_84 [1, 2] : vector<1x416x1xf32> to vector<1xf32>
    %reduce_sum3A_86 = vector.shape_cast %reduce_sum3A_85 : vector<1xf32> to vector<1x1x1xf32>
    %reduce_sum3A_87 = vector.extract %reduce_sum3A_86[0, 0, 0] : f32 from vector<1x1x1xf32>
    %add3A_88 = arith.addf %reduce_sum3A_69, %reduce_sum3A_87 : f32
    %get3A_89 = arith.constant 0 : index
    %get3A_90 = arith.constant 0 : index
    %get3A_91 = vector.load %arg11[%get3A_89, %get3A_90] : memref<1x1xf32, #tpu.memory_space<vmem>>, vector<1x1xf32>
    %get3A_92 = vector.extract %get3A_91[0, 0] : f32 from vector<1x1xf32>
    %add3A_93 = arith.addf %add3A_88, %get3A_92 : f32
    %mul3A_94 = arith.constant 4096 : i32
    %mul3A_95 = arith.muli %arg0, %mul3A_94 : i32
    %get3A_96 = arith.constant 0 : index
    %get3A_97 = arith.index_cast %mul3A_95 : i32 to index
    %get3A_98 = vector.load %arg1[%get3A_96, %get3A_97] : memref<13x16384xf32, #tpu.memory_space<vmem>>, vector<13x4096xf32>
    %mul3A_99 = vector.broadcast %mul3A_43 : vector<13x1xf32> to vector<13x4096xf32>
    %mul3A_100 = arith.mulf %get3A_98, %mul3A_99 : vector<13x4096xf32>
    %reduce_sum3A_101 = arith.constant dense<0.000000e+00> : vector<4096xf32>
    %reduce_sum3A_102 = vector.multi_reduction <add>, %mul3A_100, %reduce_sum3A_101 [0] : vector<13x4096xf32> to vector<4096xf32>
    %broadcast_in_dim3A_103 = vector.shape_cast %reduce_sum3A_102 : vector<4096xf32> to vector<1x4096xf32>
    %dot_general3A = arith.constant dense<0.000000e+00> : vector<1x4096xf32>
    %dot_general3A_104 = tpu.matmul %mul3A_51, %get3A_4, %dot_general3A {dimension_numbers = #tpu.dot_dimension_numbers<[0], [0], [1], [1], [0, 1, 1, 1], [], []>, transpose_lhs_hint = false} : vector<416x1xf32>, vector<416x4096xf32>, vector<1x4096xf32> -> vector<1x4096xf32>
    %add3A_105 = arith.addf %broadcast_in_dim3A_103, %dot_general3A_104 : vector<1x4096xf32>
    %add3A_106 = vector.broadcast %add3A_93 : f32 to vector<1x4096xf32>
    %add3A_107 = arith.addf %add3A_105, %add3A_106 : vector<1x4096xf32>
    %logistic3A = arith.negf %add3A_107 : vector<1x4096xf32>
    %logistic3A_108 = math.exp %logistic3A : vector<1x4096xf32>
    %logistic3A_109 = arith.constant 1.000000e+00 : f32
    %logistic3A_110 = vector.broadcast %logistic3A_109 : f32 to vector<1x4096xf32>
    %logistic3A_111 = arith.addf %logistic3A_110, %logistic3A_108 : vector<1x4096xf32>
    %logistic3A_112 = arith.divf %logistic3A_110, %logistic3A_111 : vector<1x4096xf32>
    %swap3A = arith.constant 0 : index
    %swap3A_113 = arith.constant 0 : index
    %swap3A_114 = vector.load %arg12[%swap3A, %swap3A_113] : memref<1x4096xf32, #tpu.memory_space<vmem>>, vector<1x4096xf32>
    tpu.vector_store %arg12[%swap3A, %swap3A_113], %logistic3A_112 {strides = array<i32>} : memref<1x4096xf32, #tpu.memory_space<vmem>>, vector<1x4096xf32>,
    return
  }
  func.func @transform_0(%arg0: i32) -> (i32, i32) {
    %c0_i32 = arith.constant 0 : i32
    %c0_i32_0 = arith.constant 0 : i32
    %c0_i32_1 = arith.constant 0 : i32
    return %c0_i32, %c0_i32_0 : i32, i32
  }
  func.func @transform_1(%arg0: i32) -> (i32, i32) {
    %c0_i32 = arith.constant 0 : i32
    %c0_i32_0 = arith.constant 0 : i32
    return %c0_i32, %arg0 : i32, i32
  }
  func.func @transform_2(%arg0: i32) -> (i32, i32) {
    %c0_i32 = arith.constant 0 : i32
    %c0_i32_0 = arith.constant 0 : i32
    %c0_i32_1 = arith.constant 0 : i32
    return %c0_i32, %c0_i32_0 : i32, i32
  }
  func.func @transform_3(%arg0: i32) -> (i32, i32) {
    %c0_i32 = arith.constant 0 : i32
    %c0_i32_0 = arith.constant 0 : i32
    %c0_i32_1 = arith.constant 0 : i32
    return %c0_i32, %c0_i32_0 : i32, i32
  }
  func.func @transform_4(%arg0: i32) -> (i32, i32) {
    %c0_i32 = arith.constant 0 : i32
    %c0_i32_0 = arith.constant 0 : i32
    %c0_i32_1 = arith.constant 0 : i32
    return %c0_i32, %c0_i32_0 : i32, i32
  }
  func.func @transform_5(%arg0: i32) -> (i32, i32) {
    %c0_i32 = arith.constant 0 : i32
    %c0_i32_0 = arith.constant 0 : i32
    %c0_i32_1 = arith.constant 0 : i32
    return %c0_i32, %c0_i32_0 : i32, i32
  }
  func.func @transform_6(%arg0: i32) -> (i32, i32) {
    %c0_i32 = arith.constant 0 : i32
    %c0_i32_0 = arith.constant 0 : i32
    %c0_i32_1 = arith.constant 0 : i32
    return %c0_i32, %c0_i32_0 : i32, i32
  }
  func.func @transform_7(%arg0: i32) -> (i32, i32) {
    %c0_i32 = arith.constant 0 : i32
    %c0_i32_0 = arith.constant 0 : i32
    %c0_i32_1 = arith.constant 0 : i32
    return %c0_i32, %c0_i32_0 : i32, i32
  }
  func.func @transform_8(%arg0: i32) -> (i32, i32) {
    %c0_i32 = arith.constant 0 : i32
    %c0_i32_0 = arith.constant 0 : i32
    %c0_i32_1 = arith.constant 0 : i32
    return %c0_i32, %c0_i32_0 : i32, i32
  }
  func.func @transform_9(%arg0: i32) -> (i32, i32) {
    %c0_i32 = arith.constant 0 : i32
    %c0_i32_0 = arith.constant 0 : i32
    %c0_i32_1 = arith.constant 0 : i32
    return %c0_i32, %c0_i32_0 : i32, i32
  }
  func.func @transform_10(%arg0: i32) -> (i32, i32) {
    %c0_i32 = arith.constant 0 : i32
    %c0_i32_0 = arith.constant 0 : i32
    %c0_i32_1 = arith.constant 0 : i32
    return %c0_i32, %c0_i32_0 : i32, i32
  }
  func.func @transform_11(%arg0: i32) -> (i32, i32) {
    %c0_i32 = arith.constant 0 : i32
    %c0_i32_0 = arith.constant 0 : i32
    return %c0_i32, %arg0 : i32, i32
  }
}

</mosaic_0001>

<sc_bundles>
// kernel: kernel.4.cloned.1.call-start
scs
__scs_entry_jumppad:
0x0: {  	(pc) =	sbr.rel $0x88, $3  }
0x1: {  	(tag) =	ssettag $0x0;
	lr =	simm.s32 $0x1  }
0x2: {  	[smem:$0x3F9A] =	sst lr;
	_ =	strace $0xD0000000  }
0x3: {  	_ = 	snop  }
0x4: {  	_ = 	snop  }
0x5: {  	_ = 	snop  }
0x6: {  	_ = 	snop  }
0x7: {  	_ = 	snop  }
__scs_overlays_trampoline_lowered:
0x8: {  	[smem:$0x3FA9] =	sst s0  }
0x9: {  	[smem:$0x3FAA] =	sst s1  }
0xa: {  	[smem:$0x3FAB] =	sst s2  }
0xb: {  	[smem:$0x3FAC] =	sst s3  }
0xc: {  	[smem:$0x3FAD] =	sst s4  }
0xd: {  	[smem:$0x3FAE] =	sst s5  }
0xe: {  	[smem:$0x3FAF] =	sst s6  }
0xf: {  	[smem:$0x3FB0] =	sst s7  }
0x10: {  	[smem:$0x3FB1] =	sst s8  }
0x11: {  	[smem:$0x3FB2] =	sst s9;
	s0 =	simm.s32 @!p0 $0x0  }
0x12: {  	s1 =	sld [smem:$0x3F98];
	s0 =	simm.s32 @p0 $0x1  }
0x13: {  	[smem:$0x3FB3] =	sst s0;
	s0 =	simm.s32 @!p1 $0x0  }
0x14: {  	s2 =	sld [smem:$0x3F97];
	s0 =	simm.s32 @p1 $0x1  }
0x15: {  	[smem:$0x3FB4] =	sst s0;
	s0 =	simm.s32 @!p2 $0x0  }
0x16: {  	s3 =	sld [smem:$0x3FDB];
	s0 =	simm.s32 @p2 $0x1  }
0x17: {  	s4 =	simm.s32 $0x1BF5;
	[smem:$0x3FB6] =	sst s0  }
0x18: {  	s0 =	sld [smem:$0x3F99];
	_ =	swait.ge [sflag:s4], $0x0  }
0x19: {  	s7 =	sld [smem:$0x3F9A]  }
0x1a: {  	s8 =	sadd.s32 $0xFFFFE003, lr  }
0x1b: {  	s9 =	sadd.s32 $0xFFFFFEF7, lr;
	s5 =	simm.s32 $0xFFFFFFFF;
	p2 =	slt.u32 s8, $0xFFFFF086  }
0x1c: {  	p1 =	slt.u32 s9, $0xF7A;
	s5 =	simm.s32 @!p2 $0x0  }
0x1d: {  	s5 =	simm.s32 @p1 $0x1;
	p0 =	seq.s32 s7, s2  }
0x1e: {  	s7 =	smul.u32 @!p0 $0xF7A, s2;
	p2 =	seq.s32 @!p0 s5, $0x0  }
0x1f: {  	s9 =	smul.u32 $0xF7A, s1;
	s8 =	simm.s32 @!p0 $0x1BF5;
	p2 =	por !p2, p0  }
0x20: {  	[sflag:s8] =	ssyncset.s32 @!p0 $0xFFFFF086;
	s6 =	sadd.s32 @!p0 s3, s7;
	s7 =	simm.s32 @!p0 $0x108  }
0x21: {  	s3 =	sadd.s32 s3, s9;
	s6 =	sadd.s32 @!p0 $0x88, s6;
	s7 =	simm.s32 @p2 $0x1082  }
0x22: {  	[simem:s7], [sflag:s8] =	dma.local @!p0 [hbm:s6], $0xF7A  }
0x23: {  	s9 =	sor.u32 $0xD0000000, s2;
	s6 =	simm.s32 $0x108;
	_ =	swait.ge @!p0 [sflag:s8], $0x0  }
0x24: {  	s3 =	sadd.s32 $0x88, s3;
	s6 =	simm.s32 @!p1 $0x1082;
	[sflag:s4] =	ssyncset.s32 $0xFFFFF086  }
0x25: {  	[simem:s6], [sflag:s4] =	dma.local [hbm:s3], $0xF7A  }
0x26: {  	[smem:$0x3F9A] =	sst s1;
	(tag) =	ssettag s2;
	_ =	strace s9  }
0x27: {  	s1 =	sld [smem:$0x3FAA]  }
0x28: {  	s2 =	sld [smem:$0x3FAB]  }
0x29: {  	s4 =	sld [smem:$0x3FAD]  }
0x2a: {  	p0 =	seq.s32 s5, $0x0;
	s5 =	sld [smem:$0x3FAE]  }
0x2b: {  	s6 =	sld [smem:$0x3FAF]  }
0x2c: {  	s7 =	sld [smem:$0x3FB0]  }
0x2d: {  	s3 =	simm.s32 $0x108;
	s8 =	sld [smem:$0x3FB1]  }
0x2e: {  	s3 =	simm.s32 @!p0 $0x1082;
	s9 =	sld [smem:$0x3FB2]  }
0x2f: {  	lr =	sadd.s32 s0, s3;
	s0 =	sld [smem:$0x3FA9]  }
0x30: {  	s3 =	sld [smem:$0x3FAC]  }
0x31: {  	[smem:$0x3FB5] =	sst s10  }
0x32: {  	s10 =	sld [smem:$0x3FB3];
	_ =	sdelay $0x3  }
0x33: {  	p0 =	seq.s32 s10, $0x1;
	s10 =	sld [smem:$0x3FB5];
	_ =	sdelay $0x3  }
0x34: {  	[smem:$0x3FB5] =	sst s10  }
0x35: {  	s10 =	sld [smem:$0x3FB4];
	_ =	sdelay $0x3  }
0x36: {  	p1 =	seq.s32 s10, $0x1;
	s10 =	sld [smem:$0x3FB5];
	_ =	sdelay $0x3  }
0x37: {  	[smem:$0x3FB5] =	sst s10  }
0x38: {  	s10 =	sld [smem:$0x3FB6]  }
0x39: {  	_ = 	snop;
	(pc) =	sbr.ind lr, $3  }
0x3a: {  	_ = 	snop  }
0x3b: {  	_ = 	snop  }
0x3c: {  	p2 =	seq.s32 s10, $0x1;
	s10 =	sld [smem:$0x3FB5]  }
0x3d: {  	_ =	shalt  }
0x3e: {  	_ =	shalt  }
0x3f: {  	_ =	shalt  }
0x40: {  	_ =	shalt  }
0x41: {  	_ =	shalt  }
0x42: {  	_ =	shalt  }
0x43: {  	_ =	shalt  }
0x44: {  	_ =	shalt  }
0x45: {  	_ =	shalt  }
0x46: {  	_ =	shalt  }
0x47: {  	_ =	shalt  }
0x48: {  	_ =	shalt  }
0x49: {  	_ =	shalt  }
0x4a: {  	_ =	shalt  }
0x4b: {  	_ =	shalt  }
0x4c: {  	_ =	shalt  }
0x4d: {  	_ =	shalt  }
0x4e: {  	_ =	shalt  }
0x4f: {  	_ =	shalt  }
0x50: {  	_ =	shalt  }
0x51: {  	_ =	shalt  }
0x52: {  	_ =	shalt  }
0x53: {  	_ =	shalt  }
0x54: {  	_ =	shalt  }
0x55: {  	_ =	shalt  }
0x56: {  	_ =	shalt  }
0x57: {  	_ =	shalt  }
0x58: {  	_ =	shalt  }
0x59: {  	_ =	shalt  }
0x5a: {  	_ =	shalt  }
0x5b: {  	_ =	shalt  }
0x5c: {  	_ =	shalt  }
0x5d: {  	_ =	shalt  }
0x5e: {  	_ =	shalt  }
0x5f: {  	_ =	shalt  }
0x60: {  	_ =	shalt  }
0x61: {  	_ =	shalt  }
0x62: {  	_ =	shalt  }
0x63: {  	_ =	shalt  }
0x64: {  	_ =	shalt  }
0x65: {  	_ =	shalt  }
0x66: {  	_ =	shalt  }
0x67: {  	_ =	shalt  }
0x68: {  	_ =	shalt  }
0x69: {  	_ =	shalt  }
0x6a: {  	_ =	shalt  }
0x6b: {  	_ =	shalt  }
0x6c: {  	_ =	shalt  }
0x6d: {  	_ =	shalt  }
0x6e: {  	_ =	shalt  }
0x6f: {  	_ =	shalt  }
0x70: {  	_ =	shalt  }
0x71: {  	_ =	shalt  }
0x72: {  	_ =	shalt  }
0x73: {  	_ =	shalt  }
0x74: {  	_ =	shalt  }
0x75: {  	_ =	shalt  }
0x76: {  	_ =	shalt  }
0x77: {  	_ =	shalt  }
0x78: {  	_ =	shalt  }
0x79: {  	_ =	shalt  }
0x7a: {  	_ =	shalt  }
0x7b: {  	_ =	shalt  }
0x7c: {  	_ =	shalt  }
0x7d: {  	_ =	shalt  }
0x7e: {  	_ =	shalt  }
0x7f: {  	_ =	shalt  }
0x80: {  	_ =	shalt  }
0x81: {  	_ =	shalt  }
0x82: {  	_ =	shalt  }
0x83: {  	_ =	shalt  }
0x84: {  	_ =	shalt  }
0x85: {  	_ =	shalt  }
0x86: {  	_ =	shalt  }
0x87: {  	_ =	shalt  }
.Lfunc_end0:
.L_simem_size_0:
called_computation_lowered:
.L_overlay_start_0:
0x88: {  	s2 =	sld [smem:$0x3FD9]  }
0x89: {  	s3 =	sld [smem:$0x3FFE];
	_ =	sdelay $0x1  }
0x8a: {  	s1 =	srdreg.scid  }
0x8b: {  	s0 =	sand.u32 $0x1, s1  }
0x8c: {  	s17 =	sshll.u32 s0, $0xA;
	s2 =	sadd.s32 s3, s2  }
0x8d: {  	s2 =	sadd.s32 s2, s17  }
0x8e: {  	[smem:$0x3FC1] =	sst s2  }
0x8f: {  	_ = 	snop  }
0x90: {  	s2 =	sld [smem:$0x3FC9]  }
0x91: {  	s18 =	sld [smem:$0x3FC7]  }
0x92: {  	s4 =	sld [smem:$0x3FD0];
	(tm) =	ssettm $0x1  }
0x93: {  	s5 =	sld [smem:$0x3FFB];
	_ =	sdelay $0x3  }
0x94: {  	_ =	strace s5  }
0x95: {  	s5 =	sld [smem:$0x3FFC];
	_ =	sdelay $0x3  }
0x96: {  	_ =	strace s5  }
0x97: {  	s5 =	sld [smem:$0x3FFD];
	_ =	sdelay $0x3  }
0x98: {  	_ =	strace s5  }
0x99: {  	_ =	strace $0x8FFFFFFF  }
0x9a: {  	s19 =	sld [smem:$0x3FDB];
	_ =	sdelay $0x1  }
0x9b: {  	s6 =	simm.s32 $_scs_section_size  }
0x9c: {  	s7 =	simm.s32 $_size__tile_overlayer_lowered;
	s8 =	simm.s32 $_tile_overlayer_lowered  }
0x9d: {  	s22 =	simm.s32 $0x1BFF;
	s21 =	sshll.u32 s8, $0x1;
	s5 =	sadd.s32 s6, s19  }
0x9e: {  	s9 =	simm.s32 $0x0;
	s20 =	sshll.u32 s7, $0x1;
	s7 =	sadd.s32 s21, s5  }
0x9f: {  	[timem:s9], [sflag:s22] =	dma.local [hbm:s7], s20  }
0xa0: {  	_ =	swait.ge [sflag:s22], s20  }
0xa1: {  	s6 =	ssub.s32 $0x0, s20;
	[sflag:s22] =	ssyncset.done $0x0  }
0xa2: {  	[sflag:s22] =	ssyncadd.s32 s6;
	_ =	sdelay $0x1  }
0xa3: {  	s23 =	simm.s32 $0x1B8B  }
0xa4: {  	_ =	swait.ge [sflag:s23], $0x1  }
0xa5: {  	[sflag:s23] =	ssyncset.done $0x0  }
0xa6: {  	s25 =	simm.s32 $0x1B8E;
	s24 =	sld [smem:$0x3FFE];
	[sflag:s23] =	ssyncadd.s32 $0xFFFFFFFF  }
0xa7: {  	s26 =	simm.s32 $execute0_lowered;
	[smem:$0x3FD2] =	sst s25  }
0xa8: {  	s7 =	sshll.u32 s26, $0x1;
	_ =	strace $0x80000046;
	[dreg:$0x1] =	wrdreg $0xFFFFFFFF  }
0xa9: {  	s28 =	simm.s32 $_size_execute0_lowered;
	s5 =	sadd.s32 s5, s7;
	[dreg:$0x0] =	wrdreg $0x0  }
0xaa: {  	s7 =	sshll.u32 s28, $0x1;
	[dreg:$0x2] =	wrdreg s5  }
0xab: {  	[dreg:$0x3] =	wrdreg s7  }
0xac: {  	[dreg:$0x4] =	wrdreg $0xC0  }
0xad: {  	_ =	task [dreg:s9], $0x5FFFF  }
0xae: {  	[dreg:$0x1] =	wrdreg $0xFFFFFFFF  }
0xaf: {  	[dreg:$0x0] =	wrdreg $0x60  }
0xb0: {  	[dreg:$0x2] =	wrdreg s18  }
0xb1: {  	[dreg:$0x3] =	wrdreg s2  }
0xb2: {  	[dreg:$0x4] =	wrdreg s24  }
0xb3: {  	[dreg:$0x5] =	wrdreg s4  }
0xb4: {  	[dreg:$0x6] =	wrdreg $0x9  }
0xb5: {  	_ =	task.clear_ibuf [dreg:s9], $0x7FFFF;
	_ =	strace $0x90000046  }
0xb6: {  	s29 =	simm.s32 $0x9;
	_ =	strace $0x80000048  }
0xb7: {  	_ =	swait.ge [sflag:s29], $0x1  }
0xb8: {  	[sflag:s29] =	ssyncadd.s32 $0xFFFFFFFF  }
0xb9: {  	_ =	strace $0x90000048  }
0xba: {  	_ =	sfence  }
0xbb: {  	s30 =	sld [smem:$0x0];
	_ =	sdelay $0x2  }
0xbc: {  	s31 =	sshll.u32 s1, $0xD;
	s1 =	sshrl.u32 s1, $0x2  }
0xbd: {  	s3 =	sand.u32 $0x4000, s31;
	s1 =	sadd.s32 s1, s30  }
0xbe: {  	s0 =	sor.u32 s3, s0;
	s1 =	sshll.u32 s1, $0x11  }
0xbf: {  	s0 =	sor.u32 s1, s0  }
0xc0: {  	s0 =	sadd.s32 $0x8F2B, s0  }
0xc1: {  	[sflag:s0] =	ssyncadd.remote.s32 $0x1  }
0xc2: {  	_ =	sfence.sel $0xFFFF  }
0xc3: {  	[dreg:$0x0] =	wrdreg $0xFFFFFFFF;
	(pc) =	sbr.abs _section_cstart, $3  }
0xc4: {  	[dreg:$0x1] =	wrdreg $0xFFFFFFFF  }
0xc5: {  	_ =	task.clear_ibuf [dreg:s9], $0x2FFFF;
	_ =	strace $0x9FFFFFFF  }
0xc6: {  	(tm) =	ssettm $0x7FFFFFFF  }
0xc7: {  	_ =	shalt  }
tec
execute0_lowered:
.L_overlay_start_1:
0x0: {  	(tag) =	ssettag $0x1  }
0x1: {  	s0 =	srdreg.scid;
	s2 =	stileid.u32  }
0x2: {  	s0 =	sand.u32 $0x1, s0;
	s1 =	sshll.u32 s2, $0x1  }
0x3: {  	s10 =	rddreg [dreg:$0x1];
	s12 =	sshll.u32 s2, $0x6;
	s15 =	sor.u32 s0, s1  }
0x4: {  	s1 =	sand.u32 $0x300, s12;
	s0 =	ssub.s32 $0x2, s0;
	s13 =	sshll.u32 s15, $0x4  }
0x5: {  	s7 =	smul.u32 $0xD, s15;
	s14 =	sshrl.u32 s0, $0x1;
	s2 =	sand.u32 $0x70, s13  }
0x6: {  	s0 =	ssub.s32 s0, s14;
	s14 =	smul.u32 $0x280, s15;
	s1 =	sor.u32 s1, s2  }
0x7: {  	s16 =	sshrl.u32 s7, $0x4;
	s4 =	sshll.u32 s7, $0x1C;
	[smem:$0x7FD] =	sst s0  }
0x8: {  	s19 =	sadd.s32 $0x1, s7;
	s6 =	sshll.u32 s7, $0x7;
	s8 =	sand.u32 $0x70, s7  }
0x9: {  	[smem:$0x7F0] =	sst s1;
	s17 =	smul.u32 $0x187000, s16;
	s18 =	sshra.s32 s4, $0x1F  }
0xa: {  	s20 =	sshrl.u32 s19, $0x4;
	s3 =	sand.u32 $0xF, s19;
	s21 =	sand.u32 $0x380, s14  }
0xb: {  	s22 =	sand.u32 $0xC000, s6;
	s23 =	sadd.s32 s10, s8;
	s25 =	sshll.u32 s19, $0x7  }
0xc: {  	s11 =	sand.u32 $0x70, s19;
	s2 =	sshll.u32 s19, $0x4;
	s1 =	sand.u32 $0xC3800, s18  }
0xd: {  	s5 =	sshrl.u32 s3, $0x3;
	s0 =	sadd.s32 s17, s1;
	s1 =	smul.u32 $0x187000, s20  }
0xe: {  	[smem:$0x7F1] =	sst s3;
	s26 =	sand.u32 $0x380, s25;
	s5 =	smul.u32 $0xC3800, s5  }
0xf: {  	s6 =	sadd.s32 s10, s11;
	s18 =	sshll.u32 s19, $0xB;
	s0 =	sor.u32 s21, s0  }
0x10: {  	[smem:$0x7DD] =	sst s0;
	s0 =	sadd.s32 s22, s23;
	s24 =	sadd.s32 s1, s5  }
0x11: {  	s1 =	sand.u32 $0x1C000, s25;
	s5 =	sadd.s32 $0x2, s7;
	s22 =	sadd.s32 $0x3, s7  }
0x12: {  	[smem:$0x7FC] =	sst s0;
	s12 =	sshrl.u32 s5, $0x4;
	s13 =	sand.u32 $0xF, s5  }
0x13: {  	s0 =	sor.u32 s26, s24;
	s16 =	sadd.s32 s1, s6;
	s19 =	sshll.u32 s5, $0x7  }
0x14: {  	s1 =	sor.u32 s2, s18;
	s23 =	sand.u32 $0x70, s5;
	s24 =	sshrl.u32 s22, $0x4  }
0x15: {  	s25 =	sand.u32 $0xF, s22;
	s3 =	sshll.u32 s5, $0xB;
	[smem:$0x7F3] =	sst s13  }
0x16: {  	s5 =	sshll.u32 s5, $0x4;
	s18 =	sand.u32 $0x70, s22;
	[smem:$0x7DE] =	sst s0  }
0x17: {  	s8 =	smul.u32 $0x187000, s12;
	s9 =	sshrl.u32 s13, $0x3;
	[smem:$0x7FB] =	sst s16  }
0x18: {  	[smem:$0x7E1] =	sst s1;
	s20 =	sand.u32 $0x380, s19;
	s21 =	sand.u32 $0x1C000, s19  }
0x19: {  	[smem:$0x7F5] =	sst s25;
	s2 =	sadd.s32 s10, s23;
	s4 =	smul.u32 $0x187000, s24  }
0x1a: {  	s26 =	sshrl.u32 s25, $0x3;
	s13 =	sadd.s32 $0x4, s7;
	s17 =	smul.u32 $0xC3800, s9  }
0x1b: {  	s1 =	sshll.u32 s22, $0x4;
	s6 =	smul.u32 $0xC3800, s26;
	s9 =	sshll.u32 s22, $0x7  }
0x1c: {  	s16 =	sshrl.u32 s13, $0x4;
	s24 =	sand.u32 $0x70, s13;
	s12 =	sand.u32 $0x380, s9  }
0x1d: {  	s0 =	sadd.s32 s8, s17;
	s8 =	sor.u32 s5, s3;
	s11 =	sadd.s32 s4, s6  }
0x1e: {  	s17 =	sand.u32 $0xF, s13;
	s4 =	sadd.s32 s10, s18;
	[smem:$0x7E2] =	sst s8  }
0x1f: {  	s0 =	sor.u32 s20, s0;
	[smem:$0x7F7] =	sst s17;
	s19 =	sshrl.u32 s17, $0x3  }
0x20: {  	s20 =	sshll.u32 s22, $0xB;
	s22 =	sshll.u32 s13, $0x7;
	[smem:$0x7DF] =	sst s0  }
0x21: {  	s0 =	sadd.s32 s21, s2;
	s2 =	sor.u32 s12, s11;
	s6 =	smul.u32 $0xC3800, s19  }
0x22: {  	s23 =	sand.u32 $0x380, s22;
	s12 =	sshll.u32 s13, $0xB;
	s13 =	sshll.u32 s13, $0x4  }
0x23: {  	s19 =	sadd.s32 $0x6, s7;
	[dreg:$0x5] =	wrdreg s0;
	s0 =	sand.u32 $0x1C000, s9  }
0x24: {  	[smem:$0x7E0] =	sst s2;
	s2 =	smul.u32 $0x187000, s16;
	s0 =	sadd.s32 s0, s4  }
0x25: {  	s28 =	sand.u32 $0xF, s19;
	s4 =	sadd.s32 $0x5, s7;
	[dreg:$0x6] =	wrdreg s0  }
0x26: {  	s0 =	sor.u32 s1, s20;
	s21 =	sadd.s32 s2, s6;
	s1 =	sand.u32 $0x1C000, s22  }
0x27: {  	s25 =	sshrl.u32 s4, $0x4;
	s26 =	sand.u32 $0xF, s4;
	s6 =	sadd.s32 s10, s24  }
0x28: {  	s16 =	sshll.u32 s4, $0x7;
	s22 =	sshrl.u32 s19, $0x4;
	[smem:$0x7E4] =	sst s0  }
0x29: {  	s8 =	smul.u32 $0x187000, s25;
	s3 =	sshrl.u32 s26, $0x3;
	s24 =	sor.u32 s23, s21  }
0x2a: {  	s6 =	sadd.s32 s1, s6;
	s1 =	sor.u32 s13, s12;
	s17 =	sand.u32 $0x380, s16  }
0x2b: {  	s18 =	sand.u32 $0x1C000, s16;
	s21 =	sand.u32 $0x70, s4;
	s5 =	smul.u32 $0x187000, s22  }
0x2c: {  	s23 =	sshrl.u32 s28, $0x3;
	s25 =	sshll.u32 s4, $0xB;
	s4 =	sshll.u32 s4, $0x4  }
0x2d: {  	s13 =	sshll.u32 s19, $0xB;
	[dreg:$0x7] =	wrdreg s6;
	s11 =	smul.u32 $0xC3800, s3  }
0x2e: {  	[smem:$0x7E7] =	sst s1;
	s2 =	sadd.s32 s10, s21;
	s6 =	smul.u32 $0xC3800, s23  }
0x2f: {  	s3 =	sshll.u32 s19, $0x7;
	s1 =	sshll.u32 s19, $0x4;
	s0 =	sadd.s32 s8, s11  }
0x30: {  	s6 =	sadd.s32 s5, s6;
	s8 =	sand.u32 $0x380, s3;
	s5 =	sadd.s32 $0x7, s7  }
0x31: {  	s11 =	sand.u32 $0x70, s19;
	s20 =	sor.u32 s17, s0;
	s0 =	sadd.s32 s18, s2  }
0x32: {  	s2 =	sor.u32 s4, s25;
	s21 =	sor.u32 s8, s6;
	s9 =	sshrl.u32 s5, $0x4  }
0x33: {  	s29 =	sand.u32 $0xF, s5;
	s4 =	sadd.s32 s10, s11;
	s25 =	sor.u32 s1, s13  }
0x34: {  	s17 =	sshll.u32 s5, $0x7;
	s22 =	sand.u32 $0x70, s5;
	s19 =	sshll.u32 s5, $0xB  }
0x35: {  	s5 =	sshll.u32 s5, $0x4;
	s13 =	smul.u32 $0x34000, s15;
	[dreg:$0x8] =	wrdreg s0  }
0x36: {  	s15 =	sadd.s32 $0x9, s7;
	[smem:$0x7EA] =	sst s2;
	s2 =	smul.u32 $0x187000, s9  }
0x37: {  	s12 =	sshrl.u32 s29, $0x3;
	s0 =	sand.u32 $0x1C000, s3;
	s18 =	sand.u32 $0x380, s17  }
0x38: {  	s1 =	sand.u32 $0x1C000, s17;
	s0 =	sadd.s32 s0, s4;
	s4 =	sadd.s32 $0x8, s7  }
0x39: {  	s6 =	smul.u32 $0xC3800, s12;
	[dreg:$0x9] =	wrdreg s0;
	s23 =	sshrl.u32 s4, $0x4  }
0x3a: {  	s30 =	sand.u32 $0xF, s4;
	s17 =	sshll.u32 s4, $0x7;
	s0 =	sand.u32 $0x70, s4  }
0x3b: {  	s16 =	sadd.s32 s2, s6;
	s6 =	sadd.s32 s10, s22;
	s8 =	smul.u32 $0x187000, s23  }
0x3c: {  	s3 =	sshrl.u32 s30, $0x3;
	s23 =	sor.u32 s5, s19;
	s19 =	sand.u32 $0x380, s17  }
0x3d: {  	s22 =	sand.u32 $0x1C000, s17;
	s2 =	sadd.s32 s10, s0;
	s17 =	sor.u32 s14, s13  }
0x3e: {  	s13 =	sshll.u32 s15, $0x7;
	s5 =	sadd.s32 $0xA, s7;
	s31 =	smul.u32 $0xC3800, s3  }
0x3f: {  	s18 =	sor.u32 s18, s16;
	s11 =	sadd.s32 s1, s6;
	s1 =	sshrl.u32 s15, $0x4  }
0x40: {  	s6 =	sshll.u32 s15, $0xB;
	[dreg:$0xa] =	wrdreg s11;
	s12 =	sadd.s32 s8, s31  }
0x41: {  	s31 =	sand.u32 $0xF, s15;
	s8 =	smul.u32 $0x187000, s1;
	s1 =	sadd.s32 s22, s2  }
0x42: {  	s22 =	sand.u32 $0x1C000, s13;
	s2 =	sshrl.u32 s5, $0x4;
	s11 =	sshrl.u32 s31, $0x3  }
0x43: {  	s16 =	sor.u32 s19, s12;
	s12 =	sshll.u32 s4, $0xE;
	s0 =	smul.u32 $0xC3800, s11  }
0x44: {  	[dreg:$0xb] =	wrdreg s1;
	s19 =	sor.u32 s14, s12;
	s14 =	sand.u32 $0x380, s13  }
0x45: {  	s0 =	sadd.s32 s8, s0;
	s8 =	smul.u32 $0x187000, s2;
	s2 =	sshll.u32 s5, $0x7  }
0x46: {  	s12 =	sor.u32 s14, s0;
	s0 =	sand.u32 $0x70, s15;
	s14 =	sand.u32 $0xF, s5  }
0x47: {  	s15 =	sshll.u32 s15, $0x4;
	s4 =	sadd.s32 s10, s0;
	s3 =	sshrl.u32 s14, $0x3  }
0x48: {  	s15 =	sor.u32 s15, s6;
	s0 =	sadd.s32 $0xB, s7;
	s6 =	sand.u32 $0x70, s5  }
0x49: {  	s9 =	smul.u32 $0xC3800, s3;
	s1 =	sadd.s32 s22, s4;
	s13 =	sand.u32 $0xF, s0  }
0x4a: {  	s4 =	sand.u32 $0x380, s2;
	[dreg:$0xc] =	wrdreg s1;
	s1 =	sshrl.u32 s0, $0x4  }
0x4b: {  	s22 =	sshrl.u32 s13, $0x3;
	s11 =	sadd.s32 s8, s9;
	s8 =	smul.u32 $0x187000, s1  }
0x4c: {  	s3 =	sand.u32 $0x1C000, s2;
	s2 =	sadd.s32 s10, s6;
	s22 =	smul.u32 $0xC3800, s22  }
0x4d: {  	s1 =	sadd.s32 s3, s2;
	s2 =	sadd.s32 $0xC, s7;
	s7 =	sshll.u32 s5, $0xB  }
0x4e: {  	s11 =	sor.u32 s4, s11;
	[dreg:$0xd] =	wrdreg s1;
	s4 =	sshrl.u32 s2, $0x4  }
0x4f: {  	s1 =	sand.u32 $0x70, s0;
	s6 =	sadd.s32 s8, s22;
	s8 =	sshll.u32 s5, $0x4  }
0x50: {  	s9 =	smul.u32 $0x187000, s4;
	s22 =	sshll.u32 s0, $0x7;
	s5 =	sand.u32 $0xF, s2  }
0x51: {  	s1 =	sadd.s32 s10, s1;
	s4 =	sand.u32 $0x380, s22;
	s3 =	sshrl.u32 s5, $0x3  }
0x52: {  	s22 =	sand.u32 $0x1C000, s22;
	s7 =	sor.u32 s8, s7;
	s8 =	sshll.u32 s0, $0xB  }
0x53: {  	s0 =	sshll.u32 s0, $0x4;
	s3 =	smul.u32 $0xC3800, s3;
	s4 =	sor.u32 s4, s6  }
0x54: {  	s1 =	sadd.s32 s22, s1;
	s6 =	sshll.u32 s2, $0x7;
	s22 =	sand.u32 $0x70, s2  }
0x55: {  	[dreg:$0xe] =	wrdreg s1;
	s3 =	sadd.s32 s9, s3;
	s9 =	sand.u32 $0x380, s6  }
0x56: {  	s1 =	sor.u32 s0, s8;
	s0 =	sor.u32 s9, s3;
	s9 =	sld [smem:$0x7DD]  }
0x57: {  	s3 =	sadd.s32 s10, s22;
	s10 =	sld [smem:$0x7DE];
	_ =	sdelay $0x2  }
0x58: {  	s8 =	sshrl.u32 s9, $0x3;
	s9 =	sshrl.u32 s10, $0x3;
	s10 =	rddreg [dreg:$0x0]  }
0x59: {  	s8 =	sadd.s32 s10, s8;
	s22 =	sadd.s32 s10, s9;
	s9 =	sld [smem:$0x7DF]  }
0x5a: {  	[dreg:$0xf] =	wrdreg s8  }
0x5b: {  	s4 =	sshrl.u32 s4, $0x3;
	[dreg:$0x10] =	wrdreg s22  }
0x5c: {  	s0 =	sshrl.u32 s0, $0x3;
	s4 =	sadd.s32 s10, s4;
	s22 =	sld [smem:$0x7E0]  }
0x5d: {  	s0 =	sadd.s32 s10, s0;
	[dreg:$0x1a] =	wrdreg s4  }
0x5e: {  	s24 =	sshrl.u32 s24, $0x3;
	[dreg:$0x1b] =	wrdreg s0  }
0x5f: {  	s4 =	rddreg [dreg:$0x2];
	s8 =	sshrl.u32 s9, $0x3;
	s9 =	sadd.s32 s10, s24  }
0x60: {  	s24 =	sshrl.u32 s18, $0x3;
	s8 =	sadd.s32 s10, s8;
	[dreg:$0x13] =	wrdreg s9  }
0x61: {  	s18 =	sadd.s32 s10, s24;
	[dreg:$0x11] =	wrdreg s8  }
0x62: {  	s8 =	sshrl.u32 s22, $0x3;
	[dreg:$0x16] =	wrdreg s18  }
0x63: {  	s18 =	sld [smem:$0x7E2];
	s8 =	sadd.s32 s10, s8  }
0x64: {  	s20 =	sshrl.u32 s20, $0x3;
	s22 =	sshrl.u32 s21, $0x3;
	[dreg:$0x12] =	wrdreg s8  }
0x65: {  	s8 =	sadd.s32 s10, s20;
	s20 =	sshrl.u32 s16, $0x3;
	s16 =	sld [smem:$0x7E1]  }
0x66: {  	[dreg:$0x14] =	wrdreg s8;
	s8 =	sadd.s32 s10, s22  }
0x67: {  	s22 =	sshrl.u32 s11, $0x3;
	[dreg:$0x15] =	wrdreg s8  }
0x68: {  	s8 =	sadd.s32 s10, s20;
	s24 =	sadd.s32 s10, s22;
	s22 =	sld [smem:$0x7E4]  }
0x69: {  	s21 =	sshrl.u32 s12, $0x3;
	[dreg:$0x17] =	wrdreg s8  }
0x6a: {  	s9 =	sand.u32 $0x1C000, s6;
	s8 =	sadd.s32 s10, s21;
	[dreg:$0x19] =	wrdreg s24  }
0x6b: {  	s10 =	sadd.s32 s9, s3;
	[dreg:$0x18] =	wrdreg s8  }
0x6c: {  	s12 =	sshll.u32 s2, $0xB;
	s11 =	sand.u32 $0x7E0380, s17;
	[dreg:$0x1c] =	wrdreg s10  }
0x6d: {  	s0 =	sshrl.u32 s11, $0x3;
	s3 =	sadd.s32 $0xA00, s4;
	s8 =	sld [smem:$0x7E7]  }
0x6e: {  	s21 =	sadd.s32 $0x2A00, s4;
	s17 =	sadd.s32 s3, s0;
	s10 =	sld [smem:$0x7EA]  }
0x6f: {  	s6 =	sand.u32 $0xFFFC070, s16;
	s0 =	sadd.s32 s0, s21;
	[dreg:$0x1d] =	wrdreg s17  }
0x70: {  	s2 =	sshll.u32 s2, $0x4;
	s20 =	sadd.s32 s3, s6;
	[dreg:$0x1e] =	wrdreg s0  }
0x71: {  	s2 =	sor.u32 s2, s12;
	s6 =	sadd.s32 s6, s21;
	[dreg:$0x1f] =	wrdreg s20  }
0x72: {  	s12 =	sand.u32 $0xFFFC070, s25;
	s0 =	sand.u32 $0xFFFC070, s18;
	[smem:$0x7E3] =	sst s6  }
0x73: {  	s6 =	sand.u32 $0xFFFC070, s22;
	s17 =	sand.u32 $0x7FFE0380, s19;
	s18 =	sadd.s32 s3, s12  }
0x74: {  	s19 =	sand.u32 $0xFFFC070, s23;
	s23 =	sand.u32 $0xFFFC070, s7;
	s7 =	rddreg [dreg:$0x3]  }
0x75: {  	s20 =	sand.u32 $0xFFFC070, s15;
	s24 =	sadd.s32 s3, s0;
	[smem:$0x7EF] =	sst s18  }
0x76: {  	s0 =	sadd.s32 s0, s21;
	s9 =	sadd.s32 s3, s6;
	[smem:$0x7E5] =	sst s24  }
0x77: {  	s6 =	sadd.s32 s6, s21;
	s22 =	sadd.s32 s19, s21;
	[smem:$0x7E6] =	sst s0  }
0x78: {  	s15 =	sadd.s32 s20, s21;
	s0 =	sand.u32 $0xFFFC070, s8;
	[smem:$0x7E8] =	sst s9  }
0x79: {  	[smem:$0x7E9] =	sst s6;
	s6 =	sand.u32 $0xFFFC070, s10;
	s8 =	sadd.s32 s12, s21  }
0x7a: {  	s10 =	sadd.s32 s3, s19;
	s24 =	sand.u32 $0xFFFC070, s1;
	s1 =	sld [smem:$0x7F0]  }
0x7b: {  	s12 =	sadd.s32 s3, s20;
	s20 =	sld [smem:$0x7F1];
	s11 =	sadd.s32 s3, s0  }
0x7c: {  	s18 =	sadd.s32 s3, s24;
	s19 =	sadd.s32 s24, s21;
	s24 =	sld [smem:$0x7F5]  }
0x7d: {  	s16 =	sadd.s32 s3, s6;
	[smem:$0x7EB] =	sst s11  }
0x7e: {  	s6 =	sadd.s32 s6, s21;
	[smem:$0x7ED] =	sst s16  }
0x7f: {  	s25 =	sand.u32 $0xFFFC070, s2;
	s0 =	sadd.s32 s0, s21;
	[smem:$0x7EE] =	sst s6  }
0x80: {  	s6 =	sshrl.u32 s17, $0x3;
	s16 =	sadd.s32 s3, s23;
	s17 =	sadd.s32 s23, s21  }
0x81: {  	s23 =	sld [smem:$0x7F3];
	s9 =	sadd.s32 s3, s6;
	s11 =	sadd.s32 s6, s21  }
0x82: {  	s3 =	sadd.s32 s3, s25;
	s21 =	sadd.s32 s25, s21;
	p0 =	sne.s32 s20, $0x0  }
0x83: {  	s6 =	sadd.s32 s1, s4;
	s7 =	sadd.s32 s7, s1;
	s1 =	simm.s32 @!p0 $0x0  }
0x84: {  	s25 =	sld [smem:$0x7F7];
	s1 =	simm.s32 @p0 $0x1;
	p0 =	sne.s32 s23, $0x0  }
0x85: {  	[smem:$0x7F2] =	sst s1;
	s1 =	simm.s32 @!p0 $0x0  }
0x86: {  	s1 =	simm.s32 @p0 $0x1;
	p0 =	sne.s32 s24, $0x0  }
0x87: {  	[smem:$0x7F4] =	sst s1;
	s1 =	simm.s32 @!p0 $0x0  }
0x88: {  	s1 =	simm.s32 @p0 $0x1;
	p0 =	sne.s32 s25, $0x0  }
0x89: {  	p2 =	sne.s32 s14, $0x0;
	[smem:$0x7F6] =	sst s1;
	s1 =	simm.s32 @!p0 $0x0  }
0x8a: {  	s14 =	sld [smem:$0x7FB];
	s1 =	simm.s32 @p0 $0x1;
	p0 =	sne.s32 s26, $0x0  }
0x8b: {  	[smem:$0x7F8] =	sst s1;
	s1 =	simm.s32 @!p0 $0x0  }
0x8c: {  	[smem:$0x7EC] =	sst s0;
	s1 =	simm.s32 @p0 $0x1;
	p0 =	sne.s32 s28, $0x0  }
0x8d: {  	s23 =	simm.s32 $0x0;
	[smem:$0x7F9] =	sst s1;
	s1 =	simm.s32 @!p0 $0x0  }
0x8e: {  	p6 =	sne.s32 s29, $0x0;
	[smem:$0x7FF] =	sst s23;
	s1 =	simm.s32 @p0 $0x1  }
0x8f: {  	s29 =	simm.s32 $0x2;
	p1 =	sne.s32 s31, $0x0;
	[smem:$0x7FA] =	sst s1  }
0x90: {  	p3 =	sne.s32 s13, $0x0;
	s13 =	sld [smem:$0x7FC];
	_ =	strace $0x80000047  }
0x91: {  	s31 =	simm.s32 $0x1C700;
	p4 =	sne.s32 s5, $0x0;
	s26 =	sld [smem:$0x7FD]  }
0x92: {  	s2 =	simm.s32 $0x0;
	s0 =	simm.s32 $0x3;
	s24 =	sadd.s32 $0x600, s6  }
0x93: {  	s28 =	simm.s32 $0x400;
	p0 =	sne.s32 s30, $0x0;
	s30 =	simm.s32 $0x1  }
0x94: {  	s1 =	simm.s32 $0x4;
	s25 =	smax.u32 s26, $0x1;
	s26 =	simm.s32 $0x80  }
.LBB2_1:
0x95: {  	s4 =	rddreg [dreg:$0xf]  }
0x96: {  	[tilespmem:s23], [sflag:$0x1] =	stream.strided.gather [hbm4b:s4+s26], $0x18700, s28, s26, $0x38;
	[tilespmem:$0x1E900] =	vst v63  }
0x97: {  	s6 =	simm.s32 $0x18700  }
0x98: {  	[tilespmem:s6], [sflag:$0x2] =	stream.strided.gather [hbm4b:s13+s26], $0x4000, s28, s26, $0x38;
	[tilespmem:$0x1E900] =	vst v63  }
0x99: {  	_ =	swait.ge [sflag:s29], $0x4000  }
0x9a: {  	[sflag:s29] =	ssyncset.done $0x0  }
0x9b: {  	[sflag:s29] =	ssyncadd.s32 $0xFFFFC000  }
0x9c: {  	_ =	swait.ge [sflag:s30], $0x18700  }
0x9d: {  	[sflag:s30] =	ssyncset.done $0x0  }
0x9e: {  	s20 =	simm.s32 $0x18740;
	[sflag:s30] =	ssyncadd.s32 $0xFFFE7900  }
0x9f: {  	v0 =	vld [tilespmem:s20+$0xFFFFFFC0];
	_ =	sdelay $0x1  }
0xa0: {  	v1 =	vld [tilespmem:s20+$0xFFFFFFD0];
	_ =	sdelay $0x1  }
0xa1: {  	v2 =	vld [tilespmem:s20+$0xFFFFFFE0]  }
0xa2: {  	v10 =	vld [tilespmem:s20+$0xFFFFFFF0]  }
0xa3: {  	v7 =	vld [tilespmem:s20+$0x0]  }
0xa4: {  	v4 =	vld [tilespmem:s20+$0x10]  }
0xa5: {  	v3 =	vld.idx.msk [tilespmem:v0+s23+$0x0], $0xffff  }
0xa6: {  	v5 =	vld [tilespmem:s20+$0x20]  }
0xa7: {  	v1 =	vld.idx.msk [tilespmem:v1+s23+$0x0], $0xffff  }
0xa8: {  	v6 =	vld [tilespmem:s20+$0x30]  }
0xa9: {  	v0 =	vld.idx.msk [tilespmem:v2+s23+$0x0], $0xffff  }
0xaa: {  	v9 =	vimm.f32 $0.0e+00;
	s5 =	simm.s32 $0x0;
	s4 =	simm.s32 $0x1C740;
	s6 =	simm.s32 $0x187C0;
	v2 =	vld.idx.msk [tilespmem:v10+s23+$0x0], $0xffff;
	v10 =	vimm.f32 $0.0e+00;
	v8 =	vmul.f32 v3, v3  }
.LBB2_2:
0xab: {  	v11 =	vld [tilespmem:s6+$0xFFFFFFC0];
	[tilespmem:s4+$0xFFFFFFC0] =	vst v3  }
0xac: {  	s5 =	sadd.s32 $0x8, s5;
	v3 =	vadd.f32 v3, v9;
	v8 =	vadd.f32 v8, v10;
	v9 =	vmul.f32 v1, v1;
	v10 =	vld.idx.msk [tilespmem:v7+s23+$0x0], $0xffff  }
0xad: {  	p5 =	slt.u32 s5, $0x1F8;
	v12 =	vld [tilespmem:s6+$0xFFFFFFD0];
	[tilespmem:s4+$0xFFFFFFD0] =	vst v1  }
0xae: {  	v7 =	vmul.f32 v0, v0;
	v1 =	vadd.f32 v1, v3;
	v3 =	vadd.f32 v9, v8;
	v8 =	vld.idx.msk [tilespmem:v4+s23+$0x0], $0xffff  }
0xaf: {  	v9 =	vld [tilespmem:s6+$0xFFFFFFE0];
	[tilespmem:s4+$0xFFFFFFE0] =	vst v0  }
0xb0: {  	v0 =	vadd.f32 v0, v1;
	v1 =	vadd.f32 v7, v3;
	v3 =	vmul.f32 v2, v2;
	v13 =	vld.idx.msk [tilespmem:v5+s23+$0x0], $0xffff  }
0xb1: {  	v14 =	vld [tilespmem:s6+$0xFFFFFFF0];
	[tilespmem:s4+$0xFFFFFFF0] =	vst v2  }
0xb2: {  	v0 =	vadd.f32 v2, v0;
	v1 =	vadd.f32 v3, v1;
	v2 =	vmul.f32 v10, v10;
	v15 =	vld.idx.msk [tilespmem:v6+s23+$0x0], $0xffff  }
0xb3: {  	v7 =	vld [tilespmem:s6+$0x0];
	[tilespmem:s4+$0x0] =	vst v10  }
0xb4: {  	v5 =	vmul.f32 v8, v8;
	v3 =	vld.idx.msk [tilespmem:v11+s23+$0x0], $0xffff;
	v0 =	vadd.f32 v10, v0;
	v2 =	vadd.f32 v2, v1  }
0xb5: {  	v4 =	vld [tilespmem:s6+$0x10];
	[tilespmem:s4+$0x10] =	vst v8  }
.Ltmp0:
0xb6: {  	v1 =	vld.idx.msk [tilespmem:v12+s23+$0x0], $0xffff;
	v6 =	vadd.f32 v8, v0;
	v2 =	vadd.f32 v5, v2;
	v8 =	vmul.f32 v13, v13;
	(pc) =	sbr.rel @p5 .LBB2_2-.Ltmp0, $4  }
0xb7: {  	v5 =	vld [tilespmem:s6+$0x20];
	[tilespmem:s4+$0x20] =	vst v13  }
0xb8: {  	v11 =	vmul.f32 v15, v15;
	v0 =	vld.idx.msk [tilespmem:v9+s23+$0x0], $0xffff;
	v9 =	vadd.f32 v13, v6;
	v10 =	vadd.f32 v8, v2  }
0xb9: {  	v6 =	vld [tilespmem:s6+$0x30];
	[tilespmem:s4+$0x30] =	vst v15  }
0xba: {  	v8 =	vmul.f32 v3, v3;
	s6 =	sadd.s32 $0x80, s6;
	s4 =	sadd.s32 $0x80, s4;
	v2 =	vld.idx.msk [tilespmem:v14+s23+$0x0], $0xffff;
	v9 =	vadd.f32 v15, v9;
	v10 =	vadd.f32 v11, v10  }
0xbb: {  	_ =	sdelay $0x3  }
0xbc: {  	v7 =	vld.idx.msk [tilespmem:v7+s23+$0x0], $0xffff  }
0xbd: {  	[tilespmem:s4+$0xFFFFFFC0] =	vst v3;
	v4 =	vld.idx.msk [tilespmem:v4+s23+$0x0], $0xffff  }
0xbe: {  	[tilespmem:s4+$0xFFFFFFD0] =	vst v1;
	v11 =	vld.idx.msk [tilespmem:v5+s23+$0x0], $0xffff  }
0xbf: {  	[tilespmem:s4+$0xFFFFFFE0] =	vst v0;
	v12 =	vld.idx.msk [tilespmem:v6+s23+$0x0], $0xffff  }
0xc0: {  	[tilespmem:s4+$0xFFFFFFF0] =	vst v2  }
0xc1: {  	[tilespmem:s4+$0x0] =	vst v7  }
0xc2: {  	[tilespmem:s4+$0x10] =	vst v4  }
0xc3: {  	[tilespmem:s4+$0x20] =	vst v11  }
0xc4: {  	[tilespmem:s4+$0x30] =	vst v12  }
0xc5: {  	s4 =	rddreg [dreg:$0x1d]  }
0xc6: {  	[hbm4b:s4+s26] =	stream.strided.scatter [tilespmem:s31], [sflag:$0x3], $0x2000, s28, s26, $0x38;
	[tilespmem:$0x1E900] =	vst v63  }
0xc7: {  	v3 =	vadd.f32 v3, v9;
	v5 =	vadd.f32 v8, v10;
	v6 =	vmul.f32 v1, v1;
	_ =	swait.ge [sflag:s0], $0x2000  }
0xc8: {  	[sflag:s0] =	ssyncset.done $0x0  }
0xc9: {  	s20 =	simm.s32 $0x1A770;
	v1 =	vadd.f32 v1, v3;
	v3 =	vadd.f32 v6, v5;
	v5 =	vmul.f32 v0, v0;
	[sflag:s0] =	ssyncadd.s32 $0xFFFFE000  }
0xca: {  	v8 =	vld [tilespmem:s20+$0xFFFFFF90]  }
0xcb: {  	v0 =	vadd.f32 v0, v1;
	v1 =	vadd.f32 v5, v3;
	v3 =	vmul.f32 v2, v2  }
0xcc: {  	v6 =	vld [tilespmem:s20+$0xFFFFFFA0]  }
0xcd: {  	v0 =	vadd.f32 v2, v0;
	v2 =	vadd.f32 v3, v1;
	v3 =	vmul.f32 v7, v7  }
0xce: {  	v9 =	vld [tilespmem:s20+$0xFFFFFFB0]  }
0xcf: {  	v5 =	vadd.f32 v7, v0;
	v7 =	vmul.f32 v4, v4;
	v3 =	vadd.f32 v3, v2;
	v13 =	vld [tilespmem:s20+$0xFFFFFFC0]  }
0xd0: {  	v1 =	vld [tilespmem:s20+$0xFFFFFFD0]  }
0xd1: {  	v3 =	vadd.f32 v7, v3;
	v7 =	vmul.f32 v11, v11;
	v2 =	vld [tilespmem:s20+$0xFFFFFFE0]  }
0xd2: {  	v0 =	vld.idx.msk [tilespmem:v8+s23+$0x0], $0xffff  }
0xd3: {  	v7 =	vadd.f32 v7, v3;
	v3 =	vld [tilespmem:s20+$0x0];
	v8 =	vadd.f32 v4, v5  }
0xd4: {  	v4 =	vld.idx.msk [tilespmem:v6+s23+$0x0], $0xffff  }
0xd5: {  	v10 =	vmul.f32 v12, v12;
	v5 =	vld [tilespmem:s20+$0xFFFFFFF0];
	v8 =	vadd.f32 v11, v8  }
0xd6: {  	v6 =	vld.idx.msk [tilespmem:v9+s23+$0x0], $0xffff  }
0xd7: {  	s5 =	simm.s32 $0x0;
	s6 =	simm.s32 $0x1A7F0;
	s4 =	simm.s32 $0x1C740;
	v10 =	vadd.f32 v10, v7;
	v7 =	vld.idx.msk [tilespmem:v13+s23+$0x0], $0xffff;
	v9 =	vadd.f32 v12, v8;
	v8 =	vmul.f32 v0, v0  }
.LBB2_4:
0xd8: {  	v11 =	vld [tilespmem:s6+$0xFFFFFF90];
	[tilespmem:s4+$0xFFFFFFC0] =	vst v0  }
0xd9: {  	s5 =	sadd.s32 $0x8, s5;
	v0 =	vadd.f32 v0, v9;
	v8 =	vadd.f32 v8, v10;
	v9 =	vmul.f32 v4, v4;
	v10 =	vld.idx.msk [tilespmem:v1+s23+$0x0], $0xffff  }
0xda: {  	p5 =	slt.u32 s5, $0x1F8;
	v12 =	vld [tilespmem:s6+$0xFFFFFFA0];
	[tilespmem:s4+$0xFFFFFFD0] =	vst v4  }
0xdb: {  	v0 =	vadd.f32 v4, v0;
	v1 =	vadd.f32 v9, v8;
	v4 =	vmul.f32 v6, v6;
	v8 =	vld.idx.msk [tilespmem:v2+s23+$0x0], $0xffff  }
0xdc: {  	v9 =	vld [tilespmem:s6+$0xFFFFFFB0];
	[tilespmem:s4+$0xFFFFFFE0] =	vst v6  }
0xdd: {  	v2 =	vmul.f32 v7, v7;
	v0 =	vadd.f32 v6, v0;
	v1 =	vadd.f32 v4, v1;
	v13 =	vld.idx.msk [tilespmem:v5+s23+$0x0], $0xffff  }
0xde: {  	v14 =	vld [tilespmem:s6+$0xFFFFFFC0];
	[tilespmem:s4+$0xFFFFFFF0] =	vst v7  }
0xdf: {  	v5 =	vmul.f32 v10, v10;
	v4 =	vadd.f32 v7, v0;
	v2 =	vadd.f32 v2, v1;
	v15 =	vld.idx.msk [tilespmem:v3+s23+$0x0], $0xffff  }
0xe0: {  	v1 =	vld [tilespmem:s6+$0xFFFFFFD0];
	[tilespmem:s4+$0x0] =	vst v10  }
0xe1: {  	v6 =	vmul.f32 v8, v8;
	v0 =	vld.idx.msk [tilespmem:v11+s23+$0x0], $0xffff;
	v3 =	vadd.f32 v10, v4;
	v5 =	vadd.f32 v5, v2  }
0xe2: {  	v2 =	vld [tilespmem:s6+$0xFFFFFFE0];
	[tilespmem:s4+$0x10] =	vst v8  }
.Ltmp1:
0xe3: {  	v4 =	vld.idx.msk [tilespmem:v12+s23+$0x0], $0xffff;
	v3 =	vadd.f32 v8, v3;
	v7 =	vadd.f32 v6, v5;
	v8 =	vmul.f32 v13, v13;
	(pc) =	sbr.rel @p5 .LBB2_4-.Ltmp1, $4  }
0xe4: {  	v5 =	vld [tilespmem:s6+$0xFFFFFFF0];
	[tilespmem:s4+$0x20] =	vst v13  }
0xe5: {  	v11 =	vmul.f32 v15, v15;
	v6 =	vld.idx.msk [tilespmem:v9+s23+$0x0], $0xffff;
	v9 =	vadd.f32 v13, v3;
	v10 =	vadd.f32 v8, v7  }
0xe6: {  	v3 =	vld [tilespmem:s6+$0x0];
	[tilespmem:s4+$0x30] =	vst v15  }
0xe7: {  	v8 =	vmul.f32 v0, v0;
	s6 =	sadd.s32 $0x80, s6;
	s4 =	sadd.s32 $0x80, s4;
	v7 =	vld.idx.msk [tilespmem:v14+s23+$0x0], $0xffff;
	v9 =	vadd.f32 v15, v9;
	v10 =	vadd.f32 v11, v10  }
0xe8: {  	_ =	sdelay $0x1  }
0xe9: {  	v9 =	vadd.f32 v0, v9  }
0xea: {  	v8 =	vadd.f32 v8, v10;
	v10 =	vmul.f32 v4, v4  }
0xeb: {  	v1 =	vld.idx.msk [tilespmem:v1+s23+$0x0], $0xffff;
	v9 =	vadd.f32 v4, v9  }
0xec: {  	v8 =	vadd.f32 v10, v8;
	v10 =	vmul.f32 v6, v6  }
0xed: {  	v2 =	vld.idx.msk [tilespmem:v2+s23+$0x0], $0xffff;
	v9 =	vadd.f32 v6, v9  }
0xee: {  	[tilespmem:s4+$0xFFFFFFC0] =	vst v0;
	v8 =	vadd.f32 v10, v8;
	v10 =	vmul.f32 v7, v7  }
0xef: {  	[tilespmem:s4+$0xFFFFFFD0] =	vst v4;
	v5 =	vld.idx.msk [tilespmem:v5+s23+$0x0], $0xffff;
	v9 =	vadd.f32 v7, v9  }
0xf0: {  	[tilespmem:s4+$0xFFFFFFE0] =	vst v6;
	v3 =	vld.idx.msk [tilespmem:v3+s23+$0x0], $0xffff;
	v0 =	vadd.f32 v10, v8;
	v8 =	vmul.f32 v1, v1  }
0xf1: {  	[tilespmem:s4+$0xFFFFFFF0] =	vst v7;
	v4 =	vadd.f32 v1, v9  }
0xf2: {  	v6 =	vmul.f32 v2, v2;
	[tilespmem:s4+$0x0] =	vst v1;
	v0 =	vadd.f32 v8, v0  }
0xf3: {  	[tilespmem:s4+$0x10] =	vst v2;
	v4 =	vadd.f32 v2, v4  }
0xf4: {  	[tilespmem:s4+$0x20] =	vst v5;
	v1 =	vmul.f32 v5, v5;
	v0 =	vadd.f32 v6, v0  }
0xf5: {  	[tilespmem:s4+$0x30] =	vst v3;
	v2 =	vadd.f32 v5, v4  }
0xf6: {  	s4 =	rddreg [dreg:$0x1e];
	v0 =	vadd.f32 v1, v0;
	v1 =	vmul.f32 v3, v3  }
0xf7: {  	s6 =	sld [smem:$0x7F2];
	v2 =	vadd.f32 v3, v2  }
0xf8: {  	[hbm4b:s4+s26] =	stream.strided.scatter [tilespmem:s31], [sflag:$0x3], $0x2000, s28, s26, $0x38;
	v0 =	vadd.f32 v1, v0;
	[tilespmem:$0x1E900] =	vst v63  }
0xf9: {  	[tilespmem:$0x1E700] =	vst v2  }
0xfa: {  	s5 =	rddreg [dreg:$0x10];
	p5 =	seq.s32 s6, $0x1;
	[tilespmem:$0x1E800] =	vst v0  }
0xfb: {  	[tilespmem:s23], [sflag:$0x1] =	stream.strided.gather [hbm4b:s5+s26], $0x18700, s28, s26, $0x38;
	[tilespmem:$0x1E900] =	vst v63  }
0xfc: {  	s4 =	simm.s32 @!p5 $0x80;
	s6 =	simm.s32 @!p5 $0x18700;
	s5 =	simm.s32 @!p5 $0x400  }
0xfd: {  	[tilespmem:s6], [sflag:$0x2] =	stream.strided.gather @!p5 [hbm4b:s14+s4], $0x4000, s5, s4, $0x38;
	[tilespmem:$0x1E900] =	vst v63  }
0xfe: {  	s4 =	simm.s32 @!p5 $0x2  }
0xff: {  	_ =	swait.ge @!p5 [sflag:s4], $0x4000  }
0x100: {  	[sflag:s4] =	ssyncset.done @!p5 $0x0  }
0x101: {  	[sflag:s4] =	ssyncadd.s32 @!p5 $0xFFFFC000  }
0x102: {  	_ =	swait.ge [sflag:s30], $0x18700  }
0x103: {  	[sflag:s30] =	ssyncset.done $0x0  }
0x104: {  	[sflag:s30] =	ssyncadd.s32 $0xFFFE7900  }
0x105: {  	_ =	swait.ge [sflag:s0], $0x2000  }
0x106: {  	[sflag:s0] =	ssyncset.done $0x0  }
0x107: {  	s20 =	simm.s32 $0x18740;
	[sflag:s0] =	ssyncadd.s32 $0xFFFFE000  }
0x108: {  	v0 =	vld [tilespmem:s20+$0xFFFFFFC0];
	_ =	sdelay $0x1  }
0x109: {  	v1 =	vld [tilespmem:s20+$0xFFFFFFD0];
	_ =	sdelay $0x1  }
0x10a: {  	v2 =	vld [tilespmem:s20+$0xFFFFFFE0]  }
0x10b: {  	v10 =	vld [tilespmem:s20+$0xFFFFFFF0]  }
0x10c: {  	v7 =	vld [tilespmem:s20+$0x0]  }
0x10d: {  	v4 =	vld [tilespmem:s20+$0x10]  }
0x10e: {  	v3 =	vld.idx.msk [tilespmem:v0+s23+$0x0], $0xffff  }
0x10f: {  	v5 =	vld [tilespmem:s20+$0x20]  }
0x110: {  	v1 =	vld.idx.msk [tilespmem:v1+s23+$0x0], $0xffff  }
0x111: {  	v6 =	vld [tilespmem:s20+$0x30]  }
0x112: {  	v0 =	vld.idx.msk [tilespmem:v2+s23+$0x0], $0xffff  }
0x113: {  	v9 =	vimm.f32 $0.0e+00;
	s5 =	simm.s32 $0x0;
	s6 =	simm.s32 $0x187C0;
	s4 =	simm.s32 $0x1C740;
	v2 =	vld.idx.msk [tilespmem:v10+s23+$0x0], $0xffff;
	v10 =	vimm.f32 $0.0e+00;
	v8 =	vmul.f32 v3, v3  }
.LBB2_6:
0x114: {  	v11 =	vld [tilespmem:s6+$0xFFFFFFC0];
	[tilespmem:s4+$0xFFFFFFC0] =	vst v3  }
0x115: {  	s5 =	sadd.s32 $0x8, s5;
	v3 =	vadd.f32 v3, v9;
	v8 =	vadd.f32 v8, v10;
	v9 =	vmul.f32 v1, v1;
	v10 =	vld.idx.msk [tilespmem:v7+s23+$0x0], $0xffff  }
0x116: {  	p5 =	slt.u32 s5, $0x1F8;
	v12 =	vld [tilespmem:s6+$0xFFFFFFD0];
	[tilespmem:s4+$0xFFFFFFD0] =	vst v1  }
0x117: {  	v7 =	vmul.f32 v0, v0;
	v1 =	vadd.f32 v1, v3;
	v3 =	vadd.f32 v9, v8;
	v8 =	vld.idx.msk [tilespmem:v4+s23+$0x0], $0xffff  }
0x118: {  	v9 =	vld [tilespmem:s6+$0xFFFFFFE0];
	[tilespmem:s4+$0xFFFFFFE0] =	vst v0  }
0x119: {  	v0 =	vadd.f32 v0, v1;
	v1 =	vadd.f32 v7, v3;
	v3 =	vmul.f32 v2, v2;
	v13 =	vld.idx.msk [tilespmem:v5+s23+$0x0], $0xffff  }
0x11a: {  	v14 =	vld [tilespmem:s6+$0xFFFFFFF0];
	[tilespmem:s4+$0xFFFFFFF0] =	vst v2  }
0x11b: {  	v0 =	vadd.f32 v2, v0;
	v1 =	vadd.f32 v3, v1;
	v2 =	vmul.f32 v10, v10;
	v15 =	vld.idx.msk [tilespmem:v6+s23+$0x0], $0xffff  }
0x11c: {  	v7 =	vld [tilespmem:s6+$0x0];
	[tilespmem:s4+$0x0] =	vst v10  }
0x11d: {  	v5 =	vmul.f32 v8, v8;
	v3 =	vld.idx.msk [tilespmem:v11+s23+$0x0], $0xffff;
	v0 =	vadd.f32 v10, v0;
	v2 =	vadd.f32 v2, v1  }
0x11e: {  	v4 =	vld [tilespmem:s6+$0x10];
	[tilespmem:s4+$0x10] =	vst v8  }
.Ltmp2:
0x11f: {  	v1 =	vld.idx.msk [tilespmem:v12+s23+$0x0], $0xffff;
	v6 =	vadd.f32 v8, v0;
	v2 =	vadd.f32 v5, v2;
	v8 =	vmul.f32 v13, v13;
	(pc) =	sbr.rel @p5 .LBB2_6-.Ltmp2, $4  }
0x120: {  	v5 =	vld [tilespmem:s6+$0x20];
	[tilespmem:s4+$0x20] =	vst v13  }
0x121: {  	v11 =	vmul.f32 v15, v15;
	v0 =	vld.idx.msk [tilespmem:v9+s23+$0x0], $0xffff;
	v9 =	vadd.f32 v13, v6;
	v10 =	vadd.f32 v8, v2  }
0x122: {  	v6 =	vld [tilespmem:s6+$0x30];
	[tilespmem:s4+$0x30] =	vst v15  }
0x123: {  	v8 =	vmul.f32 v3, v3;
	s6 =	sadd.s32 $0x80, s6;
	s4 =	sadd.s32 $0x80, s4;
	v2 =	vld.idx.msk [tilespmem:v14+s23+$0x0], $0xffff;
	v9 =	vadd.f32 v15, v9;
	v10 =	vadd.f32 v11, v10  }
0x124: {  	_ =	sdelay $0x3  }
0x125: {  	v7 =	vld.idx.msk [tilespmem:v7+s23+$0x0], $0xffff  }
0x126: {  	[tilespmem:s4+$0xFFFFFFC0] =	vst v3;
	v4 =	vld.idx.msk [tilespmem:v4+s23+$0x0], $0xffff  }
0x127: {  	[tilespmem:s4+$0xFFFFFFD0] =	vst v1;
	v11 =	vld.idx.msk [tilespmem:v5+s23+$0x0], $0xffff  }
0x128: {  	[tilespmem:s4+$0xFFFFFFE0] =	vst v0;
	v12 =	vld.idx.msk [tilespmem:v6+s23+$0x0], $0xffff  }
0x129: {  	[tilespmem:s4+$0xFFFFFFF0] =	vst v2  }
0x12a: {  	[tilespmem:s4+$0x0] =	vst v7  }
0x12b: {  	[tilespmem:s4+$0x10] =	vst v4  }
0x12c: {  	[tilespmem:s4+$0x20] =	vst v11  }
0x12d: {  	[tilespmem:s4+$0x30] =	vst v12  }
0x12e: {  	s4 =	rddreg [dreg:$0x1f]  }
0x12f: {  	[hbm4b:s4+s26] =	stream.strided.scatter [tilespmem:s31], [sflag:$0x3], $0x2000, s28, s26, $0x38;
	[tilespmem:$0x1E900] =	vst v63  }
0x130: {  	v3 =	vadd.f32 v3, v9;
	v5 =	vadd.f32 v8, v10;
	v6 =	vmul.f32 v1, v1;
	_ =	swait.ge [sflag:s0], $0x2000  }
0x131: {  	[sflag:s0] =	ssyncset.done $0x0  }
0x132: {  	s20 =	simm.s32 $0x1A770;
	v1 =	vadd.f32 v1, v3;
	v3 =	vadd.f32 v6, v5;
	v5 =	vmul.f32 v0, v0;
	[sflag:s0] =	ssyncadd.s32 $0xFFFFE000  }
0x133: {  	v8 =	vld [tilespmem:s20+$0xFFFFFF90]  }
0x134: {  	v0 =	vadd.f32 v0, v1;
	v1 =	vadd.f32 v5, v3;
	v3 =	vmul.f32 v2, v2  }
0x135: {  	v6 =	vld [tilespmem:s20+$0xFFFFFFA0]  }
0x136: {  	v0 =	vadd.f32 v2, v0;
	v2 =	vadd.f32 v3, v1;
	v3 =	vmul.f32 v7, v7  }
0x137: {  	v9 =	vld [tilespmem:s20+$0xFFFFFFB0]  }
0x138: {  	v5 =	vadd.f32 v7, v0;
	v7 =	vmul.f32 v4, v4;
	v3 =	vadd.f32 v3, v2;
	v13 =	vld [tilespmem:s20+$0xFFFFFFC0]  }
0x139: {  	v1 =	vld [tilespmem:s20+$0xFFFFFFD0]  }
0x13a: {  	v3 =	vadd.f32 v7, v3;
	v7 =	vmul.f32 v11, v11;
	v2 =	vld [tilespmem:s20+$0xFFFFFFE0]  }
0x13b: {  	v0 =	vld.idx.msk [tilespmem:v8+s23+$0x0], $0xffff  }
0x13c: {  	v7 =	vadd.f32 v7, v3;
	v3 =	vld [tilespmem:s20+$0x0];
	v8 =	vadd.f32 v4, v5  }
0x13d: {  	v4 =	vld.idx.msk [tilespmem:v6+s23+$0x0], $0xffff  }
0x13e: {  	v10 =	vmul.f32 v12, v12;
	v5 =	vld [tilespmem:s20+$0xFFFFFFF0];
	v8 =	vadd.f32 v11, v8  }
0x13f: {  	v6 =	vld.idx.msk [tilespmem:v9+s23+$0x0], $0xffff  }
0x140: {  	s5 =	simm.s32 $0x0;
	s6 =	simm.s32 $0x1A7F0;
	s4 =	simm.s32 $0x1C740;
	v10 =	vadd.f32 v10, v7;
	v7 =	vld.idx.msk [tilespmem:v13+s23+$0x0], $0xffff;
	v9 =	vadd.f32 v12, v8;
	v8 =	vmul.f32 v0, v0  }
.LBB2_8:
0x141: {  	v11 =	vld [tilespmem:s6+$0xFFFFFF90];
	[tilespmem:s4+$0xFFFFFFC0] =	vst v0  }
0x142: {  	s5 =	sadd.s32 $0x8, s5;
	v0 =	vadd.f32 v0, v9;
	v8 =	vadd.f32 v8, v10;
	v9 =	vmul.f32 v4, v4;
	v10 =	vld.idx.msk [tilespmem:v1+s23+$0x0], $0xffff  }
0x143: {  	p5 =	slt.u32 s5, $0x1F8;
	v12 =	vld [tilespmem:s6+$0xFFFFFFA0];
	[tilespmem:s4+$0xFFFFFFD0] =	vst v4  }
0x144: {  	v0 =	vadd.f32 v4, v0;
	v1 =	vadd.f32 v9, v8;
	v4 =	vmul.f32 v6, v6;
	v8 =	vld.idx.msk [tilespmem:v2+s23+$0x0], $0xffff  }
0x145: {  	v9 =	vld [tilespmem:s6+$0xFFFFFFB0];
	[tilespmem:s4+$0xFFFFFFE0] =	vst v6  }
0x146: {  	v2 =	vmul.f32 v7, v7;
	v0 =	vadd.f32 v6, v0;
	v1 =	vadd.f32 v4, v1;
	v13 =	vld.idx.msk [tilespmem:v5+s23+$0x0], $0xffff  }
0x147: {  	v14 =	vld [tilespmem:s6+$0xFFFFFFC0];
	[tilespmem:s4+$0xFFFFFFF0] =	vst v7  }
0x148: {  	v5 =	vmul.f32 v10, v10;
	v4 =	vadd.f32 v7, v0;
	v2 =	vadd.f32 v2, v1;
	v15 =	vld.idx.msk [tilespmem:v3+s23+$0x0], $0xffff  }
0x149: {  	v1 =	vld [tilespmem:s6+$0xFFFFFFD0];
	[tilespmem:s4+$0x0] =	vst v10  }
0x14a: {  	v6 =	vmul.f32 v8, v8;
	v0 =	vld.idx.msk [tilespmem:v11+s23+$0x0], $0xffff;
	v3 =	vadd.f32 v10, v4;
	v5 =	vadd.f32 v5, v2  }
0x14b: {  	v2 =	vld [tilespmem:s6+$0xFFFFFFE0];
	[tilespmem:s4+$0x10] =	vst v8  }
.Ltmp3:
0x14c: {  	v4 =	vld.idx.msk [tilespmem:v12+s23+$0x0], $0xffff;
	v3 =	vadd.f32 v8, v3;
	v7 =	vadd.f32 v6, v5;
	v8 =	vmul.f32 v13, v13;
	(pc) =	sbr.rel @p5 .LBB2_8-.Ltmp3, $4  }
0x14d: {  	v5 =	vld [tilespmem:s6+$0xFFFFFFF0];
	[tilespmem:s4+$0x20] =	vst v13  }
0x14e: {  	v11 =	vmul.f32 v15, v15;
	v6 =	vld.idx.msk [tilespmem:v9+s23+$0x0], $0xffff;
	v9 =	vadd.f32 v13, v3;
	v10 =	vadd.f32 v8, v7  }
0x14f: {  	v3 =	vld [tilespmem:s6+$0x0];
	[tilespmem:s4+$0x30] =	vst v15  }
0x150: {  	v8 =	vmul.f32 v0, v0;
	s6 =	sadd.s32 $0x80, s6;
	s4 =	sadd.s32 $0x80, s4;
	v7 =	vld.idx.msk [tilespmem:v14+s23+$0x0], $0xffff;
	v9 =	vadd.f32 v15, v9;
	v10 =	vadd.f32 v11, v10  }
0x151: {  	_ =	sdelay $0x1  }
0x152: {  	v9 =	vadd.f32 v0, v9  }
0x153: {  	v8 =	vadd.f32 v8, v10;
	v10 =	vmul.f32 v4, v4  }
0x154: {  	v1 =	vld.idx.msk [tilespmem:v1+s23+$0x0], $0xffff;
	v9 =	vadd.f32 v4, v9  }
0x155: {  	v8 =	vadd.f32 v10, v8;
	v10 =	vmul.f32 v6, v6  }
0x156: {  	v2 =	vld.idx.msk [tilespmem:v2+s23+$0x0], $0xffff;
	[tilespmem:s4+$0xFFFFFFC0] =	vst v0;
	v9 =	vadd.f32 v6, v9  }
0x157: {  	[tilespmem:s4+$0xFFFFFFD0] =	vst v4;
	v5 =	vld.idx.msk [tilespmem:v5+s23+$0x0], $0xffff;
	v8 =	vadd.f32 v10, v8;
	v10 =	vmul.f32 v7, v7  }
0x158: {  	[tilespmem:s4+$0xFFFFFFE0] =	vst v6;
	v3 =	vld.idx.msk [tilespmem:v3+s23+$0x0], $0xffff;
	v9 =	vadd.f32 v7, v9  }
0x159: {  	[tilespmem:s4+$0xFFFFFFF0] =	vst v7;
	v0 =	vadd.f32 v10, v8;
	v8 =	vmul.f32 v1, v1  }
0x15a: {  	[tilespmem:s4+$0x0] =	vst v1;
	v4 =	vadd.f32 v1, v9  }
0x15b: {  	v6 =	vmul.f32 v2, v2;
	[tilespmem:s4+$0x10] =	vst v2;
	v0 =	vadd.f32 v8, v0  }
0x15c: {  	[tilespmem:s4+$0x20] =	vst v5;
	v4 =	vadd.f32 v2, v4  }
0x15d: {  	[tilespmem:s4+$0x30] =	vst v3;
	v1 =	vmul.f32 v5, v5;
	v0 =	vadd.f32 v6, v0  }
0x15e: {  	s4 =	sld [smem:$0x7E3];
	v2 =	vadd.f32 v5, v4  }
0x15f: {  	v0 =	vadd.f32 v1, v0;
	v1 =	vmul.f32 v3, v3  }
0x160: {  	s6 =	sld [smem:$0x7F4];
	v2 =	vadd.f32 v3, v2  }
0x161: {  	[hbm4b:s4+s26] =	stream.strided.scatter [tilespmem:s31], [sflag:$0x3], $0x2000, s28, s26, $0x38;
	v0 =	vadd.f32 v1, v0;
	[tilespmem:$0x1E900] =	vst v63  }
0x162: {  	s5 =	rddreg [dreg:$0x11];
	[tilespmem:$0x1E710] =	vst v2  }
0x163: {  	s20 =	rddreg [dreg:$0x5];
	p5 =	seq.s32 s6, $0x1;
	[tilespmem:$0x1E810] =	vst v0  }
0x164: {  	[tilespmem:s23], [sflag:$0x1] =	stream.strided.gather [hbm4b:s5+s26], $0x18700, s28, s26, $0x38;
	[tilespmem:$0x1E900] =	vst v63  }
0x165: {  	s4 =	simm.s32 @!p5 $0x80;
	s6 =	simm.s32 @!p5 $0x18700;
	s5 =	simm.s32 @!p5 $0x400  }
0x166: {  	[tilespmem:s6], [sflag:$0x2] =	stream.strided.gather @!p5 [hbm4b:s20+s4], $0x4000, s5, s4, $0x38;
	[tilespmem:$0x1E900] =	vst v63  }
0x167: {  	s4 =	simm.s32 @!p5 $0x2  }
0x168: {  	_ =	swait.ge @!p5 [sflag:s4], $0x4000  }
0x169: {  	[sflag:s4] =	ssyncset.done @!p5 $0x0  }
0x16a: {  	[sflag:s4] =	ssyncadd.s32 @!p5 $0xFFFFC000  }
0x16b: {  	_ =	swait.ge [sflag:s30], $0x18700  }
0x16c: {  	[sflag:s30] =	ssyncset.done $0x0  }
0x16d: {  	[sflag:s30] =	ssyncadd.s32 $0xFFFE7900  }
0x16e: {  	_ =	swait.ge [sflag:s0], $0x2000  }
0x16f: {  	[sflag:s0] =	ssyncset.done $0x0  }
0x170: {  	s20 =	simm.s32 $0x18740;
	[sflag:s0] =	ssyncadd.s32 $0xFFFFE000  }
0x171: {  	v0 =	vld [tilespmem:s20+$0xFFFFFFC0];
	_ =	sdelay $0x1  }
0x172: {  	v1 =	vld [tilespmem:s20+$0xFFFFFFD0];
	_ =	sdelay $0x1  }
0x173: {  	v2 =	vld [tilespmem:s20+$0xFFFFFFE0]  }
0x174: {  	v10 =	vld [tilespmem:s20+$0xFFFFFFF0]  }
0x175: {  	v7 =	vld [tilespmem:s20+$0x0]  }
0x176: {  	v4 =	vld [tilespmem:s20+$0x10]  }
0x177: {  	v3 =	vld.idx.msk [tilespmem:v0+s23+$0x0], $0xffff  }
0x178: {  	v5 =	vld [tilespmem:s20+$0x20]  }
0x179: {  	v1 =	vld.idx.msk [tilespmem:v1+s23+$0x0], $0xffff  }
0x17a: {  	v6 =	vld [tilespmem:s20+$0x30]  }
0x17b: {  	v0 =	vld.idx.msk [tilespmem:v2+s23+$0x0], $0xffff  }
0x17c: {  	v9 =	vimm.f32 $0.0e+00;
	s5 =	simm.s32 $0x0;
	s6 =	simm.s32 $0x187C0;
	s4 =	simm.s32 $0x1C740;
	v2 =	vld.idx.msk [tilespmem:v10+s23+$0x0], $0xffff;
	v10 =	vimm.f32 $0.0e+00;
	v8 =	vmul.f32 v3, v3  }
.LBB2_10:
0x17d: {  	v11 =	vld [tilespmem:s6+$0xFFFFFFC0];
	[tilespmem:s4+$0xFFFFFFC0] =	vst v3  }
0x17e: {  	s5 =	sadd.s32 $0x8, s5;
	v3 =	vadd.f32 v3, v9;
	v8 =	vadd.f32 v8, v10;
	v9 =	vmul.f32 v1, v1;
	v10 =	vld.idx.msk [tilespmem:v7+s23+$0x0], $0xffff  }
0x17f: {  	p5 =	slt.u32 s5, $0x1F8;
	v12 =	vld [tilespmem:s6+$0xFFFFFFD0];
	[tilespmem:s4+$0xFFFFFFD0] =	vst v1  }
0x180: {  	v7 =	vmul.f32 v0, v0;
	v1 =	vadd.f32 v1, v3;
	v3 =	vadd.f32 v9, v8;
	v8 =	vld.idx.msk [tilespmem:v4+s23+$0x0], $0xffff  }
0x181: {  	v9 =	vld [tilespmem:s6+$0xFFFFFFE0];
	[tilespmem:s4+$0xFFFFFFE0] =	vst v0  }
0x182: {  	v0 =	vadd.f32 v0, v1;
	v1 =	vadd.f32 v7, v3;
	v3 =	vmul.f32 v2, v2;
	v13 =	vld.idx.msk [tilespmem:v5+s23+$0x0], $0xffff  }
0x183: {  	v14 =	vld [tilespmem:s6+$0xFFFFFFF0];
	[tilespmem:s4+$0xFFFFFFF0] =	vst v2  }
0x184: {  	v0 =	vadd.f32 v2, v0;
	v1 =	vadd.f32 v3, v1;
	v2 =	vmul.f32 v10, v10;
	v15 =	vld.idx.msk [tilespmem:v6+s23+$0x0], $0xffff  }
0x185: {  	v7 =	vld [tilespmem:s6+$0x0];
	[tilespmem:s4+$0x0] =	vst v10  }
0x186: {  	v5 =	vmul.f32 v8, v8;
	v3 =	vld.idx.msk [tilespmem:v11+s23+$0x0], $0xffff;
	v0 =	vadd.f32 v10, v0;
	v2 =	vadd.f32 v2, v1  }
0x187: {  	v4 =	vld [tilespmem:s6+$0x10];
	[tilespmem:s4+$0x10] =	vst v8  }
.Ltmp4:
0x188: {  	v1 =	vld.idx.msk [tilespmem:v12+s23+$0x0], $0xffff;
	v6 =	vadd.f32 v8, v0;
	v2 =	vadd.f32 v5, v2;
	v8 =	vmul.f32 v13, v13;
	(pc) =	sbr.rel @p5 .LBB2_10-.Ltmp4, $4  }
0x189: {  	v5 =	vld [tilespmem:s6+$0x20];
	[tilespmem:s4+$0x20] =	vst v13  }
0x18a: {  	v11 =	vmul.f32 v15, v15;
	v0 =	vld.idx.msk [tilespmem:v9+s23+$0x0], $0xffff;
	v9 =	vadd.f32 v13, v6;
	v10 =	vadd.f32 v8, v2  }
0x18b: {  	v6 =	vld [tilespmem:s6+$0x30];
	[tilespmem:s4+$0x30] =	vst v15  }
0x18c: {  	v8 =	vmul.f32 v3, v3;
	s6 =	sadd.s32 $0x80, s6;
	s4 =	sadd.s32 $0x80, s4;
	v2 =	vld.idx.msk [tilespmem:v14+s23+$0x0], $0xffff;
	v9 =	vadd.f32 v15, v9;
	v10 =	vadd.f32 v11, v10  }
0x18d: {  	_ =	sdelay $0x3  }
0x18e: {  	v7 =	vld.idx.msk [tilespmem:v7+s23+$0x0], $0xffff  }
0x18f: {  	[tilespmem:s4+$0xFFFFFFC0] =	vst v3;
	v4 =	vld.idx.msk [tilespmem:v4+s23+$0x0], $0xffff  }
0x190: {  	[tilespmem:s4+$0xFFFFFFD0] =	vst v1;
	v11 =	vld.idx.msk [tilespmem:v5+s23+$0x0], $0xffff  }
0x191: {  	[tilespmem:s4+$0xFFFFFFE0] =	vst v0;
	v12 =	vld.idx.msk [tilespmem:v6+s23+$0x0], $0xffff  }
0x192: {  	[tilespmem:s4+$0xFFFFFFF0] =	vst v2  }
0x193: {  	[tilespmem:s4+$0x0] =	vst v7  }
0x194: {  	[tilespmem:s4+$0x10] =	vst v4  }
0x195: {  	[tilespmem:s4+$0x20] =	vst v11  }
0x196: {  	[tilespmem:s4+$0x30] =	vst v12  }
0x197: {  	s4 =	sld [smem:$0x7E5];
	_ =	sdelay $0x2  }
0x198: {  	[hbm4b:s4+s26] =	stream.strided.scatter [tilespmem:s31], [sflag:$0x3], $0x2000, s28, s26, $0x38;
	[tilespmem:$0x1E900] =	vst v63  }
0x199: {  	v3 =	vadd.f32 v3, v9;
	v5 =	vadd.f32 v8, v10;
	v6 =	vmul.f32 v1, v1;
	_ =	swait.ge [sflag:s0], $0x2000  }
0x19a: {  	[sflag:s0] =	ssyncset.done $0x0  }
0x19b: {  	s20 =	simm.s32 $0x1A770;
	v1 =	vadd.f32 v1, v3;
	v3 =	vadd.f32 v6, v5;
	v5 =	vmul.f32 v0, v0;
	[sflag:s0] =	ssyncadd.s32 $0xFFFFE000  }
0x19c: {  	v8 =	vld [tilespmem:s20+$0xFFFFFF90]  }
0x19d: {  	v0 =	vadd.f32 v0, v1;
	v1 =	vadd.f32 v5, v3;
	v3 =	vmul.f32 v2, v2  }
0x19e: {  	v6 =	vld [tilespmem:s20+$0xFFFFFFA0]  }
0x19f: {  	v0 =	vadd.f32 v2, v0;
	v2 =	vadd.f32 v3, v1;
	v3 =	vmul.f32 v7, v7  }
0x1a0: {  	v9 =	vld [tilespmem:s20+$0xFFFFFFB0]  }
0x1a1: {  	v5 =	vadd.f32 v7, v0;
	v7 =	vmul.f32 v4, v4;
	v3 =	vadd.f32 v3, v2;
	v13 =	vld [tilespmem:s20+$0xFFFFFFC0]  }
0x1a2: {  	v1 =	vld [tilespmem:s20+$0xFFFFFFD0]  }
0x1a3: {  	v3 =	vadd.f32 v7, v3;
	v7 =	vmul.f32 v11, v11;
	v2 =	vld [tilespmem:s20+$0xFFFFFFE0]  }
0x1a4: {  	v0 =	vld.idx.msk [tilespmem:v8+s23+$0x0], $0xffff  }
0x1a5: {  	v7 =	vadd.f32 v7, v3;
	v3 =	vld [tilespmem:s20+$0x0];
	v8 =	vadd.f32 v4, v5  }
0x1a6: {  	v4 =	vld.idx.msk [tilespmem:v6+s23+$0x0], $0xffff  }
0x1a7: {  	v10 =	vmul.f32 v12, v12;
	v5 =	vld [tilespmem:s20+$0xFFFFFFF0];
	v8 =	vadd.f32 v11, v8  }
0x1a8: {  	v6 =	vld.idx.msk [tilespmem:v9+s23+$0x0], $0xffff  }
0x1a9: {  	s5 =	simm.s32 $0x0;
	s6 =	simm.s32 $0x1A7F0;
	s4 =	simm.s32 $0x1C740;
	v10 =	vadd.f32 v10, v7;
	v7 =	vld.idx.msk [tilespmem:v13+s23+$0x0], $0xffff;
	v9 =	vadd.f32 v12, v8;
	v8 =	vmul.f32 v0, v0  }
.LBB2_12:
0x1aa: {  	v11 =	vld [tilespmem:s6+$0xFFFFFF90];
	[tilespmem:s4+$0xFFFFFFC0] =	vst v0  }
0x1ab: {  	s5 =	sadd.s32 $0x8, s5;
	v0 =	vadd.f32 v0, v9;
	v8 =	vadd.f32 v8, v10;
	v9 =	vmul.f32 v4, v4;
	v10 =	vld.idx.msk [tilespmem:v1+s23+$0x0], $0xffff  }
0x1ac: {  	p5 =	slt.u32 s5, $0x1F8;
	v12 =	vld [tilespmem:s6+$0xFFFFFFA0];
	[tilespmem:s4+$0xFFFFFFD0] =	vst v4  }
0x1ad: {  	v0 =	vadd.f32 v4, v0;
	v1 =	vadd.f32 v9, v8;
	v4 =	vmul.f32 v6, v6;
	v8 =	vld.idx.msk [tilespmem:v2+s23+$0x0], $0xffff  }
0x1ae: {  	v9 =	vld [tilespmem:s6+$0xFFFFFFB0];
	[tilespmem:s4+$0xFFFFFFE0] =	vst v6  }
0x1af: {  	v2 =	vmul.f32 v7, v7;
	v0 =	vadd.f32 v6, v0;
	v1 =	vadd.f32 v4, v1;
	v13 =	vld.idx.msk [tilespmem:v5+s23+$0x0], $0xffff  }
0x1b0: {  	v14 =	vld [tilespmem:s6+$0xFFFFFFC0];
	[tilespmem:s4+$0xFFFFFFF0] =	vst v7  }
0x1b1: {  	v5 =	vmul.f32 v10, v10;
	v4 =	vadd.f32 v7, v0;
	v2 =	vadd.f32 v2, v1;
	v15 =	vld.idx.msk [tilespmem:v3+s23+$0x0], $0xffff  }
0x1b2: {  	v1 =	vld [tilespmem:s6+$0xFFFFFFD0];
	[tilespmem:s4+$0x0] =	vst v10  }
0x1b3: {  	v6 =	vmul.f32 v8, v8;
	v0 =	vld.idx.msk [tilespmem:v11+s23+$0x0], $0xffff;
	v3 =	vadd.f32 v10, v4;
	v5 =	vadd.f32 v5, v2  }
0x1b4: {  	v2 =	vld [tilespmem:s6+$0xFFFFFFE0];
	[tilespmem:s4+$0x10] =	vst v8  }
.Ltmp5:
0x1b5: {  	v4 =	vld.idx.msk [tilespmem:v12+s23+$0x0], $0xffff;
	v3 =	vadd.f32 v8, v3;
	v7 =	vadd.f32 v6, v5;
	v8 =	vmul.f32 v13, v13;
	(pc) =	sbr.rel @p5 .LBB2_12-.Ltmp5, $4  }
0x1b6: {  	v5 =	vld [tilespmem:s6+$0xFFFFFFF0];
	[tilespmem:s4+$0x20] =	vst v13  }
0x1b7: {  	v11 =	vmul.f32 v15, v15;
	v6 =	vld.idx.msk [tilespmem:v9+s23+$0x0], $0xffff;
	v9 =	vadd.f32 v13, v3;
	v10 =	vadd.f32 v8, v7  }
0x1b8: {  	v3 =	vld [tilespmem:s6+$0x0];
	[tilespmem:s4+$0x30] =	vst v15  }
0x1b9: {  	v8 =	vmul.f32 v0, v0;
	s6 =	sadd.s32 $0x80, s6;
	s4 =	sadd.s32 $0x80, s4;
	v7 =	vld.idx.msk [tilespmem:v14+s23+$0x0], $0xffff;
	v9 =	vadd.f32 v15, v9;
	v10 =	vadd.f32 v11, v10  }
0x1ba: {  	_ =	sdelay $0x1  }
0x1bb: {  	v9 =	vadd.f32 v0, v9  }
0x1bc: {  	v8 =	vadd.f32 v8, v10;
	v10 =	vmul.f32 v4, v4  }
0x1bd: {  	v1 =	vld.idx.msk [tilespmem:v1+s23+$0x0], $0xffff;
	v9 =	vadd.f32 v4, v9  }
0x1be: {  	v8 =	vadd.f32 v10, v8;
	v10 =	vmul.f32 v6, v6  }
0x1bf: {  	v2 =	vld.idx.msk [tilespmem:v2+s23+$0x0], $0xffff;
	[tilespmem:s4+$0xFFFFFFC0] =	vst v0;
	v9 =	vadd.f32 v6, v9  }
0x1c0: {  	[tilespmem:s4+$0xFFFFFFD0] =	vst v4;
	v5 =	vld.idx.msk [tilespmem:v5+s23+$0x0], $0xffff;
	v8 =	vadd.f32 v10, v8;
	v10 =	vmul.f32 v7, v7  }
0x1c1: {  	[tilespmem:s4+$0xFFFFFFE0] =	vst v6;
	v3 =	vld.idx.msk [tilespmem:v3+s23+$0x0], $0xffff;
	v9 =	vadd.f32 v7, v9  }
0x1c2: {  	[tilespmem:s4+$0xFFFFFFF0] =	vst v7;
	v0 =	vadd.f32 v10, v8;
	v8 =	vmul.f32 v1, v1  }
0x1c3: {  	[tilespmem:s4+$0x0] =	vst v1;
	v4 =	vadd.f32 v1, v9  }
0x1c4: {  	v6 =	vmul.f32 v2, v2;
	[tilespmem:s4+$0x10] =	vst v2;
	v0 =	vadd.f32 v8, v0  }
0x1c5: {  	[tilespmem:s4+$0x20] =	vst v5;
	v4 =	vadd.f32 v2, v4  }
0x1c6: {  	[tilespmem:s4+$0x30] =	vst v3;
	v1 =	vmul.f32 v5, v5;
	v0 =	vadd.f32 v6, v0  }
0x1c7: {  	s4 =	sld [smem:$0x7E6];
	v2 =	vadd.f32 v5, v4  }
0x1c8: {  	v0 =	vadd.f32 v1, v0;
	v1 =	vmul.f32 v3, v3  }
0x1c9: {  	s6 =	sld [smem:$0x7F6];
	v2 =	vadd.f32 v3, v2  }
0x1ca: {  	[hbm4b:s4+s26] =	stream.strided.scatter [tilespmem:s31], [sflag:$0x3], $0x2000, s28, s26, $0x38;
	v0 =	vadd.f32 v1, v0;
	[tilespmem:$0x1E900] =	vst v63  }
0x1cb: {  	s5 =	rddreg [dreg:$0x12];
	[tilespmem:$0x1E720] =	vst v2  }
0x1cc: {  	s20 =	rddreg [dreg:$0x6];
	p5 =	seq.s32 s6, $0x1;
	[tilespmem:$0x1E820] =	vst v0  }
0x1cd: {  	[tilespmem:s23], [sflag:$0x1] =	stream.strided.gather [hbm4b:s5+s26], $0x18700, s28, s26, $0x38;
	[tilespmem:$0x1E900] =	vst v63  }
0x1ce: {  	s4 =	simm.s32 @!p5 $0x80;
	s6 =	simm.s32 @!p5 $0x18700;
	s5 =	simm.s32 @!p5 $0x400  }
0x1cf: {  	[tilespmem:s6], [sflag:$0x2] =	stream.strided.gather @!p5 [hbm4b:s20+s4], $0x4000, s5, s4, $0x38;
	[tilespmem:$0x1E900] =	vst v63  }
0x1d0: {  	s4 =	simm.s32 @!p5 $0x2  }
0x1d1: {  	_ =	swait.ge @!p5 [sflag:s4], $0x4000  }
0x1d2: {  	[sflag:s4] =	ssyncset.done @!p5 $0x0  }
0x1d3: {  	[sflag:s4] =	ssyncadd.s32 @!p5 $0xFFFFC000  }
0x1d4: {  	_ =	swait.ge [sflag:s30], $0x18700  }
0x1d5: {  	[sflag:s30] =	ssyncset.done $0x0  }
0x1d6: {  	[sflag:s30] =	ssyncadd.s32 $0xFFFE7900  }
0x1d7: {  	_ =	swait.ge [sflag:s0], $0x2000  }
0x1d8: {  	[sflag:s0] =	ssyncset.done $0x0  }
0x1d9: {  	s20 =	simm.s32 $0x18740;
	[sflag:s0] =	ssyncadd.s32 $0xFFFFE000  }
0x1da: {  	v0 =	vld [tilespmem:s20+$0xFFFFFFC0];
	_ =	sdelay $0x1  }
0x1db: {  	v1 =	vld [tilespmem:s20+$0xFFFFFFD0];
	_ =	sdelay $0x1  }
0x1dc: {  	v2 =	vld [tilespmem:s20+$0xFFFFFFE0]  }
0x1dd: {  	v10 =	vld [tilespmem:s20+$0xFFFFFFF0]  }
0x1de: {  	v7 =	vld [tilespmem:s20+$0x0]  }
0x1df: {  	v4 =	vld [tilespmem:s20+$0x10]  }
0x1e0: {  	v3 =	vld.idx.msk [tilespmem:v0+s23+$0x0], $0xffff  }
0x1e1: {  	v5 =	vld [tilespmem:s20+$0x20]  }
0x1e2: {  	v1 =	vld.idx.msk [tilespmem:v1+s23+$0x0], $0xffff  }
0x1e3: {  	v6 =	vld [tilespmem:s20+$0x30]  }
0x1e4: {  	v0 =	vld.idx.msk [tilespmem:v2+s23+$0x0], $0xffff  }
0x1e5: {  	v9 =	vimm.f32 $0.0e+00;
	s5 =	simm.s32 $0x0;
	s6 =	simm.s32 $0x187C0;
	s4 =	simm.s32 $0x1C740;
	v2 =	vld.idx.msk [tilespmem:v10+s23+$0x0], $0xffff;
	v10 =	vimm.f32 $0.0e+00;
	v8 =	vmul.f32 v3, v3  }
.LBB2_14:
0x1e6: {  	v11 =	vld [tilespmem:s6+$0xFFFFFFC0];
	[tilespmem:s4+$0xFFFFFFC0] =	vst v3  }
0x1e7: {  	s5 =	sadd.s32 $0x8, s5;
	v3 =	vadd.f32 v3, v9;
	v8 =	vadd.f32 v8, v10;
	v9 =	vmul.f32 v1, v1;
	v10 =	vld.idx.msk [tilespmem:v7+s23+$0x0], $0xffff  }
0x1e8: {  	p5 =	slt.u32 s5, $0x1F8;
	v12 =	vld [tilespmem:s6+$0xFFFFFFD0];
	[tilespmem:s4+$0xFFFFFFD0] =	vst v1  }
0x1e9: {  	v7 =	vmul.f32 v0, v0;
	v1 =	vadd.f32 v1, v3;
	v3 =	vadd.f32 v9, v8;
	v8 =	vld.idx.msk [tilespmem:v4+s23+$0x0], $0xffff  }
0x1ea: {  	v9 =	vld [tilespmem:s6+$0xFFFFFFE0];
	[tilespmem:s4+$0xFFFFFFE0] =	vst v0  }
0x1eb: {  	v0 =	vadd.f32 v0, v1;
	v1 =	vadd.f32 v7, v3;
	v3 =	vmul.f32 v2, v2;
	v13 =	vld.idx.msk [tilespmem:v5+s23+$0x0], $0xffff  }
0x1ec: {  	v14 =	vld [tilespmem:s6+$0xFFFFFFF0];
	[tilespmem:s4+$0xFFFFFFF0] =	vst v2  }
0x1ed: {  	v0 =	vadd.f32 v2, v0;
	v1 =	vadd.f32 v3, v1;
	v2 =	vmul.f32 v10, v10;
	v15 =	vld.idx.msk [tilespmem:v6+s23+$0x0], $0xffff  }
0x1ee: {  	v7 =	vld [tilespmem:s6+$0x0];
	[tilespmem:s4+$0x0] =	vst v10  }
0x1ef: {  	v5 =	vmul.f32 v8, v8;
	v3 =	vld.idx.msk [tilespmem:v11+s23+$0x0], $0xffff;
	v0 =	vadd.f32 v10, v0;
	v2 =	vadd.f32 v2, v1  }
0x1f0: {  	v4 =	vld [tilespmem:s6+$0x10];
	[tilespmem:s4+$0x10] =	vst v8  }
.Ltmp6:
0x1f1: {  	v1 =	vld.idx.msk [tilespmem:v12+s23+$0x0], $0xffff;
	v6 =	vadd.f32 v8, v0;
	v2 =	vadd.f32 v5, v2;
	v8 =	vmul.f32 v13, v13;
	(pc) =	sbr.rel @p5 .LBB2_14-.Ltmp6, $4  }
0x1f2: {  	v5 =	vld [tilespmem:s6+$0x20];
	[tilespmem:s4+$0x20] =	vst v13  }
0x1f3: {  	v11 =	vmul.f32 v15, v15;
	v0 =	vld.idx.msk [tilespmem:v9+s23+$0x0], $0xffff;
	v9 =	vadd.f32 v13, v6;
	v10 =	vadd.f32 v8, v2  }
0x1f4: {  	v6 =	vld [tilespmem:s6+$0x30];
	[tilespmem:s4+$0x30] =	vst v15  }
0x1f5: {  	v8 =	vmul.f32 v3, v3;
	s6 =	sadd.s32 $0x80, s6;
	s4 =	sadd.s32 $0x80, s4;
	v2 =	vld.idx.msk [tilespmem:v14+s23+$0x0], $0xffff;
	v9 =	vadd.f32 v15, v9;
	v10 =	vadd.f32 v11, v10  }
0x1f6: {  	_ =	sdelay $0x3  }
0x1f7: {  	v7 =	vld.idx.msk [tilespmem:v7+s23+$0x0], $0xffff  }
0x1f8: {  	[tilespmem:s4+$0xFFFFFFC0] =	vst v3;
	v4 =	vld.idx.msk [tilespmem:v4+s23+$0x0], $0xffff  }
0x1f9: {  	[tilespmem:s4+$0xFFFFFFD0] =	vst v1;
	v11 =	vld.idx.msk [tilespmem:v5+s23+$0x0], $0xffff  }
0x1fa: {  	[tilespmem:s4+$0xFFFFFFE0] =	vst v0;
	v12 =	vld.idx.msk [tilespmem:v6+s23+$0x0], $0xffff  }
0x1fb: {  	[tilespmem:s4+$0xFFFFFFF0] =	vst v2  }
0x1fc: {  	[tilespmem:s4+$0x0] =	vst v7  }
0x1fd: {  	[tilespmem:s4+$0x10] =	vst v4  }
0x1fe: {  	[tilespmem:s4+$0x20] =	vst v11  }
0x1ff: {  	[tilespmem:s4+$0x30] =	vst v12  }
0x200: {  	s4 =	sld [smem:$0x7E8];
	_ =	sdelay $0x2  }
0x201: {  	[hbm4b:s4+s26] =	stream.strided.scatter [tilespmem:s31], [sflag:$0x3], $0x2000, s28, s26, $0x38;
	[tilespmem:$0x1E900] =	vst v63  }
0x202: {  	v3 =	vadd.f32 v3, v9;
	v5 =	vadd.f32 v8, v10;
	v6 =	vmul.f32 v1, v1;
	_ =	swait.ge [sflag:s0], $0x2000  }
0x203: {  	[sflag:s0] =	ssyncset.done $0x0  }
0x204: {  	s20 =	simm.s32 $0x1A770;
	v1 =	vadd.f32 v1, v3;
	v3 =	vadd.f32 v6, v5;
	v5 =	vmul.f32 v0, v0;
	[sflag:s0] =	ssyncadd.s32 $0xFFFFE000  }
0x205: {  	v8 =	vld [tilespmem:s20+$0xFFFFFF90]  }
0x206: {  	v0 =	vadd.f32 v0, v1;
	v1 =	vadd.f32 v5, v3;
	v3 =	vmul.f32 v2, v2  }
0x207: {  	v6 =	vld [tilespmem:s20+$0xFFFFFFA0]  }
0x208: {  	v0 =	vadd.f32 v2, v0;
	v2 =	vadd.f32 v3, v1;
	v3 =	vmul.f32 v7, v7  }
0x209: {  	v9 =	vld [tilespmem:s20+$0xFFFFFFB0]  }
0x20a: {  	v5 =	vadd.f32 v7, v0;
	v7 =	vmul.f32 v4, v4;
	v3 =	vadd.f32 v3, v2;
	v13 =	vld [tilespmem:s20+$0xFFFFFFC0]  }
0x20b: {  	v1 =	vld [tilespmem:s20+$0xFFFFFFD0]  }
0x20c: {  	v3 =	vadd.f32 v7, v3;
	v7 =	vmul.f32 v11, v11;
	v2 =	vld [tilespmem:s20+$0xFFFFFFE0]  }
0x20d: {  	v0 =	vld.idx.msk [tilespmem:v8+s23+$0x0], $0xffff  }
0x20e: {  	v7 =	vadd.f32 v7, v3;
	v3 =	vld [tilespmem:s20+$0x0];
	v8 =	vadd.f32 v4, v5  }
0x20f: {  	v4 =	vld.idx.msk [tilespmem:v6+s23+$0x0], $0xffff  }
0x210: {  	v10 =	vmul.f32 v12, v12;
	v5 =	vld [tilespmem:s20+$0xFFFFFFF0];
	v8 =	vadd.f32 v11, v8  }
0x211: {  	v6 =	vld.idx.msk [tilespmem:v9+s23+$0x0], $0xffff  }
0x212: {  	s5 =	simm.s32 $0x0;
	s6 =	simm.s32 $0x1A7F0;
	s4 =	simm.s32 $0x1C740;
	v10 =	vadd.f32 v10, v7;
	v7 =	vld.idx.msk [tilespmem:v13+s23+$0x0], $0xffff;
	v9 =	vadd.f32 v12, v8;
	v8 =	vmul.f32 v0, v0  }
.LBB2_16:
0x213: {  	v11 =	vld [tilespmem:s6+$0xFFFFFF90];
	[tilespmem:s4+$0xFFFFFFC0] =	vst v0  }
0x214: {  	s5 =	sadd.s32 $0x8, s5;
	v0 =	vadd.f32 v0, v9;
	v8 =	vadd.f32 v8, v10;
	v9 =	vmul.f32 v4, v4;
	v10 =	vld.idx.msk [tilespmem:v1+s23+$0x0], $0xffff  }
0x215: {  	p5 =	slt.u32 s5, $0x1F8;
	v12 =	vld [tilespmem:s6+$0xFFFFFFA0];
	[tilespmem:s4+$0xFFFFFFD0] =	vst v4  }
0x216: {  	v0 =	vadd.f32 v4, v0;
	v1 =	vadd.f32 v9, v8;
	v4 =	vmul.f32 v6, v6;
	v8 =	vld.idx.msk [tilespmem:v2+s23+$0x0], $0xffff  }
0x217: {  	v9 =	vld [tilespmem:s6+$0xFFFFFFB0];
	[tilespmem:s4+$0xFFFFFFE0] =	vst v6  }
0x218: {  	v2 =	vmul.f32 v7, v7;
	v0 =	vadd.f32 v6, v0;
	v1 =	vadd.f32 v4, v1;
	v13 =	vld.idx.msk [tilespmem:v5+s23+$0x0], $0xffff  }
0x219: {  	v14 =	vld [tilespmem:s6+$0xFFFFFFC0];
	[tilespmem:s4+$0xFFFFFFF0] =	vst v7  }
0x21a: {  	v5 =	vmul.f32 v10, v10;
	v4 =	vadd.f32 v7, v0;
	v2 =	vadd.f32 v2, v1;
	v15 =	vld.idx.msk [tilespmem:v3+s23+$0x0], $0xffff  }
0x21b: {  	v1 =	vld [tilespmem:s6+$0xFFFFFFD0];
	[tilespmem:s4+$0x0] =	vst v10  }
0x21c: {  	v6 =	vmul.f32 v8, v8;
	v0 =	vld.idx.msk [tilespmem:v11+s23+$0x0], $0xffff;
	v3 =	vadd.f32 v10, v4;
	v5 =	vadd.f32 v5, v2  }
0x21d: {  	v2 =	vld [tilespmem:s6+$0xFFFFFFE0];
	[tilespmem:s4+$0x10] =	vst v8  }
.Ltmp7:
0x21e: {  	v4 =	vld.idx.msk [tilespmem:v12+s23+$0x0], $0xffff;
	v3 =	vadd.f32 v8, v3;
	v7 =	vadd.f32 v6, v5;
	v8 =	vmul.f32 v13, v13;
	(pc) =	sbr.rel @p5 .LBB2_16-.Ltmp7, $4  }
0x21f: {  	v5 =	vld [tilespmem:s6+$0xFFFFFFF0];
	[tilespmem:s4+$0x20] =	vst v13  }
0x220: {  	v11 =	vmul.f32 v15, v15;
	v6 =	vld.idx.msk [tilespmem:v9+s23+$0x0], $0xffff;
	v9 =	vadd.f32 v13, v3;
	v10 =	vadd.f32 v8, v7  }
0x221: {  	v3 =	vld [tilespmem:s6+$0x0];
	[tilespmem:s4+$0x30] =	vst v15  }
0x222: {  	v8 =	vmul.f32 v0, v0;
	s6 =	sadd.s32 $0x80, s6;
	s4 =	sadd.s32 $0x80, s4;
	v7 =	vld.idx.msk [tilespmem:v14+s23+$0x0], $0xffff;
	v9 =	vadd.f32 v15, v9;
	v10 =	vadd.f32 v11, v10  }
0x223: {  	_ =	sdelay $0x1  }
0x224: {  	v9 =	vadd.f32 v0, v9  }
0x225: {  	v8 =	vadd.f32 v8, v10;
	v10 =	vmul.f32 v4, v4  }
0x226: {  	v1 =	vld.idx.msk [tilespmem:v1+s23+$0x0], $0xffff;
	v9 =	vadd.f32 v4, v9  }
0x227: {  	v8 =	vadd.f32 v10, v8;
	v10 =	vmul.f32 v6, v6  }
0x228: {  	v2 =	vld.idx.msk [tilespmem:v2+s23+$0x0], $0xffff;
	[tilespmem:s4+$0xFFFFFFC0] =	vst v0;
	v9 =	vadd.f32 v6, v9  }
0x229: {  	[tilespmem:s4+$0xFFFFFFD0] =	vst v4;
	v5 =	vld.idx.msk [tilespmem:v5+s23+$0x0], $0xffff;
	v8 =	vadd.f32 v10, v8;
	v10 =	vmul.f32 v7, v7  }
0x22a: {  	[tilespmem:s4+$0xFFFFFFE0] =	vst v6;
	v3 =	vld.idx.msk [tilespmem:v3+s23+$0x0], $0xffff;
	v9 =	vadd.f32 v7, v9  }
0x22b: {  	[tilespmem:s4+$0xFFFFFFF0] =	vst v7;
	v0 =	vadd.f32 v10, v8;
	v8 =	vmul.f32 v1, v1  }
0x22c: {  	[tilespmem:s4+$0x0] =	vst v1;
	v4 =	vadd.f32 v1, v9  }
0x22d: {  	v6 =	vmul.f32 v2, v2;
	[tilespmem:s4+$0x10] =	vst v2;
	v0 =	vadd.f32 v8, v0  }
0x22e: {  	[tilespmem:s4+$0x20] =	vst v5;
	v4 =	vadd.f32 v2, v4  }
0x22f: {  	[tilespmem:s4+$0x30] =	vst v3;
	v1 =	vmul.f32 v5, v5;
	v0 =	vadd.f32 v6, v0  }
0x230: {  	s4 =	sld [smem:$0x7E9];
	v2 =	vadd.f32 v5, v4  }
0x231: {  	v0 =	vadd.f32 v1, v0;
	v1 =	vmul.f32 v3, v3  }
0x232: {  	s6 =	sld [smem:$0x7F8];
	v2 =	vadd.f32 v3, v2  }
0x233: {  	[hbm4b:s4+s26] =	stream.strided.scatter [tilespmem:s31], [sflag:$0x3], $0x2000, s28, s26, $0x38;
	v0 =	vadd.f32 v1, v0;
	[tilespmem:$0x1E900] =	vst v63  }
0x234: {  	s5 =	rddreg [dreg:$0x13];
	[tilespmem:$0x1E730] =	vst v2  }
0x235: {  	s20 =	rddreg [dreg:$0x7];
	p5 =	seq.s32 s6, $0x1;
	[tilespmem:$0x1E830] =	vst v0  }
0x236: {  	[tilespmem:s23], [sflag:$0x1] =	stream.strided.gather [hbm4b:s5+s26], $0x18700, s28, s26, $0x38;
	[tilespmem:$0x1E900] =	vst v63  }
0x237: {  	s4 =	simm.s32 @!p5 $0x80;
	s6 =	simm.s32 @!p5 $0x18700;
	s5 =	simm.s32 @!p5 $0x400  }
0x238: {  	[tilespmem:s6], [sflag:$0x2] =	stream.strided.gather @!p5 [hbm4b:s20+s4], $0x4000, s5, s4, $0x38;
	[tilespmem:$0x1E900] =	vst v63  }
0x239: {  	s4 =	simm.s32 @!p5 $0x2  }
0x23a: {  	_ =	swait.ge @!p5 [sflag:s4], $0x4000  }
0x23b: {  	[sflag:s4] =	ssyncset.done @!p5 $0x0  }
0x23c: {  	[sflag:s4] =	ssyncadd.s32 @!p5 $0xFFFFC000  }
0x23d: {  	_ =	swait.ge [sflag:s30], $0x18700  }
0x23e: {  	[sflag:s30] =	ssyncset.done $0x0  }
0x23f: {  	[sflag:s30] =	ssyncadd.s32 $0xFFFE7900  }
0x240: {  	_ =	swait.ge [sflag:s0], $0x2000  }
0x241: {  	[sflag:s0] =	ssyncset.done $0x0  }
0x242: {  	s20 =	simm.s32 $0x18740;
	[sflag:s0] =	ssyncadd.s32 $0xFFFFE000  }
0x243: {  	v0 =	vld [tilespmem:s20+$0xFFFFFFC0];
	_ =	sdelay $0x1  }
0x244: {  	v1 =	vld [tilespmem:s20+$0xFFFFFFD0];
	_ =	sdelay $0x1  }
0x245: {  	v2 =	vld [tilespmem:s20+$0xFFFFFFE0]  }
0x246: {  	v10 =	vld [tilespmem:s20+$0xFFFFFFF0]  }
0x247: {  	v7 =	vld [tilespmem:s20+$0x0]  }
0x248: {  	v4 =	vld [tilespmem:s20+$0x10]  }
0x249: {  	v3 =	vld.idx.msk [tilespmem:v0+s23+$0x0], $0xffff  }
0x24a: {  	v5 =	vld [tilespmem:s20+$0x20]  }
0x24b: {  	v1 =	vld.idx.msk [tilespmem:v1+s23+$0x0], $0xffff  }
0x24c: {  	v6 =	vld [tilespmem:s20+$0x30]  }
0x24d: {  	v0 =	vld.idx.msk [tilespmem:v2+s23+$0x0], $0xffff  }
0x24e: {  	v9 =	vimm.f32 $0.0e+00;
	s5 =	simm.s32 $0x0;
	s6 =	simm.s32 $0x187C0;
	s4 =	simm.s32 $0x1C740;
	v2 =	vld.idx.msk [tilespmem:v10+s23+$0x0], $0xffff;
	v10 =	vimm.f32 $0.0e+00;
	v8 =	vmul.f32 v3, v3  }
.LBB2_18:
0x24f: {  	v11 =	vld [tilespmem:s6+$0xFFFFFFC0];
	[tilespmem:s4+$0xFFFFFFC0] =	vst v3  }
0x250: {  	s5 =	sadd.s32 $0x8, s5;
	v3 =	vadd.f32 v3, v9;
	v8 =	vadd.f32 v8, v10;
	v9 =	vmul.f32 v1, v1;
	v10 =	vld.idx.msk [tilespmem:v7+s23+$0x0], $0xffff  }
0x251: {  	p5 =	slt.u32 s5, $0x1F8;
	v12 =	vld [tilespmem:s6+$0xFFFFFFD0];
	[tilespmem:s4+$0xFFFFFFD0] =	vst v1  }
0x252: {  	v7 =	vmul.f32 v0, v0;
	v1 =	vadd.f32 v1, v3;
	v3 =	vadd.f32 v9, v8;
	v8 =	vld.idx.msk [tilespmem:v4+s23+$0x0], $0xffff  }
0x253: {  	v9 =	vld [tilespmem:s6+$0xFFFFFFE0];
	[tilespmem:s4+$0xFFFFFFE0] =	vst v0  }
0x254: {  	v0 =	vadd.f32 v0, v1;
	v1 =	vadd.f32 v7, v3;
	v3 =	vmul.f32 v2, v2;
	v13 =	vld.idx.msk [tilespmem:v5+s23+$0x0], $0xffff  }
0x255: {  	v14 =	vld [tilespmem:s6+$0xFFFFFFF0];
	[tilespmem:s4+$0xFFFFFFF0] =	vst v2  }
0x256: {  	v0 =	vadd.f32 v2, v0;
	v1 =	vadd.f32 v3, v1;
	v2 =	vmul.f32 v10, v10;
	v15 =	vld.idx.msk [tilespmem:v6+s23+$0x0], $0xffff  }
0x257: {  	v7 =	vld [tilespmem:s6+$0x0];
	[tilespmem:s4+$0x0] =	vst v10  }
0x258: {  	v5 =	vmul.f32 v8, v8;
	v3 =	vld.idx.msk [tilespmem:v11+s23+$0x0], $0xffff;
	v0 =	vadd.f32 v10, v0;
	v2 =	vadd.f32 v2, v1  }
0x259: {  	v4 =	vld [tilespmem:s6+$0x10];
	[tilespmem:s4+$0x10] =	vst v8  }
.Ltmp8:
0x25a: {  	v1 =	vld.idx.msk [tilespmem:v12+s23+$0x0], $0xffff;
	v6 =	vadd.f32 v8, v0;
	v2 =	vadd.f32 v5, v2;
	v8 =	vmul.f32 v13, v13;
	(pc) =	sbr.rel @p5 .LBB2_18-.Ltmp8, $4  }
0x25b: {  	v5 =	vld [tilespmem:s6+$0x20];
	[tilespmem:s4+$0x20] =	vst v13  }
0x25c: {  	v11 =	vmul.f32 v15, v15;
	v0 =	vld.idx.msk [tilespmem:v9+s23+$0x0], $0xffff;
	v9 =	vadd.f32 v13, v6;
	v10 =	vadd.f32 v8, v2  }
0x25d: {  	v6 =	vld [tilespmem:s6+$0x30];
	[tilespmem:s4+$0x30] =	vst v15  }
0x25e: {  	v8 =	vmul.f32 v3, v3;
	s6 =	sadd.s32 $0x80, s6;
	s4 =	sadd.s32 $0x80, s4;
	v2 =	vld.idx.msk [tilespmem:v14+s23+$0x0], $0xffff;
	v9 =	vadd.f32 v15, v9;
	v10 =	vadd.f32 v11, v10  }
0x25f: {  	_ =	sdelay $0x3  }
0x260: {  	v7 =	vld.idx.msk [tilespmem:v7+s23+$0x0], $0xffff  }
0x261: {  	[tilespmem:s4+$0xFFFFFFC0] =	vst v3;
	v4 =	vld.idx.msk [tilespmem:v4+s23+$0x0], $0xffff  }
0x262: {  	[tilespmem:s4+$0xFFFFFFD0] =	vst v1;
	v11 =	vld.idx.msk [tilespmem:v5+s23+$0x0], $0xffff  }
0x263: {  	[tilespmem:s4+$0xFFFFFFE0] =	vst v0;
	v12 =	vld.idx.msk [tilespmem:v6+s23+$0x0], $0xffff  }
0x264: {  	[tilespmem:s4+$0xFFFFFFF0] =	vst v2  }
0x265: {  	[tilespmem:s4+$0x0] =	vst v7  }
0x266: {  	[tilespmem:s4+$0x10] =	vst v4  }
0x267: {  	[tilespmem:s4+$0x20] =	vst v11  }
0x268: {  	[tilespmem:s4+$0x30] =	vst v12  }
0x269: {  	s4 =	sld [smem:$0x7EB];
	_ =	sdelay $0x2  }
0x26a: {  	[hbm4b:s4+s26] =	stream.strided.scatter [tilespmem:s31], [sflag:$0x3], $0x2000, s28, s26, $0x38;
	[tilespmem:$0x1E900] =	vst v63  }
0x26b: {  	v3 =	vadd.f32 v3, v9;
	v5 =	vadd.f32 v8, v10;
	v6 =	vmul.f32 v1, v1;
	_ =	swait.ge [sflag:s0], $0x2000  }
0x26c: {  	[sflag:s0] =	ssyncset.done $0x0  }
0x26d: {  	s20 =	simm.s32 $0x1A770;
	v1 =	vadd.f32 v1, v3;
	v3 =	vadd.f32 v6, v5;
	v5 =	vmul.f32 v0, v0;
	[sflag:s0] =	ssyncadd.s32 $0xFFFFE000  }
0x26e: {  	v8 =	vld [tilespmem:s20+$0xFFFFFF90]  }
0x26f: {  	v0 =	vadd.f32 v0, v1;
	v1 =	vadd.f32 v5, v3;
	v3 =	vmul.f32 v2, v2  }
0x270: {  	v6 =	vld [tilespmem:s20+$0xFFFFFFA0]  }
0x271: {  	v0 =	vadd.f32 v2, v0;
	v2 =	vadd.f32 v3, v1;
	v3 =	vmul.f32 v7, v7  }
0x272: {  	v9 =	vld [tilespmem:s20+$0xFFFFFFB0]  }
0x273: {  	v5 =	vadd.f32 v7, v0;
	v7 =	vmul.f32 v4, v4;
	v3 =	vadd.f32 v3, v2;
	v13 =	vld [tilespmem:s20+$0xFFFFFFC0]  }
0x274: {  	v1 =	vld [tilespmem:s20+$0xFFFFFFD0]  }
0x275: {  	v3 =	vadd.f32 v7, v3;
	v7 =	vmul.f32 v11, v11;
	v2 =	vld [tilespmem:s20+$0xFFFFFFE0]  }
0x276: {  	v0 =	vld.idx.msk [tilespmem:v8+s23+$0x0], $0xffff  }
0x277: {  	v7 =	vadd.f32 v7, v3;
	v3 =	vld [tilespmem:s20+$0x0];
	v8 =	vadd.f32 v4, v5  }
0x278: {  	v4 =	vld.idx.msk [tilespmem:v6+s23+$0x0], $0xffff  }
0x279: {  	v10 =	vmul.f32 v12, v12;
	v5 =	vld [tilespmem:s20+$0xFFFFFFF0];
	v8 =	vadd.f32 v11, v8  }
0x27a: {  	v6 =	vld.idx.msk [tilespmem:v9+s23+$0x0], $0xffff  }
0x27b: {  	s5 =	simm.s32 $0x0;
	s6 =	simm.s32 $0x1A7F0;
	s4 =	simm.s32 $0x1C740;
	v10 =	vadd.f32 v10, v7;
	v7 =	vld.idx.msk [tilespmem:v13+s23+$0x0], $0xffff;
	v9 =	vadd.f32 v12, v8;
	v8 =	vmul.f32 v0, v0  }
.LBB2_20:
0x27c: {  	v11 =	vld [tilespmem:s6+$0xFFFFFF90];
	[tilespmem:s4+$0xFFFFFFC0] =	vst v0  }
0x27d: {  	s5 =	sadd.s32 $0x8, s5;
	v0 =	vadd.f32 v0, v9;
	v8 =	vadd.f32 v8, v10;
	v9 =	vmul.f32 v4, v4;
	v10 =	vld.idx.msk [tilespmem:v1+s23+$0x0], $0xffff  }
0x27e: {  	p5 =	slt.u32 s5, $0x1F8;
	v12 =	vld [tilespmem:s6+$0xFFFFFFA0];
	[tilespmem:s4+$0xFFFFFFD0] =	vst v4  }
0x27f: {  	v0 =	vadd.f32 v4, v0;
	v1 =	vadd.f32 v9, v8;
	v4 =	vmul.f32 v6, v6;
	v8 =	vld.idx.msk [tilespmem:v2+s23+$0x0], $0xffff  }
0x280: {  	v9 =	vld [tilespmem:s6+$0xFFFFFFB0];
	[tilespmem:s4+$0xFFFFFFE0] =	vst v6  }
0x281: {  	v2 =	vmul.f32 v7, v7;
	v0 =	vadd.f32 v6, v0;
	v1 =	vadd.f32 v4, v1;
	v13 =	vld.idx.msk [tilespmem:v5+s23+$0x0], $0xffff  }
0x282: {  	v14 =	vld [tilespmem:s6+$0xFFFFFFC0];
	[tilespmem:s4+$0xFFFFFFF0] =	vst v7  }
0x283: {  	v5 =	vmul.f32 v10, v10;
	v4 =	vadd.f32 v7, v0;
	v2 =	vadd.f32 v2, v1;
	v15 =	vld.idx.msk [tilespmem:v3+s23+$0x0], $0xffff  }
0x284: {  	v1 =	vld [tilespmem:s6+$0xFFFFFFD0];
	[tilespmem:s4+$0x0] =	vst v10  }
0x285: {  	v6 =	vmul.f32 v8, v8;
	v0 =	vld.idx.msk [tilespmem:v11+s23+$0x0], $0xffff;
	v3 =	vadd.f32 v10, v4;
	v5 =	vadd.f32 v5, v2  }
0x286: {  	v2 =	vld [tilespmem:s6+$0xFFFFFFE0];
	[tilespmem:s4+$0x10] =	vst v8  }
.Ltmp9:
0x287: {  	v4 =	vld.idx.msk [tilespmem:v12+s23+$0x0], $0xffff;
	v3 =	vadd.f32 v8, v3;
	v7 =	vadd.f32 v6, v5;
	v8 =	vmul.f32 v13, v13;
	(pc) =	sbr.rel @p5 .LBB2_20-.Ltmp9, $4  }
0x288: {  	v5 =	vld [tilespmem:s6+$0xFFFFFFF0];
	[tilespmem:s4+$0x20] =	vst v13  }
0x289: {  	v11 =	vmul.f32 v15, v15;
	v6 =	vld.idx.msk [tilespmem:v9+s23+$0x0], $0xffff;
	v9 =	vadd.f32 v13, v3;
	v10 =	vadd.f32 v8, v7  }
0x28a: {  	v3 =	vld [tilespmem:s6+$0x0];
	[tilespmem:s4+$0x30] =	vst v15  }
0x28b: {  	v8 =	vmul.f32 v0, v0;
	s6 =	sadd.s32 $0x80, s6;
	s4 =	sadd.s32 $0x80, s4;
	v7 =	vld.idx.msk [tilespmem:v14+s23+$0x0], $0xffff;
	v9 =	vadd.f32 v15, v9;
	v10 =	vadd.f32 v11, v10  }
0x28c: {  	_ =	sdelay $0x1  }
0x28d: {  	v9 =	vadd.f32 v0, v9  }
0x28e: {  	v8 =	vadd.f32 v8, v10;
	v10 =	vmul.f32 v4, v4  }
0x28f: {  	v1 =	vld.idx.msk [tilespmem:v1+s23+$0x0], $0xffff;
	v9 =	vadd.f32 v4, v9  }
0x290: {  	v8 =	vadd.f32 v10, v8;
	v10 =	vmul.f32 v6, v6  }
0x291: {  	v2 =	vld.idx.msk [tilespmem:v2+s23+$0x0], $0xffff;
	[tilespmem:s4+$0xFFFFFFC0] =	vst v0;
	v9 =	vadd.f32 v6, v9  }
0x292: {  	[tilespmem:s4+$0xFFFFFFD0] =	vst v4;
	v5 =	vld.idx.msk [tilespmem:v5+s23+$0x0], $0xffff;
	v8 =	vadd.f32 v10, v8;
	v10 =	vmul.f32 v7, v7  }
0x293: {  	[tilespmem:s4+$0xFFFFFFE0] =	vst v6;
	v3 =	vld.idx.msk [tilespmem:v3+s23+$0x0], $0xffff;
	v9 =	vadd.f32 v7, v9  }
0x294: {  	[tilespmem:s4+$0xFFFFFFF0] =	vst v7;
	v0 =	vadd.f32 v10, v8;
	v8 =	vmul.f32 v1, v1  }
0x295: {  	[tilespmem:s4+$0x0] =	vst v1;
	v4 =	vadd.f32 v1, v9  }
0x296: {  	v6 =	vmul.f32 v2, v2;
	[tilespmem:s4+$0x10] =	vst v2;
	v0 =	vadd.f32 v8, v0  }
0x297: {  	[tilespmem:s4+$0x20] =	vst v5;
	v4 =	vadd.f32 v2, v4  }
0x298: {  	[tilespmem:s4+$0x30] =	vst v3;
	v1 =	vmul.f32 v5, v5;
	v0 =	vadd.f32 v6, v0  }
0x299: {  	s4 =	sld [smem:$0x7EC];
	v2 =	vadd.f32 v5, v4  }
0x29a: {  	v0 =	vadd.f32 v1, v0;
	v1 =	vmul.f32 v3, v3  }
0x29b: {  	s6 =	sld [smem:$0x7F9];
	v2 =	vadd.f32 v3, v2  }
0x29c: {  	[hbm4b:s4+s26] =	stream.strided.scatter [tilespmem:s31], [sflag:$0x3], $0x2000, s28, s26, $0x38;
	v0 =	vadd.f32 v1, v0;
	[tilespmem:$0x1E900] =	vst v63  }
0x29d: {  	s5 =	rddreg [dreg:$0x14];
	[tilespmem:$0x1E740] =	vst v2  }
0x29e: {  	s20 =	rddreg [dreg:$0x8];
	p5 =	seq.s32 s6, $0x1;
	[tilespmem:$0x1E840] =	vst v0  }
0x29f: {  	[tilespmem:s23], [sflag:$0x1] =	stream.strided.gather [hbm4b:s5+s26], $0x18700, s28, s26, $0x38;
	[tilespmem:$0x1E900] =	vst v63  }
0x2a0: {  	s4 =	simm.s32 @!p5 $0x80;
	s6 =	simm.s32 @!p5 $0x18700;
	s5 =	simm.s32 @!p5 $0x400  }
0x2a1: {  	[tilespmem:s6], [sflag:$0x2] =	stream.strided.gather @!p5 [hbm4b:s20+s4], $0x4000, s5, s4, $0x38;
	[tilespmem:$0x1E900] =	vst v63  }
0x2a2: {  	s4 =	simm.s32 @!p5 $0x2  }
0x2a3: {  	_ =	swait.ge @!p5 [sflag:s4], $0x4000  }
0x2a4: {  	[sflag:s4] =	ssyncset.done @!p5 $0x0  }
0x2a5: {  	[sflag:s4] =	ssyncadd.s32 @!p5 $0xFFFFC000  }
0x2a6: {  	_ =	swait.ge [sflag:s30], $0x18700  }
0x2a7: {  	[sflag:s30] =	ssyncset.done $0x0  }
0x2a8: {  	[sflag:s30] =	ssyncadd.s32 $0xFFFE7900  }
0x2a9: {  	_ =	swait.ge [sflag:s0], $0x2000  }
0x2aa: {  	[sflag:s0] =	ssyncset.done $0x0  }
0x2ab: {  	s20 =	simm.s32 $0x18740;
	[sflag:s0] =	ssyncadd.s32 $0xFFFFE000  }
0x2ac: {  	v0 =	vld [tilespmem:s20+$0xFFFFFFC0];
	_ =	sdelay $0x1  }
0x2ad: {  	v1 =	vld [tilespmem:s20+$0xFFFFFFD0];
	_ =	sdelay $0x1  }
0x2ae: {  	v2 =	vld [tilespmem:s20+$0xFFFFFFE0]  }
0x2af: {  	v10 =	vld [tilespmem:s20+$0xFFFFFFF0]  }
0x2b0: {  	v7 =	vld [tilespmem:s20+$0x0]  }
0x2b1: {  	v4 =	vld [tilespmem:s20+$0x10]  }
0x2b2: {  	v3 =	vld.idx.msk [tilespmem:v0+s23+$0x0], $0xffff  }
0x2b3: {  	v5 =	vld [tilespmem:s20+$0x20]  }
0x2b4: {  	v1 =	vld.idx.msk [tilespmem:v1+s23+$0x0], $0xffff  }
0x2b5: {  	v6 =	vld [tilespmem:s20+$0x30]  }
0x2b6: {  	v0 =	vld.idx.msk [tilespmem:v2+s23+$0x0], $0xffff  }
0x2b7: {  	v9 =	vimm.f32 $0.0e+00;
	s5 =	simm.s32 $0x0;
	s6 =	simm.s32 $0x187C0;
	s4 =	simm.s32 $0x1C740;
	v2 =	vld.idx.msk [tilespmem:v10+s23+$0x0], $0xffff;
	v10 =	vimm.f32 $0.0e+00;
	v8 =	vmul.f32 v3, v3  }
.LBB2_22:
0x2b8: {  	v11 =	vld [tilespmem:s6+$0xFFFFFFC0];
	[tilespmem:s4+$0xFFFFFFC0] =	vst v3  }
0x2b9: {  	s5 =	sadd.s32 $0x8, s5;
	v3 =	vadd.f32 v3, v9;
	v8 =	vadd.f32 v8, v10;
	v9 =	vmul.f32 v1, v1;
	v10 =	vld.idx.msk [tilespmem:v7+s23+$0x0], $0xffff  }
0x2ba: {  	p5 =	slt.u32 s5, $0x1F8;
	v12 =	vld [tilespmem:s6+$0xFFFFFFD0];
	[tilespmem:s4+$0xFFFFFFD0] =	vst v1  }
0x2bb: {  	v7 =	vmul.f32 v0, v0;
	v1 =	vadd.f32 v1, v3;
	v3 =	vadd.f32 v9, v8;
	v8 =	vld.idx.msk [tilespmem:v4+s23+$0x0], $0xffff  }
0x2bc: {  	v9 =	vld [tilespmem:s6+$0xFFFFFFE0];
	[tilespmem:s4+$0xFFFFFFE0] =	vst v0  }
0x2bd: {  	v0 =	vadd.f32 v0, v1;
	v1 =	vadd.f32 v7, v3;
	v3 =	vmul.f32 v2, v2;
	v13 =	vld.idx.msk [tilespmem:v5+s23+$0x0], $0xffff  }
0x2be: {  	v14 =	vld [tilespmem:s6+$0xFFFFFFF0];
	[tilespmem:s4+$0xFFFFFFF0] =	vst v2  }
0x2bf: {  	v0 =	vadd.f32 v2, v0;
	v1 =	vadd.f32 v3, v1;
	v2 =	vmul.f32 v10, v10;
	v15 =	vld.idx.msk [tilespmem:v6+s23+$0x0], $0xffff  }
0x2c0: {  	v7 =	vld [tilespmem:s6+$0x0];
	[tilespmem:s4+$0x0] =	vst v10  }
0x2c1: {  	v5 =	vmul.f32 v8, v8;
	v3 =	vld.idx.msk [tilespmem:v11+s23+$0x0], $0xffff;
	v0 =	vadd.f32 v10, v0;
	v2 =	vadd.f32 v2, v1  }
0x2c2: {  	v4 =	vld [tilespmem:s6+$0x10];
	[tilespmem:s4+$0x10] =	vst v8  }
.Ltmp10:
0x2c3: {  	v1 =	vld.idx.msk [tilespmem:v12+s23+$0x0], $0xffff;
	v6 =	vadd.f32 v8, v0;
	v2 =	vadd.f32 v5, v2;
	v8 =	vmul.f32 v13, v13;
	(pc) =	sbr.rel @p5 .LBB2_22-.Ltmp10, $4  }
0x2c4: {  	v5 =	vld [tilespmem:s6+$0x20];
	[tilespmem:s4+$0x20] =	vst v13  }
0x2c5: {  	v11 =	vmul.f32 v15, v15;
	v0 =	vld.idx.msk [tilespmem:v9+s23+$0x0], $0xffff;
	v9 =	vadd.f32 v13, v6;
	v10 =	vadd.f32 v8, v2  }
0x2c6: {  	v6 =	vld [tilespmem:s6+$0x30];
	[tilespmem:s4+$0x30] =	vst v15  }
0x2c7: {  	v8 =	vmul.f32 v3, v3;
	s6 =	sadd.s32 $0x80, s6;
	s4 =	sadd.s32 $0x80, s4;
	v2 =	vld.idx.msk [tilespmem:v14+s23+$0x0], $0xffff;
	v9 =	vadd.f32 v15, v9;
	v10 =	vadd.f32 v11, v10  }
0x2c8: {  	_ =	sdelay $0x3  }
0x2c9: {  	v7 =	vld.idx.msk [tilespmem:v7+s23+$0x0], $0xffff  }
0x2ca: {  	[tilespmem:s4+$0xFFFFFFC0] =	vst v3;
	v4 =	vld.idx.msk [tilespmem:v4+s23+$0x0], $0xffff  }
0x2cb: {  	[tilespmem:s4+$0xFFFFFFD0] =	vst v1;
	v11 =	vld.idx.msk [tilespmem:v5+s23+$0x0], $0xffff  }
0x2cc: {  	[tilespmem:s4+$0xFFFFFFE0] =	vst v0;
	v12 =	vld.idx.msk [tilespmem:v6+s23+$0x0], $0xffff  }
0x2cd: {  	[tilespmem:s4+$0xFFFFFFF0] =	vst v2  }
0x2ce: {  	[tilespmem:s4+$0x0] =	vst v7  }
0x2cf: {  	[tilespmem:s4+$0x10] =	vst v4  }
0x2d0: {  	[tilespmem:s4+$0x20] =	vst v11  }
0x2d1: {  	[tilespmem:s4+$0x30] =	vst v12  }
0x2d2: {  	s4 =	sld [smem:$0x7ED];
	_ =	sdelay $0x2  }
0x2d3: {  	[hbm4b:s4+s26] =	stream.strided.scatter [tilespmem:s31], [sflag:$0x3], $0x2000, s28, s26, $0x38;
	[tilespmem:$0x1E900] =	vst v63  }
0x2d4: {  	v3 =	vadd.f32 v3, v9;
	v5 =	vadd.f32 v8, v10;
	v6 =	vmul.f32 v1, v1;
	_ =	swait.ge [sflag:s0], $0x2000  }
0x2d5: {  	[sflag:s0] =	ssyncset.done $0x0  }
0x2d6: {  	s20 =	simm.s32 $0x1A770;
	v1 =	vadd.f32 v1, v3;
	v3 =	vadd.f32 v6, v5;
	v5 =	vmul.f32 v0, v0;
	[sflag:s0] =	ssyncadd.s32 $0xFFFFE000  }
0x2d7: {  	v8 =	vld [tilespmem:s20+$0xFFFFFF90]  }
0x2d8: {  	v0 =	vadd.f32 v0, v1;
	v1 =	vadd.f32 v5, v3;
	v3 =	vmul.f32 v2, v2  }
0x2d9: {  	v6 =	vld [tilespmem:s20+$0xFFFFFFA0]  }
0x2da: {  	v0 =	vadd.f32 v2, v0;
	v2 =	vadd.f32 v3, v1;
	v3 =	vmul.f32 v7, v7  }
0x2db: {  	v9 =	vld [tilespmem:s20+$0xFFFFFFB0]  }
0x2dc: {  	v5 =	vadd.f32 v7, v0;
	v7 =	vmul.f32 v4, v4;
	v3 =	vadd.f32 v3, v2;
	v13 =	vld [tilespmem:s20+$0xFFFFFFC0]  }
0x2dd: {  	v1 =	vld [tilespmem:s20+$0xFFFFFFD0]  }
0x2de: {  	v3 =	vadd.f32 v7, v3;
	v7 =	vmul.f32 v11, v11;
	v2 =	vld [tilespmem:s20+$0xFFFFFFE0]  }
0x2df: {  	v0 =	vld.idx.msk [tilespmem:v8+s23+$0x0], $0xffff  }
0x2e0: {  	v7 =	vadd.f32 v7, v3;
	v3 =	vld [tilespmem:s20+$0x0];
	v8 =	vadd.f32 v4, v5  }
0x2e1: {  	v4 =	vld.idx.msk [tilespmem:v6+s23+$0x0], $0xffff  }
0x2e2: {  	v10 =	vmul.f32 v12, v12;
	v5 =	vld [tilespmem:s20+$0xFFFFFFF0];
	v8 =	vadd.f32 v11, v8  }
0x2e3: {  	v6 =	vld.idx.msk [tilespmem:v9+s23+$0x0], $0xffff  }
0x2e4: {  	s5 =	simm.s32 $0x0;
	s6 =	simm.s32 $0x1A7F0;
	s4 =	simm.s32 $0x1C740;
	v10 =	vadd.f32 v10, v7;
	v7 =	vld.idx.msk [tilespmem:v13+s23+$0x0], $0xffff;
	v9 =	vadd.f32 v12, v8;
	v8 =	vmul.f32 v0, v0  }
.LBB2_24:
0x2e5: {  	v11 =	vld [tilespmem:s6+$0xFFFFFF90];
	[tilespmem:s4+$0xFFFFFFC0] =	vst v0  }
0x2e6: {  	s5 =	sadd.s32 $0x8, s5;
	v0 =	vadd.f32 v0, v9;
	v8 =	vadd.f32 v8, v10;
	v9 =	vmul.f32 v4, v4;
	v10 =	vld.idx.msk [tilespmem:v1+s23+$0x0], $0xffff  }
0x2e7: {  	p5 =	slt.u32 s5, $0x1F8;
	v12 =	vld [tilespmem:s6+$0xFFFFFFA0];
	[tilespmem:s4+$0xFFFFFFD0] =	vst v4  }
0x2e8: {  	v0 =	vadd.f32 v4, v0;
	v1 =	vadd.f32 v9, v8;
	v4 =	vmul.f32 v6, v6;
	v8 =	vld.idx.msk [tilespmem:v2+s23+$0x0], $0xffff  }
0x2e9: {  	v9 =	vld [tilespmem:s6+$0xFFFFFFB0];
	[tilespmem:s4+$0xFFFFFFE0] =	vst v6  }
0x2ea: {  	v2 =	vmul.f32 v7, v7;
	v0 =	vadd.f32 v6, v0;
	v1 =	vadd.f32 v4, v1;
	v13 =	vld.idx.msk [tilespmem:v5+s23+$0x0], $0xffff  }
0x2eb: {  	v14 =	vld [tilespmem:s6+$0xFFFFFFC0];
	[tilespmem:s4+$0xFFFFFFF0] =	vst v7  }
0x2ec: {  	v5 =	vmul.f32 v10, v10;
	v4 =	vadd.f32 v7, v0;
	v2 =	vadd.f32 v2, v1;
	v15 =	vld.idx.msk [tilespmem:v3+s23+$0x0], $0xffff  }
0x2ed: {  	v1 =	vld [tilespmem:s6+$0xFFFFFFD0];
	[tilespmem:s4+$0x0] =	vst v10  }
0x2ee: {  	v6 =	vmul.f32 v8, v8;
	v0 =	vld.idx.msk [tilespmem:v11+s23+$0x0], $0xffff;
	v3 =	vadd.f32 v10, v4;
	v5 =	vadd.f32 v5, v2  }
0x2ef: {  	v2 =	vld [tilespmem:s6+$0xFFFFFFE0];
	[tilespmem:s4+$0x10] =	vst v8  }
.Ltmp11:
0x2f0: {  	v4 =	vld.idx.msk [tilespmem:v12+s23+$0x0], $0xffff;
	v3 =	vadd.f32 v8, v3;
	v7 =	vadd.f32 v6, v5;
	v8 =	vmul.f32 v13, v13;
	(pc) =	sbr.rel @p5 .LBB2_24-.Ltmp11, $4  }
0x2f1: {  	v5 =	vld [tilespmem:s6+$0xFFFFFFF0];
	[tilespmem:s4+$0x20] =	vst v13  }
0x2f2: {  	v11 =	vmul.f32 v15, v15;
	v6 =	vld.idx.msk [tilespmem:v9+s23+$0x0], $0xffff;
	v9 =	vadd.f32 v13, v3;
	v10 =	vadd.f32 v8, v7  }
0x2f3: {  	v3 =	vld [tilespmem:s6+$0x0];
	[tilespmem:s4+$0x30] =	vst v15  }
0x2f4: {  	v8 =	vmul.f32 v0, v0;
	s6 =	sadd.s32 $0x80, s6;
	s4 =	sadd.s32 $0x80, s4;
	v7 =	vld.idx.msk [tilespmem:v14+s23+$0x0], $0xffff;
	v9 =	vadd.f32 v15, v9;
	v10 =	vadd.f32 v11, v10  }
0x2f5: {  	_ =	sdelay $0x1  }
0x2f6: {  	v9 =	vadd.f32 v0, v9  }
0x2f7: {  	v8 =	vadd.f32 v8, v10;
	v10 =	vmul.f32 v4, v4  }
0x2f8: {  	v1 =	vld.idx.msk [tilespmem:v1+s23+$0x0], $0xffff;
	v9 =	vadd.f32 v4, v9  }
0x2f9: {  	v8 =	vadd.f32 v10, v8;
	v10 =	vmul.f32 v6, v6  }
0x2fa: {  	v2 =	vld.idx.msk [tilespmem:v2+s23+$0x0], $0xffff;
	[tilespmem:s4+$0xFFFFFFC0] =	vst v0;
	v9 =	vadd.f32 v6, v9  }
0x2fb: {  	[tilespmem:s4+$0xFFFFFFD0] =	vst v4;
	v5 =	vld.idx.msk [tilespmem:v5+s23+$0x0], $0xffff;
	v8 =	vadd.f32 v10, v8;
	v10 =	vmul.f32 v7, v7  }
0x2fc: {  	[tilespmem:s4+$0xFFFFFFE0] =	vst v6;
	v3 =	vld.idx.msk [tilespmem:v3+s23+$0x0], $0xffff;
	v9 =	vadd.f32 v7, v9  }
0x2fd: {  	[tilespmem:s4+$0xFFFFFFF0] =	vst v7;
	v0 =	vadd.f32 v10, v8;
	v8 =	vmul.f32 v1, v1  }
0x2fe: {  	[tilespmem:s4+$0x0] =	vst v1;
	v4 =	vadd.f32 v1, v9  }
0x2ff: {  	v6 =	vmul.f32 v2, v2;
	[tilespmem:s4+$0x10] =	vst v2;
	v0 =	vadd.f32 v8, v0  }
0x300: {  	[tilespmem:s4+$0x20] =	vst v5;
	v4 =	vadd.f32 v2, v4  }
0x301: {  	[tilespmem:s4+$0x30] =	vst v3;
	v1 =	vmul.f32 v5, v5;
	v0 =	vadd.f32 v6, v0  }
0x302: {  	s4 =	sld [smem:$0x7EE];
	v2 =	vadd.f32 v5, v4  }
0x303: {  	v0 =	vadd.f32 v1, v0;
	v1 =	vmul.f32 v3, v3  }
0x304: {  	s6 =	sld [smem:$0x7FA];
	v2 =	vadd.f32 v3, v2  }
0x305: {  	[hbm4b:s4+s26] =	stream.strided.scatter [tilespmem:s31], [sflag:$0x3], $0x2000, s28, s26, $0x38;
	v0 =	vadd.f32 v1, v0;
	[tilespmem:$0x1E900] =	vst v63  }
0x306: {  	s5 =	rddreg [dreg:$0x15];
	[tilespmem:$0x1E750] =	vst v2  }
0x307: {  	s20 =	rddreg [dreg:$0x9];
	p5 =	seq.s32 s6, $0x1;
	[tilespmem:$0x1E850] =	vst v0  }
0x308: {  	[tilespmem:s23], [sflag:$0x1] =	stream.strided.gather [hbm4b:s5+s26], $0x18700, s28, s26, $0x38;
	[tilespmem:$0x1E900] =	vst v63  }
0x309: {  	s4 =	simm.s32 @!p5 $0x80;
	s6 =	simm.s32 @!p5 $0x18700;
	s5 =	simm.s32 @!p5 $0x400  }
0x30a: {  	[tilespmem:s6], [sflag:$0x2] =	stream.strided.gather @!p5 [hbm4b:s20+s4], $0x4000, s5, s4, $0x38;
	[tilespmem:$0x1E900] =	vst v63  }
0x30b: {  	s4 =	simm.s32 @!p5 $0x2  }
0x30c: {  	_ =	swait.ge @!p5 [sflag:s4], $0x4000  }
0x30d: {  	[sflag:s4] =	ssyncset.done @!p5 $0x0  }
0x30e: {  	[sflag:s4] =	ssyncadd.s32 @!p5 $0xFFFFC000  }
0x30f: {  	_ =	swait.ge [sflag:s30], $0x18700  }
0x310: {  	[sflag:s30] =	ssyncset.done $0x0  }
0x311: {  	[sflag:s30] =	ssyncadd.s32 $0xFFFE7900  }
0x312: {  	_ =	swait.ge [sflag:s0], $0x2000  }
0x313: {  	[sflag:s0] =	ssyncset.done $0x0  }
0x314: {  	s20 =	simm.s32 $0x18740;
	[sflag:s0] =	ssyncadd.s32 $0xFFFFE000  }
0x315: {  	v0 =	vld [tilespmem:s20+$0xFFFFFFC0];
	_ =	sdelay $0x1  }
0x316: {  	v1 =	vld [tilespmem:s20+$0xFFFFFFD0];
	_ =	sdelay $0x1  }
0x317: {  	v2 =	vld [tilespmem:s20+$0xFFFFFFE0]  }
0x318: {  	v10 =	vld [tilespmem:s20+$0xFFFFFFF0]  }
0x319: {  	v7 =	vld [tilespmem:s20+$0x0]  }
0x31a: {  	v4 =	vld [tilespmem:s20+$0x10]  }
0x31b: {  	v3 =	vld.idx.msk [tilespmem:v0+s23+$0x0], $0xffff  }
0x31c: {  	v5 =	vld [tilespmem:s20+$0x20]  }
0x31d: {  	v1 =	vld.idx.msk [tilespmem:v1+s23+$0x0], $0xffff  }
0x31e: {  	v6 =	vld [tilespmem:s20+$0x30]  }
0x31f: {  	v0 =	vld.idx.msk [tilespmem:v2+s23+$0x0], $0xffff  }
0x320: {  	v9 =	vimm.f32 $0.0e+00;
	s5 =	simm.s32 $0x0;
	s6 =	simm.s32 $0x187C0;
	s4 =	simm.s32 $0x1C740;
	v2 =	vld.idx.msk [tilespmem:v10+s23+$0x0], $0xffff;
	v10 =	vimm.f32 $0.0e+00;
	v8 =	vmul.f32 v3, v3  }
.LBB2_26:
0x321: {  	v11 =	vld [tilespmem:s6+$0xFFFFFFC0];
	[tilespmem:s4+$0xFFFFFFC0] =	vst v3  }
0x322: {  	s5 =	sadd.s32 $0x8, s5;
	v3 =	vadd.f32 v3, v9;
	v8 =	vadd.f32 v8, v10;
	v9 =	vmul.f32 v1, v1;
	v10 =	vld.idx.msk [tilespmem:v7+s23+$0x0], $0xffff  }
0x323: {  	p5 =	slt.u32 s5, $0x1F8;
	v12 =	vld [tilespmem:s6+$0xFFFFFFD0];
	[tilespmem:s4+$0xFFFFFFD0] =	vst v1  }
0x324: {  	v7 =	vmul.f32 v0, v0;
	v1 =	vadd.f32 v1, v3;
	v3 =	vadd.f32 v9, v8;
	v8 =	vld.idx.msk [tilespmem:v4+s23+$0x0], $0xffff  }
0x325: {  	v9 =	vld [tilespmem:s6+$0xFFFFFFE0];
	[tilespmem:s4+$0xFFFFFFE0] =	vst v0  }
0x326: {  	v0 =	vadd.f32 v0, v1;
	v1 =	vadd.f32 v7, v3;
	v3 =	vmul.f32 v2, v2;
	v13 =	vld.idx.msk [tilespmem:v5+s23+$0x0], $0xffff  }
0x327: {  	v14 =	vld [tilespmem:s6+$0xFFFFFFF0];
	[tilespmem:s4+$0xFFFFFFF0] =	vst v2  }
0x328: {  	v0 =	vadd.f32 v2, v0;
	v1 =	vadd.f32 v3, v1;
	v2 =	vmul.f32 v10, v10;
	v15 =	vld.idx.msk [tilespmem:v6+s23+$0x0], $0xffff  }
0x329: {  	v7 =	vld [tilespmem:s6+$0x0];
	[tilespmem:s4+$0x0] =	vst v10  }
0x32a: {  	v5 =	vmul.f32 v8, v8;
	v3 =	vld.idx.msk [tilespmem:v11+s23+$0x0], $0xffff;
	v0 =	vadd.f32 v10, v0;
	v2 =	vadd.f32 v2, v1  }
0x32b: {  	v4 =	vld [tilespmem:s6+$0x10];
	[tilespmem:s4+$0x10] =	vst v8  }
.Ltmp12:
0x32c: {  	v1 =	vld.idx.msk [tilespmem:v12+s23+$0x0], $0xffff;
	v6 =	vadd.f32 v8, v0;
	v2 =	vadd.f32 v5, v2;
	v8 =	vmul.f32 v13, v13;
	(pc) =	sbr.rel @p5 .LBB2_26-.Ltmp12, $4  }
0x32d: {  	v5 =	vld [tilespmem:s6+$0x20];
	[tilespmem:s4+$0x20] =	vst v13  }
0x32e: {  	v11 =	vmul.f32 v15, v15;
	v0 =	vld.idx.msk [tilespmem:v9+s23+$0x0], $0xffff;
	v9 =	vadd.f32 v13, v6;
	v10 =	vadd.f32 v8, v2  }
0x32f: {  	v6 =	vld [tilespmem:s6+$0x30];
	[tilespmem:s4+$0x30] =	vst v15  }
0x330: {  	v8 =	vmul.f32 v3, v3;
	s6 =	sadd.s32 $0x80, s6;
	s4 =	sadd.s32 $0x80, s4;
	v2 =	vld.idx.msk [tilespmem:v14+s23+$0x0], $0xffff;
	v9 =	vadd.f32 v15, v9;
	v10 =	vadd.f32 v11, v10  }
0x331: {  	_ =	sdelay $0x3  }
0x332: {  	v7 =	vld.idx.msk [tilespmem:v7+s23+$0x0], $0xffff  }
0x333: {  	[tilespmem:s4+$0xFFFFFFC0] =	vst v3;
	v4 =	vld.idx.msk [tilespmem:v4+s23+$0x0], $0xffff  }
0x334: {  	[tilespmem:s4+$0xFFFFFFD0] =	vst v1;
	v11 =	vld.idx.msk [tilespmem:v5+s23+$0x0], $0xffff  }
0x335: {  	[tilespmem:s4+$0xFFFFFFE0] =	vst v0;
	v12 =	vld.idx.msk [tilespmem:v6+s23+$0x0], $0xffff  }
0x336: {  	[tilespmem:s4+$0xFFFFFFF0] =	vst v2  }
0x337: {  	[tilespmem:s4+$0x0] =	vst v7  }
0x338: {  	[tilespmem:s4+$0x10] =	vst v4  }
0x339: {  	[tilespmem:s4+$0x20] =	vst v11  }
0x33a: {  	[tilespmem:s4+$0x30] =	vst v12  }
0x33b: {  	s4 =	sld [smem:$0x7EF];
	_ =	sdelay $0x2  }
0x33c: {  	[hbm4b:s4+s26] =	stream.strided.scatter [tilespmem:s31], [sflag:$0x3], $0x2000, s28, s26, $0x38;
	[tilespmem:$0x1E900] =	vst v63  }
0x33d: {  	v3 =	vadd.f32 v3, v9;
	v5 =	vadd.f32 v8, v10;
	v6 =	vmul.f32 v1, v1;
	_ =	swait.ge [sflag:s0], $0x2000  }
0x33e: {  	[sflag:s0] =	ssyncset.done $0x0  }
0x33f: {  	s20 =	simm.s32 $0x1A770;
	v1 =	vadd.f32 v1, v3;
	v3 =	vadd.f32 v6, v5;
	v5 =	vmul.f32 v0, v0;
	[sflag:s0] =	ssyncadd.s32 $0xFFFFE000  }
0x340: {  	v8 =	vld [tilespmem:s20+$0xFFFFFF90]  }
0x341: {  	v0 =	vadd.f32 v0, v1;
	v1 =	vadd.f32 v5, v3;
	v3 =	vmul.f32 v2, v2  }
0x342: {  	v6 =	vld [tilespmem:s20+$0xFFFFFFA0]  }
0x343: {  	v0 =	vadd.f32 v2, v0;
	v2 =	vadd.f32 v3, v1;
	v3 =	vmul.f32 v7, v7  }
0x344: {  	v9 =	vld [tilespmem:s20+$0xFFFFFFB0]  }
0x345: {  	v5 =	vadd.f32 v7, v0;
	v7 =	vmul.f32 v4, v4;
	v3 =	vadd.f32 v3, v2;
	v13 =	vld [tilespmem:s20+$0xFFFFFFC0]  }
0x346: {  	v1 =	vld [tilespmem:s20+$0xFFFFFFD0]  }
0x347: {  	v3 =	vadd.f32 v7, v3;
	v7 =	vmul.f32 v11, v11;
	v2 =	vld [tilespmem:s20+$0xFFFFFFE0]  }
0x348: {  	v0 =	vld.idx.msk [tilespmem:v8+s23+$0x0], $0xffff  }
0x349: {  	v7 =	vadd.f32 v7, v3;
	v3 =	vld [tilespmem:s20+$0x0];
	v8 =	vadd.f32 v4, v5  }
0x34a: {  	v4 =	vld.idx.msk [tilespmem:v6+s23+$0x0], $0xffff  }
0x34b: {  	v10 =	vmul.f32 v12, v12;
	v5 =	vld [tilespmem:s20+$0xFFFFFFF0];
	v8 =	vadd.f32 v11, v8  }
0x34c: {  	v6 =	vld.idx.msk [tilespmem:v9+s23+$0x0], $0xffff  }
0x34d: {  	s5 =	simm.s32 $0x0;
	s6 =	simm.s32 $0x1A7F0;
	s4 =	simm.s32 $0x1C740;
	v10 =	vadd.f32 v10, v7;
	v7 =	vld.idx.msk [tilespmem:v13+s23+$0x0], $0xffff;
	v9 =	vadd.f32 v12, v8;
	v8 =	vmul.f32 v0, v0  }
.LBB2_28:
0x34e: {  	v11 =	vld [tilespmem:s6+$0xFFFFFF90];
	[tilespmem:s4+$0xFFFFFFC0] =	vst v0  }
0x34f: {  	s5 =	sadd.s32 $0x8, s5;
	v0 =	vadd.f32 v0, v9;
	v8 =	vadd.f32 v8, v10;
	v9 =	vmul.f32 v4, v4;
	v10 =	vld.idx.msk [tilespmem:v1+s23+$0x0], $0xffff  }
0x350: {  	p5 =	slt.u32 s5, $0x1F8;
	v12 =	vld [tilespmem:s6+$0xFFFFFFA0];
	[tilespmem:s4+$0xFFFFFFD0] =	vst v4  }
0x351: {  	v0 =	vadd.f32 v4, v0;
	v1 =	vadd.f32 v9, v8;
	v4 =	vmul.f32 v6, v6;
	v8 =	vld.idx.msk [tilespmem:v2+s23+$0x0], $0xffff  }
0x352: {  	v9 =	vld [tilespmem:s6+$0xFFFFFFB0];
	[tilespmem:s4+$0xFFFFFFE0] =	vst v6  }
0x353: {  	v2 =	vmul.f32 v7, v7;
	v0 =	vadd.f32 v6, v0;
	v1 =	vadd.f32 v4, v1;
	v13 =	vld.idx.msk [tilespmem:v5+s23+$0x0], $0xffff  }
0x354: {  	v14 =	vld [tilespmem:s6+$0xFFFFFFC0];
	[tilespmem:s4+$0xFFFFFFF0] =	vst v7  }
0x355: {  	v5 =	vmul.f32 v10, v10;
	v4 =	vadd.f32 v7, v0;
	v2 =	vadd.f32 v2, v1;
	v15 =	vld.idx.msk [tilespmem:v3+s23+$0x0], $0xffff  }
0x356: {  	v1 =	vld [tilespmem:s6+$0xFFFFFFD0];
	[tilespmem:s4+$0x0] =	vst v10  }
0x357: {  	v6 =	vmul.f32 v8, v8;
	v0 =	vld.idx.msk [tilespmem:v11+s23+$0x0], $0xffff;
	v3 =	vadd.f32 v10, v4;
	v5 =	vadd.f32 v5, v2  }
0x358: {  	v2 =	vld [tilespmem:s6+$0xFFFFFFE0];
	[tilespmem:s4+$0x10] =	vst v8  }
.Ltmp13:
0x359: {  	v4 =	vld.idx.msk [tilespmem:v12+s23+$0x0], $0xffff;
	v3 =	vadd.f32 v8, v3;
	v7 =	vadd.f32 v6, v5;
	v8 =	vmul.f32 v13, v13;
	(pc) =	sbr.rel @p5 .LBB2_28-.Ltmp13, $4  }
0x35a: {  	v5 =	vld [tilespmem:s6+$0xFFFFFFF0];
	[tilespmem:s4+$0x20] =	vst v13  }
0x35b: {  	v11 =	vmul.f32 v15, v15;
	v6 =	vld.idx.msk [tilespmem:v9+s23+$0x0], $0xffff;
	v9 =	vadd.f32 v13, v3;
	v10 =	vadd.f32 v8, v7  }
0x35c: {  	v3 =	vld [tilespmem:s6+$0x0];
	[tilespmem:s4+$0x30] =	vst v15  }
0x35d: {  	v8 =	vmul.f32 v0, v0;
	s6 =	sadd.s32 $0x80, s6;
	s4 =	sadd.s32 $0x80, s4;
	v7 =	vld.idx.msk [tilespmem:v14+s23+$0x0], $0xffff;
	v9 =	vadd.f32 v15, v9;
	v10 =	vadd.f32 v11, v10  }
0x35e: {  	_ =	sdelay $0x1  }
0x35f: {  	v9 =	vadd.f32 v0, v9  }
0x360: {  	v8 =	vadd.f32 v8, v10;
	v10 =	vmul.f32 v4, v4  }
0x361: {  	v1 =	vld.idx.msk [tilespmem:v1+s23+$0x0], $0xffff;
	v9 =	vadd.f32 v4, v9  }
0x362: {  	v8 =	vadd.f32 v10, v8;
	v10 =	vmul.f32 v6, v6  }
0x363: {  	v2 =	vld.idx.msk [tilespmem:v2+s23+$0x0], $0xffff;
	v9 =	vadd.f32 v6, v9  }
0x364: {  	v8 =	vadd.f32 v10, v8;
	v10 =	vmul.f32 v7, v7  }
0x365: {  	v5 =	vld.idx.msk [tilespmem:v5+s23+$0x0], $0xffff;
	v9 =	vadd.f32 v7, v9  }
0x366: {  	[tilespmem:s4+$0xFFFFFFC0] =	vst v0;
	v0 =	vadd.f32 v10, v8;
	v8 =	vmul.f32 v1, v1  }
0x367: {  	[tilespmem:s4+$0xFFFFFFD0] =	vst v4;
	v3 =	vld.idx.msk [tilespmem:v3+s23+$0x0], $0xffff;
	v4 =	vadd.f32 v1, v9  }
0x368: {  	[tilespmem:s4+$0xFFFFFFE0] =	vst v6;
	v6 =	vmul.f32 v2, v2;
	v0 =	vadd.f32 v8, v0  }
0x369: {  	[tilespmem:s4+$0xFFFFFFF0] =	vst v7;
	v4 =	vadd.f32 v2, v4  }
0x36a: {  	[tilespmem:s4+$0x0] =	vst v1;
	v1 =	vmul.f32 v5, v5;
	v0 =	vadd.f32 v6, v0  }
0x36b: {  	[tilespmem:s4+$0x10] =	vst v2;
	v2 =	vadd.f32 v5, v4  }
0x36c: {  	[tilespmem:s4+$0x20] =	vst v5;
	v0 =	vadd.f32 v1, v0;
	v1 =	vmul.f32 v3, v3  }
0x36d: {  	[tilespmem:s4+$0x30] =	vst v3;
	v2 =	vadd.f32 v3, v2  }
0x36e: {  	[hbm4b:s8+s26] =	stream.strided.scatter [tilespmem:s31], [sflag:$0x3], $0x2000, s28, s26, $0x38;
	v0 =	vadd.f32 v1, v0;
	[tilespmem:$0x1E900] =	vst v63  }
0x36f: {  	[tilespmem:$0x1E760] =	vst v2  }
0x370: {  	s5 =	simm.s32 @!p6 $0x400;
	s4 =	rddreg [dreg:$0x16];
	[tilespmem:$0x1E860] =	vst v0  }
0x371: {  	[tilespmem:s23], [sflag:$0x1] =	stream.strided.gather [hbm4b:s4+s26], $0x18700, s28, s26, $0x38;
	[tilespmem:$0x1E900] =	vst v63  }
0x372: {  	s6 =	simm.s32 @!p6 $0x18700;
	s20 =	rddreg [dreg:$0xa];
	s4 =	simm.s32 @!p6 $0x80  }
0x373: {  	[tilespmem:s6], [sflag:$0x2] =	stream.strided.gather @!p6 [hbm4b:s20+s4], $0x4000, s5, s4, $0x38;
	[tilespmem:$0x1E900] =	vst v63  }
0x374: {  	s4 =	simm.s32 @!p6 $0x2  }
0x375: {  	_ =	swait.ge @!p6 [sflag:s4], $0x4000  }
0x376: {  	[sflag:s4] =	ssyncset.done @!p6 $0x0  }
0x377: {  	[sflag:s4] =	ssyncadd.s32 @!p6 $0xFFFFC000  }
0x378: {  	_ =	swait.ge [sflag:s30], $0x18700  }
0x379: {  	[sflag:s30] =	ssyncset.done $0x0  }
0x37a: {  	[sflag:s30] =	ssyncadd.s32 $0xFFFE7900  }
0x37b: {  	_ =	swait.ge [sflag:s0], $0x2000  }
0x37c: {  	[sflag:s0] =	ssyncset.done $0x0  }
0x37d: {  	s20 =	simm.s32 $0x18740;
	[sflag:s0] =	ssyncadd.s32 $0xFFFFE000  }
0x37e: {  	v0 =	vld [tilespmem:s20+$0xFFFFFFC0];
	_ =	sdelay $0x1  }
0x37f: {  	v1 =	vld [tilespmem:s20+$0xFFFFFFD0];
	_ =	sdelay $0x1  }
0x380: {  	v2 =	vld [tilespmem:s20+$0xFFFFFFE0]  }
0x381: {  	v10 =	vld [tilespmem:s20+$0xFFFFFFF0]  }
0x382: {  	v7 =	vld [tilespmem:s20+$0x0]  }
0x383: {  	v4 =	vld [tilespmem:s20+$0x10]  }
0x384: {  	v3 =	vld.idx.msk [tilespmem:v0+s23+$0x0], $0xffff  }
0x385: {  	v5 =	vld [tilespmem:s20+$0x20]  }
0x386: {  	v1 =	vld.idx.msk [tilespmem:v1+s23+$0x0], $0xffff  }
0x387: {  	v6 =	vld [tilespmem:s20+$0x30]  }
0x388: {  	v0 =	vld.idx.msk [tilespmem:v2+s23+$0x0], $0xffff  }
0x389: {  	v9 =	vimm.f32 $0.0e+00;
	s5 =	simm.s32 $0x0;
	s6 =	simm.s32 $0x187C0;
	s4 =	simm.s32 $0x1C740;
	v2 =	vld.idx.msk [tilespmem:v10+s23+$0x0], $0xffff;
	v10 =	vimm.f32 $0.0e+00;
	v8 =	vmul.f32 v3, v3  }
.LBB2_30:
0x38a: {  	v11 =	vld [tilespmem:s6+$0xFFFFFFC0];
	[tilespmem:s4+$0xFFFFFFC0] =	vst v3  }
0x38b: {  	s5 =	sadd.s32 $0x8, s5;
	v3 =	vadd.f32 v3, v9;
	v8 =	vadd.f32 v8, v10;
	v9 =	vmul.f32 v1, v1;
	v10 =	vld.idx.msk [tilespmem:v7+s23+$0x0], $0xffff  }
0x38c: {  	p5 =	slt.u32 s5, $0x1F8;
	v12 =	vld [tilespmem:s6+$0xFFFFFFD0];
	[tilespmem:s4+$0xFFFFFFD0] =	vst v1  }
0x38d: {  	v7 =	vmul.f32 v0, v0;
	v1 =	vadd.f32 v1, v3;
	v3 =	vadd.f32 v9, v8;
	v8 =	vld.idx.msk [tilespmem:v4+s23+$0x0], $0xffff  }
0x38e: {  	v9 =	vld [tilespmem:s6+$0xFFFFFFE0];
	[tilespmem:s4+$0xFFFFFFE0] =	vst v0  }
0x38f: {  	v0 =	vadd.f32 v0, v1;
	v1 =	vadd.f32 v7, v3;
	v3 =	vmul.f32 v2, v2;
	v13 =	vld.idx.msk [tilespmem:v5+s23+$0x0], $0xffff  }
0x390: {  	v14 =	vld [tilespmem:s6+$0xFFFFFFF0];
	[tilespmem:s4+$0xFFFFFFF0] =	vst v2  }
0x391: {  	v0 =	vadd.f32 v2, v0;
	v1 =	vadd.f32 v3, v1;
	v2 =	vmul.f32 v10, v10;
	v15 =	vld.idx.msk [tilespmem:v6+s23+$0x0], $0xffff  }
0x392: {  	v7 =	vld [tilespmem:s6+$0x0];
	[tilespmem:s4+$0x0] =	vst v10  }
0x393: {  	v5 =	vmul.f32 v8, v8;
	v3 =	vld.idx.msk [tilespmem:v11+s23+$0x0], $0xffff;
	v0 =	vadd.f32 v10, v0;
	v2 =	vadd.f32 v2, v1  }
0x394: {  	v4 =	vld [tilespmem:s6+$0x10];
	[tilespmem:s4+$0x10] =	vst v8  }
.Ltmp14:
0x395: {  	v1 =	vld.idx.msk [tilespmem:v12+s23+$0x0], $0xffff;
	v6 =	vadd.f32 v8, v0;
	v2 =	vadd.f32 v5, v2;
	v8 =	vmul.f32 v13, v13;
	(pc) =	sbr.rel @p5 .LBB2_30-.Ltmp14, $4  }
0x396: {  	v5 =	vld [tilespmem:s6+$0x20];
	[tilespmem:s4+$0x20] =	vst v13  }
0x397: {  	v11 =	vmul.f32 v15, v15;
	v0 =	vld.idx.msk [tilespmem:v9+s23+$0x0], $0xffff;
	v9 =	vadd.f32 v13, v6;
	v10 =	vadd.f32 v8, v2  }
0x398: {  	v6 =	vld [tilespmem:s6+$0x30];
	[tilespmem:s4+$0x30] =	vst v15  }
0x399: {  	v8 =	vmul.f32 v3, v3;
	s6 =	sadd.s32 $0x80, s6;
	s4 =	sadd.s32 $0x80, s4;
	v2 =	vld.idx.msk [tilespmem:v14+s23+$0x0], $0xffff;
	v9 =	vadd.f32 v15, v9;
	v10 =	vadd.f32 v11, v10  }
0x39a: {  	_ =	sdelay $0x3  }
0x39b: {  	v7 =	vld.idx.msk [tilespmem:v7+s23+$0x0], $0xffff  }
0x39c: {  	[tilespmem:s4+$0xFFFFFFC0] =	vst v3;
	v4 =	vld.idx.msk [tilespmem:v4+s23+$0x0], $0xffff  }
0x39d: {  	[tilespmem:s4+$0xFFFFFFD0] =	vst v1;
	v11 =	vld.idx.msk [tilespmem:v5+s23+$0x0], $0xffff  }
0x39e: {  	[tilespmem:s4+$0xFFFFFFE0] =	vst v0;
	v12 =	vld.idx.msk [tilespmem:v6+s23+$0x0], $0xffff  }
0x39f: {  	[tilespmem:s4+$0xFFFFFFF0] =	vst v2  }
0x3a0: {  	[tilespmem:s4+$0x0] =	vst v7  }
0x3a1: {  	[tilespmem:s4+$0x10] =	vst v4  }
0x3a2: {  	[tilespmem:s4+$0x20] =	vst v11  }
0x3a3: {  	[tilespmem:s4+$0x30] =	vst v12  }
0x3a4: {  	[hbm4b:s10+s26] =	stream.strided.scatter [tilespmem:s31], [sflag:$0x3], $0x2000, s28, s26, $0x38;
	[tilespmem:$0x1E900] =	vst v63  }
0x3a5: {  	v3 =	vadd.f32 v3, v9;
	v5 =	vadd.f32 v8, v10;
	v6 =	vmul.f32 v1, v1;
	_ =	swait.ge [sflag:s0], $0x2000  }
0x3a6: {  	[sflag:s0] =	ssyncset.done $0x0  }
0x3a7: {  	s20 =	simm.s32 $0x1A770;
	v1 =	vadd.f32 v1, v3;
	v3 =	vadd.f32 v6, v5;
	v5 =	vmul.f32 v0, v0;
	[sflag:s0] =	ssyncadd.s32 $0xFFFFE000  }
0x3a8: {  	v8 =	vld [tilespmem:s20+$0xFFFFFF90]  }
0x3a9: {  	v0 =	vadd.f32 v0, v1;
	v1 =	vadd.f32 v5, v3;
	v3 =	vmul.f32 v2, v2  }
0x3aa: {  	v6 =	vld [tilespmem:s20+$0xFFFFFFA0]  }
0x3ab: {  	v0 =	vadd.f32 v2, v0;
	v2 =	vadd.f32 v3, v1;
	v3 =	vmul.f32 v7, v7  }
0x3ac: {  	v9 =	vld [tilespmem:s20+$0xFFFFFFB0]  }
0x3ad: {  	v5 =	vadd.f32 v7, v0;
	v7 =	vmul.f32 v4, v4;
	v3 =	vadd.f32 v3, v2;
	v13 =	vld [tilespmem:s20+$0xFFFFFFC0]  }
0x3ae: {  	v1 =	vld [tilespmem:s20+$0xFFFFFFD0]  }
0x3af: {  	v2 =	vld [tilespmem:s20+$0xFFFFFFE0];
	v3 =	vadd.f32 v7, v3;
	v7 =	vmul.f32 v11, v11  }
0x3b0: {  	v0 =	vld.idx.msk [tilespmem:v8+s23+$0x0], $0xffff  }
0x3b1: {  	v7 =	vadd.f32 v7, v3;
	v3 =	vld [tilespmem:s20+$0x0];
	v8 =	vadd.f32 v4, v5  }
0x3b2: {  	v4 =	vld.idx.msk [tilespmem:v6+s23+$0x0], $0xffff  }
0x3b3: {  	v10 =	vmul.f32 v12, v12;
	v5 =	vld [tilespmem:s20+$0xFFFFFFF0];
	v8 =	vadd.f32 v11, v8  }
0x3b4: {  	v6 =	vld.idx.msk [tilespmem:v9+s23+$0x0], $0xffff  }
0x3b5: {  	s5 =	simm.s32 $0x0;
	s6 =	simm.s32 $0x1A7F0;
	s4 =	simm.s32 $0x1C740;
	v10 =	vadd.f32 v10, v7;
	v7 =	vld.idx.msk [tilespmem:v13+s23+$0x0], $0xffff;
	v9 =	vadd.f32 v12, v8;
	v8 =	vmul.f32 v0, v0  }
.LBB2_32:
0x3b6: {  	v11 =	vld [tilespmem:s6+$0xFFFFFF90];
	[tilespmem:s4+$0xFFFFFFC0] =	vst v0  }
0x3b7: {  	s5 =	sadd.s32 $0x8, s5;
	v0 =	vadd.f32 v0, v9;
	v8 =	vadd.f32 v8, v10;
	v9 =	vmul.f32 v4, v4;
	v10 =	vld.idx.msk [tilespmem:v1+s23+$0x0], $0xffff  }
0x3b8: {  	p5 =	slt.u32 s5, $0x1F8;
	v12 =	vld [tilespmem:s6+$0xFFFFFFA0];
	[tilespmem:s4+$0xFFFFFFD0] =	vst v4  }
0x3b9: {  	v0 =	vadd.f32 v4, v0;
	v1 =	vadd.f32 v9, v8;
	v4 =	vmul.f32 v6, v6;
	v8 =	vld.idx.msk [tilespmem:v2+s23+$0x0], $0xffff  }
0x3ba: {  	v9 =	vld [tilespmem:s6+$0xFFFFFFB0];
	[tilespmem:s4+$0xFFFFFFE0] =	vst v6  }
0x3bb: {  	v2 =	vmul.f32 v7, v7;
	v0 =	vadd.f32 v6, v0;
	v1 =	vadd.f32 v4, v1;
	v13 =	vld.idx.msk [tilespmem:v5+s23+$0x0], $0xffff  }
0x3bc: {  	v14 =	vld [tilespmem:s6+$0xFFFFFFC0];
	[tilespmem:s4+$0xFFFFFFF0] =	vst v7  }
0x3bd: {  	v5 =	vmul.f32 v10, v10;
	v4 =	vadd.f32 v7, v0;
	v2 =	vadd.f32 v2, v1;
	v15 =	vld.idx.msk [tilespmem:v3+s23+$0x0], $0xffff  }
0x3be: {  	v1 =	vld [tilespmem:s6+$0xFFFFFFD0];
	[tilespmem:s4+$0x0] =	vst v10  }
0x3bf: {  	v6 =	vmul.f32 v8, v8;
	v0 =	vld.idx.msk [tilespmem:v11+s23+$0x0], $0xffff;
	v3 =	vadd.f32 v10, v4;
	v5 =	vadd.f32 v5, v2  }
0x3c0: {  	v2 =	vld [tilespmem:s6+$0xFFFFFFE0];
	[tilespmem:s4+$0x10] =	vst v8  }
.Ltmp15:
0x3c1: {  	v4 =	vld.idx.msk [tilespmem:v12+s23+$0x0], $0xffff;
	v3 =	vadd.f32 v8, v3;
	v7 =	vadd.f32 v6, v5;
	v8 =	vmul.f32 v13, v13;
	(pc) =	sbr.rel @p5 .LBB2_32-.Ltmp15, $4  }
0x3c2: {  	v5 =	vld [tilespmem:s6+$0xFFFFFFF0];
	[tilespmem:s4+$0x20] =	vst v13  }
0x3c3: {  	v11 =	vmul.f32 v15, v15;
	v6 =	vld.idx.msk [tilespmem:v9+s23+$0x0], $0xffff;
	v9 =	vadd.f32 v13, v3;
	v10 =	vadd.f32 v8, v7  }
0x3c4: {  	v3 =	vld [tilespmem:s6+$0x0];
	[tilespmem:s4+$0x30] =	vst v15  }
0x3c5: {  	v8 =	vmul.f32 v0, v0;
	s6 =	sadd.s32 $0x80, s6;
	s4 =	sadd.s32 $0x80, s4;
	v7 =	vld.idx.msk [tilespmem:v14+s23+$0x0], $0xffff;
	v9 =	vadd.f32 v15, v9;
	v10 =	vadd.f32 v11, v10  }
0x3c6: {  	_ =	sdelay $0x1  }
0x3c7: {  	v9 =	vadd.f32 v0, v9  }
0x3c8: {  	v8 =	vadd.f32 v8, v10;
	v10 =	vmul.f32 v4, v4  }
0x3c9: {  	v1 =	vld.idx.msk [tilespmem:v1+s23+$0x0], $0xffff;
	v9 =	vadd.f32 v4, v9  }
0x3ca: {  	v8 =	vadd.f32 v10, v8;
	v10 =	vmul.f32 v6, v6  }
0x3cb: {  	v2 =	vld.idx.msk [tilespmem:v2+s23+$0x0], $0xffff;
	v9 =	vadd.f32 v6, v9  }
0x3cc: {  	v8 =	vadd.f32 v10, v8;
	v10 =	vmul.f32 v7, v7  }
0x3cd: {  	v5 =	vld.idx.msk [tilespmem:v5+s23+$0x0], $0xffff;
	v9 =	vadd.f32 v7, v9  }
0x3ce: {  	[tilespmem:s4+$0xFFFFFFC0] =	vst v0;
	v0 =	vadd.f32 v10, v8;
	v8 =	vmul.f32 v1, v1  }
0x3cf: {  	[tilespmem:s4+$0xFFFFFFD0] =	vst v4;
	v3 =	vld.idx.msk [tilespmem:v3+s23+$0x0], $0xffff;
	v4 =	vadd.f32 v1, v9  }
0x3d0: {  	[tilespmem:s4+$0xFFFFFFE0] =	vst v6;
	v6 =	vmul.f32 v2, v2;
	v0 =	vadd.f32 v8, v0  }
0x3d1: {  	[tilespmem:s4+$0xFFFFFFF0] =	vst v7;
	v4 =	vadd.f32 v2, v4  }
0x3d2: {  	[tilespmem:s4+$0x0] =	vst v1;
	v1 =	vmul.f32 v5, v5;
	v0 =	vadd.f32 v6, v0  }
0x3d3: {  	[tilespmem:s4+$0x10] =	vst v2;
	v2 =	vadd.f32 v5, v4  }
0x3d4: {  	[tilespmem:s4+$0x20] =	vst v5;
	v0 =	vadd.f32 v1, v0;
	v1 =	vmul.f32 v3, v3  }
0x3d5: {  	[tilespmem:s4+$0x30] =	vst v3;
	v2 =	vadd.f32 v3, v2  }
0x3d6: {  	[hbm4b:s22+s26] =	stream.strided.scatter [tilespmem:s31], [sflag:$0x3], $0x2000, s28, s26, $0x38;
	v0 =	vadd.f32 v1, v0;
	[tilespmem:$0x1E900] =	vst v63  }
0x3d7: {  	[tilespmem:$0x1E770] =	vst v2  }
0x3d8: {  	s5 =	simm.s32 @!p0 $0x400;
	s4 =	rddreg [dreg:$0x17];
	[tilespmem:$0x1E870] =	vst v0  }
0x3d9: {  	[tilespmem:s23], [sflag:$0x1] =	stream.strided.gather [hbm4b:s4+s26], $0x18700, s28, s26, $0x38;
	[tilespmem:$0x1E900] =	vst v63  }
0x3da: {  	s6 =	simm.s32 @!p0 $0x18700;
	s20 =	rddreg [dreg:$0xb];
	s4 =	simm.s32 @!p0 $0x80  }
0x3db: {  	[tilespmem:s6], [sflag:$0x2] =	stream.strided.gather @!p0 [hbm4b:s20+s4], $0x4000, s5, s4, $0x38;
	[tilespmem:$0x1E900] =	vst v63  }
0x3dc: {  	s4 =	simm.s32 @!p0 $0x2  }
0x3dd: {  	_ =	swait.ge @!p0 [sflag:s4], $0x4000  }
0x3de: {  	[sflag:s4] =	ssyncset.done @!p0 $0x0  }
0x3df: {  	[sflag:s4] =	ssyncadd.s32 @!p0 $0xFFFFC000  }
0x3e0: {  	_ =	swait.ge [sflag:s30], $0x18700  }
0x3e1: {  	[sflag:s30] =	ssyncset.done $0x0  }
0x3e2: {  	[sflag:s30] =	ssyncadd.s32 $0xFFFE7900  }
0x3e3: {  	_ =	swait.ge [sflag:s0], $0x2000  }
0x3e4: {  	[sflag:s0] =	ssyncset.done $0x0  }
0x3e5: {  	s20 =	simm.s32 $0x18740;
	[sflag:s0] =	ssyncadd.s32 $0xFFFFE000  }
0x3e6: {  	v0 =	vld [tilespmem:s20+$0xFFFFFFC0];
	_ =	sdelay $0x1  }
0x3e7: {  	v1 =	vld [tilespmem:s20+$0xFFFFFFD0];
	_ =	sdelay $0x1  }
0x3e8: {  	v2 =	vld [tilespmem:s20+$0xFFFFFFE0]  }
0x3e9: {  	v10 =	vld [tilespmem:s20+$0xFFFFFFF0]  }
0x3ea: {  	v7 =	vld [tilespmem:s20+$0x0]  }
0x3eb: {  	v4 =	vld [tilespmem:s20+$0x10]  }
0x3ec: {  	v3 =	vld.idx.msk [tilespmem:v0+s23+$0x0], $0xffff  }
0x3ed: {  	v5 =	vld [tilespmem:s20+$0x20]  }
0x3ee: {  	v1 =	vld.idx.msk [tilespmem:v1+s23+$0x0], $0xffff  }
0x3ef: {  	v6 =	vld [tilespmem:s20+$0x30]  }
0x3f0: {  	v0 =	vld.idx.msk [tilespmem:v2+s23+$0x0], $0xffff  }
0x3f1: {  	v9 =	vimm.f32 $0.0e+00;
	s5 =	simm.s32 $0x0;
	s6 =	simm.s32 $0x187C0;
	s4 =	simm.s32 $0x1C740;
	v2 =	vld.idx.msk [tilespmem:v10+s23+$0x0], $0xffff;
	v10 =	vimm.f32 $0.0e+00;
	v8 =	vmul.f32 v3, v3  }
.LBB2_34:
0x3f2: {  	v11 =	vld [tilespmem:s6+$0xFFFFFFC0];
	[tilespmem:s4+$0xFFFFFFC0] =	vst v3  }
0x3f3: {  	s5 =	sadd.s32 $0x8, s5;
	v3 =	vadd.f32 v3, v9;
	v8 =	vadd.f32 v8, v10;
	v9 =	vmul.f32 v1, v1;
	v10 =	vld.idx.msk [tilespmem:v7+s23+$0x0], $0xffff  }
0x3f4: {  	p5 =	slt.u32 s5, $0x1F8;
	v12 =	vld [tilespmem:s6+$0xFFFFFFD0];
	[tilespmem:s4+$0xFFFFFFD0] =	vst v1  }
0x3f5: {  	v7 =	vmul.f32 v0, v0;
	v1 =	vadd.f32 v1, v3;
	v3 =	vadd.f32 v9, v8;
	v8 =	vld.idx.msk [tilespmem:v4+s23+$0x0], $0xffff  }
0x3f6: {  	v9 =	vld [tilespmem:s6+$0xFFFFFFE0];
	[tilespmem:s4+$0xFFFFFFE0] =	vst v0  }
0x3f7: {  	v0 =	vadd.f32 v0, v1;
	v1 =	vadd.f32 v7, v3;
	v3 =	vmul.f32 v2, v2;
	v13 =	vld.idx.msk [tilespmem:v5+s23+$0x0], $0xffff  }
0x3f8: {  	v14 =	vld [tilespmem:s6+$0xFFFFFFF0];
	[tilespmem:s4+$0xFFFFFFF0] =	vst v2  }
0x3f9: {  	v0 =	vadd.f32 v2, v0;
	v1 =	vadd.f32 v3, v1;
	v2 =	vmul.f32 v10, v10;
	v15 =	vld.idx.msk [tilespmem:v6+s23+$0x0], $0xffff  }
0x3fa: {  	v7 =	vld [tilespmem:s6+$0x0];
	[tilespmem:s4+$0x0] =	vst v10  }
0x3fb: {  	v5 =	vmul.f32 v8, v8;
	v3 =	vld.idx.msk [tilespmem:v11+s23+$0x0], $0xffff;
	v0 =	vadd.f32 v10, v0;
	v2 =	vadd.f32 v2, v1  }
0x3fc: {  	v4 =	vld [tilespmem:s6+$0x10];
	[tilespmem:s4+$0x10] =	vst v8  }
.Ltmp16:
0x3fd: {  	v1 =	vld.idx.msk [tilespmem:v12+s23+$0x0], $0xffff;
	v6 =	vadd.f32 v8, v0;
	v2 =	vadd.f32 v5, v2;
	v8 =	vmul.f32 v13, v13;
	(pc) =	sbr.rel @p5 .LBB2_34-.Ltmp16, $4  }
0x3fe: {  	v5 =	vld [tilespmem:s6+$0x20];
	[tilespmem:s4+$0x20] =	vst v13  }
0x3ff: {  	v11 =	vmul.f32 v15, v15;
	v0 =	vld.idx.msk [tilespmem:v9+s23+$0x0], $0xffff;
	v9 =	vadd.f32 v13, v6;
	v10 =	vadd.f32 v8, v2  }
0x400: {  	v6 =	vld [tilespmem:s6+$0x30];
	[tilespmem:s4+$0x30] =	vst v15  }
0x401: {  	v8 =	vmul.f32 v3, v3;
	s6 =	sadd.s32 $0x80, s6;
	s4 =	sadd.s32 $0x80, s4;
	v2 =	vld.idx.msk [tilespmem:v14+s23+$0x0], $0xffff;
	v9 =	vadd.f32 v15, v9;
	v10 =	vadd.f32 v11, v10  }
0x402: {  	_ =	sdelay $0x3  }
0x403: {  	v7 =	vld.idx.msk [tilespmem:v7+s23+$0x0], $0xffff  }
0x404: {  	[tilespmem:s4+$0xFFFFFFC0] =	vst v3;
	v4 =	vld.idx.msk [tilespmem:v4+s23+$0x0], $0xffff  }
0x405: {  	[tilespmem:s4+$0xFFFFFFD0] =	vst v1;
	v11 =	vld.idx.msk [tilespmem:v5+s23+$0x0], $0xffff  }
0x406: {  	[tilespmem:s4+$0xFFFFFFE0] =	vst v0;
	v12 =	vld.idx.msk [tilespmem:v6+s23+$0x0], $0xffff  }
0x407: {  	[tilespmem:s4+$0xFFFFFFF0] =	vst v2  }
0x408: {  	[tilespmem:s4+$0x0] =	vst v7  }
0x409: {  	[tilespmem:s4+$0x10] =	vst v4  }
0x40a: {  	[tilespmem:s4+$0x20] =	vst v11  }
0x40b: {  	[tilespmem:s4+$0x30] =	vst v12  }
0x40c: {  	[hbm4b:s9+s26] =	stream.strided.scatter [tilespmem:s31], [sflag:$0x3], $0x2000, s28, s26, $0x38;
	[tilespmem:$0x1E900] =	vst v63  }
0x40d: {  	v3 =	vadd.f32 v3, v9;
	v5 =	vadd.f32 v8, v10;
	v6 =	vmul.f32 v1, v1;
	_ =	swait.ge [sflag:s0], $0x2000  }
0x40e: {  	[sflag:s0] =	ssyncset.done $0x0  }
0x40f: {  	s20 =	simm.s32 $0x1A770;
	v1 =	vadd.f32 v1, v3;
	v3 =	vadd.f32 v6, v5;
	v5 =	vmul.f32 v0, v0;
	[sflag:s0] =	ssyncadd.s32 $0xFFFFE000  }
0x410: {  	v8 =	vld [tilespmem:s20+$0xFFFFFF90]  }
0x411: {  	v0 =	vadd.f32 v0, v1;
	v1 =	vadd.f32 v5, v3;
	v3 =	vmul.f32 v2, v2  }
0x412: {  	v6 =	vld [tilespmem:s20+$0xFFFFFFA0]  }
0x413: {  	v0 =	vadd.f32 v2, v0;
	v2 =	vadd.f32 v3, v1;
	v3 =	vmul.f32 v7, v7  }
0x414: {  	v9 =	vld [tilespmem:s20+$0xFFFFFFB0]  }
0x415: {  	v5 =	vadd.f32 v7, v0;
	v7 =	vmul.f32 v4, v4;
	v3 =	vadd.f32 v3, v2;
	v13 =	vld [tilespmem:s20+$0xFFFFFFC0]  }
0x416: {  	v1 =	vld [tilespmem:s20+$0xFFFFFFD0]  }
0x417: {  	v2 =	vld [tilespmem:s20+$0xFFFFFFE0];
	v3 =	vadd.f32 v7, v3;
	v7 =	vmul.f32 v11, v11  }
0x418: {  	v0 =	vld.idx.msk [tilespmem:v8+s23+$0x0], $0xffff  }
0x419: {  	v7 =	vadd.f32 v7, v3;
	v3 =	vld [tilespmem:s20+$0x0];
	v8 =	vadd.f32 v4, v5  }
0x41a: {  	v4 =	vld.idx.msk [tilespmem:v6+s23+$0x0], $0xffff  }
0x41b: {  	v10 =	vmul.f32 v12, v12;
	v5 =	vld [tilespmem:s20+$0xFFFFFFF0];
	v8 =	vadd.f32 v11, v8  }
0x41c: {  	v6 =	vld.idx.msk [tilespmem:v9+s23+$0x0], $0xffff  }
0x41d: {  	s5 =	simm.s32 $0x0;
	s6 =	simm.s32 $0x1A7F0;
	s4 =	simm.s32 $0x1C740;
	v10 =	vadd.f32 v10, v7;
	v7 =	vld.idx.msk [tilespmem:v13+s23+$0x0], $0xffff;
	v9 =	vadd.f32 v12, v8;
	v8 =	vmul.f32 v0, v0  }
.LBB2_36:
0x41e: {  	v11 =	vld [tilespmem:s6+$0xFFFFFF90];
	[tilespmem:s4+$0xFFFFFFC0] =	vst v0  }
0x41f: {  	s5 =	sadd.s32 $0x8, s5;
	v0 =	vadd.f32 v0, v9;
	v8 =	vadd.f32 v8, v10;
	v9 =	vmul.f32 v4, v4;
	v10 =	vld.idx.msk [tilespmem:v1+s23+$0x0], $0xffff  }
0x420: {  	p5 =	slt.u32 s5, $0x1F8;
	v12 =	vld [tilespmem:s6+$0xFFFFFFA0];
	[tilespmem:s4+$0xFFFFFFD0] =	vst v4  }
0x421: {  	v0 =	vadd.f32 v4, v0;
	v1 =	vadd.f32 v9, v8;
	v4 =	vmul.f32 v6, v6;
	v8 =	vld.idx.msk [tilespmem:v2+s23+$0x0], $0xffff  }
0x422: {  	v9 =	vld [tilespmem:s6+$0xFFFFFFB0];
	[tilespmem:s4+$0xFFFFFFE0] =	vst v6  }
0x423: {  	v2 =	vmul.f32 v7, v7;
	v0 =	vadd.f32 v6, v0;
	v1 =	vadd.f32 v4, v1;
	v13 =	vld.idx.msk [tilespmem:v5+s23+$0x0], $0xffff  }
0x424: {  	v14 =	vld [tilespmem:s6+$0xFFFFFFC0];
	[tilespmem:s4+$0xFFFFFFF0] =	vst v7  }
0x425: {  	v5 =	vmul.f32 v10, v10;
	v4 =	vadd.f32 v7, v0;
	v2 =	vadd.f32 v2, v1;
	v15 =	vld.idx.msk [tilespmem:v3+s23+$0x0], $0xffff  }
0x426: {  	v1 =	vld [tilespmem:s6+$0xFFFFFFD0];
	[tilespmem:s4+$0x0] =	vst v10  }
0x427: {  	v6 =	vmul.f32 v8, v8;
	v0 =	vld.idx.msk [tilespmem:v11+s23+$0x0], $0xffff;
	v3 =	vadd.f32 v10, v4;
	v5 =	vadd.f32 v5, v2  }
0x428: {  	v2 =	vld [tilespmem:s6+$0xFFFFFFE0];
	[tilespmem:s4+$0x10] =	vst v8  }
.Ltmp17:
0x429: {  	v4 =	vld.idx.msk [tilespmem:v12+s23+$0x0], $0xffff;
	v3 =	vadd.f32 v8, v3;
	v7 =	vadd.f32 v6, v5;
	v8 =	vmul.f32 v13, v13;
	(pc) =	sbr.rel @p5 .LBB2_36-.Ltmp17, $4  }
0x42a: {  	v5 =	vld [tilespmem:s6+$0xFFFFFFF0];
	[tilespmem:s4+$0x20] =	vst v13  }
0x42b: {  	v11 =	vmul.f32 v15, v15;
	v6 =	vld.idx.msk [tilespmem:v9+s23+$0x0], $0xffff;
	v9 =	vadd.f32 v13, v3;
	v10 =	vadd.f32 v8, v7  }
0x42c: {  	v3 =	vld [tilespmem:s6+$0x0];
	[tilespmem:s4+$0x30] =	vst v15  }
0x42d: {  	v8 =	vmul.f32 v0, v0;
	s6 =	sadd.s32 $0x80, s6;
	s4 =	sadd.s32 $0x80, s4;
	v7 =	vld.idx.msk [tilespmem:v14+s23+$0x0], $0xffff;
	v9 =	vadd.f32 v15, v9;
	v10 =	vadd.f32 v11, v10  }
0x42e: {  	_ =	sdelay $0x1  }
0x42f: {  	v9 =	vadd.f32 v0, v9  }
0x430: {  	v8 =	vadd.f32 v8, v10;
	v10 =	vmul.f32 v4, v4  }
0x431: {  	v1 =	vld.idx.msk [tilespmem:v1+s23+$0x0], $0xffff;
	v9 =	vadd.f32 v4, v9  }
0x432: {  	v8 =	vadd.f32 v10, v8;
	v10 =	vmul.f32 v6, v6  }
0x433: {  	v2 =	vld.idx.msk [tilespmem:v2+s23+$0x0], $0xffff;
	v9 =	vadd.f32 v6, v9  }
0x434: {  	v8 =	vadd.f32 v10, v8;
	v10 =	vmul.f32 v7, v7  }
0x435: {  	v5 =	vld.idx.msk [tilespmem:v5+s23+$0x0], $0xffff;
	v9 =	vadd.f32 v7, v9  }
0x436: {  	[tilespmem:s4+$0xFFFFFFC0] =	vst v0;
	v0 =	vadd.f32 v10, v8;
	v8 =	vmul.f32 v1, v1  }
0x437: {  	[tilespmem:s4+$0xFFFFFFD0] =	vst v4;
	v3 =	vld.idx.msk [tilespmem:v3+s23+$0x0], $0xffff;
	v4 =	vadd.f32 v1, v9  }
0x438: {  	[tilespmem:s4+$0xFFFFFFE0] =	vst v6;
	v6 =	vmul.f32 v2, v2;
	v0 =	vadd.f32 v8, v0  }
0x439: {  	[tilespmem:s4+$0xFFFFFFF0] =	vst v7;
	v4 =	vadd.f32 v2, v4  }
0x43a: {  	[tilespmem:s4+$0x0] =	vst v1;
	v1 =	vmul.f32 v5, v5;
	v0 =	vadd.f32 v6, v0  }
0x43b: {  	[tilespmem:s4+$0x10] =	vst v2;
	v2 =	vadd.f32 v5, v4  }
0x43c: {  	[tilespmem:s4+$0x20] =	vst v5;
	v0 =	vadd.f32 v1, v0;
	v1 =	vmul.f32 v3, v3  }
0x43d: {  	[tilespmem:s4+$0x30] =	vst v3;
	v2 =	vadd.f32 v3, v2  }
0x43e: {  	[hbm4b:s11+s26] =	stream.strided.scatter [tilespmem:s31], [sflag:$0x3], $0x2000, s28, s26, $0x38;
	v0 =	vadd.f32 v1, v0;
	[tilespmem:$0x1E900] =	vst v63  }
0x43f: {  	[tilespmem:$0x1E780] =	vst v2  }
0x440: {  	s5 =	simm.s32 @!p1 $0x400;
	s4 =	rddreg [dreg:$0x18];
	[tilespmem:$0x1E880] =	vst v0  }
0x441: {  	[tilespmem:s23], [sflag:$0x1] =	stream.strided.gather [hbm4b:s4+s26], $0x18700, s28, s26, $0x38;
	[tilespmem:$0x1E900] =	vst v63  }
0x442: {  	s6 =	simm.s32 @!p1 $0x18700;
	s20 =	rddreg [dreg:$0xc];
	s4 =	simm.s32 @!p1 $0x80  }
0x443: {  	[tilespmem:s6], [sflag:$0x2] =	stream.strided.gather @!p1 [hbm4b:s20+s4], $0x4000, s5, s4, $0x38;
	[tilespmem:$0x1E900] =	vst v63  }
0x444: {  	s4 =	simm.s32 @!p1 $0x2  }
0x445: {  	_ =	swait.ge @!p1 [sflag:s4], $0x4000  }
0x446: {  	[sflag:s4] =	ssyncset.done @!p1 $0x0  }
0x447: {  	[sflag:s4] =	ssyncadd.s32 @!p1 $0xFFFFC000  }
0x448: {  	_ =	swait.ge [sflag:s30], $0x18700  }
0x449: {  	[sflag:s30] =	ssyncset.done $0x0  }
0x44a: {  	[sflag:s30] =	ssyncadd.s32 $0xFFFE7900  }
0x44b: {  	_ =	swait.ge [sflag:s0], $0x2000  }
0x44c: {  	[sflag:s0] =	ssyncset.done $0x0  }
0x44d: {  	s20 =	simm.s32 $0x18740;
	[sflag:s0] =	ssyncadd.s32 $0xFFFFE000  }
0x44e: {  	v0 =	vld [tilespmem:s20+$0xFFFFFFC0];
	_ =	sdelay $0x1  }
0x44f: {  	v1 =	vld [tilespmem:s20+$0xFFFFFFD0];
	_ =	sdelay $0x1  }
0x450: {  	v2 =	vld [tilespmem:s20+$0xFFFFFFE0]  }
0x451: {  	v10 =	vld [tilespmem:s20+$0xFFFFFFF0]  }
0x452: {  	v7 =	vld [tilespmem:s20+$0x0]  }
0x453: {  	v4 =	vld [tilespmem:s20+$0x10]  }
0x454: {  	v3 =	vld.idx.msk [tilespmem:v0+s23+$0x0], $0xffff  }
0x455: {  	v5 =	vld [tilespmem:s20+$0x20]  }
0x456: {  	v1 =	vld.idx.msk [tilespmem:v1+s23+$0x0], $0xffff  }
0x457: {  	v6 =	vld [tilespmem:s20+$0x30]  }
0x458: {  	v0 =	vld.idx.msk [tilespmem:v2+s23+$0x0], $0xffff  }
0x459: {  	v9 =	vimm.f32 $0.0e+00;
	s5 =	simm.s32 $0x0;
	s6 =	simm.s32 $0x187C0;
	s4 =	simm.s32 $0x1C740;
	v2 =	vld.idx.msk [tilespmem:v10+s23+$0x0], $0xffff;
	v10 =	vimm.f32 $0.0e+00;
	v8 =	vmul.f32 v3, v3  }
.LBB2_38:
0x45a: {  	v11 =	vld [tilespmem:s6+$0xFFFFFFC0];
	[tilespmem:s4+$0xFFFFFFC0] =	vst v3  }
0x45b: {  	s5 =	sadd.s32 $0x8, s5;
	v3 =	vadd.f32 v3, v9;
	v8 =	vadd.f32 v8, v10;
	v9 =	vmul.f32 v1, v1;
	v10 =	vld.idx.msk [tilespmem:v7+s23+$0x0], $0xffff  }
0x45c: {  	p5 =	slt.u32 s5, $0x1F8;
	v12 =	vld [tilespmem:s6+$0xFFFFFFD0];
	[tilespmem:s4+$0xFFFFFFD0] =	vst v1  }
0x45d: {  	v7 =	vmul.f32 v0, v0;
	v1 =	vadd.f32 v1, v3;
	v3 =	vadd.f32 v9, v8;
	v8 =	vld.idx.msk [tilespmem:v4+s23+$0x0], $0xffff  }
0x45e: {  	v9 =	vld [tilespmem:s6+$0xFFFFFFE0];
	[tilespmem:s4+$0xFFFFFFE0] =	vst v0  }
0x45f: {  	v0 =	vadd.f32 v0, v1;
	v1 =	vadd.f32 v7, v3;
	v3 =	vmul.f32 v2, v2;
	v13 =	vld.idx.msk [tilespmem:v5+s23+$0x0], $0xffff  }
0x460: {  	v14 =	vld [tilespmem:s6+$0xFFFFFFF0];
	[tilespmem:s4+$0xFFFFFFF0] =	vst v2  }
0x461: {  	v0 =	vadd.f32 v2, v0;
	v1 =	vadd.f32 v3, v1;
	v2 =	vmul.f32 v10, v10;
	v15 =	vld.idx.msk [tilespmem:v6+s23+$0x0], $0xffff  }
0x462: {  	v7 =	vld [tilespmem:s6+$0x0];
	[tilespmem:s4+$0x0] =	vst v10  }
0x463: {  	v5 =	vmul.f32 v8, v8;
	v3 =	vld.idx.msk [tilespmem:v11+s23+$0x0], $0xffff;
	v0 =	vadd.f32 v10, v0;
	v2 =	vadd.f32 v2, v1  }
0x464: {  	v4 =	vld [tilespmem:s6+$0x10];
	[tilespmem:s4+$0x10] =	vst v8  }
.Ltmp18:
0x465: {  	v1 =	vld.idx.msk [tilespmem:v12+s23+$0x0], $0xffff;
	v6 =	vadd.f32 v8, v0;
	v2 =	vadd.f32 v5, v2;
	v8 =	vmul.f32 v13, v13;
	(pc) =	sbr.rel @p5 .LBB2_38-.Ltmp18, $4  }
0x466: {  	v5 =	vld [tilespmem:s6+$0x20];
	[tilespmem:s4+$0x20] =	vst v13  }
0x467: {  	v11 =	vmul.f32 v15, v15;
	v0 =	vld.idx.msk [tilespmem:v9+s23+$0x0], $0xffff;
	v9 =	vadd.f32 v13, v6;
	v10 =	vadd.f32 v8, v2  }
0x468: {  	v6 =	vld [tilespmem:s6+$0x30];
	[tilespmem:s4+$0x30] =	vst v15  }
0x469: {  	v8 =	vmul.f32 v3, v3;
	s6 =	sadd.s32 $0x80, s6;
	s4 =	sadd.s32 $0x80, s4;
	v2 =	vld.idx.msk [tilespmem:v14+s23+$0x0], $0xffff;
	v9 =	vadd.f32 v15, v9;
	v10 =	vadd.f32 v11, v10  }
0x46a: {  	_ =	sdelay $0x3  }
0x46b: {  	v7 =	vld.idx.msk [tilespmem:v7+s23+$0x0], $0xffff  }
0x46c: {  	[tilespmem:s4+$0xFFFFFFC0] =	vst v3;
	v4 =	vld.idx.msk [tilespmem:v4+s23+$0x0], $0xffff  }
0x46d: {  	[tilespmem:s4+$0xFFFFFFD0] =	vst v1;
	v11 =	vld.idx.msk [tilespmem:v5+s23+$0x0], $0xffff  }
0x46e: {  	[tilespmem:s4+$0xFFFFFFE0] =	vst v0;
	v12 =	vld.idx.msk [tilespmem:v6+s23+$0x0], $0xffff  }
0x46f: {  	[tilespmem:s4+$0xFFFFFFF0] =	vst v2  }
0x470: {  	[tilespmem:s4+$0x0] =	vst v7  }
0x471: {  	[tilespmem:s4+$0x10] =	vst v4  }
0x472: {  	[tilespmem:s4+$0x20] =	vst v11  }
0x473: {  	[tilespmem:s4+$0x30] =	vst v12  }
0x474: {  	[hbm4b:s12+s26] =	stream.strided.scatter [tilespmem:s31], [sflag:$0x3], $0x2000, s28, s26, $0x38;
	[tilespmem:$0x1E900] =	vst v63  }
0x475: {  	v3 =	vadd.f32 v3, v9;
	v5 =	vadd.f32 v8, v10;
	v6 =	vmul.f32 v1, v1;
	_ =	swait.ge [sflag:s0], $0x2000  }
0x476: {  	[sflag:s0] =	ssyncset.done $0x0  }
0x477: {  	s20 =	simm.s32 $0x1A770;
	v1 =	vadd.f32 v1, v3;
	v3 =	vadd.f32 v6, v5;
	v5 =	vmul.f32 v0, v0;
	[sflag:s0] =	ssyncadd.s32 $0xFFFFE000  }
0x478: {  	v8 =	vld [tilespmem:s20+$0xFFFFFF90]  }
0x479: {  	v0 =	vadd.f32 v0, v1;
	v1 =	vadd.f32 v5, v3;
	v3 =	vmul.f32 v2, v2  }
0x47a: {  	v6 =	vld [tilespmem:s20+$0xFFFFFFA0]  }
0x47b: {  	v0 =	vadd.f32 v2, v0;
	v2 =	vadd.f32 v3, v1;
	v3 =	vmul.f32 v7, v7  }
0x47c: {  	v9 =	vld [tilespmem:s20+$0xFFFFFFB0]  }
0x47d: {  	v5 =	vadd.f32 v7, v0;
	v7 =	vmul.f32 v4, v4;
	v3 =	vadd.f32 v3, v2;
	v13 =	vld [tilespmem:s20+$0xFFFFFFC0]  }
0x47e: {  	v1 =	vld [tilespmem:s20+$0xFFFFFFD0]  }
0x47f: {  	v2 =	vld [tilespmem:s20+$0xFFFFFFE0];
	v3 =	vadd.f32 v7, v3;
	v7 =	vmul.f32 v11, v11  }
0x480: {  	v0 =	vld.idx.msk [tilespmem:v8+s23+$0x0], $0xffff  }
0x481: {  	v7 =	vadd.f32 v7, v3;
	v3 =	vld [tilespmem:s20+$0x0];
	v8 =	vadd.f32 v4, v5  }
0x482: {  	v4 =	vld.idx.msk [tilespmem:v6+s23+$0x0], $0xffff  }
0x483: {  	v10 =	vmul.f32 v12, v12;
	v5 =	vld [tilespmem:s20+$0xFFFFFFF0];
	v8 =	vadd.f32 v11, v8  }
0x484: {  	v6 =	vld.idx.msk [tilespmem:v9+s23+$0x0], $0xffff  }
0x485: {  	s5 =	simm.s32 $0x0;
	s6 =	simm.s32 $0x1A7F0;
	s4 =	simm.s32 $0x1C740;
	v10 =	vadd.f32 v10, v7;
	v7 =	vld.idx.msk [tilespmem:v13+s23+$0x0], $0xffff;
	v9 =	vadd.f32 v12, v8;
	v8 =	vmul.f32 v0, v0  }
.LBB2_40:
0x486: {  	v11 =	vld [tilespmem:s6+$0xFFFFFF90];
	[tilespmem:s4+$0xFFFFFFC0] =	vst v0  }
0x487: {  	s5 =	sadd.s32 $0x8, s5;
	v0 =	vadd.f32 v0, v9;
	v8 =	vadd.f32 v8, v10;
	v9 =	vmul.f32 v4, v4;
	v10 =	vld.idx.msk [tilespmem:v1+s23+$0x0], $0xffff  }
0x488: {  	p5 =	slt.u32 s5, $0x1F8;
	v12 =	vld [tilespmem:s6+$0xFFFFFFA0];
	[tilespmem:s4+$0xFFFFFFD0] =	vst v4  }
0x489: {  	v0 =	vadd.f32 v4, v0;
	v1 =	vadd.f32 v9, v8;
	v4 =	vmul.f32 v6, v6;
	v8 =	vld.idx.msk [tilespmem:v2+s23+$0x0], $0xffff  }
0x48a: {  	v9 =	vld [tilespmem:s6+$0xFFFFFFB0];
	[tilespmem:s4+$0xFFFFFFE0] =	vst v6  }
0x48b: {  	v2 =	vmul.f32 v7, v7;
	v0 =	vadd.f32 v6, v0;
	v1 =	vadd.f32 v4, v1;
	v13 =	vld.idx.msk [tilespmem:v5+s23+$0x0], $0xffff  }
0x48c: {  	v14 =	vld [tilespmem:s6+$0xFFFFFFC0];
	[tilespmem:s4+$0xFFFFFFF0] =	vst v7  }
0x48d: {  	v5 =	vmul.f32 v10, v10;
	v4 =	vadd.f32 v7, v0;
	v2 =	vadd.f32 v2, v1;
	v15 =	vld.idx.msk [tilespmem:v3+s23+$0x0], $0xffff  }
0x48e: {  	v1 =	vld [tilespmem:s6+$0xFFFFFFD0];
	[tilespmem:s4+$0x0] =	vst v10  }
0x48f: {  	v6 =	vmul.f32 v8, v8;
	v0 =	vld.idx.msk [tilespmem:v11+s23+$0x0], $0xffff;
	v3 =	vadd.f32 v10, v4;
	v5 =	vadd.f32 v5, v2  }
0x490: {  	v2 =	vld [tilespmem:s6+$0xFFFFFFE0];
	[tilespmem:s4+$0x10] =	vst v8  }
.Ltmp19:
0x491: {  	v4 =	vld.idx.msk [tilespmem:v12+s23+$0x0], $0xffff;
	v3 =	vadd.f32 v8, v3;
	v7 =	vadd.f32 v6, v5;
	v8 =	vmul.f32 v13, v13;
	(pc) =	sbr.rel @p5 .LBB2_40-.Ltmp19, $4  }
0x492: {  	v5 =	vld [tilespmem:s6+$0xFFFFFFF0];
	[tilespmem:s4+$0x20] =	vst v13  }
0x493: {  	v11 =	vmul.f32 v15, v15;
	v6 =	vld.idx.msk [tilespmem:v9+s23+$0x0], $0xffff;
	v9 =	vadd.f32 v13, v3;
	v10 =	vadd.f32 v8, v7  }
0x494: {  	v3 =	vld [tilespmem:s6+$0x0];
	[tilespmem:s4+$0x30] =	vst v15  }
0x495: {  	v8 =	vmul.f32 v0, v0;
	s6 =	sadd.s32 $0x80, s6;
	s4 =	sadd.s32 $0x80, s4;
	v7 =	vld.idx.msk [tilespmem:v14+s23+$0x0], $0xffff;
	v9 =	vadd.f32 v15, v9;
	v10 =	vadd.f32 v11, v10  }
0x496: {  	_ =	sdelay $0x1  }
0x497: {  	v9 =	vadd.f32 v0, v9  }
0x498: {  	v8 =	vadd.f32 v8, v10;
	v10 =	vmul.f32 v4, v4  }
0x499: {  	v1 =	vld.idx.msk [tilespmem:v1+s23+$0x0], $0xffff;
	v9 =	vadd.f32 v4, v9  }
0x49a: {  	v8 =	vadd.f32 v10, v8;
	v10 =	vmul.f32 v6, v6  }
0x49b: {  	v2 =	vld.idx.msk [tilespmem:v2+s23+$0x0], $0xffff;
	v9 =	vadd.f32 v6, v9  }
0x49c: {  	v8 =	vadd.f32 v10, v8;
	v10 =	vmul.f32 v7, v7  }
0x49d: {  	v5 =	vld.idx.msk [tilespmem:v5+s23+$0x0], $0xffff;
	v9 =	vadd.f32 v7, v9  }
0x49e: {  	[tilespmem:s4+$0xFFFFFFC0] =	vst v0;
	v0 =	vadd.f32 v10, v8;
	v8 =	vmul.f32 v1, v1  }
0x49f: {  	[tilespmem:s4+$0xFFFFFFD0] =	vst v4;
	v3 =	vld.idx.msk [tilespmem:v3+s23+$0x0], $0xffff;
	v4 =	vadd.f32 v1, v9  }
0x4a0: {  	[tilespmem:s4+$0xFFFFFFE0] =	vst v6;
	v6 =	vmul.f32 v2, v2;
	v0 =	vadd.f32 v8, v0  }
0x4a1: {  	[tilespmem:s4+$0xFFFFFFF0] =	vst v7;
	v4 =	vadd.f32 v2, v4  }
0x4a2: {  	[tilespmem:s4+$0x0] =	vst v1;
	v1 =	vmul.f32 v5, v5;
	v0 =	vadd.f32 v6, v0  }
0x4a3: {  	[tilespmem:s4+$0x10] =	vst v2;
	v2 =	vadd.f32 v5, v4  }
0x4a4: {  	[tilespmem:s4+$0x20] =	vst v5;
	v0 =	vadd.f32 v1, v0;
	v1 =	vmul.f32 v3, v3  }
0x4a5: {  	[tilespmem:s4+$0x30] =	vst v3;
	v2 =	vadd.f32 v3, v2  }
0x4a6: {  	[hbm4b:s15+s26] =	stream.strided.scatter [tilespmem:s31], [sflag:$0x3], $0x2000, s28, s26, $0x38;
	v0 =	vadd.f32 v1, v0;
	[tilespmem:$0x1E900] =	vst v63  }
0x4a7: {  	[tilespmem:$0x1E790] =	vst v2  }
0x4a8: {  	s5 =	simm.s32 @!p2 $0x400;
	s4 =	rddreg [dreg:$0x19];
	[tilespmem:$0x1E890] =	vst v0  }
0x4a9: {  	[tilespmem:s23], [sflag:$0x1] =	stream.strided.gather [hbm4b:s4+s26], $0x18700, s28, s26, $0x38;
	[tilespmem:$0x1E900] =	vst v63  }
0x4aa: {  	s6 =	simm.s32 @!p2 $0x18700;
	s20 =	rddreg [dreg:$0xd];
	s4 =	simm.s32 @!p2 $0x80  }
0x4ab: {  	[tilespmem:s6], [sflag:$0x2] =	stream.strided.gather @!p2 [hbm4b:s20+s4], $0x4000, s5, s4, $0x38;
	[tilespmem:$0x1E900] =	vst v63  }
0x4ac: {  	s4 =	simm.s32 @!p2 $0x2  }
0x4ad: {  	_ =	swait.ge @!p2 [sflag:s4], $0x4000  }
0x4ae: {  	[sflag:s4] =	ssyncset.done @!p2 $0x0  }
0x4af: {  	[sflag:s4] =	ssyncadd.s32 @!p2 $0xFFFFC000  }
0x4b0: {  	_ =	swait.ge [sflag:s30], $0x18700  }
0x4b1: {  	[sflag:s30] =	ssyncset.done $0x0  }
0x4b2: {  	[sflag:s30] =	ssyncadd.s32 $0xFFFE7900  }
0x4b3: {  	_ =	swait.ge [sflag:s0], $0x2000  }
0x4b4: {  	[sflag:s0] =	ssyncset.done $0x0  }
0x4b5: {  	s20 =	simm.s32 $0x18740;
	[sflag:s0] =	ssyncadd.s32 $0xFFFFE000  }
0x4b6: {  	v0 =	vld [tilespmem:s20+$0xFFFFFFC0];
	_ =	sdelay $0x1  }
0x4b7: {  	v1 =	vld [tilespmem:s20+$0xFFFFFFD0];
	_ =	sdelay $0x1  }
0x4b8: {  	v2 =	vld [tilespmem:s20+$0xFFFFFFE0]  }
0x4b9: {  	v10 =	vld [tilespmem:s20+$0xFFFFFFF0]  }
0x4ba: {  	v7 =	vld [tilespmem:s20+$0x0]  }
0x4bb: {  	v4 =	vld [tilespmem:s20+$0x10]  }
0x4bc: {  	v3 =	vld.idx.msk [tilespmem:v0+s23+$0x0], $0xffff  }
0x4bd: {  	v5 =	vld [tilespmem:s20+$0x20]  }
0x4be: {  	v1 =	vld.idx.msk [tilespmem:v1+s23+$0x0], $0xffff  }
0x4bf: {  	v6 =	vld [tilespmem:s20+$0x30]  }
0x4c0: {  	v0 =	vld.idx.msk [tilespmem:v2+s23+$0x0], $0xffff  }
0x4c1: {  	v9 =	vimm.f32 $0.0e+00;
	s5 =	simm.s32 $0x0;
	s6 =	simm.s32 $0x187C0;
	s4 =	simm.s32 $0x1C740;
	v2 =	vld.idx.msk [tilespmem:v10+s23+$0x0], $0xffff;
	v10 =	vimm.f32 $0.0e+00;
	v8 =	vmul.f32 v3, v3  }
.LBB2_42:
0x4c2: {  	v11 =	vld [tilespmem:s6+$0xFFFFFFC0];
	[tilespmem:s4+$0xFFFFFFC0] =	vst v3  }
0x4c3: {  	s5 =	sadd.s32 $0x8, s5;
	v3 =	vadd.f32 v3, v9;
	v8 =	vadd.f32 v8, v10;
	v9 =	vmul.f32 v1, v1;
	v10 =	vld.idx.msk [tilespmem:v7+s23+$0x0], $0xffff  }
0x4c4: {  	p5 =	slt.u32 s5, $0x1F8;
	v12 =	vld [tilespmem:s6+$0xFFFFFFD0];
	[tilespmem:s4+$0xFFFFFFD0] =	vst v1  }
0x4c5: {  	v7 =	vmul.f32 v0, v0;
	v1 =	vadd.f32 v1, v3;
	v3 =	vadd.f32 v9, v8;
	v8 =	vld.idx.msk [tilespmem:v4+s23+$0x0], $0xffff  }
0x4c6: {  	v9 =	vld [tilespmem:s6+$0xFFFFFFE0];
	[tilespmem:s4+$0xFFFFFFE0] =	vst v0  }
0x4c7: {  	v0 =	vadd.f32 v0, v1;
	v1 =	vadd.f32 v7, v3;
	v3 =	vmul.f32 v2, v2;
	v13 =	vld.idx.msk [tilespmem:v5+s23+$0x0], $0xffff  }
0x4c8: {  	v14 =	vld [tilespmem:s6+$0xFFFFFFF0];
	[tilespmem:s4+$0xFFFFFFF0] =	vst v2  }
0x4c9: {  	v0 =	vadd.f32 v2, v0;
	v1 =	vadd.f32 v3, v1;
	v2 =	vmul.f32 v10, v10;
	v15 =	vld.idx.msk [tilespmem:v6+s23+$0x0], $0xffff  }
0x4ca: {  	v7 =	vld [tilespmem:s6+$0x0];
	[tilespmem:s4+$0x0] =	vst v10  }
0x4cb: {  	v5 =	vmul.f32 v8, v8;
	v3 =	vld.idx.msk [tilespmem:v11+s23+$0x0], $0xffff;
	v0 =	vadd.f32 v10, v0;
	v2 =	vadd.f32 v2, v1  }
0x4cc: {  	v4 =	vld [tilespmem:s6+$0x10];
	[tilespmem:s4+$0x10] =	vst v8  }
.Ltmp20:
0x4cd: {  	v1 =	vld.idx.msk [tilespmem:v12+s23+$0x0], $0xffff;
	v6 =	vadd.f32 v8, v0;
	v2 =	vadd.f32 v5, v2;
	v8 =	vmul.f32 v13, v13;
	(pc) =	sbr.rel @p5 .LBB2_42-.Ltmp20, $4  }
0x4ce: {  	v5 =	vld [tilespmem:s6+$0x20];
	[tilespmem:s4+$0x20] =	vst v13  }
0x4cf: {  	v11 =	vmul.f32 v15, v15;
	v0 =	vld.idx.msk [tilespmem:v9+s23+$0x0], $0xffff;
	v9 =	vadd.f32 v13, v6;
	v10 =	vadd.f32 v8, v2  }
0x4d0: {  	v6 =	vld [tilespmem:s6+$0x30];
	[tilespmem:s4+$0x30] =	vst v15  }
0x4d1: {  	v8 =	vmul.f32 v3, v3;
	s6 =	sadd.s32 $0x80, s6;
	s4 =	sadd.s32 $0x80, s4;
	v2 =	vld.idx.msk [tilespmem:v14+s23+$0x0], $0xffff;
	v9 =	vadd.f32 v15, v9;
	v10 =	vadd.f32 v11, v10  }
0x4d2: {  	_ =	sdelay $0x3  }
0x4d3: {  	v7 =	vld.idx.msk [tilespmem:v7+s23+$0x0], $0xffff  }
0x4d4: {  	[tilespmem:s4+$0xFFFFFFC0] =	vst v3;
	v4 =	vld.idx.msk [tilespmem:v4+s23+$0x0], $0xffff  }
0x4d5: {  	[tilespmem:s4+$0xFFFFFFD0] =	vst v1;
	v11 =	vld.idx.msk [tilespmem:v5+s23+$0x0], $0xffff  }
0x4d6: {  	[tilespmem:s4+$0xFFFFFFE0] =	vst v0;
	v12 =	vld.idx.msk [tilespmem:v6+s23+$0x0], $0xffff  }
0x4d7: {  	[tilespmem:s4+$0xFFFFFFF0] =	vst v2  }
0x4d8: {  	[tilespmem:s4+$0x0] =	vst v7  }
0x4d9: {  	[tilespmem:s4+$0x10] =	vst v4  }
0x4da: {  	[tilespmem:s4+$0x20] =	vst v11  }
0x4db: {  	[tilespmem:s4+$0x30] =	vst v12  }
0x4dc: {  	[hbm4b:s16+s26] =	stream.strided.scatter [tilespmem:s31], [sflag:$0x3], $0x2000, s28, s26, $0x38;
	[tilespmem:$0x1E900] =	vst v63  }
0x4dd: {  	v3 =	vadd.f32 v3, v9;
	v5 =	vadd.f32 v8, v10;
	v6 =	vmul.f32 v1, v1;
	_ =	swait.ge [sflag:s0], $0x2000  }
0x4de: {  	[sflag:s0] =	ssyncset.done $0x0  }
0x4df: {  	s20 =	simm.s32 $0x1A770;
	v1 =	vadd.f32 v1, v3;
	v3 =	vadd.f32 v6, v5;
	v5 =	vmul.f32 v0, v0;
	[sflag:s0] =	ssyncadd.s32 $0xFFFFE000  }
0x4e0: {  	v8 =	vld [tilespmem:s20+$0xFFFFFF90]  }
0x4e1: {  	v0 =	vadd.f32 v0, v1;
	v1 =	vadd.f32 v5, v3;
	v3 =	vmul.f32 v2, v2  }
0x4e2: {  	v6 =	vld [tilespmem:s20+$0xFFFFFFA0]  }
0x4e3: {  	v0 =	vadd.f32 v2, v0;
	v2 =	vadd.f32 v3, v1;
	v3 =	vmul.f32 v7, v7  }
0x4e4: {  	v9 =	vld [tilespmem:s20+$0xFFFFFFB0]  }
0x4e5: {  	v5 =	vadd.f32 v7, v0;
	v7 =	vmul.f32 v4, v4;
	v3 =	vadd.f32 v3, v2;
	v13 =	vld [tilespmem:s20+$0xFFFFFFC0]  }
0x4e6: {  	v1 =	vld [tilespmem:s20+$0xFFFFFFD0]  }
0x4e7: {  	v2 =	vld [tilespmem:s20+$0xFFFFFFE0];
	v3 =	vadd.f32 v7, v3;
	v7 =	vmul.f32 v11, v11  }
0x4e8: {  	v0 =	vld.idx.msk [tilespmem:v8+s23+$0x0], $0xffff  }
0x4e9: {  	v7 =	vadd.f32 v7, v3;
	v3 =	vld [tilespmem:s20+$0x0];
	v8 =	vadd.f32 v4, v5  }
0x4ea: {  	v4 =	vld.idx.msk [tilespmem:v6+s23+$0x0], $0xffff  }
0x4eb: {  	v10 =	vmul.f32 v12, v12;
	v5 =	vld [tilespmem:s20+$0xFFFFFFF0];
	v8 =	vadd.f32 v11, v8  }
0x4ec: {  	v6 =	vld.idx.msk [tilespmem:v9+s23+$0x0], $0xffff  }
0x4ed: {  	s5 =	simm.s32 $0x0;
	s6 =	simm.s32 $0x1A7F0;
	s4 =	simm.s32 $0x1C740;
	v10 =	vadd.f32 v10, v7;
	v7 =	vld.idx.msk [tilespmem:v13+s23+$0x0], $0xffff;
	v9 =	vadd.f32 v12, v8;
	v8 =	vmul.f32 v0, v0  }
.LBB2_44:
0x4ee: {  	v11 =	vld [tilespmem:s6+$0xFFFFFF90];
	[tilespmem:s4+$0xFFFFFFC0] =	vst v0  }
0x4ef: {  	s5 =	sadd.s32 $0x8, s5;
	v0 =	vadd.f32 v0, v9;
	v8 =	vadd.f32 v8, v10;
	v9 =	vmul.f32 v4, v4;
	v10 =	vld.idx.msk [tilespmem:v1+s23+$0x0], $0xffff  }
0x4f0: {  	p5 =	slt.u32 s5, $0x1F8;
	v12 =	vld [tilespmem:s6+$0xFFFFFFA0];
	[tilespmem:s4+$0xFFFFFFD0] =	vst v4  }
0x4f1: {  	v0 =	vadd.f32 v4, v0;
	v1 =	vadd.f32 v9, v8;
	v4 =	vmul.f32 v6, v6;
	v8 =	vld.idx.msk [tilespmem:v2+s23+$0x0], $0xffff  }
0x4f2: {  	v9 =	vld [tilespmem:s6+$0xFFFFFFB0];
	[tilespmem:s4+$0xFFFFFFE0] =	vst v6  }
0x4f3: {  	v2 =	vmul.f32 v7, v7;
	v0 =	vadd.f32 v6, v0;
	v1 =	vadd.f32 v4, v1;
	v13 =	vld.idx.msk [tilespmem:v5+s23+$0x0], $0xffff  }
0x4f4: {  	v14 =	vld [tilespmem:s6+$0xFFFFFFC0];
	[tilespmem:s4+$0xFFFFFFF0] =	vst v7  }
0x4f5: {  	v5 =	vmul.f32 v10, v10;
	v4 =	vadd.f32 v7, v0;
	v2 =	vadd.f32 v2, v1;
	v15 =	vld.idx.msk [tilespmem:v3+s23+$0x0], $0xffff  }
0x4f6: {  	v1 =	vld [tilespmem:s6+$0xFFFFFFD0];
	[tilespmem:s4+$0x0] =	vst v10  }
0x4f7: {  	v6 =	vmul.f32 v8, v8;
	v0 =	vld.idx.msk [tilespmem:v11+s23+$0x0], $0xffff;
	v3 =	vadd.f32 v10, v4;
	v5 =	vadd.f32 v5, v2  }
0x4f8: {  	v2 =	vld [tilespmem:s6+$0xFFFFFFE0];
	[tilespmem:s4+$0x10] =	vst v8  }
.Ltmp21:
0x4f9: {  	v4 =	vld.idx.msk [tilespmem:v12+s23+$0x0], $0xffff;
	v3 =	vadd.f32 v8, v3;
	v7 =	vadd.f32 v6, v5;
	v8 =	vmul.f32 v13, v13;
	(pc) =	sbr.rel @p5 .LBB2_44-.Ltmp21, $4  }
0x4fa: {  	v5 =	vld [tilespmem:s6+$0xFFFFFFF0];
	[tilespmem:s4+$0x20] =	vst v13  }
0x4fb: {  	v11 =	vmul.f32 v15, v15;
	v6 =	vld.idx.msk [tilespmem:v9+s23+$0x0], $0xffff;
	v9 =	vadd.f32 v13, v3;
	v10 =	vadd.f32 v8, v7  }
0x4fc: {  	v3 =	vld [tilespmem:s6+$0x0];
	[tilespmem:s4+$0x30] =	vst v15  }
0x4fd: {  	v8 =	vmul.f32 v0, v0;
	s6 =	sadd.s32 $0x80, s6;
	s4 =	sadd.s32 $0x80, s4;
	v7 =	vld.idx.msk [tilespmem:v14+s23+$0x0], $0xffff;
	v9 =	vadd.f32 v15, v9;
	v10 =	vadd.f32 v11, v10  }
0x4fe: {  	_ =	sdelay $0x1  }
0x4ff: {  	v9 =	vadd.f32 v0, v9  }
0x500: {  	v8 =	vadd.f32 v8, v10;
	v10 =	vmul.f32 v4, v4  }
0x501: {  	v1 =	vld.idx.msk [tilespmem:v1+s23+$0x0], $0xffff;
	v9 =	vadd.f32 v4, v9  }
0x502: {  	v8 =	vadd.f32 v10, v8;
	v10 =	vmul.f32 v6, v6  }
0x503: {  	v2 =	vld.idx.msk [tilespmem:v2+s23+$0x0], $0xffff;
	v9 =	vadd.f32 v6, v9  }
0x504: {  	v8 =	vadd.f32 v10, v8;
	v10 =	vmul.f32 v7, v7  }
0x505: {  	v5 =	vld.idx.msk [tilespmem:v5+s23+$0x0], $0xffff;
	v9 =	vadd.f32 v7, v9  }
0x506: {  	[tilespmem:s4+$0xFFFFFFC0] =	vst v0;
	v0 =	vadd.f32 v10, v8;
	v8 =	vmul.f32 v1, v1  }
0x507: {  	[tilespmem:s4+$0xFFFFFFD0] =	vst v4;
	v3 =	vld.idx.msk [tilespmem:v3+s23+$0x0], $0xffff;
	v4 =	vadd.f32 v1, v9  }
0x508: {  	[tilespmem:s4+$0xFFFFFFE0] =	vst v6;
	v6 =	vmul.f32 v2, v2;
	v0 =	vadd.f32 v8, v0  }
0x509: {  	[tilespmem:s4+$0xFFFFFFF0] =	vst v7;
	v4 =	vadd.f32 v2, v4  }
0x50a: {  	[tilespmem:s4+$0x0] =	vst v1;
	v1 =	vmul.f32 v5, v5;
	v0 =	vadd.f32 v6, v0  }
0x50b: {  	[tilespmem:s4+$0x10] =	vst v2;
	v2 =	vadd.f32 v5, v4  }
0x50c: {  	[tilespmem:s4+$0x20] =	vst v5;
	v0 =	vadd.f32 v1, v0;
	v1 =	vmul.f32 v3, v3  }
0x50d: {  	[tilespmem:s4+$0x30] =	vst v3;
	v2 =	vadd.f32 v3, v2  }
0x50e: {  	[hbm4b:s17+s26] =	stream.strided.scatter [tilespmem:s31], [sflag:$0x3], $0x2000, s28, s26, $0x38;
	v0 =	vadd.f32 v1, v0;
	[tilespmem:$0x1E900] =	vst v63  }
0x50f: {  	[tilespmem:$0x1E7A0] =	vst v2  }
0x510: {  	s5 =	simm.s32 @!p3 $0x400;
	s4 =	rddreg [dreg:$0x1a];
	[tilespmem:$0x1E8A0] =	vst v0  }
0x511: {  	[tilespmem:s23], [sflag:$0x1] =	stream.strided.gather [hbm4b:s4+s26], $0x18700, s28, s26, $0x38;
	[tilespmem:$0x1E900] =	vst v63  }
0x512: {  	s6 =	simm.s32 @!p3 $0x18700;
	s20 =	rddreg [dreg:$0xe];
	s4 =	simm.s32 @!p3 $0x80  }
0x513: {  	[tilespmem:s6], [sflag:$0x2] =	stream.strided.gather @!p3 [hbm4b:s20+s4], $0x4000, s5, s4, $0x38;
	[tilespmem:$0x1E900] =	vst v63  }
0x514: {  	s4 =	simm.s32 @!p3 $0x2  }
0x515: {  	_ =	swait.ge @!p3 [sflag:s4], $0x4000  }
0x516: {  	[sflag:s4] =	ssyncset.done @!p3 $0x0  }
0x517: {  	[sflag:s4] =	ssyncadd.s32 @!p3 $0xFFFFC000  }
0x518: {  	_ =	swait.ge [sflag:s30], $0x18700  }
0x519: {  	[sflag:s30] =	ssyncset.done $0x0  }
0x51a: {  	[sflag:s30] =	ssyncadd.s32 $0xFFFE7900  }
0x51b: {  	_ =	swait.ge [sflag:s0], $0x2000  }
0x51c: {  	[sflag:s0] =	ssyncset.done $0x0  }
0x51d: {  	s20 =	simm.s32 $0x18740;
	[sflag:s0] =	ssyncadd.s32 $0xFFFFE000  }
0x51e: {  	v0 =	vld [tilespmem:s20+$0xFFFFFFC0];
	_ =	sdelay $0x1  }
0x51f: {  	v1 =	vld [tilespmem:s20+$0xFFFFFFD0];
	_ =	sdelay $0x1  }
0x520: {  	v2 =	vld [tilespmem:s20+$0xFFFFFFE0]  }
0x521: {  	v10 =	vld [tilespmem:s20+$0xFFFFFFF0]  }
0x522: {  	v7 =	vld [tilespmem:s20+$0x0]  }
0x523: {  	v4 =	vld [tilespmem:s20+$0x10]  }
0x524: {  	v3 =	vld.idx.msk [tilespmem:v0+s23+$0x0], $0xffff  }
0x525: {  	v5 =	vld [tilespmem:s20+$0x20]  }
0x526: {  	v1 =	vld.idx.msk [tilespmem:v1+s23+$0x0], $0xffff  }
0x527: {  	v6 =	vld [tilespmem:s20+$0x30]  }
0x528: {  	v0 =	vld.idx.msk [tilespmem:v2+s23+$0x0], $0xffff  }
0x529: {  	v9 =	vimm.f32 $0.0e+00;
	s5 =	simm.s32 $0x0;
	s6 =	simm.s32 $0x187C0;
	s4 =	simm.s32 $0x1C740;
	v2 =	vld.idx.msk [tilespmem:v10+s23+$0x0], $0xffff;
	v10 =	vimm.f32 $0.0e+00;
	v8 =	vmul.f32 v3, v3  }
.LBB2_46:
0x52a: {  	v11 =	vld [tilespmem:s6+$0xFFFFFFC0];
	[tilespmem:s4+$0xFFFFFFC0] =	vst v3  }
0x52b: {  	s5 =	sadd.s32 $0x8, s5;
	v3 =	vadd.f32 v3, v9;
	v8 =	vadd.f32 v8, v10;
	v9 =	vmul.f32 v1, v1;
	v10 =	vld.idx.msk [tilespmem:v7+s23+$0x0], $0xffff  }
0x52c: {  	p5 =	slt.u32 s5, $0x1F8;
	v12 =	vld [tilespmem:s6+$0xFFFFFFD0];
	[tilespmem:s4+$0xFFFFFFD0] =	vst v1  }
0x52d: {  	v7 =	vmul.f32 v0, v0;
	v1 =	vadd.f32 v1, v3;
	v3 =	vadd.f32 v9, v8;
	v8 =	vld.idx.msk [tilespmem:v4+s23+$0x0], $0xffff  }
0x52e: {  	v9 =	vld [tilespmem:s6+$0xFFFFFFE0];
	[tilespmem:s4+$0xFFFFFFE0] =	vst v0  }
0x52f: {  	v0 =	vadd.f32 v0, v1;
	v1 =	vadd.f32 v7, v3;
	v3 =	vmul.f32 v2, v2;
	v13 =	vld.idx.msk [tilespmem:v5+s23+$0x0], $0xffff  }
0x530: {  	v14 =	vld [tilespmem:s6+$0xFFFFFFF0];
	[tilespmem:s4+$0xFFFFFFF0] =	vst v2  }
0x531: {  	v0 =	vadd.f32 v2, v0;
	v1 =	vadd.f32 v3, v1;
	v2 =	vmul.f32 v10, v10;
	v15 =	vld.idx.msk [tilespmem:v6+s23+$0x0], $0xffff  }
0x532: {  	v7 =	vld [tilespmem:s6+$0x0];
	[tilespmem:s4+$0x0] =	vst v10  }
0x533: {  	v5 =	vmul.f32 v8, v8;
	v3 =	vld.idx.msk [tilespmem:v11+s23+$0x0], $0xffff;
	v0 =	vadd.f32 v10, v0;
	v2 =	vadd.f32 v2, v1  }
0x534: {  	v4 =	vld [tilespmem:s6+$0x10];
	[tilespmem:s4+$0x10] =	vst v8  }
.Ltmp22:
0x535: {  	v1 =	vld.idx.msk [tilespmem:v12+s23+$0x0], $0xffff;
	v6 =	vadd.f32 v8, v0;
	v2 =	vadd.f32 v5, v2;
	v8 =	vmul.f32 v13, v13;
	(pc) =	sbr.rel @p5 .LBB2_46-.Ltmp22, $4  }
0x536: {  	v5 =	vld [tilespmem:s6+$0x20];
	[tilespmem:s4+$0x20] =	vst v13  }
0x537: {  	v11 =	vmul.f32 v15, v15;
	v0 =	vld.idx.msk [tilespmem:v9+s23+$0x0], $0xffff;
	v9 =	vadd.f32 v13, v6;
	v10 =	vadd.f32 v8, v2  }
0x538: {  	v6 =	vld [tilespmem:s6+$0x30];
	[tilespmem:s4+$0x30] =	vst v15  }
0x539: {  	v8 =	vmul.f32 v3, v3;
	s6 =	sadd.s32 $0x80, s6;
	s4 =	sadd.s32 $0x80, s4;
	v2 =	vld.idx.msk [tilespmem:v14+s23+$0x0], $0xffff;
	v9 =	vadd.f32 v15, v9;
	v10 =	vadd.f32 v11, v10  }
0x53a: {  	_ =	sdelay $0x3  }
0x53b: {  	v7 =	vld.idx.msk [tilespmem:v7+s23+$0x0], $0xffff  }
0x53c: {  	[tilespmem:s4+$0xFFFFFFC0] =	vst v3;
	v4 =	vld.idx.msk [tilespmem:v4+s23+$0x0], $0xffff  }
0x53d: {  	[tilespmem:s4+$0xFFFFFFD0] =	vst v1;
	v11 =	vld.idx.msk [tilespmem:v5+s23+$0x0], $0xffff  }
0x53e: {  	[tilespmem:s4+$0xFFFFFFE0] =	vst v0;
	v12 =	vld.idx.msk [tilespmem:v6+s23+$0x0], $0xffff  }
0x53f: {  	[tilespmem:s4+$0xFFFFFFF0] =	vst v2  }
0x540: {  	[tilespmem:s4+$0x0] =	vst v7  }
0x541: {  	[tilespmem:s4+$0x10] =	vst v4  }
0x542: {  	[tilespmem:s4+$0x20] =	vst v11  }
0x543: {  	[tilespmem:s4+$0x30] =	vst v12  }
0x544: {  	[hbm4b:s18+s26] =	stream.strided.scatter [tilespmem:s31], [sflag:$0x3], $0x2000, s28, s26, $0x38;
	[tilespmem:$0x1E900] =	vst v63  }
0x545: {  	v3 =	vadd.f32 v3, v9;
	v5 =	vadd.f32 v8, v10;
	v6 =	vmul.f32 v1, v1;
	_ =	swait.ge [sflag:s0], $0x2000  }
0x546: {  	[sflag:s0] =	ssyncset.done $0x0  }
0x547: {  	s20 =	simm.s32 $0x1A770;
	v1 =	vadd.f32 v1, v3;
	v3 =	vadd.f32 v6, v5;
	v5 =	vmul.f32 v0, v0;
	[sflag:s0] =	ssyncadd.s32 $0xFFFFE000  }
0x548: {  	v8 =	vld [tilespmem:s20+$0xFFFFFF90]  }
0x549: {  	v0 =	vadd.f32 v0, v1;
	v1 =	vadd.f32 v5, v3;
	v3 =	vmul.f32 v2, v2  }
0x54a: {  	v6 =	vld [tilespmem:s20+$0xFFFFFFA0]  }
0x54b: {  	v0 =	vadd.f32 v2, v0;
	v2 =	vadd.f32 v3, v1;
	v3 =	vmul.f32 v7, v7  }
0x54c: {  	v9 =	vld [tilespmem:s20+$0xFFFFFFB0]  }
0x54d: {  	v5 =	vadd.f32 v7, v0;
	v7 =	vmul.f32 v4, v4;
	v3 =	vadd.f32 v3, v2;
	v13 =	vld [tilespmem:s20+$0xFFFFFFC0]  }
0x54e: {  	v1 =	vld [tilespmem:s20+$0xFFFFFFD0]  }
0x54f: {  	v2 =	vld [tilespmem:s20+$0xFFFFFFE0];
	v3 =	vadd.f32 v7, v3;
	v7 =	vmul.f32 v11, v11  }
0x550: {  	v0 =	vld.idx.msk [tilespmem:v8+s23+$0x0], $0xffff  }
0x551: {  	v7 =	vadd.f32 v7, v3;
	v3 =	vld [tilespmem:s20+$0x0];
	v8 =	vadd.f32 v4, v5  }
0x552: {  	v4 =	vld.idx.msk [tilespmem:v6+s23+$0x0], $0xffff  }
0x553: {  	v10 =	vmul.f32 v12, v12;
	v5 =	vld [tilespmem:s20+$0xFFFFFFF0];
	v8 =	vadd.f32 v11, v8  }
0x554: {  	v6 =	vld.idx.msk [tilespmem:v9+s23+$0x0], $0xffff  }
0x555: {  	s5 =	simm.s32 $0x0;
	s6 =	simm.s32 $0x1A7F0;
	s4 =	simm.s32 $0x1C740;
	v10 =	vadd.f32 v10, v7;
	v7 =	vld.idx.msk [tilespmem:v13+s23+$0x0], $0xffff;
	v9 =	vadd.f32 v12, v8;
	v8 =	vmul.f32 v0, v0  }
.LBB2_48:
0x556: {  	v11 =	vld [tilespmem:s6+$0xFFFFFF90];
	[tilespmem:s4+$0xFFFFFFC0] =	vst v0  }
0x557: {  	s5 =	sadd.s32 $0x8, s5;
	v0 =	vadd.f32 v0, v9;
	v8 =	vadd.f32 v8, v10;
	v9 =	vmul.f32 v4, v4;
	v10 =	vld.idx.msk [tilespmem:v1+s23+$0x0], $0xffff  }
0x558: {  	p5 =	slt.u32 s5, $0x1F8;
	v12 =	vld [tilespmem:s6+$0xFFFFFFA0];
	[tilespmem:s4+$0xFFFFFFD0] =	vst v4  }
0x559: {  	v0 =	vadd.f32 v4, v0;
	v1 =	vadd.f32 v9, v8;
	v4 =	vmul.f32 v6, v6;
	v8 =	vld.idx.msk [tilespmem:v2+s23+$0x0], $0xffff  }
0x55a: {  	v9 =	vld [tilespmem:s6+$0xFFFFFFB0];
	[tilespmem:s4+$0xFFFFFFE0] =	vst v6  }
0x55b: {  	v2 =	vmul.f32 v7, v7;
	v0 =	vadd.f32 v6, v0;
	v1 =	vadd.f32 v4, v1;
	v13 =	vld.idx.msk [tilespmem:v5+s23+$0x0], $0xffff  }
0x55c: {  	v14 =	vld [tilespmem:s6+$0xFFFFFFC0];
	[tilespmem:s4+$0xFFFFFFF0] =	vst v7  }
0x55d: {  	v5 =	vmul.f32 v10, v10;
	v4 =	vadd.f32 v7, v0;
	v2 =	vadd.f32 v2, v1;
	v15 =	vld.idx.msk [tilespmem:v3+s23+$0x0], $0xffff  }
0x55e: {  	v1 =	vld [tilespmem:s6+$0xFFFFFFD0];
	[tilespmem:s4+$0x0] =	vst v10  }
0x55f: {  	v6 =	vmul.f32 v8, v8;
	v0 =	vld.idx.msk [tilespmem:v11+s23+$0x0], $0xffff;
	v3 =	vadd.f32 v10, v4;
	v5 =	vadd.f32 v5, v2  }
0x560: {  	v2 =	vld [tilespmem:s6+$0xFFFFFFE0];
	[tilespmem:s4+$0x10] =	vst v8  }
.Ltmp23:
0x561: {  	v4 =	vld.idx.msk [tilespmem:v12+s23+$0x0], $0xffff;
	v3 =	vadd.f32 v8, v3;
	v7 =	vadd.f32 v6, v5;
	v8 =	vmul.f32 v13, v13;
	(pc) =	sbr.rel @p5 .LBB2_48-.Ltmp23, $4  }
0x562: {  	v5 =	vld [tilespmem:s6+$0xFFFFFFF0];
	[tilespmem:s4+$0x20] =	vst v13  }
0x563: {  	v11 =	vmul.f32 v15, v15;
	v6 =	vld.idx.msk [tilespmem:v9+s23+$0x0], $0xffff;
	v9 =	vadd.f32 v13, v3;
	v10 =	vadd.f32 v8, v7  }
0x564: {  	v3 =	vld [tilespmem:s6+$0x0];
	[tilespmem:s4+$0x30] =	vst v15  }
0x565: {  	v8 =	vmul.f32 v0, v0;
	s6 =	sadd.s32 $0x80, s6;
	s4 =	sadd.s32 $0x80, s4;
	v7 =	vld.idx.msk [tilespmem:v14+s23+$0x0], $0xffff;
	v9 =	vadd.f32 v15, v9;
	v10 =	vadd.f32 v11, v10  }
0x566: {  	_ =	sdelay $0x1  }
0x567: {  	v9 =	vadd.f32 v0, v9  }
0x568: {  	v8 =	vadd.f32 v8, v10;
	v10 =	vmul.f32 v4, v4  }
0x569: {  	v1 =	vld.idx.msk [tilespmem:v1+s23+$0x0], $0xffff;
	v9 =	vadd.f32 v4, v9  }
0x56a: {  	v8 =	vadd.f32 v10, v8;
	v10 =	vmul.f32 v6, v6  }
0x56b: {  	v2 =	vld.idx.msk [tilespmem:v2+s23+$0x0], $0xffff;
	v9 =	vadd.f32 v6, v9  }
0x56c: {  	v8 =	vadd.f32 v10, v8;
	v10 =	vmul.f32 v7, v7  }
0x56d: {  	v5 =	vld.idx.msk [tilespmem:v5+s23+$0x0], $0xffff;
	v9 =	vadd.f32 v7, v9  }
0x56e: {  	[tilespmem:s4+$0xFFFFFFC0] =	vst v0;
	v0 =	vadd.f32 v10, v8;
	v8 =	vmul.f32 v1, v1  }
0x56f: {  	[tilespmem:s4+$0xFFFFFFD0] =	vst v4;
	v3 =	vld.idx.msk [tilespmem:v3+s23+$0x0], $0xffff;
	v4 =	vadd.f32 v1, v9  }
0x570: {  	[tilespmem:s4+$0xFFFFFFE0] =	vst v6;
	v6 =	vmul.f32 v2, v2;
	v0 =	vadd.f32 v8, v0  }
0x571: {  	[tilespmem:s4+$0xFFFFFFF0] =	vst v7;
	v4 =	vadd.f32 v2, v4  }
0x572: {  	[tilespmem:s4+$0x0] =	vst v1;
	v1 =	vmul.f32 v5, v5;
	v0 =	vadd.f32 v6, v0  }
0x573: {  	[tilespmem:s4+$0x10] =	vst v2;
	v2 =	vadd.f32 v5, v4  }
0x574: {  	[tilespmem:s4+$0x20] =	vst v5;
	v0 =	vadd.f32 v1, v0;
	v1 =	vmul.f32 v3, v3  }
0x575: {  	[tilespmem:s4+$0x30] =	vst v3;
	v2 =	vadd.f32 v3, v2  }
0x576: {  	[hbm4b:s19+s26] =	stream.strided.scatter [tilespmem:s31], [sflag:$0x3], $0x2000, s28, s26, $0x38;
	v0 =	vadd.f32 v1, v0;
	[tilespmem:$0x1E900] =	vst v63  }
0x577: {  	[tilespmem:$0x1E7B0] =	vst v2  }
0x578: {  	s5 =	simm.s32 @!p4 $0x400;
	s4 =	rddreg [dreg:$0x1b];
	[tilespmem:$0x1E8B0] =	vst v0  }
0x579: {  	[tilespmem:s23], [sflag:$0x1] =	stream.strided.gather [hbm4b:s4+s26], $0x18700, s28, s26, $0x38;
	[tilespmem:$0x1E900] =	vst v63  }
0x57a: {  	s6 =	simm.s32 @!p4 $0x18700;
	s20 =	rddreg [dreg:$0x1c];
	s4 =	simm.s32 @!p4 $0x80  }
0x57b: {  	[tilespmem:s6], [sflag:$0x2] =	stream.strided.gather @!p4 [hbm4b:s20+s4], $0x4000, s5, s4, $0x38;
	[tilespmem:$0x1E900] =	vst v63  }
0x57c: {  	s4 =	simm.s32 @!p4 $0x2  }
0x57d: {  	_ =	swait.ge @!p4 [sflag:s4], $0x4000  }
0x57e: {  	[sflag:s4] =	ssyncset.done @!p4 $0x0  }
0x57f: {  	[sflag:s4] =	ssyncadd.s32 @!p4 $0xFFFFC000  }
0x580: {  	_ =	swait.ge [sflag:s30], $0x18700  }
0x581: {  	[sflag:s30] =	ssyncset.done $0x0  }
0x582: {  	[sflag:s30] =	ssyncadd.s32 $0xFFFE7900  }
0x583: {  	_ =	swait.ge [sflag:s0], $0x2000  }
0x584: {  	[sflag:s0] =	ssyncset.done $0x0  }
0x585: {  	s20 =	simm.s32 $0x18740;
	[sflag:s0] =	ssyncadd.s32 $0xFFFFE000  }
0x586: {  	v0 =	vld [tilespmem:s20+$0xFFFFFFC0];
	_ =	sdelay $0x1  }
0x587: {  	v1 =	vld [tilespmem:s20+$0xFFFFFFD0];
	_ =	sdelay $0x1  }
0x588: {  	v2 =	vld [tilespmem:s20+$0xFFFFFFE0]  }
0x589: {  	v10 =	vld [tilespmem:s20+$0xFFFFFFF0]  }
0x58a: {  	v7 =	vld [tilespmem:s20+$0x0]  }
0x58b: {  	v4 =	vld [tilespmem:s20+$0x10]  }
0x58c: {  	v3 =	vld.idx.msk [tilespmem:v0+s23+$0x0], $0xffff  }
0x58d: {  	v5 =	vld [tilespmem:s20+$0x20]  }
0x58e: {  	v1 =	vld.idx.msk [tilespmem:v1+s23+$0x0], $0xffff  }
0x58f: {  	v6 =	vld [tilespmem:s20+$0x30]  }
0x590: {  	v0 =	vld.idx.msk [tilespmem:v2+s23+$0x0], $0xffff  }
0x591: {  	v9 =	vimm.f32 $0.0e+00;
	s5 =	simm.s32 $0x0;
	s6 =	simm.s32 $0x187C0;
	s4 =	simm.s32 $0x1C740;
	v2 =	vld.idx.msk [tilespmem:v10+s23+$0x0], $0xffff;
	v10 =	vimm.f32 $0.0e+00;
	v8 =	vmul.f32 v3, v3  }
.LBB2_50:
0x592: {  	v11 =	vld [tilespmem:s6+$0xFFFFFFC0];
	[tilespmem:s4+$0xFFFFFFC0] =	vst v3  }
0x593: {  	s5 =	sadd.s32 $0x8, s5;
	v3 =	vadd.f32 v3, v9;
	v8 =	vadd.f32 v8, v10;
	v9 =	vmul.f32 v1, v1;
	v10 =	vld.idx.msk [tilespmem:v7+s23+$0x0], $0xffff  }
0x594: {  	p5 =	slt.u32 s5, $0x1F8;
	v12 =	vld [tilespmem:s6+$0xFFFFFFD0];
	[tilespmem:s4+$0xFFFFFFD0] =	vst v1  }
0x595: {  	v7 =	vmul.f32 v0, v0;
	v1 =	vadd.f32 v1, v3;
	v3 =	vadd.f32 v9, v8;
	v8 =	vld.idx.msk [tilespmem:v4+s23+$0x0], $0xffff  }
0x596: {  	v9 =	vld [tilespmem:s6+$0xFFFFFFE0];
	[tilespmem:s4+$0xFFFFFFE0] =	vst v0  }
0x597: {  	v0 =	vadd.f32 v0, v1;
	v1 =	vadd.f32 v7, v3;
	v3 =	vmul.f32 v2, v2;
	v13 =	vld.idx.msk [tilespmem:v5+s23+$0x0], $0xffff  }
0x598: {  	v14 =	vld [tilespmem:s6+$0xFFFFFFF0];
	[tilespmem:s4+$0xFFFFFFF0] =	vst v2  }
0x599: {  	v0 =	vadd.f32 v2, v0;
	v1 =	vadd.f32 v3, v1;
	v2 =	vmul.f32 v10, v10;
	v15 =	vld.idx.msk [tilespmem:v6+s23+$0x0], $0xffff  }
0x59a: {  	v7 =	vld [tilespmem:s6+$0x0];
	[tilespmem:s4+$0x0] =	vst v10  }
0x59b: {  	v5 =	vmul.f32 v8, v8;
	v3 =	vld.idx.msk [tilespmem:v11+s23+$0x0], $0xffff;
	v0 =	vadd.f32 v10, v0;
	v2 =	vadd.f32 v2, v1  }
0x59c: {  	v4 =	vld [tilespmem:s6+$0x10];
	[tilespmem:s4+$0x10] =	vst v8  }
.Ltmp24:
0x59d: {  	v1 =	vld.idx.msk [tilespmem:v12+s23+$0x0], $0xffff;
	v6 =	vadd.f32 v8, v0;
	v2 =	vadd.f32 v5, v2;
	v8 =	vmul.f32 v13, v13;
	(pc) =	sbr.rel @p5 .LBB2_50-.Ltmp24, $4  }
0x59e: {  	v5 =	vld [tilespmem:s6+$0x20];
	[tilespmem:s4+$0x20] =	vst v13  }
0x59f: {  	v11 =	vmul.f32 v15, v15;
	v0 =	vld.idx.msk [tilespmem:v9+s23+$0x0], $0xffff;
	v9 =	vadd.f32 v13, v6;
	v10 =	vadd.f32 v8, v2  }
0x5a0: {  	v6 =	vld [tilespmem:s6+$0x30];
	[tilespmem:s4+$0x30] =	vst v15  }
0x5a1: {  	v8 =	vmul.f32 v3, v3;
	s6 =	sadd.s32 $0x80, s6;
	s4 =	sadd.s32 $0x80, s4;
	v2 =	vld.idx.msk [tilespmem:v14+s23+$0x0], $0xffff;
	v9 =	vadd.f32 v15, v9;
	v10 =	vadd.f32 v11, v10  }
0x5a2: {  	_ =	sdelay $0x3  }
0x5a3: {  	v7 =	vld.idx.msk [tilespmem:v7+s23+$0x0], $0xffff  }
0x5a4: {  	[tilespmem:s4+$0xFFFFFFC0] =	vst v3;
	v4 =	vld.idx.msk [tilespmem:v4+s23+$0x0], $0xffff  }
0x5a5: {  	[tilespmem:s4+$0xFFFFFFD0] =	vst v1;
	v11 =	vld.idx.msk [tilespmem:v5+s23+$0x0], $0xffff  }
0x5a6: {  	[tilespmem:s4+$0xFFFFFFE0] =	vst v0;
	v12 =	vld.idx.msk [tilespmem:v6+s23+$0x0], $0xffff  }
0x5a7: {  	[tilespmem:s4+$0xFFFFFFF0] =	vst v2  }
0x5a8: {  	[tilespmem:s4+$0x0] =	vst v7  }
0x5a9: {  	[tilespmem:s4+$0x10] =	vst v4  }
0x5aa: {  	[tilespmem:s4+$0x20] =	vst v11  }
0x5ab: {  	[tilespmem:s4+$0x30] =	vst v12  }
0x5ac: {  	[hbm4b:s3+s26] =	stream.strided.scatter [tilespmem:s31], [sflag:$0x3], $0x2000, s28, s26, $0x38;
	[tilespmem:$0x1E900] =	vst v63  }
0x5ad: {  	v3 =	vadd.f32 v3, v9;
	v5 =	vadd.f32 v8, v10;
	v6 =	vmul.f32 v1, v1;
	_ =	swait.ge [sflag:s0], $0x2000  }
0x5ae: {  	[sflag:s0] =	ssyncset.done $0x0  }
0x5af: {  	s20 =	simm.s32 $0x1A770;
	v1 =	vadd.f32 v1, v3;
	v3 =	vadd.f32 v6, v5;
	v5 =	vmul.f32 v0, v0;
	[sflag:s0] =	ssyncadd.s32 $0xFFFFE000  }
0x5b0: {  	v8 =	vld [tilespmem:s20+$0xFFFFFF90]  }
0x5b1: {  	v0 =	vadd.f32 v0, v1;
	v1 =	vadd.f32 v5, v3;
	v3 =	vmul.f32 v2, v2  }
0x5b2: {  	v6 =	vld [tilespmem:s20+$0xFFFFFFA0]  }
0x5b3: {  	v0 =	vadd.f32 v2, v0;
	v2 =	vadd.f32 v3, v1;
	v3 =	vmul.f32 v7, v7  }
0x5b4: {  	v9 =	vld [tilespmem:s20+$0xFFFFFFB0]  }
0x5b5: {  	v5 =	vadd.f32 v7, v0;
	v7 =	vmul.f32 v4, v4;
	v3 =	vadd.f32 v3, v2;
	v13 =	vld [tilespmem:s20+$0xFFFFFFC0]  }
0x5b6: {  	v1 =	vld [tilespmem:s20+$0xFFFFFFD0]  }
0x5b7: {  	v2 =	vld [tilespmem:s20+$0xFFFFFFE0];
	v3 =	vadd.f32 v7, v3;
	v7 =	vmul.f32 v11, v11  }
0x5b8: {  	v0 =	vld.idx.msk [tilespmem:v8+s23+$0x0], $0xffff  }
0x5b9: {  	v7 =	vadd.f32 v7, v3;
	v3 =	vld [tilespmem:s20+$0x0];
	v8 =	vadd.f32 v4, v5  }
0x5ba: {  	v4 =	vld.idx.msk [tilespmem:v6+s23+$0x0], $0xffff  }
0x5bb: {  	v10 =	vmul.f32 v12, v12;
	v5 =	vld [tilespmem:s20+$0xFFFFFFF0];
	v8 =	vadd.f32 v11, v8  }
0x5bc: {  	v6 =	vld.idx.msk [tilespmem:v9+s23+$0x0], $0xffff  }
0x5bd: {  	s5 =	simm.s32 $0x0;
	s6 =	simm.s32 $0x1A7F0;
	s4 =	simm.s32 $0x1C740;
	v10 =	vadd.f32 v10, v7;
	v7 =	vld.idx.msk [tilespmem:v13+s23+$0x0], $0xffff;
	v9 =	vadd.f32 v12, v8;
	v8 =	vmul.f32 v0, v0  }
.LBB2_52:
0x5be: {  	v11 =	vld [tilespmem:s6+$0xFFFFFF90];
	[tilespmem:s4+$0xFFFFFFC0] =	vst v0  }
0x5bf: {  	s5 =	sadd.s32 $0x8, s5;
	v0 =	vadd.f32 v0, v9;
	v8 =	vadd.f32 v8, v10;
	v9 =	vmul.f32 v4, v4;
	v10 =	vld.idx.msk [tilespmem:v1+s23+$0x0], $0xffff  }
0x5c0: {  	p5 =	slt.u32 s5, $0x1F8;
	v12 =	vld [tilespmem:s6+$0xFFFFFFA0];
	[tilespmem:s4+$0xFFFFFFD0] =	vst v4  }
0x5c1: {  	v0 =	vadd.f32 v4, v0;
	v1 =	vadd.f32 v9, v8;
	v4 =	vmul.f32 v6, v6;
	v8 =	vld.idx.msk [tilespmem:v2+s23+$0x0], $0xffff  }
0x5c2: {  	v9 =	vld [tilespmem:s6+$0xFFFFFFB0];
	[tilespmem:s4+$0xFFFFFFE0] =	vst v6  }
0x5c3: {  	v2 =	vmul.f32 v7, v7;
	v0 =	vadd.f32 v6, v0;
	v1 =	vadd.f32 v4, v1;
	v13 =	vld.idx.msk [tilespmem:v5+s23+$0x0], $0xffff  }
0x5c4: {  	v14 =	vld [tilespmem:s6+$0xFFFFFFC0];
	[tilespmem:s4+$0xFFFFFFF0] =	vst v7  }
0x5c5: {  	v5 =	vmul.f32 v10, v10;
	v4 =	vadd.f32 v7, v0;
	v2 =	vadd.f32 v2, v1;
	v15 =	vld.idx.msk [tilespmem:v3+s23+$0x0], $0xffff  }
0x5c6: {  	v1 =	vld [tilespmem:s6+$0xFFFFFFD0];
	[tilespmem:s4+$0x0] =	vst v10  }
0x5c7: {  	v6 =	vmul.f32 v8, v8;
	v0 =	vld.idx.msk [tilespmem:v11+s23+$0x0], $0xffff;
	v3 =	vadd.f32 v10, v4;
	v5 =	vadd.f32 v5, v2  }
0x5c8: {  	v2 =	vld [tilespmem:s6+$0xFFFFFFE0];
	[tilespmem:s4+$0x10] =	vst v8  }
.Ltmp25:
0x5c9: {  	v4 =	vld.idx.msk [tilespmem:v12+s23+$0x0], $0xffff;
	v3 =	vadd.f32 v8, v3;
	v7 =	vadd.f32 v6, v5;
	v8 =	vmul.f32 v13, v13;
	(pc) =	sbr.rel @p5 .LBB2_52-.Ltmp25, $4  }
0x5ca: {  	v5 =	vld [tilespmem:s6+$0xFFFFFFF0];
	[tilespmem:s4+$0x20] =	vst v13  }
0x5cb: {  	v11 =	vmul.f32 v15, v15;
	v6 =	vld.idx.msk [tilespmem:v9+s23+$0x0], $0xffff;
	v9 =	vadd.f32 v13, v3;
	v10 =	vadd.f32 v8, v7  }
0x5cc: {  	v3 =	vld [tilespmem:s6+$0x0];
	[tilespmem:s4+$0x30] =	vst v15  }
0x5cd: {  	v8 =	vmul.f32 v0, v0;
	s6 =	sadd.s32 $0x80, s6;
	s4 =	sadd.s32 $0x80, s4;
	v7 =	vld.idx.msk [tilespmem:v14+s23+$0x0], $0xffff;
	v9 =	vadd.f32 v15, v9;
	v10 =	vadd.f32 v11, v10  }
0x5ce: {  	_ =	sdelay $0x1  }
0x5cf: {  	v9 =	vadd.f32 v0, v9  }
0x5d0: {  	v54 =	vmul.f32 v4, v4;
	v8 =	vadd.f32 v8, v10  }
0x5d1: {  	v1 =	vld.idx.msk [tilespmem:v1+s23+$0x0], $0xffff;
	v9 =	vadd.f32 v4, v9  }
0x5d2: {  	v55 =	vmul.f32 v6, v6;
	v8 =	vadd.f32 v54, v8  }
0x5d3: {  	v2 =	vld.idx.msk [tilespmem:v2+s23+$0x0], $0xffff;
	v9 =	vadd.f32 v6, v9  }
0x5d4: {  	v56 =	vmul.f32 v7, v7;
	v8 =	vadd.f32 v55, v8  }
0x5d5: {  	v5 =	vld.idx.msk [tilespmem:v5+s23+$0x0], $0xffff;
	v9 =	vadd.f32 v7, v9  }
0x5d6: {  	[tilespmem:s4+$0xFFFFFFC0] =	vst v0;
	v58 =	vmul.f32 v1, v1;
	v57 =	vadd.f32 v56, v8  }
0x5d7: {  	[tilespmem:s4+$0xFFFFFFD0] =	vst v4;
	v3 =	vld.idx.msk [tilespmem:v3+s23+$0x0], $0xffff;
	v59 =	vadd.f32 v1, v9  }
0x5d8: {  	[tilespmem:s4+$0xFFFFFFE0] =	vst v6;
	v60 =	vmul.f32 v2, v2;
	v0 =	vadd.f32 v58, v57  }
0x5d9: {  	[tilespmem:s4+$0xFFFFFFF0] =	vst v7;
	v4 =	vadd.f32 v2, v59  }
0x5da: {  	[tilespmem:s4+$0x0] =	vst v1;
	v61 =	vmul.f32 v5, v5;
	v0 =	vadd.f32 v60, v0  }
0x5db: {  	[tilespmem:s4+$0x10] =	vst v2;
	v62 =	vadd.f32 v5, v4  }
0x5dc: {  	[tilespmem:s4+$0x20] =	vst v5;
	v63 =	vmul.f32 v3, v3;
	v0 =	vadd.f32 v61, v0  }
0x5dd: {  	[tilespmem:s4+$0x30] =	vst v3;
	v2 =	vadd.f32 v3, v62  }
0x5de: {  	[hbm4b:s21+s26] =	stream.strided.scatter [tilespmem:s31], [sflag:$0x3], $0x2000, s28, s26, $0x38;
	v0 =	vadd.f32 v63, v0;
	[tilespmem:$0x1E900] =	vst v63  }
0x5df: {  	[tilespmem:$0x1E7C0] =	vst v2  }
0x5e0: {  	[tilespmem:$0x1E8C0] =	vst v0  }
0x5e1: {  	_ =	swait.ge [sflag:s0], $0x2000  }
0x5e2: {  	[sflag:s0] =	ssyncset.done $0x0  }
0x5e3: {  	s6 =	simm.s32 $0x1E700;
	[sflag:s0] =	ssyncadd.s32 $0xFFFFE000  }
0x5e4: {  	[hbm4b:s7+s26] =	stream.strided.scatter [tilespmem:s6], [sflag:$0x4], $0x100, s28, s26, $0x38;
	[tilespmem:$0x1E900] =	vst v63  }
0x5e5: {  	s20 =	simm.s32 $0x1E800;
	s2 =	sadd.s32 $0x1, s2  }
0x5e6: {  	[hbm4b:s24+s26] =	stream.strided.scatter [tilespmem:s20], [sflag:$0x4], $0x100, s28, s26, $0x38;
	[tilespmem:$0x1E900] =	vst v63  }
0x5e7: {  	p5 =	sne.s32 s2, s25;
	_ =	swait.ge [sflag:s1], $0x100  }
.Ltmp26:
0x5e8: {  	[sflag:s1] =	ssyncset.done $0x0;
	(pc) =	sbr.rel @p5 .LBB2_1-.Ltmp26, $4  }
0x5e9: {  	[sflag:s1] =	ssyncadd.s32 $0xFFFFFF00  }
0x5ea: {  	_ =	swait.ge [sflag:s1], $0x100  }
0x5eb: {  	[sflag:s1] =	ssyncset.done $0x0  }
0x5ec: {  	[sflag:s1] =	ssyncadd.s32 $0xFFFFFF00  }
0x5ed: {  	_ =	sfence.sel $0x180000  }
0x5ee: {  	[bflag:$0x0] =	sbarrier.arrive $0xFFFF  }
0x5ef: {  	_ =	strace $0x90000047  }
0x5f0: {  	s0 =	stileid.u32;
	[bflag:$0x2] =	sbarrier.arrive $0xFFFF  }
0x5f1: {  	p0 =	sne.s32 s0, $0x0;
	s0 =	rddreg [dreg:$0x4]  }
0x5f2: {  	s0 =	sadd.s32 @!p0 $0x100000, s0  }
0x5f3: {  	[sflag:s0] =	ssyncadd.tile.s32 @!p0 $0x1;
	_ =	shalt  }
.Lfunc_end2:
_tile_overlayer_lowered:
.L_overlay_start_2:
0x5f4: {  	(tag) =	ssettag $0x2  }
0x5f5: {  	s0 =	rddreg [dreg:$0x0];
	s2 =	stileid.u32  }
0x5f6: {  	s1 =	rddreg [dreg:$0x1];
	p0 =	sne.s32 s2, $0x0  }
0x5f7: {  	s3 =	rddreg [dreg:$0x2];
	[bflag:$0x3] =	sbarrier.arrive $0xFFFF;
	s2 =	simm.s32 @!p0 $0x1C05  }
0x5f8: {  	[timem:s3], [sflag:s2] =	dma.local @!p0 [hbm:s0], s1  }
0x5f9: {  	s0 =	simm.s32 @!p0 $0x5  }
0x5fa: {  	_ =	swait.ge @!p0 [sflag:s0], s1  }
0x5fb: {  	s1 =	ssub.s32 @!p0 $0x0, s1;
	[sflag:s0] =	ssyncset.done @!p0 $0x0  }
0x5fc: {  	[sflag:s0] =	ssyncadd.s32 @!p0 s1  }
0x5fd: {  	[bflag:$0x3] =	sbarrier.arrive $0xFFFF  }
0x5fe: {  	_ =	shalt  }

</sc_bundles>
